<compile_context>
chip_gen: v7x
topology: tpu7x:2x2x1
jax: 0.10.2.dev20260603
libtpu: 0.0.44.dev20260713+nightly
codegen_flags: <defaults>
</compile_context>

<pallas_src>
import functools

import jax
import jax.numpy as jnp
from jax import lax
from jax.experimental import pallas as pl
from jax.experimental.pallas import tpu as pltpu
from jax.experimental.pallas import tpu_sc as plsc

N = 10000
E = 160000
IN = 256
H = 512
OUT = 7
EPS = 1e-5

NC = 2
NS = 16
LANES = 16
NW = NC * NS

B = 128
EP = 163840
JT = EP // NS // B
JD = EP // NW // B
NPAD = 10240
RPT = NPAD // NS
RPTH = RPT // 2
F = 128

BN = 2000
NB = N // BN

_mesh = plsc.VectorSubcoreMesh(core_axis_name="c", subcore_axis_name="s")


@functools.partial(
    pl.kernel,
    out_type=jax.ShapeDtypeStruct((NC, NPAD, LANES), jnp.float32),
    mesh=_mesh,
    scratch_types=[
        pltpu.VMEM((JD, B), jnp.int32),
        pltpu.VMEM((B, LANES), jnp.float32),
        pltpu.VMEM((RPT, LANES), jnp.float32),
        pltpu.VMEM_SHARED((NPAD, LANES), jnp.float32),
    ],
    compiler_params=pltpu.CompilerParams(use_tc_tiling_on_sc=False),
)
def _deg_kernel(cols_hbm, deg_out, cix, ones, zb, d_sh):
    c = lax.axis_index("c")
    s = lax.axis_index("s")
    w = c * NS + s
    pltpu.sync_copy(cols_hbm.at[w], cix)

    def _fill_ones(i, carry):
        ones[i, :] = jnp.ones((LANES,), jnp.float32)
        return carry

    lax.fori_loop(0, B, _fill_ones, 0)

    def _fill_zero(i, carry):
        zb[i, :] = jnp.zeros((LANES,), jnp.float32)
        return carry

    lax.fori_loop(0, RPT, _fill_zero, 0)
    pltpu.sync_copy(zb, d_sh.at[pl.ds(s * RPT, RPT)])
    plsc.subcore_barrier()

    def _scatter(j, carry):
        pltpu.sync_copy(ones, d_sh.at[cix.at[j]], add=True)
        return carry

    lax.fori_loop(0, JD, _scatter, 0)
    plsc.subcore_barrier()
    pltpu.sync_copy(d_sh.at[pl.ds(s * RPT, RPT)],
                    deg_out.at[c, pl.ds(s * RPT, RPT)])


def _make_scatter(nch):
    nch_sc = nch // NC

    @functools.partial(
        pl.kernel,
        out_type=jax.ShapeDtypeStruct((nch, NPAD, F), jnp.bfloat16),
        mesh=_mesh,
        scratch_types=[
            pltpu.VMEM((JT, B), jnp.int32),
            pltpu.VMEM((JT, B), jnp.int32),
            pltpu.VMEM((B, F), jnp.bfloat16),
            pltpu.VMEM((B, F), jnp.bfloat16),
            pltpu.VMEM((B, F), jnp.bfloat16),
            pltpu.VMEM((B, F), jnp.bfloat16),
            pltpu.VMEM((B, F), jnp.bfloat16),
            pltpu.VMEM((B, F), jnp.bfloat16),
            pltpu.VMEM_SHARED((NPAD, F), jnp.bfloat16),
            pltpu.SemaphoreType.DMA,
            pltpu.SemaphoreType.DMA,
            pltpu.SemaphoreType.DMA,
            pltpu.SemaphoreType.DMA,
            pltpu.SemaphoreType.DMA,
            pltpu.SemaphoreType.DMA,
        ],
        compiler_params=pltpu.CompilerParams(use_tc_tiling_on_sc=False),
    )
    def _scatter_kernel(hd_hbm, rows_hbm, cols_hbm, s_out,
                        rix, cix, v0, v1, v2, v3, v4, v5, s_sh,
                        semg0, semg1, semg2, sems0, sems1, sems2):
        c = lax.axis_index("c")
        s = lax.axis_index("s")
        semg = (semg0, semg1, semg2)
        sems = (sems0, sems1, sems2)
        vals = (v0, v1, v2, v3, v4, v5)
        pltpu.sync_copy(cols_hbm.at[s], cix)

        def _chunk(k, chunk_carry):
            ch = c * nch_sc + k
            pltpu.sync_copy(rows_hbm.at[s], rix)

            def _mk_idx(i, carry):
                for l in range(B // LANES):
                    sl = pl.ds(l * LANES, LANES)
                    rix[i, sl] = rix[i, sl] * nch + ch
                return carry

            lax.fori_loop(0, JT, _mk_idx, 0)

            def _fill_zero(i, carry):
                for l in range(F // (2 * LANES)):
                    v0[i, pl.ds(l * 2 * LANES, 2 * LANES)] = jnp.zeros(
                        (2 * LANES,), jnp.bfloat16)
                return carry

            lax.fori_loop(0, B, _fill_zero, 0)
            for q in range(RPT // B):
                pltpu.sync_copy(v0, s_sh.at[pl.ds(s * RPT + q * B, B)])

            pltpu.async_copy(hd_hbm.at[rix.at[0]], vals[0], semg[0])
            pltpu.async_copy(hd_hbm.at[rix.at[1]], vals[1], semg[0])
            plsc.subcore_barrier()

            def _round(p, sp, first):
                sn = (sp + 1) % 3
                if not first:
                    for b in range(2):
                        pltpu.make_async_copy(
                            vals[2 * sn + b],
                            s_sh.at[cix.at[lax.rem(2 * (p - 2) + b, JT)]],
                            sems[sn]).wait()
                for b in range(2):
                    jn = lax.rem(2 * (p + 1) + b, JT)
                    pltpu.async_copy(hd_hbm.at[rix.at[jn]],
                                     vals[2 * sn + b], semg[sn])
                for b in range(2):
                    j = 2 * p + b
                    buf = vals[2 * sp + b]
                    pltpu.make_async_copy(hd_hbm.at[rix.at[j]], buf,
                                          semg[sp]).wait()
                    pltpu.async_copy(buf, s_sh.at[cix.at[j]], sems[sp],
                                     add=True)

            _round(0, 0, True)
            _round(1, 1, True)

            def _round3(t, carry):
                p = 3 * t
                _round(p + 2, 2, False)
                _round(p + 3, 0, False)
                _round(p + 4, 1, False)
                return carry

            lax.fori_loop(0, (JT // 2 - 4) // 3, _round3, 0)
            _round(JT // 2 - 2, 2, False)
            _round(JT // 2 - 1, 0, False)
            for b in range(2):
                pltpu.make_async_copy(vals[2 * 2 + b],
                                      s_sh.at[cix.at[JT - 4 + b]],
                                      sems[2]).wait()
            for b in range(2):
                pltpu.make_async_copy(vals[b],
                                      s_sh.at[cix.at[JT - 2 + b]],
                                      sems[0]).wait()
            for b in range(2):
                pltpu.make_async_copy(hd_hbm.at[rix.at[b]],
                                      vals[2 + b], semg[1]).wait()
            plsc.subcore_barrier()
            pltpu.sync_copy(s_sh.at[pl.ds(s * RPT, RPT)],
                            s_out.at[ch, pl.ds(s * RPT, RPT)])
            plsc.subcore_barrier()
            return chunk_carry

        lax.fori_loop(0, nch_sc, _chunk, 0)

    return _scatter_kernel


_scatter_in = _make_scatter(IN // F)
_scatter_h = _make_scatter(H // F)


def _h0_body(x_ref, w_ref, b_ref, dp_ref, o_ref, dinv_ref, hd_ref):
    xb = x_ref[...]
    o_ref[...] = jnp.maximum(
        jnp.dot(xb.astype(jnp.bfloat16), w_ref[...],
                preferred_element_type=jnp.float32)
        + b_ref[...], 0.0).astype(jnp.bfloat16)
    dp = dp_ref[...]
    deg = dp[0, :, 0:1] + dp[1, :, 0:1] + 1.0
    dinv = lax.rsqrt(deg)
    dinv_ref[...] = dinv
    hd_ref[...] = (dinv * xb).astype(jnp.bfloat16)


def _h0_call(x, w, b, degp):
    return pl.pallas_call(
        _h0_body,
        grid=(NB,),
        in_specs=[
            pl.BlockSpec((BN, IN), lambda n: (n, 0)),
            pl.BlockSpec((IN, H), lambda n: (0, 0)),
            pl.BlockSpec((1, H), lambda n: (0, 0)),
            pl.BlockSpec((NC, BN, LANES), lambda n: (0, n, 0)),
        ],
        out_specs=[
            pl.BlockSpec((BN, H), lambda n: (n, 0)),
            pl.BlockSpec((BN, 1), lambda n: (n, 0)),
            pl.BlockSpec((BN, IN), lambda n: (n, 0)),
        ],
        out_shape=[
            jax.ShapeDtypeStruct((N, H), jnp.bfloat16),
            jax.ShapeDtypeStruct((N, 1), jnp.float32),
            jax.ShapeDtypeStruct((N, IN), jnp.bfloat16),
        ],
    )(x, w, b, degp)


def _make_mixnorm_body(nch, pred):
    def _body(s_ref, hd_ref, dinv_ref, h_ref, wc_ref, wl_ref, bias_ref,
              bng_ref, bnb_ref, lng_ref, lnb_ref, *rest):
        if pred:
            h0_ref, wp_ref, bp_ref, o_ref, acc_ref, stats_ref = rest
        else:
            ho_ref, hdo_ref, acc_ref, stats_ref = rest
        c = pl.program_id(0)
        n = pl.program_id(1)

        @pl.when(c < nch)
        def _():
            s_pair = s_ref[0].astype(jnp.float32)
            g = dinv_ref[...] * (s_pair + hd_ref[...].astype(jnp.float32))
            contrib = jnp.dot(g.astype(jnp.bfloat16), wc_ref[...],
                              preferred_element_type=jnp.float32)

            @pl.when(c == 0)
            def _():
                acc_ref[n] = (
                    contrib
                    + jnp.dot(h_ref[...].astype(jnp.bfloat16), wl_ref[...],
                              preferred_element_type=jnp.float32)
                    + bias_ref[...])

            @pl.when(c > 0)
            def _():
                acc_ref[n] += contrib

        @pl.when(c == nch - 1)
        def _():
            hn = acc_ref[n]
            parts = jnp.concatenate(
                [jnp.sum(hn, axis=0, keepdims=True),
                 jnp.sum(hn * hn, axis=0, keepdims=True),
                 jnp.zeros((6, H), jnp.float32)], axis=0)

            @pl.when(n == 0)
            def _():
                stats_ref[...] = parts

            @pl.when(n > 0)
            def _():
                stats_ref[...] += parts

        @pl.when(c == nch)
        def _():
            hn = acc_ref[n]
            mu = stats_ref[0:1, :] * (1.0 / N)
            ms = stats_ref[1:2, :] * (1.0 / N)
            var = ms - mu * mu
            y = (hn - mu) * lax.rsqrt(var + EPS)
            y = y * bng_ref[...] + bnb_ref[...]
            mu2 = jnp.mean(y, axis=-1, keepdims=True)
            var2 = jnp.mean(y * y, axis=-1, keepdims=True) - mu2 * mu2
            y = (y - mu2) * lax.rsqrt(var2 + EPS)
            y = y * lng_ref[...] + lnb_ref[...]
            hr = jnp.maximum(y, 0.0)
            if pred:
                o_ref[...] = jnp.dot(
                    hr.astype(jnp.bfloat16) + h0_ref[...], wp_ref[...],
                    preferred_element_type=jnp.float32) + bp_ref[...]
            else:
                ho_ref[...] = hr
                hdo_ref[...] = (dinv_ref[...] * hr).astype(jnp.bfloat16)

    return _body


def _mixnorm_call(s4, hd, dinv, h, wc, wl, bias, bng, bnb, lng, lnb, din,
                  pred_args=None):
    nch = din // F
    pred = pred_args is not None
    in_specs = [
        pl.BlockSpec((1, BN, F),
                     lambda c, n: (jnp.minimum(c, nch - 1),
                                   jnp.where(c < nch, n, 0), 0)),
        pl.BlockSpec((BN, F),
                     lambda c, n: (jnp.where(c < nch, n, 0),
                                   jnp.minimum(c, nch - 1))),
        pl.BlockSpec((BN, 1), lambda c, n: (n, 0)),
        pl.BlockSpec((BN, din), lambda c, n: (jnp.where(c == 0, n, 0), 0)),
        pl.BlockSpec((F, H), lambda c, n: (jnp.minimum(c, nch - 1), 0)),
        pl.BlockSpec((din, H), lambda c, n: (0, 0)),
        pl.BlockSpec((1, H), lambda c, n: (0, 0)),
        pl.BlockSpec((1, H), lambda c, n: (0, 0)),
        pl.BlockSpec((1, H), lambda c, n: (0, 0)),
        pl.BlockSpec((1, H), lambda c, n: (0, 0)),
        pl.BlockSpec((1, H), lambda c, n: (0, 0)),
    ]
    args = [s4, hd, dinv, h, wc, wl, bias, bng, bnb, lng, lnb]
    if pred:
        h0, wp, bp = pred_args
        in_specs += [
            pl.BlockSpec((BN, H), lambda c, n: (jnp.where(c == nch, n, 0), 0)),
            pl.BlockSpec((H, OUT), lambda c, n: (0, 0)),
            pl.BlockSpec((1, OUT), lambda c, n: (0, 0)),
        ]
        args += [h0, wp, bp]
        out_specs = pl.BlockSpec(
            (BN, OUT), lambda c, n: (jnp.where(c == nch, n, 0), 0))
        out_shape = jax.ShapeDtypeStruct((N, OUT), jnp.float32)
    else:
        out_specs = [
            pl.BlockSpec((BN, H),
                         lambda c, n: (jnp.where(c == nch, n, 0), 0)),
            pl.BlockSpec((BN, H),
                         lambda c, n: (jnp.where(c == nch, n, 0), 0)),
        ]
        out_shape = [
            jax.ShapeDtypeStruct((N, H), jnp.float32),
            jax.ShapeDtypeStruct((N, H), jnp.bfloat16),
        ]
    return pl.pallas_call(
        _make_mixnorm_body(nch, pred),
        grid=(nch + 1, NB),
        in_specs=in_specs,
        out_specs=out_specs,
        out_shape=out_shape,
        scratch_shapes=[
            pltpu.VMEM((NB, BN, H), jnp.float32),
            pltpu.VMEM((8, H), jnp.float32),
        ],
        compiler_params=pltpu.CompilerParams(
            dimension_semantics=("arbitrary", "arbitrary"),
            vmem_limit_bytes=110 * 1024 * 1024),
    )(*args)


def kernel(x, edge_index, params):
    rows = edge_index[0]
    cols = edge_index[1]
    pad = EP - E
    rows_p = jnp.concatenate([rows, jnp.zeros((pad,), jnp.int32)])
    cols_p = jnp.concatenate([cols, jnp.full((pad,), N, jnp.int32)])
    rows16 = rows_p.reshape(NS, JT, B)
    cols16 = cols_p.reshape(NS, JT, B)
    cols32 = cols_p.reshape(NW, JD, B)

    degp = _deg_kernel(cols32)
    h0, dinv, hd = _h0_call(x, params['W_in'].astype(jnp.bfloat16),
                            params['b_in'][None], degp)

    h = x
    out = None
    for i in range(3):
        din = h.shape[1]
        nch = din // F
        scat = _scatter_in if nch == IN // F else _scatter_h
        s4 = scat(hd.reshape(N * nch, F), rows16, cols16)
        bias = (params[f'bc{i}'] + params[f'bl{i}'])[None]
        pred_args = None
        if i == 2:
            pred_args = (h0, params['W_pred'].astype(jnp.bfloat16),
                         params['b_pred'][None])
        res = _mixnorm_call(
            s4, hd, dinv, h, params[f'Wc{i}'].astype(jnp.bfloat16),
            params[f'Wl{i}'].astype(jnp.bfloat16), bias,
            params[f'bn_g{i}'][None], params[f'bn_b{i}'][None],
            params[f'ln_g{i}'][None], params[f'ln_b{i}'][None], din,
            pred_args=pred_args)
        if i == 2:
            out = res
        else:
            h, hd = res

    return out

# --- scband reference (transcript-rebuilt; emitter-appended) ---
"""Pipeline reference for scband-mpnn-80642305950062 (READ-ONLY COPY).

The authoritative reference and input builder live on the scoring server;
editing this copy changes nothing except your own understanding.
"""

import jax, jax.numpy as jnp
import numpy as np

N = 10000
E = 160000
IN = 256
H = 512
OUT = 7
L = 3
EPS = 1e-5


def _gcn_conv(x, edge_index, W, b):
    num_nodes = x.shape[0]
    row = edge_index[0]
    col = edge_index[1]
    loop = jnp.arange(num_nodes, dtype=row.dtype)
    row = jnp.concatenate([row, loop])
    col = jnp.concatenate([col, loop])
    deg = jnp.zeros((num_nodes,), dtype=x.dtype).at[col].add(1.0)
    dinv = jnp.where(deg > 0, deg ** -0.5, 0.0)
    norm = dinv[row] * dinv[col]
    xw = x @ W
    msg = xw[row] * norm[:, None]
    out = jnp.zeros((num_nodes, xw.shape[1]), dtype=x.dtype).at[col].add(msg)
    return out + b


def _forward(x, params, edge_index):
    h0 = jax.nn.relu(x @ params['W_in'] + params['b_in'])
    h = x
    for i in range(L):
        h_new = _gcn_conv(h, edge_index, params[f'Wc{i}'], params[f'bc{i}'])
        h_new = h_new + h @ params[f'Wl{i}'] + params[f'bl{i}']
        # BatchNorm1d (training mode: batch statistics, biased variance)
        mu = jnp.mean(h_new, axis=0)
        var = jnp.var(h_new, axis=0)
        h_new = (h_new - mu) / jnp.sqrt(var + EPS)
        h_new = h_new * params[f'bn_g{i}'] + params[f'bn_b{i}']
        # LayerNorm
        mu2 = jnp.mean(h_new, axis=-1, keepdims=True)
        var2 = jnp.var(h_new, axis=-1, keepdims=True)
        h_new = (h_new - mu2) / jnp.sqrt(var2 + EPS)
        h_new = h_new * params[f'ln_g{i}'] + params[f'ln_b{i}']
        h = jax.nn.relu(h_new)
        # dropout p=0.0 -> no-op
    return (h + h0) @ params['W_pred'] + params['b_pred']


def setup_inputs(seed: int = 0):
    key = jax.random.key(seed)
    ks = jax.random.split(key, 20)
    x = jax.random.normal(ks[0], (N, IN), dtype=jnp.float32)
    edge_index = jax.random.randint(ks[1], (2, E), 0, N, dtype=jnp.int32)
    params = {}
    dims = [IN, H, H]
    kidx = 2
    for i in range(L):
        din = dims[i]
        params[f'Wc{i}'] = jax.random.normal(ks[kidx], (din, H), dtype=jnp.float32) * (1.0 / np.sqrt(din)); kidx += 1
        params[f'bc{i}'] = jnp.zeros((H,), dtype=jnp.float32)
        params[f'Wl{i}'] = jax.random.normal(ks[kidx], (din, H), dtype=jnp.float32) * (1.0 / np.sqrt(din)); kidx += 1
        params[f'bl{i}'] = jnp.zeros((H,), dtype=jnp.float32)
        params[f'bn_g{i}'] = jnp.ones((H,), dtype=jnp.float32)
        params[f'bn_b{i}'] = jnp.zeros((H,), dtype=jnp.float32)
        params[f'ln_g{i}'] = jnp.ones((H,), dtype=jnp.float32)
        params[f'ln_b{i}'] = jnp.zeros((H,), dtype=jnp.float32)
    params['W_in'] = jax.random.normal(ks[kidx], (IN, H), dtype=jnp.float32) * (1.0 / np.sqrt(IN)); kidx += 1
    params['b_in'] = jnp.zeros((H,), dtype=jnp.float32)
    params['W_pred'] = jax.random.normal(ks[kidx], (H, OUT), dtype=jnp.float32) * (1.0 / np.sqrt(H)); kidx += 1
    params['b_pred'] = jnp.zeros((OUT,), dtype=jnp.float32)
    return {'x': x, 'edge_index': edge_index, 'params': params}


def reference(x, edge_index, params):
    return _forward(x, params, edge_index)

if __name__ == "__main__":
    import jax
    _d = setup_inputs()
    print(jax.jit(kernel)(*tuple(_d.values())))

</pallas_src>

<mosaic_0001>
#map = affine_map<(d0, d1) -> (0, 0)>
#map1 = affine_map<(d0, d1) -> (0, 0, 0)>
module attributes {stable_mosaic.version = 14 : i64} {
  func.func @_scatter_kernel(%arg0: i32, %arg1: i32, %arg2: memref<40000x128xbf16, #tpu.memory_space<hbm>>, %arg3: memref<16x80x128xi32, #tpu.memory_space<hbm>>, %arg4: memref<16x80x128xi32, #tpu.memory_space<hbm>>, %arg5: memref<4x10240x128xbf16, #tpu.memory_space<hbm>>, %arg6: memref<80x128xi32, #tpu.memory_space<vmem>>, %arg7: memref<80x128xi32, #tpu.memory_space<vmem>>, %arg8: memref<128x128xbf16, #tpu.memory_space<vmem>>, %arg9: memref<128x128xbf16, #tpu.memory_space<vmem>>, %arg10: memref<128x128xbf16, #tpu.memory_space<vmem>>, %arg11: memref<128x128xbf16, #tpu.memory_space<vmem>>, %arg12: memref<128x128xbf16, #tpu.memory_space<vmem>>, %arg13: memref<128x128xbf16, #tpu.memory_space<vmem>>, %arg14: memref<10240x128xbf16, #tpu.memory_space<vmem_shared>>, %arg15: memref<!tpu.dma_semaphore, #tpu.memory_space<semaphore_mem>>, %arg16: memref<!tpu.dma_semaphore, #tpu.memory_space<semaphore_mem>>, %arg17: memref<!tpu.dma_semaphore, #tpu.memory_space<semaphore_mem>>, %arg18: memref<!tpu.dma_semaphore, #tpu.memory_space<semaphore_mem>>, %arg19: memref<!tpu.dma_semaphore, #tpu.memory_space<semaphore_mem>>, %arg20: memref<!tpu.dma_semaphore, #tpu.memory_space<semaphore_mem>>) attributes {dimension_semantics = [#tpu.dimension_semantics<core_parallel>, #tpu.dimension_semantics<subcore_parallel>], iteration_bounds = array<i64: 2, 16>, scalar_prefetch = 0 : i64, scratch_operands = 15 : i64, tpu.core_type = #tpu.core_type<sc_vector_subcore>, window_params = [{transform_indices = #map}, {transform_indices = #map1}, {transform_indices = #map1}, {transform_indices = #map1}]} {
    "tpu.region"() ({
      %run_scoped3A = tpu.sem_alloc : memref<!tpu.dma_semaphore, #tpu.memory_space<semaphore_mem>>
      %dma_start3A = arith.constant 0 : i32
      %dma_start3A_5 = arith.constant 0 : i32
      %dma_start3A_6 = tpu.memref_slice %arg4[%arg1, %dma_start3A, %dma_start3A_5] : memref<16x80x128xi32, #tpu.memory_space<hbm>> -> memref<1x80x128xi32, #tpu.memory_space<hbm>>
      %dma_start3A_7 = tpu.memref_squeeze %dma_start3A_6 : memref<1x80x128xi32, #tpu.memory_space<hbm>> -> memref<80x128xi32, #tpu.memory_space<hbm>>
      %dma_start3A_8 = arith.constant 0 : i32
      %dma_start3A_9 = arith.constant 0 : i32
      %dma_start3A_10 = tpu.memref_slice %arg4[%arg1, %dma_start3A_8, %dma_start3A_9] : memref<16x80x128xi32, #tpu.memory_space<hbm>> -> memref<1x80x128xi32, #tpu.memory_space<hbm>>
      %dma_start3A_11 = tpu.memref_squeeze %dma_start3A_10 : memref<1x80x128xi32, #tpu.memory_space<hbm>> -> memref<80x128xi32, #tpu.memory_space<hbm>>
      tpu.enqueue_dma source(%dma_start3A_11 : memref<80x128xi32, #tpu.memory_space<hbm>>) target(%arg7 : memref<80x128xi32, #tpu.memory_space<vmem>>) target_semaphore(%run_scoped3A : memref<!tpu.dma_semaphore, #tpu.memory_space<semaphore_mem>>)
      %dma_wait3A = arith.constant 0 : i32
      %dma_wait3A_12 = arith.constant 0 : i32
      %dma_wait3A_13 = tpu.memref_slice %arg4[%arg1, %dma_wait3A, %dma_wait3A_12] : memref<16x80x128xi32, #tpu.memory_space<hbm>> -> memref<1x80x128xi32, #tpu.memory_space<hbm>>
      %dma_wait3A_14 = tpu.memref_squeeze %dma_wait3A_13 : memref<1x80x128xi32, #tpu.memory_space<hbm>> -> memref<80x128xi32, #tpu.memory_space<hbm>>
      %dma_wait3A_15 = arith.constant 0 : i32
      %dma_wait3A_16 = arith.constant 0 : i32
      %dma_wait3A_17 = tpu.memref_slice %arg4[%arg1, %dma_wait3A_15, %dma_wait3A_16] : memref<16x80x128xi32, #tpu.memory_space<hbm>> -> memref<1x80x128xi32, #tpu.memory_space<hbm>>
      %dma_wait3A_18 = tpu.memref_squeeze %dma_wait3A_17 : memref<1x80x128xi32, #tpu.memory_space<hbm>> -> memref<80x128xi32, #tpu.memory_space<hbm>>
      tpu.wait_dma2 semaphore(%run_scoped3A : memref<!tpu.dma_semaphore, #tpu.memory_space<semaphore_mem>>) src(%dma_wait3A_18 : memref<80x128xi32, #tpu.memory_space<hbm>>) dst(%arg7 : memref<80x128xi32, #tpu.memory_space<vmem>>)
      tpu.yield
    }) : () -> ()
    %scan3A = arith.constant 0 : i32
    %scan3A_0 = arith.constant 0 : i32
    %scan3A_1 = arith.constant 2 : i32
    %scan3A_2 = arith.addi %scan3A_0, %scan3A_1 : i32
    %scan3A_3 = arith.constant 1 : i32
    scf.for %scan3A_5 = %scan3A_0 to %scan3A_2 step %scan3A_3  : i32 {
      %mul3A = arith.constant 2 : i32
      %mul3A_6 = arith.muli %arg0, %mul3A : i32
      %add3A = arith.addi %mul3A_6, %scan3A_5 : i32
      "tpu.region"() ({
        %run_scoped3A = tpu.sem_alloc : memref<!tpu.dma_semaphore, #tpu.memory_space<semaphore_mem>>
        %dma_start3A_324 = arith.constant 0 : i32
        %dma_start3A_325 = arith.constant 0 : i32
        %dma_start3A_326 = tpu.memref_slice %arg3[%arg1, %dma_start3A_324, %dma_start3A_325] : memref<16x80x128xi32, #tpu.memory_space<hbm>> -> memref<1x80x128xi32, #tpu.memory_space<hbm>>
        %dma_start3A_327 = tpu.memref_squeeze %dma_start3A_326 : memref<1x80x128xi32, #tpu.memory_space<hbm>> -> memref<80x128xi32, #tpu.memory_space<hbm>>
        %dma_start3A_328 = arith.constant 0 : i32
        %dma_start3A_329 = arith.constant 0 : i32
        %dma_start3A_330 = tpu.memref_slice %arg3[%arg1, %dma_start3A_328, %dma_start3A_329] : memref<16x80x128xi32, #tpu.memory_space<hbm>> -> memref<1x80x128xi32, #tpu.memory_space<hbm>>
        %dma_start3A_331 = tpu.memref_squeeze %dma_start3A_330 : memref<1x80x128xi32, #tpu.memory_space<hbm>> -> memref<80x128xi32, #tpu.memory_space<hbm>>
        tpu.enqueue_dma source(%dma_start3A_331 : memref<80x128xi32, #tpu.memory_space<hbm>>) target(%arg6 : memref<80x128xi32, #tpu.memory_space<vmem>>) target_semaphore(%run_scoped3A : memref<!tpu.dma_semaphore, #tpu.memory_space<semaphore_mem>>)
        %dma_wait3A_332 = arith.constant 0 : i32
        %dma_wait3A_333 = arith.constant 0 : i32
        %dma_wait3A_334 = tpu.memref_slice %arg3[%arg1, %dma_wait3A_332, %dma_wait3A_333] : memref<16x80x128xi32, #tpu.memory_space<hbm>> -> memref<1x80x128xi32, #tpu.memory_space<hbm>>
        %dma_wait3A_335 = tpu.memref_squeeze %dma_wait3A_334 : memref<1x80x128xi32, #tpu.memory_space<hbm>> -> memref<80x128xi32, #tpu.memory_space<hbm>>
        %dma_wait3A_336 = arith.constant 0 : i32
        %dma_wait3A_337 = arith.constant 0 : i32
        %dma_wait3A_338 = tpu.memref_slice %arg3[%arg1, %dma_wait3A_336, %dma_wait3A_337] : memref<16x80x128xi32, #tpu.memory_space<hbm>> -> memref<1x80x128xi32, #tpu.memory_space<hbm>>
        %dma_wait3A_339 = tpu.memref_squeeze %dma_wait3A_338 : memref<1x80x128xi32, #tpu.memory_space<hbm>> -> memref<80x128xi32, #tpu.memory_space<hbm>>
        tpu.wait_dma2 semaphore(%run_scoped3A : memref<!tpu.dma_semaphore, #tpu.memory_space<semaphore_mem>>) src(%dma_wait3A_339 : memref<80x128xi32, #tpu.memory_space<hbm>>) dst(%arg6 : memref<80x128xi32, #tpu.memory_space<vmem>>)
        tpu.yield
      }) : () -> ()
      %scan3A_7 = arith.constant 0 : i32
      %scan3A_8 = arith.constant 0 : i32
      %scan3A_9 = arith.constant 80 : i32
      %scan3A_10 = arith.addi %scan3A_8, %scan3A_9 : i32
      %scan3A_11 = arith.constant 1 : i32
      scf.for %scan3A_324 = %scan3A_8 to %scan3A_10 step %scan3A_11  : i32 {
        %get3A = arith.index_cast %scan3A_324 : i32 to index
        %get3A_325 = arith.constant 0 : index
        %get3A_326 = tpu.vector_load %arg6[%get3A, %get3A_325] {strides = array<i32>} : memref<80x128xi32, #tpu.memory_space<vmem>>, vector<1x16xi32>,
        %get3A_327 = vector.shape_cast %get3A_326 : vector<1x16xi32> to vector<16xi32>
        %mul3A_328 = arith.constant 4 : i32
        %mul3A_329 = vector.broadcast %mul3A_328 : i32 to vector<16xi32>
        %mul3A_330 = arith.muli %get3A_327, %mul3A_329 : vector<16xi32>
        %add3A_331 = vector.broadcast %add3A : i32 to vector<16xi32>
        %add3A_332 = arith.addi %mul3A_330, %add3A_331 : vector<16xi32>
        %swap3A = arith.index_cast %scan3A_324 : i32 to index
        %swap3A_333 = arith.constant 0 : index
        %swap3A_334 = tpu.vector_load %arg6[%swap3A, %swap3A_333] {strides = array<i32>} : memref<80x128xi32, #tpu.memory_space<vmem>>, vector<1x16xi32>,
        %swap3A_335 = vector.shape_cast %swap3A_334 : vector<1x16xi32> to vector<16xi32>
        %swap3A_336 = vector.shape_cast %add3A_332 : vector<16xi32> to vector<1x16xi32>
        tpu.vector_store %arg6[%swap3A, %swap3A_333], %swap3A_336 {strides = array<i32>} : memref<80x128xi32, #tpu.memory_space<vmem>>, vector<1x16xi32>,
        %get3A_337 = arith.index_cast %scan3A_324 : i32 to index
        %get3A_338 = arith.constant 16 : index
        %get3A_339 = tpu.vector_load %arg6[%get3A_337, %get3A_338] {strides = array<i32>} : memref<80x128xi32, #tpu.memory_space<vmem>>, vector<1x16xi32>,
        %get3A_340 = vector.shape_cast %get3A_339 : vector<1x16xi32> to vector<16xi32>
        %mul3A_341 = arith.constant 4 : i32
        %mul3A_342 = vector.broadcast %mul3A_341 : i32 to vector<16xi32>
        %mul3A_343 = arith.muli %get3A_340, %mul3A_342 : vector<16xi32>
        %add3A_344 = vector.broadcast %add3A : i32 to vector<16xi32>
        %add3A_345 = arith.addi %mul3A_343, %add3A_344 : vector<16xi32>
        %swap3A_346 = arith.index_cast %scan3A_324 : i32 to index
        %swap3A_347 = arith.constant 16 : index
        %swap3A_348 = tpu.vector_load %arg6[%swap3A_346, %swap3A_347] {strides = array<i32>} : memref<80x128xi32, #tpu.memory_space<vmem>>, vector<1x16xi32>,
        %swap3A_349 = vector.shape_cast %swap3A_348 : vector<1x16xi32> to vector<16xi32>
        %swap3A_350 = vector.shape_cast %add3A_345 : vector<16xi32> to vector<1x16xi32>
        tpu.vector_store %arg6[%swap3A_346, %swap3A_347], %swap3A_350 {strides = array<i32>} : memref<80x128xi32, #tpu.memory_space<vmem>>, vector<1x16xi32>,
        %get3A_351 = arith.index_cast %scan3A_324 : i32 to index
        %get3A_352 = arith.constant 32 : index
        %get3A_353 = tpu.vector_load %arg6[%get3A_351, %get3A_352] {strides = array<i32>} : memref<80x128xi32, #tpu.memory_space<vmem>>, vector<1x16xi32>,
        %get3A_354 = vector.shape_cast %get3A_353 : vector<1x16xi32> to vector<16xi32>
        %mul3A_355 = arith.constant 4 : i32
        %mul3A_356 = vector.broadcast %mul3A_355 : i32 to vector<16xi32>
        %mul3A_357 = arith.muli %get3A_354, %mul3A_356 : vector<16xi32>
        %add3A_358 = vector.broadcast %add3A : i32 to vector<16xi32>
        %add3A_359 = arith.addi %mul3A_357, %add3A_358 : vector<16xi32>
        %swap3A_360 = arith.index_cast %scan3A_324 : i32 to index
        %swap3A_361 = arith.constant 32 : index
        %swap3A_362 = tpu.vector_load %arg6[%swap3A_360, %swap3A_361] {strides = array<i32>} : memref<80x128xi32, #tpu.memory_space<vmem>>, vector<1x16xi32>,
        %swap3A_363 = vector.shape_cast %swap3A_362 : vector<1x16xi32> to vector<16xi32>
        %swap3A_364 = vector.shape_cast %add3A_359 : vector<16xi32> to vector<1x16xi32>
        tpu.vector_store %arg6[%swap3A_360, %swap3A_361], %swap3A_364 {strides = array<i32>} : memref<80x128xi32, #tpu.memory_space<vmem>>, vector<1x16xi32>,
        %get3A_365 = arith.index_cast %scan3A_324 : i32 to index
        %get3A_366 = arith.constant 48 : index
        %get3A_367 = tpu.vector_load %arg6[%get3A_365, %get3A_366] {strides = array<i32>} : memref<80x128xi32, #tpu.memory_space<vmem>>, vector<1x16xi32>,
        %get3A_368 = vector.shape_cast %get3A_367 : vector<1x16xi32> to vector<16xi32>
        %mul3A_369 = arith.constant 4 : i32
        %mul3A_370 = vector.broadcast %mul3A_369 : i32 to vector<16xi32>
        %mul3A_371 = arith.muli %get3A_368, %mul3A_370 : vector<16xi32>
        %add3A_372 = vector.broadcast %add3A : i32 to vector<16xi32>
        %add3A_373 = arith.addi %mul3A_371, %add3A_372 : vector<16xi32>
        %swap3A_374 = arith.index_cast %scan3A_324 : i32 to index
        %swap3A_375 = arith.constant 48 : index
        %swap3A_376 = tpu.vector_load %arg6[%swap3A_374, %swap3A_375] {strides = array<i32>} : memref<80x128xi32, #tpu.memory_space<vmem>>, vector<1x16xi32>,
        %swap3A_377 = vector.shape_cast %swap3A_376 : vector<1x16xi32> to vector<16xi32>
        %swap3A_378 = vector.shape_cast %add3A_373 : vector<16xi32> to vector<1x16xi32>
        tpu.vector_store %arg6[%swap3A_374, %swap3A_375], %swap3A_378 {strides = array<i32>} : memref<80x128xi32, #tpu.memory_space<vmem>>, vector<1x16xi32>,
        %get3A_379 = arith.index_cast %scan3A_324 : i32 to index
        %get3A_380 = arith.constant 64 : index
        %get3A_381 = tpu.vector_load %arg6[%get3A_379, %get3A_380] {strides = array<i32>} : memref<80x128xi32, #tpu.memory_space<vmem>>, vector<1x16xi32>,
        %get3A_382 = vector.shape_cast %get3A_381 : vector<1x16xi32> to vector<16xi32>
        %mul3A_383 = arith.constant 4 : i32
        %mul3A_384 = vector.broadcast %mul3A_383 : i32 to vector<16xi32>
        %mul3A_385 = arith.muli %get3A_382, %mul3A_384 : vector<16xi32>
        %add3A_386 = vector.broadcast %add3A : i32 to vector<16xi32>
        %add3A_387 = arith.addi %mul3A_385, %add3A_386 : vector<16xi32>
        %swap3A_388 = arith.index_cast %scan3A_324 : i32 to index
        %swap3A_389 = arith.constant 64 : index
        %swap3A_390 = tpu.vector_load %arg6[%swap3A_388, %swap3A_389] {strides = array<i32>} : memref<80x128xi32, #tpu.memory_space<vmem>>, vector<1x16xi32>,
        %swap3A_391 = vector.shape_cast %swap3A_390 : vector<1x16xi32> to vector<16xi32>
        %swap3A_392 = vector.shape_cast %add3A_387 : vector<16xi32> to vector<1x16xi32>
        tpu.vector_store %arg6[%swap3A_388, %swap3A_389], %swap3A_392 {strides = array<i32>} : memref<80x128xi32, #tpu.memory_space<vmem>>, vector<1x16xi32>,
        %get3A_393 = arith.index_cast %scan3A_324 : i32 to index
        %get3A_394 = arith.constant 80 : index
        %get3A_395 = tpu.vector_load %arg6[%get3A_393, %get3A_394] {strides = array<i32>} : memref<80x128xi32, #tpu.memory_space<vmem>>, vector<1x16xi32>,
        %get3A_396 = vector.shape_cast %get3A_395 : vector<1x16xi32> to vector<16xi32>
        %mul3A_397 = arith.constant 4 : i32
        %mul3A_398 = vector.broadcast %mul3A_397 : i32 to vector<16xi32>
        %mul3A_399 = arith.muli %get3A_396, %mul3A_398 : vector<16xi32>
        %add3A_400 = vector.broadcast %add3A : i32 to vector<16xi32>
        %add3A_401 = arith.addi %mul3A_399, %add3A_400 : vector<16xi32>
        %swap3A_402 = arith.index_cast %scan3A_324 : i32 to index
        %swap3A_403 = arith.constant 80 : index
        %swap3A_404 = tpu.vector_load %arg6[%swap3A_402, %swap3A_403] {strides = array<i32>} : memref<80x128xi32, #tpu.memory_space<vmem>>, vector<1x16xi32>,
        %swap3A_405 = vector.shape_cast %swap3A_404 : vector<1x16xi32> to vector<16xi32>
        %swap3A_406 = vector.shape_cast %add3A_401 : vector<16xi32> to vector<1x16xi32>
        tpu.vector_store %arg6[%swap3A_402, %swap3A_403], %swap3A_406 {strides = array<i32>} : memref<80x128xi32, #tpu.memory_space<vmem>>, vector<1x16xi32>,
        %get3A_407 = arith.index_cast %scan3A_324 : i32 to index
        %get3A_408 = arith.constant 96 : index
        %get3A_409 = tpu.vector_load %arg6[%get3A_407, %get3A_408] {strides = array<i32>} : memref<80x128xi32, #tpu.memory_space<vmem>>, vector<1x16xi32>,
        %get3A_410 = vector.shape_cast %get3A_409 : vector<1x16xi32> to vector<16xi32>
        %mul3A_411 = arith.constant 4 : i32
        %mul3A_412 = vector.broadcast %mul3A_411 : i32 to vector<16xi32>
        %mul3A_413 = arith.muli %get3A_410, %mul3A_412 : vector<16xi32>
        %add3A_414 = vector.broadcast %add3A : i32 to vector<16xi32>
        %add3A_415 = arith.addi %mul3A_413, %add3A_414 : vector<16xi32>
        %swap3A_416 = arith.index_cast %scan3A_324 : i32 to index
        %swap3A_417 = arith.constant 96 : index
        %swap3A_418 = tpu.vector_load %arg6[%swap3A_416, %swap3A_417] {strides = array<i32>} : memref<80x128xi32, #tpu.memory_space<vmem>>, vector<1x16xi32>,
        %swap3A_419 = vector.shape_cast %swap3A_418 : vector<1x16xi32> to vector<16xi32>
        %swap3A_420 = vector.shape_cast %add3A_415 : vector<16xi32> to vector<1x16xi32>
        tpu.vector_store %arg6[%swap3A_416, %swap3A_417], %swap3A_420 {strides = array<i32>} : memref<80x128xi32, #tpu.memory_space<vmem>>, vector<1x16xi32>,
        %get3A_421 = arith.index_cast %scan3A_324 : i32 to index
        %get3A_422 = arith.constant 112 : index
        %get3A_423 = tpu.vector_load %arg6[%get3A_421, %get3A_422] {strides = array<i32>} : memref<80x128xi32, #tpu.memory_space<vmem>>, vector<1x16xi32>,
        %get3A_424 = vector.shape_cast %get3A_423 : vector<1x16xi32> to vector<16xi32>
        %mul3A_425 = arith.constant 4 : i32
        %mul3A_426 = vector.broadcast %mul3A_425 : i32 to vector<16xi32>
        %mul3A_427 = arith.muli %get3A_424, %mul3A_426 : vector<16xi32>
        %add3A_428 = vector.broadcast %add3A : i32 to vector<16xi32>
        %add3A_429 = arith.addi %mul3A_427, %add3A_428 : vector<16xi32>
        %swap3A_430 = arith.index_cast %scan3A_324 : i32 to index
        %swap3A_431 = arith.constant 112 : index
        %swap3A_432 = tpu.vector_load %arg6[%swap3A_430, %swap3A_431] {strides = array<i32>} : memref<80x128xi32, #tpu.memory_space<vmem>>, vector<1x16xi32>,
        %swap3A_433 = vector.shape_cast %swap3A_432 : vector<1x16xi32> to vector<16xi32>
        %swap3A_434 = vector.shape_cast %add3A_429 : vector<16xi32> to vector<1x16xi32>
        tpu.vector_store %arg6[%swap3A_430, %swap3A_431], %swap3A_434 {strides = array<i32>} : memref<80x128xi32, #tpu.memory_space<vmem>>, vector<1x16xi32>,
      }
      %scan3A_12 = arith.constant 80 : i32
      %scan3A_13 = arith.constant 0 : i32
      %scan3A_14 = arith.constant 0 : i32
      %scan3A_15 = arith.constant 128 : i32
      %scan3A_16 = arith.addi %scan3A_14, %scan3A_15 : i32
      %scan3A_17 = arith.constant 1 : i32
      scf.for %scan3A_324 = %scan3A_14 to %scan3A_16 step %scan3A_17  : i32 {
        %broadcast_in_dim3A = arith.constant 0.000000e+00 : bf16
        %broadcast_in_dim3A_325 = vector.broadcast %broadcast_in_dim3A : bf16 to vector<32xbf16>
        %swap3A = arith.index_cast %scan3A_324 : i32 to index
        %swap3A_326 = arith.constant 0 : index
        %swap3A_327 = tpu.vector_load %arg8[%swap3A, %swap3A_326] {strides = array<i32>} : memref<128x128xbf16, #tpu.memory_space<vmem>>, vector<1x32xbf16>,
        %swap3A_328 = vector.shape_cast %swap3A_327 : vector<1x32xbf16> to vector<32xbf16>
        %swap3A_329 = vector.shape_cast %broadcast_in_dim3A_325 : vector<32xbf16> to vector<1x32xbf16>
        tpu.vector_store %arg8[%swap3A, %swap3A_326], %swap3A_329 {strides = array<i32>} : memref<128x128xbf16, #tpu.memory_space<vmem>>, vector<1x32xbf16>,
        %broadcast_in_dim3A_330 = arith.constant 0.000000e+00 : bf16
        %broadcast_in_dim3A_331 = vector.broadcast %broadcast_in_dim3A_330 : bf16 to vector<32xbf16>
        %swap3A_332 = arith.index_cast %scan3A_324 : i32 to index
        %swap3A_333 = arith.constant 32 : index
        %swap3A_334 = tpu.vector_load %arg8[%swap3A_332, %swap3A_333] {strides = array<i32>} : memref<128x128xbf16, #tpu.memory_space<vmem>>, vector<1x32xbf16>,
        %swap3A_335 = vector.shape_cast %swap3A_334 : vector<1x32xbf16> to vector<32xbf16>
        %swap3A_336 = vector.shape_cast %broadcast_in_dim3A_331 : vector<32xbf16> to vector<1x32xbf16>
        tpu.vector_store %arg8[%swap3A_332, %swap3A_333], %swap3A_336 {strides = array<i32>} : memref<128x128xbf16, #tpu.memory_space<vmem>>, vector<1x32xbf16>,
        %broadcast_in_dim3A_337 = arith.constant 0.000000e+00 : bf16
        %broadcast_in_dim3A_338 = vector.broadcast %broadcast_in_dim3A_337 : bf16 to vector<32xbf16>
        %swap3A_339 = arith.index_cast %scan3A_324 : i32 to index
        %swap3A_340 = arith.constant 64 : index
        %swap3A_341 = tpu.vector_load %arg8[%swap3A_339, %swap3A_340] {strides = array<i32>} : memref<128x128xbf16, #tpu.memory_space<vmem>>, vector<1x32xbf16>,
        %swap3A_342 = vector.shape_cast %swap3A_341 : vector<1x32xbf16> to vector<32xbf16>
        %swap3A_343 = vector.shape_cast %broadcast_in_dim3A_338 : vector<32xbf16> to vector<1x32xbf16>
        tpu.vector_store %arg8[%swap3A_339, %swap3A_340], %swap3A_343 {strides = array<i32>} : memref<128x128xbf16, #tpu.memory_space<vmem>>, vector<1x32xbf16>,
        %broadcast_in_dim3A_344 = arith.constant 0.000000e+00 : bf16
        %broadcast_in_dim3A_345 = vector.broadcast %broadcast_in_dim3A_344 : bf16 to vector<32xbf16>
        %swap3A_346 = arith.index_cast %scan3A_324 : i32 to index
        %swap3A_347 = arith.constant 96 : index
        %swap3A_348 = tpu.vector_load %arg8[%swap3A_346, %swap3A_347] {strides = array<i32>} : memref<128x128xbf16, #tpu.memory_space<vmem>>, vector<1x32xbf16>,
        %swap3A_349 = vector.shape_cast %swap3A_348 : vector<1x32xbf16> to vector<32xbf16>
        %swap3A_350 = vector.shape_cast %broadcast_in_dim3A_345 : vector<32xbf16> to vector<1x32xbf16>
        tpu.vector_store %arg8[%swap3A_346, %swap3A_347], %swap3A_350 {strides = array<i32>} : memref<128x128xbf16, #tpu.memory_space<vmem>>, vector<1x32xbf16>,
      }
      %scan3A_18 = arith.constant 128 : i32
      %mul3A_19 = arith.constant 640 : i32
      %mul3A_20 = arith.muli %arg1, %mul3A_19 : i32
      %add3A_21 = arith.constant 0 : i32
      %add3A_22 = arith.addi %mul3A_20, %add3A_21 : i32
      "tpu.region"() ({
        %run_scoped3A = tpu.sem_alloc : memref<!tpu.dma_semaphore, #tpu.memory_space<semaphore_mem>>
        %dma_start3A_324 = arith.constant 0 : i32
        %dma_start3A_325 = tpu.memref_slice %arg14[%add3A_22, %dma_start3A_324] : memref<10240x128xbf16, #tpu.memory_space<vmem_shared>> -> memref<128x128xbf16, #tpu.memory_space<vmem_shared>>
        %dma_start3A_326 = arith.constant 0 : i32
        %dma_start3A_327 = tpu.memref_slice %arg14[%add3A_22, %dma_start3A_326] : memref<10240x128xbf16, #tpu.memory_space<vmem_shared>> -> memref<128x128xbf16, #tpu.memory_space<vmem_shared>>
        tpu.enqueue_dma source(%arg8 : memref<128x128xbf16, #tpu.memory_space<vmem>>) target(%dma_start3A_327 : memref<128x128xbf16, #tpu.memory_space<vmem_shared>>) target_semaphore(%run_scoped3A : memref<!tpu.dma_semaphore, #tpu.memory_space<semaphore_mem>>)
        %dma_wait3A_328 = arith.constant 0 : i32
        %dma_wait3A_329 = tpu.memref_slice %arg14[%add3A_22, %dma_wait3A_328] : memref<10240x128xbf16, #tpu.memory_space<vmem_shared>> -> memref<128x128xbf16, #tpu.memory_space<vmem_shared>>
        %dma_wait3A_330 = arith.constant 0 : i32
        %dma_wait3A_331 = tpu.memref_slice %arg14[%add3A_22, %dma_wait3A_330] : memref<10240x128xbf16, #tpu.memory_space<vmem_shared>> -> memref<128x128xbf16, #tpu.memory_space<vmem_shared>>
        tpu.wait_dma2 semaphore(%run_scoped3A : memref<!tpu.dma_semaphore, #tpu.memory_space<semaphore_mem>>) src(%arg8 : memref<128x128xbf16, #tpu.memory_space<vmem>>) dst(%dma_wait3A_331 : memref<128x128xbf16, #tpu.memory_space<vmem_shared>>)
        tpu.yield
      }) : () -> ()
      %mul3A_23 = arith.constant 640 : i32
      %mul3A_24 = arith.muli %arg1, %mul3A_23 : i32
      %add3A_25 = arith.constant 128 : i32
      %add3A_26 = arith.addi %mul3A_24, %add3A_25 : i32
      "tpu.region"() ({
        %run_scoped3A = tpu.sem_alloc : memref<!tpu.dma_semaphore, #tpu.memory_space<semaphore_mem>>
        %dma_start3A_324 = arith.constant 0 : i32
        %dma_start3A_325 = tpu.memref_slice %arg14[%add3A_26, %dma_start3A_324] : memref<10240x128xbf16, #tpu.memory_space<vmem_shared>> -> memref<128x128xbf16, #tpu.memory_space<vmem_shared>>
        %dma_start3A_326 = arith.constant 0 : i32
        %dma_start3A_327 = tpu.memref_slice %arg14[%add3A_26, %dma_start3A_326] : memref<10240x128xbf16, #tpu.memory_space<vmem_shared>> -> memref<128x128xbf16, #tpu.memory_space<vmem_shared>>
        tpu.enqueue_dma source(%arg8 : memref<128x128xbf16, #tpu.memory_space<vmem>>) target(%dma_start3A_327 : memref<128x128xbf16, #tpu.memory_space<vmem_shared>>) target_semaphore(%run_scoped3A : memref<!tpu.dma_semaphore, #tpu.memory_space<semaphore_mem>>)
        %dma_wait3A_328 = arith.constant 0 : i32
        %dma_wait3A_329 = tpu.memref_slice %arg14[%add3A_26, %dma_wait3A_328] : memref<10240x128xbf16, #tpu.memory_space<vmem_shared>> -> memref<128x128xbf16, #tpu.memory_space<vmem_shared>>
        %dma_wait3A_330 = arith.constant 0 : i32
        %dma_wait3A_331 = tpu.memref_slice %arg14[%add3A_26, %dma_wait3A_330] : memref<10240x128xbf16, #tpu.memory_space<vmem_shared>> -> memref<128x128xbf16, #tpu.memory_space<vmem_shared>>
        tpu.wait_dma2 semaphore(%run_scoped3A : memref<!tpu.dma_semaphore, #tpu.memory_space<semaphore_mem>>) src(%arg8 : memref<128x128xbf16, #tpu.memory_space<vmem>>) dst(%dma_wait3A_331 : memref<128x128xbf16, #tpu.memory_space<vmem_shared>>)
        tpu.yield
      }) : () -> ()
      %mul3A_27 = arith.constant 640 : i32
      %mul3A_28 = arith.muli %arg1, %mul3A_27 : i32
      %add3A_29 = arith.constant 256 : i32
      %add3A_30 = arith.addi %mul3A_28, %add3A_29 : i32
      "tpu.region"() ({
        %run_scoped3A = tpu.sem_alloc : memref<!tpu.dma_semaphore, #tpu.memory_space<semaphore_mem>>
        %dma_start3A_324 = arith.constant 0 : i32
        %dma_start3A_325 = tpu.memref_slice %arg14[%add3A_30, %dma_start3A_324] : memref<10240x128xbf16, #tpu.memory_space<vmem_shared>> -> memref<128x128xbf16, #tpu.memory_space<vmem_shared>>
        %dma_start3A_326 = arith.constant 0 : i32
        %dma_start3A_327 = tpu.memref_slice %arg14[%add3A_30, %dma_start3A_326] : memref<10240x128xbf16, #tpu.memory_space<vmem_shared>> -> memref<128x128xbf16, #tpu.memory_space<vmem_shared>>
        tpu.enqueue_dma source(%arg8 : memref<128x128xbf16, #tpu.memory_space<vmem>>) target(%dma_start3A_327 : memref<128x128xbf16, #tpu.memory_space<vmem_shared>>) target_semaphore(%run_scoped3A : memref<!tpu.dma_semaphore, #tpu.memory_space<semaphore_mem>>)
        %dma_wait3A_328 = arith.constant 0 : i32
        %dma_wait3A_329 = tpu.memref_slice %arg14[%add3A_30, %dma_wait3A_328] : memref<10240x128xbf16, #tpu.memory_space<vmem_shared>> -> memref<128x128xbf16, #tpu.memory_space<vmem_shared>>
        %dma_wait3A_330 = arith.constant 0 : i32
        %dma_wait3A_331 = tpu.memref_slice %arg14[%add3A_30, %dma_wait3A_330] : memref<10240x128xbf16, #tpu.memory_space<vmem_shared>> -> memref<128x128xbf16, #tpu.memory_space<vmem_shared>>
        tpu.wait_dma2 semaphore(%run_scoped3A : memref<!tpu.dma_semaphore, #tpu.memory_space<semaphore_mem>>) src(%arg8 : memref<128x128xbf16, #tpu.memory_space<vmem>>) dst(%dma_wait3A_331 : memref<128x128xbf16, #tpu.memory_space<vmem_shared>>)
        tpu.yield
      }) : () -> ()
      %mul3A_31 = arith.constant 640 : i32
      %mul3A_32 = arith.muli %arg1, %mul3A_31 : i32
      %add3A_33 = arith.constant 384 : i32
      %add3A_34 = arith.addi %mul3A_32, %add3A_33 : i32
      "tpu.region"() ({
        %run_scoped3A = tpu.sem_alloc : memref<!tpu.dma_semaphore, #tpu.memory_space<semaphore_mem>>
        %dma_start3A_324 = arith.constant 0 : i32
        %dma_start3A_325 = tpu.memref_slice %arg14[%add3A_34, %dma_start3A_324] : memref<10240x128xbf16, #tpu.memory_space<vmem_shared>> -> memref<128x128xbf16, #tpu.memory_space<vmem_shared>>
        %dma_start3A_326 = arith.constant 0 : i32
        %dma_start3A_327 = tpu.memref_slice %arg14[%add3A_34, %dma_start3A_326] : memref<10240x128xbf16, #tpu.memory_space<vmem_shared>> -> memref<128x128xbf16, #tpu.memory_space<vmem_shared>>
        tpu.enqueue_dma source(%arg8 : memref<128x128xbf16, #tpu.memory_space<vmem>>) target(%dma_start3A_327 : memref<128x128xbf16, #tpu.memory_space<vmem_shared>>) target_semaphore(%run_scoped3A : memref<!tpu.dma_semaphore, #tpu.memory_space<semaphore_mem>>)
        %dma_wait3A_328 = arith.constant 0 : i32
        %dma_wait3A_329 = tpu.memref_slice %arg14[%add3A_34, %dma_wait3A_328] : memref<10240x128xbf16, #tpu.memory_space<vmem_shared>> -> memref<128x128xbf16, #tpu.memory_space<vmem_shared>>
        %dma_wait3A_330 = arith.constant 0 : i32
        %dma_wait3A_331 = tpu.memref_slice %arg14[%add3A_34, %dma_wait3A_330] : memref<10240x128xbf16, #tpu.memory_space<vmem_shared>> -> memref<128x128xbf16, #tpu.memory_space<vmem_shared>>
        tpu.wait_dma2 semaphore(%run_scoped3A : memref<!tpu.dma_semaphore, #tpu.memory_space<semaphore_mem>>) src(%arg8 : memref<128x128xbf16, #tpu.memory_space<vmem>>) dst(%dma_wait3A_331 : memref<128x128xbf16, #tpu.memory_space<vmem_shared>>)
        tpu.yield
      }) : () -> ()
      %mul3A_35 = arith.constant 640 : i32
      %mul3A_36 = arith.muli %arg1, %mul3A_35 : i32
      %add3A_37 = arith.constant 512 : i32
      %add3A_38 = arith.addi %mul3A_36, %add3A_37 : i32
      "tpu.region"() ({
        %run_scoped3A = tpu.sem_alloc : memref<!tpu.dma_semaphore, #tpu.memory_space<semaphore_mem>>
        %dma_start3A_324 = arith.constant 0 : i32
        %dma_start3A_325 = tpu.memref_slice %arg14[%add3A_38, %dma_start3A_324] : memref<10240x128xbf16, #tpu.memory_space<vmem_shared>> -> memref<128x128xbf16, #tpu.memory_space<vmem_shared>>
        %dma_start3A_326 = arith.constant 0 : i32
        %dma_start3A_327 = tpu.memref_slice %arg14[%add3A_38, %dma_start3A_326] : memref<10240x128xbf16, #tpu.memory_space<vmem_shared>> -> memref<128x128xbf16, #tpu.memory_space<vmem_shared>>
        tpu.enqueue_dma source(%arg8 : memref<128x128xbf16, #tpu.memory_space<vmem>>) target(%dma_start3A_327 : memref<128x128xbf16, #tpu.memory_space<vmem_shared>>) target_semaphore(%run_scoped3A : memref<!tpu.dma_semaphore, #tpu.memory_space<semaphore_mem>>)
        %dma_wait3A_328 = arith.constant 0 : i32
        %dma_wait3A_329 = tpu.memref_slice %arg14[%add3A_38, %dma_wait3A_328] : memref<10240x128xbf16, #tpu.memory_space<vmem_shared>> -> memref<128x128xbf16, #tpu.memory_space<vmem_shared>>
        %dma_wait3A_330 = arith.constant 0 : i32
        %dma_wait3A_331 = tpu.memref_slice %arg14[%add3A_38, %dma_wait3A_330] : memref<10240x128xbf16, #tpu.memory_space<vmem_shared>> -> memref<128x128xbf16, #tpu.memory_space<vmem_shared>>
        tpu.wait_dma2 semaphore(%run_scoped3A : memref<!tpu.dma_semaphore, #tpu.memory_space<semaphore_mem>>) src(%arg8 : memref<128x128xbf16, #tpu.memory_space<vmem>>) dst(%dma_wait3A_331 : memref<128x128xbf16, #tpu.memory_space<vmem_shared>>)
        tpu.yield
      }) : () -> ()
      %dma_start3A = arith.constant 0 : i32
      %dma_start3A_39 = arith.constant 0 : i32
      %dma_start3A_40 = tpu.memref_slice %arg6[%dma_start3A, %dma_start3A_39] : memref<80x128xi32, #tpu.memory_space<vmem>> -> memref<1x128xi32, #tpu.memory_space<vmem>>
      %dma_start3A_41 = tpu.memref_squeeze %dma_start3A_40 : memref<1x128xi32, #tpu.memory_space<vmem>> -> memref<128xi32, #tpu.memory_space<vmem>>
      %dma_start3A_42 = arith.constant 0 : i32
      %dma_start3A_43 = arith.constant 0 : i32
      %dma_start3A_44 = tpu.memref_slice %arg2[%dma_start3A_42, %dma_start3A_43] : memref<40000x128xbf16, #tpu.memory_space<hbm>> -> memref<40000x128xbf16, #tpu.memory_space<hbm>>
      tpu.enqueue_indirect_dma source(%dma_start3A_44 : memref<40000x128xbf16, #tpu.memory_space<hbm>>) target(%arg8 : memref<128x128xbf16, #tpu.memory_space<vmem>>) offsets(%dma_start3A_41 : memref<128xi32, #tpu.memory_space<vmem>>) semaphore(%arg15 : memref<!tpu.dma_semaphore, #tpu.memory_space<semaphore_mem>>)
      %dma_start3A_45 = arith.constant 1 : i32
      %dma_start3A_46 = arith.constant 0 : i32
      %dma_start3A_47 = tpu.memref_slice %arg6[%dma_start3A_45, %dma_start3A_46] : memref<80x128xi32, #tpu.memory_space<vmem>> -> memref<1x128xi32, #tpu.memory_space<vmem>>
      %dma_start3A_48 = tpu.memref_squeeze %dma_start3A_47 : memref<1x128xi32, #tpu.memory_space<vmem>> -> memref<128xi32, #tpu.memory_space<vmem>>
      %dma_start3A_49 = arith.constant 0 : i32
      %dma_start3A_50 = arith.constant 0 : i32
      %dma_start3A_51 = tpu.memref_slice %arg2[%dma_start3A_49, %dma_start3A_50] : memref<40000x128xbf16, #tpu.memory_space<hbm>> -> memref<40000x128xbf16, #tpu.memory_space<hbm>>
      tpu.enqueue_indirect_dma source(%dma_start3A_51 : memref<40000x128xbf16, #tpu.memory_space<hbm>>) target(%arg9 : memref<128x128xbf16, #tpu.memory_space<vmem>>) offsets(%dma_start3A_48 : memref<128xi32, #tpu.memory_space<vmem>>) semaphore(%arg15 : memref<!tpu.dma_semaphore, #tpu.memory_space<semaphore_mem>>)
      %barrier3A = arith.constant 0 : index
      tpu.barrier barrier_id(%barrier3A)
      %rem3A = arith.constant 2 : i32
      %rem3A_52 = arith.constant 80 : i32
      %rem3A_53 = arith.remsi %rem3A, %rem3A_52 : i32
      %dma_start3A_54 = arith.constant 0 : i32
      %dma_start3A_55 = tpu.memref_slice %arg6[%rem3A_53, %dma_start3A_54] : memref<80x128xi32, #tpu.memory_space<vmem>> -> memref<1x128xi32, #tpu.memory_space<vmem>>
      %dma_start3A_56 = tpu.memref_squeeze %dma_start3A_55 : memref<1x128xi32, #tpu.memory_space<vmem>> -> memref<128xi32, #tpu.memory_space<vmem>>
      %dma_start3A_57 = arith.constant 0 : i32
      %dma_start3A_58 = arith.constant 0 : i32
      %dma_start3A_59 = tpu.memref_slice %arg2[%dma_start3A_57, %dma_start3A_58] : memref<40000x128xbf16, #tpu.memory_space<hbm>> -> memref<40000x128xbf16, #tpu.memory_space<hbm>>
      tpu.enqueue_indirect_dma source(%dma_start3A_59 : memref<40000x128xbf16, #tpu.memory_space<hbm>>) target(%arg10 : memref<128x128xbf16, #tpu.memory_space<vmem>>) offsets(%dma_start3A_56 : memref<128xi32, #tpu.memory_space<vmem>>) semaphore(%arg16 : memref<!tpu.dma_semaphore, #tpu.memory_space<semaphore_mem>>)
      %rem3A_60 = arith.constant 3 : i32
      %rem3A_61 = arith.constant 80 : i32
      %rem3A_62 = arith.remsi %rem3A_60, %rem3A_61 : i32
      %dma_start3A_63 = arith.constant 0 : i32
      %dma_start3A_64 = tpu.memref_slice %arg6[%rem3A_62, %dma_start3A_63] : memref<80x128xi32, #tpu.memory_space<vmem>> -> memref<1x128xi32, #tpu.memory_space<vmem>>
      %dma_start3A_65 = tpu.memref_squeeze %dma_start3A_64 : memref<1x128xi32, #tpu.memory_space<vmem>> -> memref<128xi32, #tpu.memory_space<vmem>>
      %dma_start3A_66 = arith.constant 0 : i32
      %dma_start3A_67 = arith.constant 0 : i32
      %dma_start3A_68 = tpu.memref_slice %arg2[%dma_start3A_66, %dma_start3A_67] : memref<40000x128xbf16, #tpu.memory_space<hbm>> -> memref<40000x128xbf16, #tpu.memory_space<hbm>>
      tpu.enqueue_indirect_dma source(%dma_start3A_68 : memref<40000x128xbf16, #tpu.memory_space<hbm>>) target(%arg11 : memref<128x128xbf16, #tpu.memory_space<vmem>>) offsets(%dma_start3A_65 : memref<128xi32, #tpu.memory_space<vmem>>) semaphore(%arg16 : memref<!tpu.dma_semaphore, #tpu.memory_space<semaphore_mem>>)
      %dma_wait3A = arith.constant 0 : i32
      %dma_wait3A_69 = arith.constant 0 : i32
      %dma_wait3A_70 = tpu.memref_slice %arg6[%dma_wait3A, %dma_wait3A_69] : memref<80x128xi32, #tpu.memory_space<vmem>> -> memref<1x128xi32, #tpu.memory_space<vmem>>
      %dma_wait3A_71 = tpu.memref_squeeze %dma_wait3A_70 : memref<1x128xi32, #tpu.memory_space<vmem>> -> memref<128xi32, #tpu.memory_space<vmem>>
      %dma_wait3A_72 = arith.constant 0 : i32
      %dma_wait3A_73 = arith.constant 0 : i32
      %dma_wait3A_74 = tpu.memref_slice %arg2[%dma_wait3A_72, %dma_wait3A_73] : memref<40000x128xbf16, #tpu.memory_space<hbm>> -> memref<40000x128xbf16, #tpu.memory_space<hbm>>
      tpu.wait_indirect_dma semaphore(%arg15 : memref<!tpu.dma_semaphore, #tpu.memory_space<semaphore_mem>>) src(%dma_wait3A_74 : memref<40000x128xbf16, #tpu.memory_space<hbm>>) dst(%arg8 : memref<128x128xbf16, #tpu.memory_space<vmem>>)
      %dma_start3A_75 = arith.constant 0 : i32
      %dma_start3A_76 = arith.constant 0 : i32
      %dma_start3A_77 = tpu.memref_slice %arg7[%dma_start3A_75, %dma_start3A_76] : memref<80x128xi32, #tpu.memory_space<vmem>> -> memref<1x128xi32, #tpu.memory_space<vmem>>
      %dma_start3A_78 = tpu.memref_squeeze %dma_start3A_77 : memref<1x128xi32, #tpu.memory_space<vmem>> -> memref<128xi32, #tpu.memory_space<vmem>>
      %dma_start3A_79 = arith.constant 0 : i32
      %dma_start3A_80 = arith.constant 0 : i32
      %dma_start3A_81 = tpu.memref_slice %arg14[%dma_start3A_79, %dma_start3A_80] : memref<10240x128xbf16, #tpu.memory_space<vmem_shared>> -> memref<10240x128xbf16, #tpu.memory_space<vmem_shared>>
      tpu.enqueue_indirect_dma source(%arg8 : memref<128x128xbf16, #tpu.memory_space<vmem>>) target(%dma_start3A_81 : memref<10240x128xbf16, #tpu.memory_space<vmem_shared>>) offsets(%dma_start3A_78 : memref<128xi32, #tpu.memory_space<vmem>>) semaphore(%arg18 : memref<!tpu.dma_semaphore, #tpu.memory_space<semaphore_mem>>) {add = true}
      %dma_wait3A_82 = arith.constant 1 : i32
      %dma_wait3A_83 = arith.constant 0 : i32
      %dma_wait3A_84 = tpu.memref_slice %arg6[%dma_wait3A_82, %dma_wait3A_83] : memref<80x128xi32, #tpu.memory_space<vmem>> -> memref<1x128xi32, #tpu.memory_space<vmem>>
      %dma_wait3A_85 = tpu.memref_squeeze %dma_wait3A_84 : memref<1x128xi32, #tpu.memory_space<vmem>> -> memref<128xi32, #tpu.memory_space<vmem>>
      %dma_wait3A_86 = arith.constant 0 : i32
      %dma_wait3A_87 = arith.constant 0 : i32
      %dma_wait3A_88 = tpu.memref_slice %arg2[%dma_wait3A_86, %dma_wait3A_87] : memref<40000x128xbf16, #tpu.memory_space<hbm>> -> memref<40000x128xbf16, #tpu.memory_space<hbm>>
      tpu.wait_indirect_dma semaphore(%arg15 : memref<!tpu.dma_semaphore, #tpu.memory_space<semaphore_mem>>) src(%dma_wait3A_88 : memref<40000x128xbf16, #tpu.memory_space<hbm>>) dst(%arg9 : memref<128x128xbf16, #tpu.memory_space<vmem>>)
      %dma_start3A_89 = arith.constant 1 : i32
      %dma_start3A_90 = arith.constant 0 : i32
      %dma_start3A_91 = tpu.memref_slice %arg7[%dma_start3A_89, %dma_start3A_90] : memref<80x128xi32, #tpu.memory_space<vmem>> -> memref<1x128xi32, #tpu.memory_space<vmem>>
      %dma_start3A_92 = tpu.memref_squeeze %dma_start3A_91 : memref<1x128xi32, #tpu.memory_space<vmem>> -> memref<128xi32, #tpu.memory_space<vmem>>
      %dma_start3A_93 = arith.constant 0 : i32
      %dma_start3A_94 = arith.constant 0 : i32
      %dma_start3A_95 = tpu.memref_slice %arg14[%dma_start3A_93, %dma_start3A_94] : memref<10240x128xbf16, #tpu.memory_space<vmem_shared>> -> memref<10240x128xbf16, #tpu.memory_space<vmem_shared>>
      tpu.enqueue_indirect_dma source(%arg9 : memref<128x128xbf16, #tpu.memory_space<vmem>>) target(%dma_start3A_95 : memref<10240x128xbf16, #tpu.memory_space<vmem_shared>>) offsets(%dma_start3A_92 : memref<128xi32, #tpu.memory_space<vmem>>) semaphore(%arg18 : memref<!tpu.dma_semaphore, #tpu.memory_space<semaphore_mem>>) {add = true}
      %rem3A_96 = arith.constant 4 : i32
      %rem3A_97 = arith.constant 80 : i32
      %rem3A_98 = arith.remsi %rem3A_96, %rem3A_97 : i32
      %dma_start3A_99 = arith.constant 0 : i32
      %dma_start3A_100 = tpu.memref_slice %arg6[%rem3A_98, %dma_start3A_99] : memref<80x128xi32, #tpu.memory_space<vmem>> -> memref<1x128xi32, #tpu.memory_space<vmem>>
      %dma_start3A_101 = tpu.memref_squeeze %dma_start3A_100 : memref<1x128xi32, #tpu.memory_space<vmem>> -> memref<128xi32, #tpu.memory_space<vmem>>
      %dma_start3A_102 = arith.constant 0 : i32
      %dma_start3A_103 = arith.constant 0 : i32
      %dma_start3A_104 = tpu.memref_slice %arg2[%dma_start3A_102, %dma_start3A_103] : memref<40000x128xbf16, #tpu.memory_space<hbm>> -> memref<40000x128xbf16, #tpu.memory_space<hbm>>
      tpu.enqueue_indirect_dma source(%dma_start3A_104 : memref<40000x128xbf16, #tpu.memory_space<hbm>>) target(%arg12 : memref<128x128xbf16, #tpu.memory_space<vmem>>) offsets(%dma_start3A_101 : memref<128xi32, #tpu.memory_space<vmem>>) semaphore(%arg17 : memref<!tpu.dma_semaphore, #tpu.memory_space<semaphore_mem>>)
      %rem3A_105 = arith.constant 5 : i32
      %rem3A_106 = arith.constant 80 : i32
      %rem3A_107 = arith.remsi %rem3A_105, %rem3A_106 : i32
      %dma_start3A_108 = arith.constant 0 : i32
      %dma_start3A_109 = tpu.memref_slice %arg6[%rem3A_107, %dma_start3A_108] : memref<80x128xi32, #tpu.memory_space<vmem>> -> memref<1x128xi32, #tpu.memory_space<vmem>>
      %dma_start3A_110 = tpu.memref_squeeze %dma_start3A_109 : memref<1x128xi32, #tpu.memory_space<vmem>> -> memref<128xi32, #tpu.memory_space<vmem>>
      %dma_start3A_111 = arith.constant 0 : i32
      %dma_start3A_112 = arith.constant 0 : i32
      %dma_start3A_113 = tpu.memref_slice %arg2[%dma_start3A_111, %dma_start3A_112] : memref<40000x128xbf16, #tpu.memory_space<hbm>> -> memref<40000x128xbf16, #tpu.memory_space<hbm>>
      tpu.enqueue_indirect_dma source(%dma_start3A_113 : memref<40000x128xbf16, #tpu.memory_space<hbm>>) target(%arg13 : memref<128x128xbf16, #tpu.memory_space<vmem>>) offsets(%dma_start3A_110 : memref<128xi32, #tpu.memory_space<vmem>>) semaphore(%arg17 : memref<!tpu.dma_semaphore, #tpu.memory_space<semaphore_mem>>)
      %dma_wait3A_114 = arith.constant 2 : i32
      %dma_wait3A_115 = arith.constant 0 : i32
      %dma_wait3A_116 = tpu.memref_slice %arg6[%dma_wait3A_114, %dma_wait3A_115] : memref<80x128xi32, #tpu.memory_space<vmem>> -> memref<1x128xi32, #tpu.memory_space<vmem>>
      %dma_wait3A_117 = tpu.memref_squeeze %dma_wait3A_116 : memref<1x128xi32, #tpu.memory_space<vmem>> -> memref<128xi32, #tpu.memory_space<vmem>>
      %dma_wait3A_118 = arith.constant 0 : i32
      %dma_wait3A_119 = arith.constant 0 : i32
      %dma_wait3A_120 = tpu.memref_slice %arg2[%dma_wait3A_118, %dma_wait3A_119] : memref<40000x128xbf16, #tpu.memory_space<hbm>> -> memref<40000x128xbf16, #tpu.memory_space<hbm>>
      tpu.wait_indirect_dma semaphore(%arg16 : memref<!tpu.dma_semaphore, #tpu.memory_space<semaphore_mem>>) src(%dma_wait3A_120 : memref<40000x128xbf16, #tpu.memory_space<hbm>>) dst(%arg10 : memref<128x128xbf16, #tpu.memory_space<vmem>>)
      %dma_start3A_121 = arith.constant 2 : i32
      %dma_start3A_122 = arith.constant 0 : i32
      %dma_start3A_123 = tpu.memref_slice %arg7[%dma_start3A_121, %dma_start3A_122] : memref<80x128xi32, #tpu.memory_space<vmem>> -> memref<1x128xi32, #tpu.memory_space<vmem>>
      %dma_start3A_124 = tpu.memref_squeeze %dma_start3A_123 : memref<1x128xi32, #tpu.memory_space<vmem>> -> memref<128xi32, #tpu.memory_space<vmem>>
      %dma_start3A_125 = arith.constant 0 : i32
      %dma_start3A_126 = arith.constant 0 : i32
      %dma_start3A_127 = tpu.memref_slice %arg14[%dma_start3A_125, %dma_start3A_126] : memref<10240x128xbf16, #tpu.memory_space<vmem_shared>> -> memref<10240x128xbf16, #tpu.memory_space<vmem_shared>>
      tpu.enqueue_indirect_dma source(%arg10 : memref<128x128xbf16, #tpu.memory_space<vmem>>) target(%dma_start3A_127 : memref<10240x128xbf16, #tpu.memory_space<vmem_shared>>) offsets(%dma_start3A_124 : memref<128xi32, #tpu.memory_space<vmem>>) semaphore(%arg19 : memref<!tpu.dma_semaphore, #tpu.memory_space<semaphore_mem>>) {add = true}
      %dma_wait3A_128 = arith.constant 3 : i32
      %dma_wait3A_129 = arith.constant 0 : i32
      %dma_wait3A_130 = tpu.memref_slice %arg6[%dma_wait3A_128, %dma_wait3A_129] : memref<80x128xi32, #tpu.memory_space<vmem>> -> memref<1x128xi32, #tpu.memory_space<vmem>>
      %dma_wait3A_131 = tpu.memref_squeeze %dma_wait3A_130 : memref<1x128xi32, #tpu.memory_space<vmem>> -> memref<128xi32, #tpu.memory_space<vmem>>
      %dma_wait3A_132 = arith.constant 0 : i32
      %dma_wait3A_133 = arith.constant 0 : i32
      %dma_wait3A_134 = tpu.memref_slice %arg2[%dma_wait3A_132, %dma_wait3A_133] : memref<40000x128xbf16, #tpu.memory_space<hbm>> -> memref<40000x128xbf16, #tpu.memory_space<hbm>>
      tpu.wait_indirect_dma semaphore(%arg16 : memref<!tpu.dma_semaphore, #tpu.memory_space<semaphore_mem>>) src(%dma_wait3A_134 : memref<40000x128xbf16, #tpu.memory_space<hbm>>) dst(%arg11 : memref<128x128xbf16, #tpu.memory_space<vmem>>)
      %dma_start3A_135 = arith.constant 3 : i32
      %dma_start3A_136 = arith.constant 0 : i32
      %dma_start3A_137 = tpu.memref_slice %arg7[%dma_start3A_135, %dma_start3A_136] : memref<80x128xi32, #tpu.memory_space<vmem>> -> memref<1x128xi32, #tpu.memory_space<vmem>>
      %dma_start3A_138 = tpu.memref_squeeze %dma_start3A_137 : memref<1x128xi32, #tpu.memory_space<vmem>> -> memref<128xi32, #tpu.memory_space<vmem>>
      %dma_start3A_139 = arith.constant 0 : i32
      %dma_start3A_140 = arith.constant 0 : i32
      %dma_start3A_141 = tpu.memref_slice %arg14[%dma_start3A_139, %dma_start3A_140] : memref<10240x128xbf16, #tpu.memory_space<vmem_shared>> -> memref<10240x128xbf16, #tpu.memory_space<vmem_shared>>
      tpu.enqueue_indirect_dma source(%arg11 : memref<128x128xbf16, #tpu.memory_space<vmem>>) target(%dma_start3A_141 : memref<10240x128xbf16, #tpu.memory_space<vmem_shared>>) offsets(%dma_start3A_138 : memref<128xi32, #tpu.memory_space<vmem>>) semaphore(%arg19 : memref<!tpu.dma_semaphore, #tpu.memory_space<semaphore_mem>>) {add = true}
      %scan3A_142 = arith.constant 0 : i32
      %scan3A_143 = arith.constant 0 : i32
      %scan3A_144 = arith.constant 12 : i32
      %scan3A_145 = arith.addi %scan3A_143, %scan3A_144 : i32
      %scan3A_146 = arith.constant 1 : i32
      scf.for %scan3A_324 = %scan3A_143 to %scan3A_145 step %scan3A_146  : i32 {
        %mul3A_325 = arith.constant 3 : i32
        %mul3A_326 = arith.muli %mul3A_325, %scan3A_324 : i32
        %add3A_327 = arith.constant 2 : i32
        %add3A_328 = arith.addi %mul3A_326, %add3A_327 : i32
        %sub3A = arith.constant 2 : i32
        %sub3A_329 = arith.subi %add3A_328, %sub3A : i32
        %mul3A_330 = arith.constant 2 : i32
        %mul3A_331 = arith.muli %mul3A_330, %sub3A_329 : i32
        %add3A_332 = arith.constant 0 : i32
        %add3A_333 = arith.addi %mul3A_331, %add3A_332 : i32
        %rem3A_334 = arith.constant 80 : i32
        %rem3A_335 = arith.remsi %add3A_333, %rem3A_334 : i32
        %dma_wait3A_336 = arith.constant 0 : i32
        %dma_wait3A_337 = tpu.memref_slice %arg7[%rem3A_335, %dma_wait3A_336] : memref<80x128xi32, #tpu.memory_space<vmem>> -> memref<1x128xi32, #tpu.memory_space<vmem>>
        %dma_wait3A_338 = tpu.memref_squeeze %dma_wait3A_337 : memref<1x128xi32, #tpu.memory_space<vmem>> -> memref<128xi32, #tpu.memory_space<vmem>>
        %dma_wait3A_339 = arith.constant 0 : i32
        %dma_wait3A_340 = arith.constant 0 : i32
        %dma_wait3A_341 = tpu.memref_slice %arg14[%dma_wait3A_339, %dma_wait3A_340] : memref<10240x128xbf16, #tpu.memory_space<vmem_shared>> -> memref<10240x128xbf16, #tpu.memory_space<vmem_shared>>
        tpu.wait_indirect_dma semaphore(%arg18 : memref<!tpu.dma_semaphore, #tpu.memory_space<semaphore_mem>>) src(%arg8 : memref<128x128xbf16, #tpu.memory_space<vmem>>) dst(%dma_wait3A_341 : memref<10240x128xbf16, #tpu.memory_space<vmem_shared>>)
        %sub3A_342 = arith.constant 2 : i32
        %sub3A_343 = arith.subi %add3A_328, %sub3A_342 : i32
        %mul3A_344 = arith.constant 2 : i32
        %mul3A_345 = arith.muli %mul3A_344, %sub3A_343 : i32
        %add3A_346 = arith.constant 1 : i32
        %add3A_347 = arith.addi %mul3A_345, %add3A_346 : i32
        %rem3A_348 = arith.constant 80 : i32
        %rem3A_349 = arith.remsi %add3A_347, %rem3A_348 : i32
        %dma_wait3A_350 = arith.constant 0 : i32
        %dma_wait3A_351 = tpu.memref_slice %arg7[%rem3A_349, %dma_wait3A_350] : memref<80x128xi32, #tpu.memory_space<vmem>> -> memref<1x128xi32, #tpu.memory_space<vmem>>
        %dma_wait3A_352 = tpu.memref_squeeze %dma_wait3A_351 : memref<1x128xi32, #tpu.memory_space<vmem>> -> memref<128xi32, #tpu.memory_space<vmem>>
        %dma_wait3A_353 = arith.constant 0 : i32
        %dma_wait3A_354 = arith.constant 0 : i32
        %dma_wait3A_355 = tpu.memref_slice %arg14[%dma_wait3A_353, %dma_wait3A_354] : memref<10240x128xbf16, #tpu.memory_space<vmem_shared>> -> memref<10240x128xbf16, #tpu.memory_space<vmem_shared>>
        tpu.wait_indirect_dma semaphore(%arg18 : memref<!tpu.dma_semaphore, #tpu.memory_space<semaphore_mem>>) src(%arg9 : memref<128x128xbf16, #tpu.memory_space<vmem>>) dst(%dma_wait3A_355 : memref<10240x128xbf16, #tpu.memory_space<vmem_shared>>)
        %add3A_356 = arith.constant 1 : i32
        %add3A_357 = arith.addi %add3A_328, %add3A_356 : i32
        %mul3A_358 = arith.constant 2 : i32
        %mul3A_359 = arith.muli %mul3A_358, %add3A_357 : i32
        %add3A_360 = arith.constant 0 : i32
        %add3A_361 = arith.addi %mul3A_359, %add3A_360 : i32
        %rem3A_362 = arith.constant 80 : i32
        %rem3A_363 = arith.remsi %add3A_361, %rem3A_362 : i32
        %dma_start3A_364 = arith.constant 0 : i32
        %dma_start3A_365 = tpu.memref_slice %arg6[%rem3A_363, %dma_start3A_364] : memref<80x128xi32, #tpu.memory_space<vmem>> -> memref<1x128xi32, #tpu.memory_space<vmem>>
        %dma_start3A_366 = tpu.memref_squeeze %dma_start3A_365 : memref<1x128xi32, #tpu.memory_space<vmem>> -> memref<128xi32, #tpu.memory_space<vmem>>
        %dma_start3A_367 = arith.constant 0 : i32
        %dma_start3A_368 = arith.constant 0 : i32
        %dma_start3A_369 = tpu.memref_slice %arg2[%dma_start3A_367, %dma_start3A_368] : memref<40000x128xbf16, #tpu.memory_space<hbm>> -> memref<40000x128xbf16, #tpu.memory_space<hbm>>
        tpu.enqueue_indirect_dma source(%dma_start3A_369 : memref<40000x128xbf16, #tpu.memory_space<hbm>>) target(%arg8 : memref<128x128xbf16, #tpu.memory_space<vmem>>) offsets(%dma_start3A_366 : memref<128xi32, #tpu.memory_space<vmem>>) semaphore(%arg15 : memref<!tpu.dma_semaphore, #tpu.memory_space<semaphore_mem>>)
        %add3A_370 = arith.constant 1 : i32
        %add3A_371 = arith.addi %add3A_328, %add3A_370 : i32
        %mul3A_372 = arith.constant 2 : i32
        %mul3A_373 = arith.muli %mul3A_372, %add3A_371 : i32
        %add3A_374 = arith.constant 1 : i32
        %add3A_375 = arith.addi %mul3A_373, %add3A_374 : i32
        %rem3A_376 = arith.constant 80 : i32
        %rem3A_377 = arith.remsi %add3A_375, %rem3A_376 : i32
        %dma_start3A_378 = arith.constant 0 : i32
        %dma_start3A_379 = tpu.memref_slice %arg6[%rem3A_377, %dma_start3A_378] : memref<80x128xi32, #tpu.memory_space<vmem>> -> memref<1x128xi32, #tpu.memory_space<vmem>>
        %dma_start3A_380 = tpu.memref_squeeze %dma_start3A_379 : memref<1x128xi32, #tpu.memory_space<vmem>> -> memref<128xi32, #tpu.memory_space<vmem>>
        %dma_start3A_381 = arith.constant 0 : i32
        %dma_start3A_382 = arith.constant 0 : i32
        %dma_start3A_383 = tpu.memref_slice %arg2[%dma_start3A_381, %dma_start3A_382] : memref<40000x128xbf16, #tpu.memory_space<hbm>> -> memref<40000x128xbf16, #tpu.memory_space<hbm>>
        tpu.enqueue_indirect_dma source(%dma_start3A_383 : memref<40000x128xbf16, #tpu.memory_space<hbm>>) target(%arg9 : memref<128x128xbf16, #tpu.memory_space<vmem>>) offsets(%dma_start3A_380 : memref<128xi32, #tpu.memory_space<vmem>>) semaphore(%arg15 : memref<!tpu.dma_semaphore, #tpu.memory_space<semaphore_mem>>)
        %mul3A_384 = arith.constant 2 : i32
        %mul3A_385 = arith.muli %mul3A_384, %add3A_328 : i32
        %add3A_386 = arith.constant 0 : i32
        %add3A_387 = arith.addi %mul3A_385, %add3A_386 : i32
        %dma_wait3A_388 = arith.constant 0 : i32
        %dma_wait3A_389 = tpu.memref_slice %arg6[%add3A_387, %dma_wait3A_388] : memref<80x128xi32, #tpu.memory_space<vmem>> -> memref<1x128xi32, #tpu.memory_space<vmem>>
        %dma_wait3A_390 = tpu.memref_squeeze %dma_wait3A_389 : memref<1x128xi32, #tpu.memory_space<vmem>> -> memref<128xi32, #tpu.memory_space<vmem>>
        %dma_wait3A_391 = arith.constant 0 : i32
        %dma_wait3A_392 = arith.constant 0 : i32
        %dma_wait3A_393 = tpu.memref_slice %arg2[%dma_wait3A_391, %dma_wait3A_392] : memref<40000x128xbf16, #tpu.memory_space<hbm>> -> memref<40000x128xbf16, #tpu.memory_space<hbm>>
        tpu.wait_indirect_dma semaphore(%arg17 : memref<!tpu.dma_semaphore, #tpu.memory_space<semaphore_mem>>) src(%dma_wait3A_393 : memref<40000x128xbf16, #tpu.memory_space<hbm>>) dst(%arg12 : memref<128x128xbf16, #tpu.memory_space<vmem>>)
        %dma_start3A_394 = arith.constant 0 : i32
        %dma_start3A_395 = tpu.memref_slice %arg7[%add3A_387, %dma_start3A_394] : memref<80x128xi32, #tpu.memory_space<vmem>> -> memref<1x128xi32, #tpu.memory_space<vmem>>
        %dma_start3A_396 = tpu.memref_squeeze %dma_start3A_395 : memref<1x128xi32, #tpu.memory_space<vmem>> -> memref<128xi32, #tpu.memory_space<vmem>>
        %dma_start3A_397 = arith.constant 0 : i32
        %dma_start3A_398 = arith.constant 0 : i32
        %dma_start3A_399 = tpu.memref_slice %arg14[%dma_start3A_397, %dma_start3A_398] : memref<10240x128xbf16, #tpu.memory_space<vmem_shared>> -> memref<10240x128xbf16, #tpu.memory_space<vmem_shared>>
        tpu.enqueue_indirect_dma source(%arg12 : memref<128x128xbf16, #tpu.memory_space<vmem>>) target(%dma_start3A_399 : memref<10240x128xbf16, #tpu.memory_space<vmem_shared>>) offsets(%dma_start3A_396 : memref<128xi32, #tpu.memory_space<vmem>>) semaphore(%arg20 : memref<!tpu.dma_semaphore, #tpu.memory_space<semaphore_mem>>) {add = true}
        %mul3A_400 = arith.constant 2 : i32
        %mul3A_401 = arith.muli %mul3A_400, %add3A_328 : i32
        %add3A_402 = arith.constant 1 : i32
        %add3A_403 = arith.addi %mul3A_401, %add3A_402 : i32
        %dma_wait3A_404 = arith.constant 0 : i32
        %dma_wait3A_405 = tpu.memref_slice %arg6[%add3A_403, %dma_wait3A_404] : memref<80x128xi32, #tpu.memory_space<vmem>> -> memref<1x128xi32, #tpu.memory_space<vmem>>
        %dma_wait3A_406 = tpu.memref_squeeze %dma_wait3A_405 : memref<1x128xi32, #tpu.memory_space<vmem>> -> memref<128xi32, #tpu.memory_space<vmem>>
        %dma_wait3A_407 = arith.constant 0 : i32
        %dma_wait3A_408 = arith.constant 0 : i32
        %dma_wait3A_409 = tpu.memref_slice %arg2[%dma_wait3A_407, %dma_wait3A_408] : memref<40000x128xbf16, #tpu.memory_space<hbm>> -> memref<40000x128xbf16, #tpu.memory_space<hbm>>
        tpu.wait_indirect_dma semaphore(%arg17 : memref<!tpu.dma_semaphore, #tpu.memory_space<semaphore_mem>>) src(%dma_wait3A_409 : memref<40000x128xbf16, #tpu.memory_space<hbm>>) dst(%arg13 : memref<128x128xbf16, #tpu.memory_space<vmem>>)
        %dma_start3A_410 = arith.constant 0 : i32
        %dma_start3A_411 = tpu.memref_slice %arg7[%add3A_403, %dma_start3A_410] : memref<80x128xi32, #tpu.memory_space<vmem>> -> memref<1x128xi32, #tpu.memory_space<vmem>>
        %dma_start3A_412 = tpu.memref_squeeze %dma_start3A_411 : memref<1x128xi32, #tpu.memory_space<vmem>> -> memref<128xi32, #tpu.memory_space<vmem>>
        %dma_start3A_413 = arith.constant 0 : i32
        %dma_start3A_414 = arith.constant 0 : i32
        %dma_start3A_415 = tpu.memref_slice %arg14[%dma_start3A_413, %dma_start3A_414] : memref<10240x128xbf16, #tpu.memory_space<vmem_shared>> -> memref<10240x128xbf16, #tpu.memory_space<vmem_shared>>
        tpu.enqueue_indirect_dma source(%arg13 : memref<128x128xbf16, #tpu.memory_space<vmem>>) target(%dma_start3A_415 : memref<10240x128xbf16, #tpu.memory_space<vmem_shared>>) offsets(%dma_start3A_412 : memref<128xi32, #tpu.memory_space<vmem>>) semaphore(%arg20 : memref<!tpu.dma_semaphore, #tpu.memory_space<semaphore_mem>>) {add = true}
        %add3A_416 = arith.constant 3 : i32
        %add3A_417 = arith.addi %mul3A_326, %add3A_416 : i32
        %sub3A_418 = arith.constant 2 : i32
        %sub3A_419 = arith.subi %add3A_417, %sub3A_418 : i32
        %mul3A_420 = arith.constant 2 : i32
        %mul3A_421 = arith.muli %mul3A_420, %sub3A_419 : i32
        %add3A_422 = arith.constant 0 : i32
        %add3A_423 = arith.addi %mul3A_421, %add3A_422 : i32
        %rem3A_424 = arith.constant 80 : i32
        %rem3A_425 = arith.remsi %add3A_423, %rem3A_424 : i32
        %dma_wait3A_426 = arith.constant 0 : i32
        %dma_wait3A_427 = tpu.memref_slice %arg7[%rem3A_425, %dma_wait3A_426] : memref<80x128xi32, #tpu.memory_space<vmem>> -> memref<1x128xi32, #tpu.memory_space<vmem>>
        %dma_wait3A_428 = tpu.memref_squeeze %dma_wait3A_427 : memref<1x128xi32, #tpu.memory_space<vmem>> -> memref<128xi32, #tpu.memory_space<vmem>>
        %dma_wait3A_429 = arith.constant 0 : i32
        %dma_wait3A_430 = arith.constant 0 : i32
        %dma_wait3A_431 = tpu.memref_slice %arg14[%dma_wait3A_429, %dma_wait3A_430] : memref<10240x128xbf16, #tpu.memory_space<vmem_shared>> -> memref<10240x128xbf16, #tpu.memory_space<vmem_shared>>
        tpu.wait_indirect_dma semaphore(%arg19 : memref<!tpu.dma_semaphore, #tpu.memory_space<semaphore_mem>>) src(%arg10 : memref<128x128xbf16, #tpu.memory_space<vmem>>) dst(%dma_wait3A_431 : memref<10240x128xbf16, #tpu.memory_space<vmem_shared>>)
        %sub3A_432 = arith.constant 2 : i32
        %sub3A_433 = arith.subi %add3A_417, %sub3A_432 : i32
        %mul3A_434 = arith.constant 2 : i32
        %mul3A_435 = arith.muli %mul3A_434, %sub3A_433 : i32
        %add3A_436 = arith.constant 1 : i32
        %add3A_437 = arith.addi %mul3A_435, %add3A_436 : i32
        %rem3A_438 = arith.constant 80 : i32
        %rem3A_439 = arith.remsi %add3A_437, %rem3A_438 : i32
        %dma_wait3A_440 = arith.constant 0 : i32
        %dma_wait3A_441 = tpu.memref_slice %arg7[%rem3A_439, %dma_wait3A_440] : memref<80x128xi32, #tpu.memory_space<vmem>> -> memref<1x128xi32, #tpu.memory_space<vmem>>
        %dma_wait3A_442 = tpu.memref_squeeze %dma_wait3A_441 : memref<1x128xi32, #tpu.memory_space<vmem>> -> memref<128xi32, #tpu.memory_space<vmem>>
        %dma_wait3A_443 = arith.constant 0 : i32
        %dma_wait3A_444 = arith.constant 0 : i32
        %dma_wait3A_445 = tpu.memref_slice %arg14[%dma_wait3A_443, %dma_wait3A_444] : memref<10240x128xbf16, #tpu.memory_space<vmem_shared>> -> memref<10240x128xbf16, #tpu.memory_space<vmem_shared>>
        tpu.wait_indirect_dma semaphore(%arg19 : memref<!tpu.dma_semaphore, #tpu.memory_space<semaphore_mem>>) src(%arg11 : memref<128x128xbf16, #tpu.memory_space<vmem>>) dst(%dma_wait3A_445 : memref<10240x128xbf16, #tpu.memory_space<vmem_shared>>)
        %add3A_446 = arith.constant 1 : i32
        %add3A_447 = arith.addi %add3A_417, %add3A_446 : i32
        %mul3A_448 = arith.constant 2 : i32
        %mul3A_449 = arith.muli %mul3A_448, %add3A_447 : i32
        %add3A_450 = arith.constant 0 : i32
        %add3A_451 = arith.addi %mul3A_449, %add3A_450 : i32
        %rem3A_452 = arith.constant 80 : i32
        %rem3A_453 = arith.remsi %add3A_451, %rem3A_452 : i32
        %dma_start3A_454 = arith.constant 0 : i32
        %dma_start3A_455 = tpu.memref_slice %arg6[%rem3A_453, %dma_start3A_454] : memref<80x128xi32, #tpu.memory_space<vmem>> -> memref<1x128xi32, #tpu.memory_space<vmem>>
        %dma_start3A_456 = tpu.memref_squeeze %dma_start3A_455 : memref<1x128xi32, #tpu.memory_space<vmem>> -> memref<128xi32, #tpu.memory_space<vmem>>
        %dma_start3A_457 = arith.constant 0 : i32
        %dma_start3A_458 = arith.constant 0 : i32
        %dma_start3A_459 = tpu.memref_slice %arg2[%dma_start3A_457, %dma_start3A_458] : memref<40000x128xbf16, #tpu.memory_space<hbm>> -> memref<40000x128xbf16, #tpu.memory_space<hbm>>
        tpu.enqueue_indirect_dma source(%dma_start3A_459 : memref<40000x128xbf16, #tpu.memory_space<hbm>>) target(%arg10 : memref<128x128xbf16, #tpu.memory_space<vmem>>) offsets(%dma_start3A_456 : memref<128xi32, #tpu.memory_space<vmem>>) semaphore(%arg16 : memref<!tpu.dma_semaphore, #tpu.memory_space<semaphore_mem>>)
        %add3A_460 = arith.constant 1 : i32
        %add3A_461 = arith.addi %add3A_417, %add3A_460 : i32
        %mul3A_462 = arith.constant 2 : i32
        %mul3A_463 = arith.muli %mul3A_462, %add3A_461 : i32
        %add3A_464 = arith.constant 1 : i32
        %add3A_465 = arith.addi %mul3A_463, %add3A_464 : i32
        %rem3A_466 = arith.constant 80 : i32
        %rem3A_467 = arith.remsi %add3A_465, %rem3A_466 : i32
        %dma_start3A_468 = arith.constant 0 : i32
        %dma_start3A_469 = tpu.memref_slice %arg6[%rem3A_467, %dma_start3A_468] : memref<80x128xi32, #tpu.memory_space<vmem>> -> memref<1x128xi32, #tpu.memory_space<vmem>>
        %dma_start3A_470 = tpu.memref_squeeze %dma_start3A_469 : memref<1x128xi32, #tpu.memory_space<vmem>> -> memref<128xi32, #tpu.memory_space<vmem>>
        %dma_start3A_471 = arith.constant 0 : i32
        %dma_start3A_472 = arith.constant 0 : i32
        %dma_start3A_473 = tpu.memref_slice %arg2[%dma_start3A_471, %dma_start3A_472] : memref<40000x128xbf16, #tpu.memory_space<hbm>> -> memref<40000x128xbf16, #tpu.memory_space<hbm>>
        tpu.enqueue_indirect_dma source(%dma_start3A_473 : memref<40000x128xbf16, #tpu.memory_space<hbm>>) target(%arg11 : memref<128x128xbf16, #tpu.memory_space<vmem>>) offsets(%dma_start3A_470 : memref<128xi32, #tpu.memory_space<vmem>>) semaphore(%arg16 : memref<!tpu.dma_semaphore, #tpu.memory_space<semaphore_mem>>)
        %mul3A_474 = arith.constant 2 : i32
        %mul3A_475 = arith.muli %mul3A_474, %add3A_417 : i32
        %add3A_476 = arith.constant 0 : i32
        %add3A_477 = arith.addi %mul3A_475, %add3A_476 : i32
        %dma_wait3A_478 = arith.constant 0 : i32
        %dma_wait3A_479 = tpu.memref_slice %arg6[%add3A_477, %dma_wait3A_478] : memref<80x128xi32, #tpu.memory_space<vmem>> -> memref<1x128xi32, #tpu.memory_space<vmem>>
        %dma_wait3A_480 = tpu.memref_squeeze %dma_wait3A_479 : memref<1x128xi32, #tpu.memory_space<vmem>> -> memref<128xi32, #tpu.memory_space<vmem>>
        %dma_wait3A_481 = arith.constant 0 : i32
        %dma_wait3A_482 = arith.constant 0 : i32
        %dma_wait3A_483 = tpu.memref_slice %arg2[%dma_wait3A_481, %dma_wait3A_482] : memref<40000x128xbf16, #tpu.memory_space<hbm>> -> memref<40000x128xbf16, #tpu.memory_space<hbm>>
        tpu.wait_indirect_dma semaphore(%arg15 : memref<!tpu.dma_semaphore, #tpu.memory_space<semaphore_mem>>) src(%dma_wait3A_483 : memref<40000x128xbf16, #tpu.memory_space<hbm>>) dst(%arg8 : memref<128x128xbf16, #tpu.memory_space<vmem>>)
        %dma_start3A_484 = arith.constant 0 : i32
        %dma_start3A_485 = tpu.memref_slice %arg7[%add3A_477, %dma_start3A_484] : memref<80x128xi32, #tpu.memory_space<vmem>> -> memref<1x128xi32, #tpu.memory_space<vmem>>
        %dma_start3A_486 = tpu.memref_squeeze %dma_start3A_485 : memref<1x128xi32, #tpu.memory_space<vmem>> -> memref<128xi32, #tpu.memory_space<vmem>>
        %dma_start3A_487 = arith.constant 0 : i32
        %dma_start3A_488 = arith.constant 0 : i32
        %dma_start3A_489 = tpu.memref_slice %arg14[%dma_start3A_487, %dma_start3A_488] : memref<10240x128xbf16, #tpu.memory_space<vmem_shared>> -> memref<10240x128xbf16, #tpu.memory_space<vmem_shared>>
        tpu.enqueue_indirect_dma source(%arg8 : memref<128x128xbf16, #tpu.memory_space<vmem>>) target(%dma_start3A_489 : memref<10240x128xbf16, #tpu.memory_space<vmem_shared>>) offsets(%dma_start3A_486 : memref<128xi32, #tpu.memory_space<vmem>>) semaphore(%arg18 : memref<!tpu.dma_semaphore, #tpu.memory_space<semaphore_mem>>) {add = true}
        %mul3A_490 = arith.constant 2 : i32
        %mul3A_491 = arith.muli %mul3A_490, %add3A_417 : i32
        %add3A_492 = arith.constant 1 : i32
        %add3A_493 = arith.addi %mul3A_491, %add3A_492 : i32
        %dma_wait3A_494 = arith.constant 0 : i32
        %dma_wait3A_495 = tpu.memref_slice %arg6[%add3A_493, %dma_wait3A_494] : memref<80x128xi32, #tpu.memory_space<vmem>> -> memref<1x128xi32, #tpu.memory_space<vmem>>
        %dma_wait3A_496 = tpu.memref_squeeze %dma_wait3A_495 : memref<1x128xi32, #tpu.memory_space<vmem>> -> memref<128xi32, #tpu.memory_space<vmem>>
        %dma_wait3A_497 = arith.constant 0 : i32
        %dma_wait3A_498 = arith.constant 0 : i32
        %dma_wait3A_499 = tpu.memref_slice %arg2[%dma_wait3A_497, %dma_wait3A_498] : memref<40000x128xbf16, #tpu.memory_space<hbm>> -> memref<40000x128xbf16, #tpu.memory_space<hbm>>
        tpu.wait_indirect_dma semaphore(%arg15 : memref<!tpu.dma_semaphore, #tpu.memory_space<semaphore_mem>>) src(%dma_wait3A_499 : memref<40000x128xbf16, #tpu.memory_space<hbm>>) dst(%arg9 : memref<128x128xbf16, #tpu.memory_space<vmem>>)
        %dma_start3A_500 = arith.constant 0 : i32
        %dma_start3A_501 = tpu.memref_slice %arg7[%add3A_493, %dma_start3A_500] : memref<80x128xi32, #tpu.memory_space<vmem>> -> memref<1x128xi32, #tpu.memory_space<vmem>>
        %dma_start3A_502 = tpu.memref_squeeze %dma_start3A_501 : memref<1x128xi32, #tpu.memory_space<vmem>> -> memref<128xi32, #tpu.memory_space<vmem>>
        %dma_start3A_503 = arith.constant 0 : i32
        %dma_start3A_504 = arith.constant 0 : i32
        %dma_start3A_505 = tpu.memref_slice %arg14[%dma_start3A_503, %dma_start3A_504] : memref<10240x128xbf16, #tpu.memory_space<vmem_shared>> -> memref<10240x128xbf16, #tpu.memory_space<vmem_shared>>
        tpu.enqueue_indirect_dma source(%arg9 : memref<128x128xbf16, #tpu.memory_space<vmem>>) target(%dma_start3A_505 : memref<10240x128xbf16, #tpu.memory_space<vmem_shared>>) offsets(%dma_start3A_502 : memref<128xi32, #tpu.memory_space<vmem>>) semaphore(%arg18 : memref<!tpu.dma_semaphore, #tpu.memory_space<semaphore_mem>>) {add = true}
        %add3A_506 = arith.constant 4 : i32
        %add3A_507 = arith.addi %mul3A_326, %add3A_506 : i32
        %sub3A_508 = arith.constant 2 : i32
        %sub3A_509 = arith.subi %add3A_507, %sub3A_508 : i32
        %mul3A_510 = arith.constant 2 : i32
        %mul3A_511 = arith.muli %mul3A_510, %sub3A_509 : i32
        %add3A_512 = arith.constant 0 : i32
        %add3A_513 = arith.addi %mul3A_511, %add3A_512 : i32
        %rem3A_514 = arith.constant 80 : i32
        %rem3A_515 = arith.remsi %add3A_513, %rem3A_514 : i32
        %dma_wait3A_516 = arith.constant 0 : i32
        %dma_wait3A_517 = tpu.memref_slice %arg7[%rem3A_515, %dma_wait3A_516] : memref<80x128xi32, #tpu.memory_space<vmem>> -> memref<1x128xi32, #tpu.memory_space<vmem>>
        %dma_wait3A_518 = tpu.memref_squeeze %dma_wait3A_517 : memref<1x128xi32, #tpu.memory_space<vmem>> -> memref<128xi32, #tpu.memory_space<vmem>>
        %dma_wait3A_519 = arith.constant 0 : i32
        %dma_wait3A_520 = arith.constant 0 : i32
        %dma_wait3A_521 = tpu.memref_slice %arg14[%dma_wait3A_519, %dma_wait3A_520] : memref<10240x128xbf16, #tpu.memory_space<vmem_shared>> -> memref<10240x128xbf16, #tpu.memory_space<vmem_shared>>
        tpu.wait_indirect_dma semaphore(%arg20 : memref<!tpu.dma_semaphore, #tpu.memory_space<semaphore_mem>>) src(%arg12 : memref<128x128xbf16, #tpu.memory_space<vmem>>) dst(%dma_wait3A_521 : memref<10240x128xbf16, #tpu.memory_space<vmem_shared>>)
        %sub3A_522 = arith.constant 2 : i32
        %sub3A_523 = arith.subi %add3A_507, %sub3A_522 : i32
        %mul3A_524 = arith.constant 2 : i32
        %mul3A_525 = arith.muli %mul3A_524, %sub3A_523 : i32
        %add3A_526 = arith.constant 1 : i32
        %add3A_527 = arith.addi %mul3A_525, %add3A_526 : i32
        %rem3A_528 = arith.constant 80 : i32
        %rem3A_529 = arith.remsi %add3A_527, %rem3A_528 : i32
        %dma_wait3A_530 = arith.constant 0 : i32
        %dma_wait3A_531 = tpu.memref_slice %arg7[%rem3A_529, %dma_wait3A_530] : memref<80x128xi32, #tpu.memory_space<vmem>> -> memref<1x128xi32, #tpu.memory_space<vmem>>
        %dma_wait3A_532 = tpu.memref_squeeze %dma_wait3A_531 : memref<1x128xi32, #tpu.memory_space<vmem>> -> memref<128xi32, #tpu.memory_space<vmem>>
        %dma_wait3A_533 = arith.constant 0 : i32
        %dma_wait3A_534 = arith.constant 0 : i32
        %dma_wait3A_535 = tpu.memref_slice %arg14[%dma_wait3A_533, %dma_wait3A_534] : memref<10240x128xbf16, #tpu.memory_space<vmem_shared>> -> memref<10240x128xbf16, #tpu.memory_space<vmem_shared>>
        tpu.wait_indirect_dma semaphore(%arg20 : memref<!tpu.dma_semaphore, #tpu.memory_space<semaphore_mem>>) src(%arg13 : memref<128x128xbf16, #tpu.memory_space<vmem>>) dst(%dma_wait3A_535 : memref<10240x128xbf16, #tpu.memory_space<vmem_shared>>)
        %add3A_536 = arith.constant 1 : i32
        %add3A_537 = arith.addi %add3A_507, %add3A_536 : i32
        %mul3A_538 = arith.constant 2 : i32
        %mul3A_539 = arith.muli %mul3A_538, %add3A_537 : i32
        %add3A_540 = arith.constant 0 : i32
        %add3A_541 = arith.addi %mul3A_539, %add3A_540 : i32
        %rem3A_542 = arith.constant 80 : i32
        %rem3A_543 = arith.remsi %add3A_541, %rem3A_542 : i32
        %dma_start3A_544 = arith.constant 0 : i32
        %dma_start3A_545 = tpu.memref_slice %arg6[%rem3A_543, %dma_start3A_544] : memref<80x128xi32, #tpu.memory_space<vmem>> -> memref<1x128xi32, #tpu.memory_space<vmem>>
        %dma_start3A_546 = tpu.memref_squeeze %dma_start3A_545 : memref<1x128xi32, #tpu.memory_space<vmem>> -> memref<128xi32, #tpu.memory_space<vmem>>
        %dma_start3A_547 = arith.constant 0 : i32
        %dma_start3A_548 = arith.constant 0 : i32
        %dma_start3A_549 = tpu.memref_slice %arg2[%dma_start3A_547, %dma_start3A_548] : memref<40000x128xbf16, #tpu.memory_space<hbm>> -> memref<40000x128xbf16, #tpu.memory_space<hbm>>
        tpu.enqueue_indirect_dma source(%dma_start3A_549 : memref<40000x128xbf16, #tpu.memory_space<hbm>>) target(%arg12 : memref<128x128xbf16, #tpu.memory_space<vmem>>) offsets(%dma_start3A_546 : memref<128xi32, #tpu.memory_space<vmem>>) semaphore(%arg17 : memref<!tpu.dma_semaphore, #tpu.memory_space<semaphore_mem>>)
        %add3A_550 = arith.constant 1 : i32
        %add3A_551 = arith.addi %add3A_507, %add3A_550 : i32
        %mul3A_552 = arith.constant 2 : i32
        %mul3A_553 = arith.muli %mul3A_552, %add3A_551 : i32
        %add3A_554 = arith.constant 1 : i32
        %add3A_555 = arith.addi %mul3A_553, %add3A_554 : i32
        %rem3A_556 = arith.constant 80 : i32
        %rem3A_557 = arith.remsi %add3A_555, %rem3A_556 : i32
        %dma_start3A_558 = arith.constant 0 : i32
        %dma_start3A_559 = tpu.memref_slice %arg6[%rem3A_557, %dma_start3A_558] : memref<80x128xi32, #tpu.memory_space<vmem>> -> memref<1x128xi32, #tpu.memory_space<vmem>>
        %dma_start3A_560 = tpu.memref_squeeze %dma_start3A_559 : memref<1x128xi32, #tpu.memory_space<vmem>> -> memref<128xi32, #tpu.memory_space<vmem>>
        %dma_start3A_561 = arith.constant 0 : i32
        %dma_start3A_562 = arith.constant 0 : i32
        %dma_start3A_563 = tpu.memref_slice %arg2[%dma_start3A_561, %dma_start3A_562] : memref<40000x128xbf16, #tpu.memory_space<hbm>> -> memref<40000x128xbf16, #tpu.memory_space<hbm>>
        tpu.enqueue_indirect_dma source(%dma_start3A_563 : memref<40000x128xbf16, #tpu.memory_space<hbm>>) target(%arg13 : memref<128x128xbf16, #tpu.memory_space<vmem>>) offsets(%dma_start3A_560 : memref<128xi32, #tpu.memory_space<vmem>>) semaphore(%arg17 : memref<!tpu.dma_semaphore, #tpu.memory_space<semaphore_mem>>)
        %mul3A_564 = arith.constant 2 : i32
        %mul3A_565 = arith.muli %mul3A_564, %add3A_507 : i32
        %add3A_566 = arith.constant 0 : i32
        %add3A_567 = arith.addi %mul3A_565, %add3A_566 : i32
        %dma_wait3A_568 = arith.constant 0 : i32
        %dma_wait3A_569 = tpu.memref_slice %arg6[%add3A_567, %dma_wait3A_568] : memref<80x128xi32, #tpu.memory_space<vmem>> -> memref<1x128xi32, #tpu.memory_space<vmem>>
        %dma_wait3A_570 = tpu.memref_squeeze %dma_wait3A_569 : memref<1x128xi32, #tpu.memory_space<vmem>> -> memref<128xi32, #tpu.memory_space<vmem>>
        %dma_wait3A_571 = arith.constant 0 : i32
        %dma_wait3A_572 = arith.constant 0 : i32
        %dma_wait3A_573 = tpu.memref_slice %arg2[%dma_wait3A_571, %dma_wait3A_572] : memref<40000x128xbf16, #tpu.memory_space<hbm>> -> memref<40000x128xbf16, #tpu.memory_space<hbm>>
        tpu.wait_indirect_dma semaphore(%arg16 : memref<!tpu.dma_semaphore, #tpu.memory_space<semaphore_mem>>) src(%dma_wait3A_573 : memref<40000x128xbf16, #tpu.memory_space<hbm>>) dst(%arg10 : memref<128x128xbf16, #tpu.memory_space<vmem>>)
        %dma_start3A_574 = arith.constant 0 : i32
        %dma_start3A_575 = tpu.memref_slice %arg7[%add3A_567, %dma_start3A_574] : memref<80x128xi32, #tpu.memory_space<vmem>> -> memref<1x128xi32, #tpu.memory_space<vmem>>
        %dma_start3A_576 = tpu.memref_squeeze %dma_start3A_575 : memref<1x128xi32, #tpu.memory_space<vmem>> -> memref<128xi32, #tpu.memory_space<vmem>>
        %dma_start3A_577 = arith.constant 0 : i32
        %dma_start3A_578 = arith.constant 0 : i32
        %dma_start3A_579 = tpu.memref_slice %arg14[%dma_start3A_577, %dma_start3A_578] : memref<10240x128xbf16, #tpu.memory_space<vmem_shared>> -> memref<10240x128xbf16, #tpu.memory_space<vmem_shared>>
        tpu.enqueue_indirect_dma source(%arg10 : memref<128x128xbf16, #tpu.memory_space<vmem>>) target(%dma_start3A_579 : memref<10240x128xbf16, #tpu.memory_space<vmem_shared>>) offsets(%dma_start3A_576 : memref<128xi32, #tpu.memory_space<vmem>>) semaphore(%arg19 : memref<!tpu.dma_semaphore, #tpu.memory_space<semaphore_mem>>) {add = true}
        %mul3A_580 = arith.constant 2 : i32
        %mul3A_581 = arith.muli %mul3A_580, %add3A_507 : i32
        %add3A_582 = arith.constant 1 : i32
        %add3A_583 = arith.addi %mul3A_581, %add3A_582 : i32
        %dma_wait3A_584 = arith.constant 0 : i32
        %dma_wait3A_585 = tpu.memref_slice %arg6[%add3A_583, %dma_wait3A_584] : memref<80x128xi32, #tpu.memory_space<vmem>> -> memref<1x128xi32, #tpu.memory_space<vmem>>
        %dma_wait3A_586 = tpu.memref_squeeze %dma_wait3A_585 : memref<1x128xi32, #tpu.memory_space<vmem>> -> memref<128xi32, #tpu.memory_space<vmem>>
        %dma_wait3A_587 = arith.constant 0 : i32
        %dma_wait3A_588 = arith.constant 0 : i32
        %dma_wait3A_589 = tpu.memref_slice %arg2[%dma_wait3A_587, %dma_wait3A_588] : memref<40000x128xbf16, #tpu.memory_space<hbm>> -> memref<40000x128xbf16, #tpu.memory_space<hbm>>
        tpu.wait_indirect_dma semaphore(%arg16 : memref<!tpu.dma_semaphore, #tpu.memory_space<semaphore_mem>>) src(%dma_wait3A_589 : memref<40000x128xbf16, #tpu.memory_space<hbm>>) dst(%arg11 : memref<128x128xbf16, #tpu.memory_space<vmem>>)
        %dma_start3A_590 = arith.constant 0 : i32
        %dma_start3A_591 = tpu.memref_slice %arg7[%add3A_583, %dma_start3A_590] : memref<80x128xi32, #tpu.memory_space<vmem>> -> memref<1x128xi32, #tpu.memory_space<vmem>>
        %dma_start3A_592 = tpu.memref_squeeze %dma_start3A_591 : memref<1x128xi32, #tpu.memory_space<vmem>> -> memref<128xi32, #tpu.memory_space<vmem>>
        %dma_start3A_593 = arith.constant 0 : i32
        %dma_start3A_594 = arith.constant 0 : i32
        %dma_start3A_595 = tpu.memref_slice %arg14[%dma_start3A_593, %dma_start3A_594] : memref<10240x128xbf16, #tpu.memory_space<vmem_shared>> -> memref<10240x128xbf16, #tpu.memory_space<vmem_shared>>
        tpu.enqueue_indirect_dma source(%arg11 : memref<128x128xbf16, #tpu.memory_space<vmem>>) target(%dma_start3A_595 : memref<10240x128xbf16, #tpu.memory_space<vmem_shared>>) offsets(%dma_start3A_592 : memref<128xi32, #tpu.memory_space<vmem>>) semaphore(%arg19 : memref<!tpu.dma_semaphore, #tpu.memory_space<semaphore_mem>>) {add = true}
      }
      %scan3A_147 = arith.constant 12 : i32
      %rem3A_148 = arith.constant 72 : i32
      %rem3A_149 = arith.constant 80 : i32
      %rem3A_150 = arith.remsi %rem3A_148, %rem3A_149 : i32
      %dma_wait3A_151 = arith.constant 0 : i32
      %dma_wait3A_152 = tpu.memref_slice %arg7[%rem3A_150, %dma_wait3A_151] : memref<80x128xi32, #tpu.memory_space<vmem>> -> memref<1x128xi32, #tpu.memory_space<vmem>>
      %dma_wait3A_153 = tpu.memref_squeeze %dma_wait3A_152 : memref<1x128xi32, #tpu.memory_space<vmem>> -> memref<128xi32, #tpu.memory_space<vmem>>
      %dma_wait3A_154 = arith.constant 0 : i32
      %dma_wait3A_155 = arith.constant 0 : i32
      %dma_wait3A_156 = tpu.memref_slice %arg14[%dma_wait3A_154, %dma_wait3A_155] : memref<10240x128xbf16, #tpu.memory_space<vmem_shared>> -> memref<10240x128xbf16, #tpu.memory_space<vmem_shared>>
      tpu.wait_indirect_dma semaphore(%arg18 : memref<!tpu.dma_semaphore, #tpu.memory_space<semaphore_mem>>) src(%arg8 : memref<128x128xbf16, #tpu.memory_space<vmem>>) dst(%dma_wait3A_156 : memref<10240x128xbf16, #tpu.memory_space<vmem_shared>>)
      %rem3A_157 = arith.constant 73 : i32
      %rem3A_158 = arith.constant 80 : i32
      %rem3A_159 = arith.remsi %rem3A_157, %rem3A_158 : i32
      %dma_wait3A_160 = arith.constant 0 : i32
      %dma_wait3A_161 = tpu.memref_slice %arg7[%rem3A_159, %dma_wait3A_160] : memref<80x128xi32, #tpu.memory_space<vmem>> -> memref<1x128xi32, #tpu.memory_space<vmem>>
      %dma_wait3A_162 = tpu.memref_squeeze %dma_wait3A_161 : memref<1x128xi32, #tpu.memory_space<vmem>> -> memref<128xi32, #tpu.memory_space<vmem>>
      %dma_wait3A_163 = arith.constant 0 : i32
      %dma_wait3A_164 = arith.constant 0 : i32
      %dma_wait3A_165 = tpu.memref_slice %arg14[%dma_wait3A_163, %dma_wait3A_164] : memref<10240x128xbf16, #tpu.memory_space<vmem_shared>> -> memref<10240x128xbf16, #tpu.memory_space<vmem_shared>>
      tpu.wait_indirect_dma semaphore(%arg18 : memref<!tpu.dma_semaphore, #tpu.memory_space<semaphore_mem>>) src(%arg9 : memref<128x128xbf16, #tpu.memory_space<vmem>>) dst(%dma_wait3A_165 : memref<10240x128xbf16, #tpu.memory_space<vmem_shared>>)
      %rem3A_166 = arith.constant 78 : i32
      %rem3A_167 = arith.constant 80 : i32
      %rem3A_168 = arith.remsi %rem3A_166, %rem3A_167 : i32
      %dma_start3A_169 = arith.constant 0 : i32
      %dma_start3A_170 = tpu.memref_slice %arg6[%rem3A_168, %dma_start3A_169] : memref<80x128xi32, #tpu.memory_space<vmem>> -> memref<1x128xi32, #tpu.memory_space<vmem>>
      %dma_start3A_171 = tpu.memref_squeeze %dma_start3A_170 : memref<1x128xi32, #tpu.memory_space<vmem>> -> memref<128xi32, #tpu.memory_space<vmem>>
      %dma_start3A_172 = arith.constant 0 : i32
      %dma_start3A_173 = arith.constant 0 : i32
      %dma_start3A_174 = tpu.memref_slice %arg2[%dma_start3A_172, %dma_start3A_173] : memref<40000x128xbf16, #tpu.memory_space<hbm>> -> memref<40000x128xbf16, #tpu.memory_space<hbm>>
      tpu.enqueue_indirect_dma source(%dma_start3A_174 : memref<40000x128xbf16, #tpu.memory_space<hbm>>) target(%arg8 : memref<128x128xbf16, #tpu.memory_space<vmem>>) offsets(%dma_start3A_171 : memref<128xi32, #tpu.memory_space<vmem>>) semaphore(%arg15 : memref<!tpu.dma_semaphore, #tpu.memory_space<semaphore_mem>>)
      %rem3A_175 = arith.constant 79 : i32
      %rem3A_176 = arith.constant 80 : i32
      %rem3A_177 = arith.remsi %rem3A_175, %rem3A_176 : i32
      %dma_start3A_178 = arith.constant 0 : i32
      %dma_start3A_179 = tpu.memref_slice %arg6[%rem3A_177, %dma_start3A_178] : memref<80x128xi32, #tpu.memory_space<vmem>> -> memref<1x128xi32, #tpu.memory_space<vmem>>
      %dma_start3A_180 = tpu.memref_squeeze %dma_start3A_179 : memref<1x128xi32, #tpu.memory_space<vmem>> -> memref<128xi32, #tpu.memory_space<vmem>>
      %dma_start3A_181 = arith.constant 0 : i32
      %dma_start3A_182 = arith.constant 0 : i32
      %dma_start3A_183 = tpu.memref_slice %arg2[%dma_start3A_181, %dma_start3A_182] : memref<40000x128xbf16, #tpu.memory_space<hbm>> -> memref<40000x128xbf16, #tpu.memory_space<hbm>>
      tpu.enqueue_indirect_dma source(%dma_start3A_183 : memref<40000x128xbf16, #tpu.memory_space<hbm>>) target(%arg9 : memref<128x128xbf16, #tpu.memory_space<vmem>>) offsets(%dma_start3A_180 : memref<128xi32, #tpu.memory_space<vmem>>) semaphore(%arg15 : memref<!tpu.dma_semaphore, #tpu.memory_space<semaphore_mem>>)
      %dma_wait3A_184 = arith.constant 76 : i32
      %dma_wait3A_185 = arith.constant 0 : i32
      %dma_wait3A_186 = tpu.memref_slice %arg6[%dma_wait3A_184, %dma_wait3A_185] : memref<80x128xi32, #tpu.memory_space<vmem>> -> memref<1x128xi32, #tpu.memory_space<vmem>>
      %dma_wait3A_187 = tpu.memref_squeeze %dma_wait3A_186 : memref<1x128xi32, #tpu.memory_space<vmem>> -> memref<128xi32, #tpu.memory_space<vmem>>
      %dma_wait3A_188 = arith.constant 0 : i32
      %dma_wait3A_189 = arith.constant 0 : i32
      %dma_wait3A_190 = tpu.memref_slice %arg2[%dma_wait3A_188, %dma_wait3A_189] : memref<40000x128xbf16, #tpu.memory_space<hbm>> -> memref<40000x128xbf16, #tpu.memory_space<hbm>>
      tpu.wait_indirect_dma semaphore(%arg17 : memref<!tpu.dma_semaphore, #tpu.memory_space<semaphore_mem>>) src(%dma_wait3A_190 : memref<40000x128xbf16, #tpu.memory_space<hbm>>) dst(%arg12 : memref<128x128xbf16, #tpu.memory_space<vmem>>)
      %dma_start3A_191 = arith.constant 76 : i32
      %dma_start3A_192 = arith.constant 0 : i32
      %dma_start3A_193 = tpu.memref_slice %arg7[%dma_start3A_191, %dma_start3A_192] : memref<80x128xi32, #tpu.memory_space<vmem>> -> memref<1x128xi32, #tpu.memory_space<vmem>>
      %dma_start3A_194 = tpu.memref_squeeze %dma_start3A_193 : memref<1x128xi32, #tpu.memory_space<vmem>> -> memref<128xi32, #tpu.memory_space<vmem>>
      %dma_start3A_195 = arith.constant 0 : i32
      %dma_start3A_196 = arith.constant 0 : i32
      %dma_start3A_197 = tpu.memref_slice %arg14[%dma_start3A_195, %dma_start3A_196] : memref<10240x128xbf16, #tpu.memory_space<vmem_shared>> -> memref<10240x128xbf16, #tpu.memory_space<vmem_shared>>
      tpu.enqueue_indirect_dma source(%arg12 : memref<128x128xbf16, #tpu.memory_space<vmem>>) target(%dma_start3A_197 : memref<10240x128xbf16, #tpu.memory_space<vmem_shared>>) offsets(%dma_start3A_194 : memref<128xi32, #tpu.memory_space<vmem>>) semaphore(%arg20 : memref<!tpu.dma_semaphore, #tpu.memory_space<semaphore_mem>>) {add = true}
      %dma_wait3A_198 = arith.constant 77 : i32
      %dma_wait3A_199 = arith.constant 0 : i32
      %dma_wait3A_200 = tpu.memref_slice %arg6[%dma_wait3A_198, %dma_wait3A_199] : memref<80x128xi32, #tpu.memory_space<vmem>> -> memref<1x128xi32, #tpu.memory_space<vmem>>
      %dma_wait3A_201 = tpu.memref_squeeze %dma_wait3A_200 : memref<1x128xi32, #tpu.memory_space<vmem>> -> memref<128xi32, #tpu.memory_space<vmem>>
      %dma_wait3A_202 = arith.constant 0 : i32
      %dma_wait3A_203 = arith.constant 0 : i32
      %dma_wait3A_204 = tpu.memref_slice %arg2[%dma_wait3A_202, %dma_wait3A_203] : memref<40000x128xbf16, #tpu.memory_space<hbm>> -> memref<40000x128xbf16, #tpu.memory_space<hbm>>
      tpu.wait_indirect_dma semaphore(%arg17 : memref<!tpu.dma_semaphore, #tpu.memory_space<semaphore_mem>>) src(%dma_wait3A_204 : memref<40000x128xbf16, #tpu.memory_space<hbm>>) dst(%arg13 : memref<128x128xbf16, #tpu.memory_space<vmem>>)
      %dma_start3A_205 = arith.constant 77 : i32
      %dma_start3A_206 = arith.constant 0 : i32
      %dma_start3A_207 = tpu.memref_slice %arg7[%dma_start3A_205, %dma_start3A_206] : memref<80x128xi32, #tpu.memory_space<vmem>> -> memref<1x128xi32, #tpu.memory_space<vmem>>
      %dma_start3A_208 = tpu.memref_squeeze %dma_start3A_207 : memref<1x128xi32, #tpu.memory_space<vmem>> -> memref<128xi32, #tpu.memory_space<vmem>>
      %dma_start3A_209 = arith.constant 0 : i32
      %dma_start3A_210 = arith.constant 0 : i32
      %dma_start3A_211 = tpu.memref_slice %arg14[%dma_start3A_209, %dma_start3A_210] : memref<10240x128xbf16, #tpu.memory_space<vmem_shared>> -> memref<10240x128xbf16, #tpu.memory_space<vmem_shared>>
      tpu.enqueue_indirect_dma source(%arg13 : memref<128x128xbf16, #tpu.memory_space<vmem>>) target(%dma_start3A_211 : memref<10240x128xbf16, #tpu.memory_space<vmem_shared>>) offsets(%dma_start3A_208 : memref<128xi32, #tpu.memory_space<vmem>>) semaphore(%arg20 : memref<!tpu.dma_semaphore, #tpu.memory_space<semaphore_mem>>) {add = true}
      %rem3A_212 = arith.constant 74 : i32
      %rem3A_213 = arith.constant 80 : i32
      %rem3A_214 = arith.remsi %rem3A_212, %rem3A_213 : i32
      %dma_wait3A_215 = arith.constant 0 : i32
      %dma_wait3A_216 = tpu.memref_slice %arg7[%rem3A_214, %dma_wait3A_215] : memref<80x128xi32, #tpu.memory_space<vmem>> -> memref<1x128xi32, #tpu.memory_space<vmem>>
      %dma_wait3A_217 = tpu.memref_squeeze %dma_wait3A_216 : memref<1x128xi32, #tpu.memory_space<vmem>> -> memref<128xi32, #tpu.memory_space<vmem>>
      %dma_wait3A_218 = arith.constant 0 : i32
      %dma_wait3A_219 = arith.constant 0 : i32
      %dma_wait3A_220 = tpu.memref_slice %arg14[%dma_wait3A_218, %dma_wait3A_219] : memref<10240x128xbf16, #tpu.memory_space<vmem_shared>> -> memref<10240x128xbf16, #tpu.memory_space<vmem_shared>>
      tpu.wait_indirect_dma semaphore(%arg19 : memref<!tpu.dma_semaphore, #tpu.memory_space<semaphore_mem>>) src(%arg10 : memref<128x128xbf16, #tpu.memory_space<vmem>>) dst(%dma_wait3A_220 : memref<10240x128xbf16, #tpu.memory_space<vmem_shared>>)
      %rem3A_221 = arith.constant 75 : i32
      %rem3A_222 = arith.constant 80 : i32
      %rem3A_223 = arith.remsi %rem3A_221, %rem3A_222 : i32
      %dma_wait3A_224 = arith.constant 0 : i32
      %dma_wait3A_225 = tpu.memref_slice %arg7[%rem3A_223, %dma_wait3A_224] : memref<80x128xi32, #tpu.memory_space<vmem>> -> memref<1x128xi32, #tpu.memory_space<vmem>>
      %dma_wait3A_226 = tpu.memref_squeeze %dma_wait3A_225 : memref<1x128xi32, #tpu.memory_space<vmem>> -> memref<128xi32, #tpu.memory_space<vmem>>
      %dma_wait3A_227 = arith.constant 0 : i32
      %dma_wait3A_228 = arith.constant 0 : i32
      %dma_wait3A_229 = tpu.memref_slice %arg14[%dma_wait3A_227, %dma_wait3A_228] : memref<10240x128xbf16, #tpu.memory_space<vmem_shared>> -> memref<10240x128xbf16, #tpu.memory_space<vmem_shared>>
      tpu.wait_indirect_dma semaphore(%arg19 : memref<!tpu.dma_semaphore, #tpu.memory_space<semaphore_mem>>) src(%arg11 : memref<128x128xbf16, #tpu.memory_space<vmem>>) dst(%dma_wait3A_229 : memref<10240x128xbf16, #tpu.memory_space<vmem_shared>>)
      %rem3A_230 = arith.constant 80 : i32
      %rem3A_231 = arith.constant 80 : i32
      %rem3A_232 = arith.remsi %rem3A_230, %rem3A_231 : i32
      %dma_start3A_233 = arith.constant 0 : i32
      %dma_start3A_234 = tpu.memref_slice %arg6[%rem3A_232, %dma_start3A_233] : memref<80x128xi32, #tpu.memory_space<vmem>> -> memref<1x128xi32, #tpu.memory_space<vmem>>
      %dma_start3A_235 = tpu.memref_squeeze %dma_start3A_234 : memref<1x128xi32, #tpu.memory_space<vmem>> -> memref<128xi32, #tpu.memory_space<vmem>>
      %dma_start3A_236 = arith.constant 0 : i32
      %dma_start3A_237 = arith.constant 0 : i32
      %dma_start3A_238 = tpu.memref_slice %arg2[%dma_start3A_236, %dma_start3A_237] : memref<40000x128xbf16, #tpu.memory_space<hbm>> -> memref<40000x128xbf16, #tpu.memory_space<hbm>>
      tpu.enqueue_indirect_dma source(%dma_start3A_238 : memref<40000x128xbf16, #tpu.memory_space<hbm>>) target(%arg10 : memref<128x128xbf16, #tpu.memory_space<vmem>>) offsets(%dma_start3A_235 : memref<128xi32, #tpu.memory_space<vmem>>) semaphore(%arg16 : memref<!tpu.dma_semaphore, #tpu.memory_space<semaphore_mem>>)
      %rem3A_239 = arith.constant 81 : i32
      %rem3A_240 = arith.constant 80 : i32
      %rem3A_241 = arith.remsi %rem3A_239, %rem3A_240 : i32
      %dma_start3A_242 = arith.constant 0 : i32
      %dma_start3A_243 = tpu.memref_slice %arg6[%rem3A_241, %dma_start3A_242] : memref<80x128xi32, #tpu.memory_space<vmem>> -> memref<1x128xi32, #tpu.memory_space<vmem>>
      %dma_start3A_244 = tpu.memref_squeeze %dma_start3A_243 : memref<1x128xi32, #tpu.memory_space<vmem>> -> memref<128xi32, #tpu.memory_space<vmem>>
      %dma_start3A_245 = arith.constant 0 : i32
      %dma_start3A_246 = arith.constant 0 : i32
      %dma_start3A_247 = tpu.memref_slice %arg2[%dma_start3A_245, %dma_start3A_246] : memref<40000x128xbf16, #tpu.memory_space<hbm>> -> memref<40000x128xbf16, #tpu.memory_space<hbm>>
      tpu.enqueue_indirect_dma source(%dma_start3A_247 : memref<40000x128xbf16, #tpu.memory_space<hbm>>) target(%arg11 : memref<128x128xbf16, #tpu.memory_space<vmem>>) offsets(%dma_start3A_244 : memref<128xi32, #tpu.memory_space<vmem>>) semaphore(%arg16 : memref<!tpu.dma_semaphore, #tpu.memory_space<semaphore_mem>>)
      %dma_wait3A_248 = arith.constant 78 : i32
      %dma_wait3A_249 = arith.constant 0 : i32
      %dma_wait3A_250 = tpu.memref_slice %arg6[%dma_wait3A_248, %dma_wait3A_249] : memref<80x128xi32, #tpu.memory_space<vmem>> -> memref<1x128xi32, #tpu.memory_space<vmem>>
      %dma_wait3A_251 = tpu.memref_squeeze %dma_wait3A_250 : memref<1x128xi32, #tpu.memory_space<vmem>> -> memref<128xi32, #tpu.memory_space<vmem>>
      %dma_wait3A_252 = arith.constant 0 : i32
      %dma_wait3A_253 = arith.constant 0 : i32
      %dma_wait3A_254 = tpu.memref_slice %arg2[%dma_wait3A_252, %dma_wait3A_253] : memref<40000x128xbf16, #tpu.memory_space<hbm>> -> memref<40000x128xbf16, #tpu.memory_space<hbm>>
      tpu.wait_indirect_dma semaphore(%arg15 : memref<!tpu.dma_semaphore, #tpu.memory_space<semaphore_mem>>) src(%dma_wait3A_254 : memref<40000x128xbf16, #tpu.memory_space<hbm>>) dst(%arg8 : memref<128x128xbf16, #tpu.memory_space<vmem>>)
      %dma_start3A_255 = arith.constant 78 : i32
      %dma_start3A_256 = arith.constant 0 : i32
      %dma_start3A_257 = tpu.memref_slice %arg7[%dma_start3A_255, %dma_start3A_256] : memref<80x128xi32, #tpu.memory_space<vmem>> -> memref<1x128xi32, #tpu.memory_space<vmem>>
      %dma_start3A_258 = tpu.memref_squeeze %dma_start3A_257 : memref<1x128xi32, #tpu.memory_space<vmem>> -> memref<128xi32, #tpu.memory_space<vmem>>
      %dma_start3A_259 = arith.constant 0 : i32
      %dma_start3A_260 = arith.constant 0 : i32
      %dma_start3A_261 = tpu.memref_slice %arg14[%dma_start3A_259, %dma_start3A_260] : memref<10240x128xbf16, #tpu.memory_space<vmem_shared>> -> memref<10240x128xbf16, #tpu.memory_space<vmem_shared>>
      tpu.enqueue_indirect_dma source(%arg8 : memref<128x128xbf16, #tpu.memory_space<vmem>>) target(%dma_start3A_261 : memref<10240x128xbf16, #tpu.memory_space<vmem_shared>>) offsets(%dma_start3A_258 : memref<128xi32, #tpu.memory_space<vmem>>) semaphore(%arg18 : memref<!tpu.dma_semaphore, #tpu.memory_space<semaphore_mem>>) {add = true}
      %dma_wait3A_262 = arith.constant 79 : i32
      %dma_wait3A_263 = arith.constant 0 : i32
      %dma_wait3A_264 = tpu.memref_slice %arg6[%dma_wait3A_262, %dma_wait3A_263] : memref<80x128xi32, #tpu.memory_space<vmem>> -> memref<1x128xi32, #tpu.memory_space<vmem>>
      %dma_wait3A_265 = tpu.memref_squeeze %dma_wait3A_264 : memref<1x128xi32, #tpu.memory_space<vmem>> -> memref<128xi32, #tpu.memory_space<vmem>>
      %dma_wait3A_266 = arith.constant 0 : i32
      %dma_wait3A_267 = arith.constant 0 : i32
      %dma_wait3A_268 = tpu.memref_slice %arg2[%dma_wait3A_266, %dma_wait3A_267] : memref<40000x128xbf16, #tpu.memory_space<hbm>> -> memref<40000x128xbf16, #tpu.memory_space<hbm>>
      tpu.wait_indirect_dma semaphore(%arg15 : memref<!tpu.dma_semaphore, #tpu.memory_space<semaphore_mem>>) src(%dma_wait3A_268 : memref<40000x128xbf16, #tpu.memory_space<hbm>>) dst(%arg9 : memref<128x128xbf16, #tpu.memory_space<vmem>>)
      %dma_start3A_269 = arith.constant 79 : i32
      %dma_start3A_270 = arith.constant 0 : i32
      %dma_start3A_271 = tpu.memref_slice %arg7[%dma_start3A_269, %dma_start3A_270] : memref<80x128xi32, #tpu.memory_space<vmem>> -> memref<1x128xi32, #tpu.memory_space<vmem>>
      %dma_start3A_272 = tpu.memref_squeeze %dma_start3A_271 : memref<1x128xi32, #tpu.memory_space<vmem>> -> memref<128xi32, #tpu.memory_space<vmem>>
      %dma_start3A_273 = arith.constant 0 : i32
      %dma_start3A_274 = arith.constant 0 : i32
      %dma_start3A_275 = tpu.memref_slice %arg14[%dma_start3A_273, %dma_start3A_274] : memref<10240x128xbf16, #tpu.memory_space<vmem_shared>> -> memref<10240x128xbf16, #tpu.memory_space<vmem_shared>>
      tpu.enqueue_indirect_dma source(%arg9 : memref<128x128xbf16, #tpu.memory_space<vmem>>) target(%dma_start3A_275 : memref<10240x128xbf16, #tpu.memory_space<vmem_shared>>) offsets(%dma_start3A_272 : memref<128xi32, #tpu.memory_space<vmem>>) semaphore(%arg18 : memref<!tpu.dma_semaphore, #tpu.memory_space<semaphore_mem>>) {add = true}
      %dma_wait3A_276 = arith.constant 76 : i32
      %dma_wait3A_277 = arith.constant 0 : i32
      %dma_wait3A_278 = tpu.memref_slice %arg7[%dma_wait3A_276, %dma_wait3A_277] : memref<80x128xi32, #tpu.memory_space<vmem>> -> memref<1x128xi32, #tpu.memory_space<vmem>>
      %dma_wait3A_279 = tpu.memref_squeeze %dma_wait3A_278 : memref<1x128xi32, #tpu.memory_space<vmem>> -> memref<128xi32, #tpu.memory_space<vmem>>
      %dma_wait3A_280 = arith.constant 0 : i32
      %dma_wait3A_281 = arith.constant 0 : i32
      %dma_wait3A_282 = tpu.memref_slice %arg14[%dma_wait3A_280, %dma_wait3A_281] : memref<10240x128xbf16, #tpu.memory_space<vmem_shared>> -> memref<10240x128xbf16, #tpu.memory_space<vmem_shared>>
      tpu.wait_indirect_dma semaphore(%arg20 : memref<!tpu.dma_semaphore, #tpu.memory_space<semaphore_mem>>) src(%arg12 : memref<128x128xbf16, #tpu.memory_space<vmem>>) dst(%dma_wait3A_282 : memref<10240x128xbf16, #tpu.memory_space<vmem_shared>>)
      %dma_wait3A_283 = arith.constant 77 : i32
      %dma_wait3A_284 = arith.constant 0 : i32
      %dma_wait3A_285 = tpu.memref_slice %arg7[%dma_wait3A_283, %dma_wait3A_284] : memref<80x128xi32, #tpu.memory_space<vmem>> -> memref<1x128xi32, #tpu.memory_space<vmem>>
      %dma_wait3A_286 = tpu.memref_squeeze %dma_wait3A_285 : memref<1x128xi32, #tpu.memory_space<vmem>> -> memref<128xi32, #tpu.memory_space<vmem>>
      %dma_wait3A_287 = arith.constant 0 : i32
      %dma_wait3A_288 = arith.constant 0 : i32
      %dma_wait3A_289 = tpu.memref_slice %arg14[%dma_wait3A_287, %dma_wait3A_288] : memref<10240x128xbf16, #tpu.memory_space<vmem_shared>> -> memref<10240x128xbf16, #tpu.memory_space<vmem_shared>>
      tpu.wait_indirect_dma semaphore(%arg20 : memref<!tpu.dma_semaphore, #tpu.memory_space<semaphore_mem>>) src(%arg13 : memref<128x128xbf16, #tpu.memory_space<vmem>>) dst(%dma_wait3A_289 : memref<10240x128xbf16, #tpu.memory_space<vmem_shared>>)
      %dma_wait3A_290 = arith.constant 78 : i32
      %dma_wait3A_291 = arith.constant 0 : i32
      %dma_wait3A_292 = tpu.memref_slice %arg7[%dma_wait3A_290, %dma_wait3A_291] : memref<80x128xi32, #tpu.memory_space<vmem>> -> memref<1x128xi32, #tpu.memory_space<vmem>>
      %dma_wait3A_293 = tpu.memref_squeeze %dma_wait3A_292 : memref<1x128xi32, #tpu.memory_space<vmem>> -> memref<128xi32, #tpu.memory_space<vmem>>
      %dma_wait3A_294 = arith.constant 0 : i32
      %dma_wait3A_295 = arith.constant 0 : i32
      %dma_wait3A_296 = tpu.memref_slice %arg14[%dma_wait3A_294, %dma_wait3A_295] : memref<10240x128xbf16, #tpu.memory_space<vmem_shared>> -> memref<10240x128xbf16, #tpu.memory_space<vmem_shared>>
      tpu.wait_indirect_dma semaphore(%arg18 : memref<!tpu.dma_semaphore, #tpu.memory_space<semaphore_mem>>) src(%arg8 : memref<128x128xbf16, #tpu.memory_space<vmem>>) dst(%dma_wait3A_296 : memref<10240x128xbf16, #tpu.memory_space<vmem_shared>>)
      %dma_wait3A_297 = arith.constant 79 : i32
      %dma_wait3A_298 = arith.constant 0 : i32
      %dma_wait3A_299 = tpu.memref_slice %arg7[%dma_wait3A_297, %dma_wait3A_298] : memref<80x128xi32, #tpu.memory_space<vmem>> -> memref<1x128xi32, #tpu.memory_space<vmem>>
      %dma_wait3A_300 = tpu.memref_squeeze %dma_wait3A_299 : memref<1x128xi32, #tpu.memory_space<vmem>> -> memref<128xi32, #tpu.memory_space<vmem>>
      %dma_wait3A_301 = arith.constant 0 : i32
      %dma_wait3A_302 = arith.constant 0 : i32
      %dma_wait3A_303 = tpu.memref_slice %arg14[%dma_wait3A_301, %dma_wait3A_302] : memref<10240x128xbf16, #tpu.memory_space<vmem_shared>> -> memref<10240x128xbf16, #tpu.memory_space<vmem_shared>>
      tpu.wait_indirect_dma semaphore(%arg18 : memref<!tpu.dma_semaphore, #tpu.memory_space<semaphore_mem>>) src(%arg9 : memref<128x128xbf16, #tpu.memory_space<vmem>>) dst(%dma_wait3A_303 : memref<10240x128xbf16, #tpu.memory_space<vmem_shared>>)
      %dma_wait3A_304 = arith.constant 0 : i32
      %dma_wait3A_305 = arith.constant 0 : i32
      %dma_wait3A_306 = tpu.memref_slice %arg6[%dma_wait3A_304, %dma_wait3A_305] : memref<80x128xi32, #tpu.memory_space<vmem>> -> memref<1x128xi32, #tpu.memory_space<vmem>>
      %dma_wait3A_307 = tpu.memref_squeeze %dma_wait3A_306 : memref<1x128xi32, #tpu.memory_space<vmem>> -> memref<128xi32, #tpu.memory_space<vmem>>
      %dma_wait3A_308 = arith.constant 0 : i32
      %dma_wait3A_309 = arith.constant 0 : i32
      %dma_wait3A_310 = tpu.memref_slice %arg2[%dma_wait3A_308, %dma_wait3A_309] : memref<40000x128xbf16, #tpu.memory_space<hbm>> -> memref<40000x128xbf16, #tpu.memory_space<hbm>>
      tpu.wait_indirect_dma semaphore(%arg16 : memref<!tpu.dma_semaphore, #tpu.memory_space<semaphore_mem>>) src(%dma_wait3A_310 : memref<40000x128xbf16, #tpu.memory_space<hbm>>) dst(%arg10 : memref<128x128xbf16, #tpu.memory_space<vmem>>)
      %dma_wait3A_311 = arith.constant 1 : i32
      %dma_wait3A_312 = arith.constant 0 : i32
      %dma_wait3A_313 = tpu.memref_slice %arg6[%dma_wait3A_311, %dma_wait3A_312] : memref<80x128xi32, #tpu.memory_space<vmem>> -> memref<1x128xi32, #tpu.memory_space<vmem>>
      %dma_wait3A_314 = tpu.memref_squeeze %dma_wait3A_313 : memref<1x128xi32, #tpu.memory_space<vmem>> -> memref<128xi32, #tpu.memory_space<vmem>>
      %dma_wait3A_315 = arith.constant 0 : i32
      %dma_wait3A_316 = arith.constant 0 : i32
      %dma_wait3A_317 = tpu.memref_slice %arg2[%dma_wait3A_315, %dma_wait3A_316] : memref<40000x128xbf16, #tpu.memory_space<hbm>> -> memref<40000x128xbf16, #tpu.memory_space<hbm>>
      tpu.wait_indirect_dma semaphore(%arg16 : memref<!tpu.dma_semaphore, #tpu.memory_space<semaphore_mem>>) src(%dma_wait3A_317 : memref<40000x128xbf16, #tpu.memory_space<hbm>>) dst(%arg11 : memref<128x128xbf16, #tpu.memory_space<vmem>>)
      %barrier3A_318 = arith.constant 0 : index
      tpu.barrier barrier_id(%barrier3A_318)
      %mul3A_319 = arith.constant 640 : i32
      %mul3A_320 = arith.muli %arg1, %mul3A_319 : i32
      %mul3A_321 = arith.constant 640 : i32
      %mul3A_322 = arith.muli %arg1, %mul3A_321 : i32
      "tpu.region"() ({
        %run_scoped3A = tpu.sem_alloc : memref<!tpu.dma_semaphore, #tpu.memory_space<semaphore_mem>>
        %dma_start3A_324 = arith.constant 0 : i32
        %dma_start3A_325 = tpu.memref_slice %arg5[%add3A, %mul3A_322, %dma_start3A_324] : memref<4x10240x128xbf16, #tpu.memory_space<hbm>> -> memref<1x640x128xbf16, #tpu.memory_space<hbm>>
        %dma_start3A_326 = tpu.memref_squeeze %dma_start3A_325 : memref<1x640x128xbf16, #tpu.memory_space<hbm>> -> memref<640x128xbf16, #tpu.memory_space<hbm>>
        %dma_start3A_327 = arith.constant 0 : i32
        %dma_start3A_328 = tpu.memref_slice %arg14[%mul3A_320, %dma_start3A_327] : memref<10240x128xbf16, #tpu.memory_space<vmem_shared>> -> memref<640x128xbf16, #tpu.memory_space<vmem_shared>>
        tpu.enqueue_dma source(%dma_start3A_328 : memref<640x128xbf16, #tpu.memory_space<vmem_shared>>) target(%dma_start3A_326 : memref<640x128xbf16, #tpu.memory_space<hbm>>) target_semaphore(%run_scoped3A : memref<!tpu.dma_semaphore, #tpu.memory_space<semaphore_mem>>)
        %dma_wait3A_329 = arith.constant 0 : i32
        %dma_wait3A_330 = tpu.memref_slice %arg5[%add3A, %mul3A_322, %dma_wait3A_329] : memref<4x10240x128xbf16, #tpu.memory_space<hbm>> -> memref<1x640x128xbf16, #tpu.memory_space<hbm>>
        %dma_wait3A_331 = tpu.memref_squeeze %dma_wait3A_330 : memref<1x640x128xbf16, #tpu.memory_space<hbm>> -> memref<640x128xbf16, #tpu.memory_space<hbm>>
        %dma_wait3A_332 = arith.constant 0 : i32
        %dma_wait3A_333 = tpu.memref_slice %arg14[%mul3A_320, %dma_wait3A_332] : memref<10240x128xbf16, #tpu.memory_space<vmem_shared>> -> memref<640x128xbf16, #tpu.memory_space<vmem_shared>>
        tpu.wait_dma2 semaphore(%run_scoped3A : memref<!tpu.dma_semaphore, #tpu.memory_space<semaphore_mem>>) src(%dma_wait3A_333 : memref<640x128xbf16, #tpu.memory_space<vmem_shared>>) dst(%dma_wait3A_331 : memref<640x128xbf16, #tpu.memory_space<hbm>>)
        tpu.yield
      }) : () -> ()
      %barrier3A_323 = arith.constant 0 : index
      tpu.barrier barrier_id(%barrier3A_323)
    }
    %scan3A_4 = arith.constant 2 : i32
    return
  }
}

#map = affine_map<(d0, d1) -> (0, 0, 0)>
module attributes {stable_mosaic.version = 14 : i64} {
  func.func @_deg_kernel(%arg0: i32, %arg1: i32, %arg2: memref<32x40x128xi32, #tpu.memory_space<hbm>>, %arg3: memref<2x10240x16xf32, #tpu.memory_space<hbm>>, %arg4: memref<40x128xi32, #tpu.memory_space<vmem>>, %arg5: memref<128x16xf32, #tpu.memory_space<vmem>>, %arg6: memref<640x16xf32, #tpu.memory_space<vmem>>, %arg7: memref<10240x16xf32, #tpu.memory_space<vmem_shared>>) attributes {dimension_semantics = [#tpu.dimension_semantics<core_parallel>, #tpu.dimension_semantics<subcore_parallel>], iteration_bounds = array<i64: 2, 16>, scalar_prefetch = 0 : i64, scratch_operands = 4 : i64, tpu.core_type = #tpu.core_type<sc_vector_subcore>, window_params = [{transform_indices = #map}, {transform_indices = #map}]} {
    %mul3A = arith.constant 16 : i32
    %mul3A_0 = arith.muli %arg0, %mul3A : i32
    %add3A = arith.addi %mul3A_0, %arg1 : i32
    "tpu.region"() ({
      %run_scoped3A = tpu.sem_alloc : memref<!tpu.dma_semaphore, #tpu.memory_space<semaphore_mem>>
      %dma_start3A = arith.constant 0 : i32
      %dma_start3A_25 = arith.constant 0 : i32
      %dma_start3A_26 = tpu.memref_slice %arg2[%add3A, %dma_start3A, %dma_start3A_25] : memref<32x40x128xi32, #tpu.memory_space<hbm>> -> memref<1x40x128xi32, #tpu.memory_space<hbm>>
      %dma_start3A_27 = tpu.memref_squeeze %dma_start3A_26 : memref<1x40x128xi32, #tpu.memory_space<hbm>> -> memref<40x128xi32, #tpu.memory_space<hbm>>
      %dma_start3A_28 = arith.constant 0 : i32
      %dma_start3A_29 = arith.constant 0 : i32
      %dma_start3A_30 = tpu.memref_slice %arg2[%add3A, %dma_start3A_28, %dma_start3A_29] : memref<32x40x128xi32, #tpu.memory_space<hbm>> -> memref<1x40x128xi32, #tpu.memory_space<hbm>>
      %dma_start3A_31 = tpu.memref_squeeze %dma_start3A_30 : memref<1x40x128xi32, #tpu.memory_space<hbm>> -> memref<40x128xi32, #tpu.memory_space<hbm>>
      tpu.enqueue_dma source(%dma_start3A_31 : memref<40x128xi32, #tpu.memory_space<hbm>>) target(%arg4 : memref<40x128xi32, #tpu.memory_space<vmem>>) target_semaphore(%run_scoped3A : memref<!tpu.dma_semaphore, #tpu.memory_space<semaphore_mem>>)
      %dma_wait3A = arith.constant 0 : i32
      %dma_wait3A_32 = arith.constant 0 : i32
      %dma_wait3A_33 = tpu.memref_slice %arg2[%add3A, %dma_wait3A, %dma_wait3A_32] : memref<32x40x128xi32, #tpu.memory_space<hbm>> -> memref<1x40x128xi32, #tpu.memory_space<hbm>>
      %dma_wait3A_34 = tpu.memref_squeeze %dma_wait3A_33 : memref<1x40x128xi32, #tpu.memory_space<hbm>> -> memref<40x128xi32, #tpu.memory_space<hbm>>
      %dma_wait3A_35 = arith.constant 0 : i32
      %dma_wait3A_36 = arith.constant 0 : i32
      %dma_wait3A_37 = tpu.memref_slice %arg2[%add3A, %dma_wait3A_35, %dma_wait3A_36] : memref<32x40x128xi32, #tpu.memory_space<hbm>> -> memref<1x40x128xi32, #tpu.memory_space<hbm>>
      %dma_wait3A_38 = tpu.memref_squeeze %dma_wait3A_37 : memref<1x40x128xi32, #tpu.memory_space<hbm>> -> memref<40x128xi32, #tpu.memory_space<hbm>>
      tpu.wait_dma2 semaphore(%run_scoped3A : memref<!tpu.dma_semaphore, #tpu.memory_space<semaphore_mem>>) src(%dma_wait3A_38 : memref<40x128xi32, #tpu.memory_space<hbm>>) dst(%arg4 : memref<40x128xi32, #tpu.memory_space<vmem>>)
      tpu.yield
    }) : () -> ()
    %scan3A = arith.constant 0 : i32
    %scan3A_1 = arith.constant 0 : i32
    %scan3A_2 = arith.constant 128 : i32
    %scan3A_3 = arith.addi %scan3A_1, %scan3A_2 : i32
    %scan3A_4 = arith.constant 1 : i32
    scf.for %scan3A_25 = %scan3A_1 to %scan3A_3 step %scan3A_4  : i32 {
      %broadcast_in_dim3A = arith.constant 1.000000e+00 : f32
      %broadcast_in_dim3A_26 = vector.broadcast %broadcast_in_dim3A : f32 to vector<16xf32>
      %swap3A = arith.index_cast %scan3A_25 : i32 to index
      %swap3A_27 = arith.constant 0 : index
      %swap3A_28 = tpu.vector_load %arg5[%swap3A, %swap3A_27] {strides = array<i32>} : memref<128x16xf32, #tpu.memory_space<vmem>>, vector<1x16xf32>,
      %swap3A_29 = vector.shape_cast %swap3A_28 : vector<1x16xf32> to vector<16xf32>
      %swap3A_30 = vector.shape_cast %broadcast_in_dim3A_26 : vector<16xf32> to vector<1x16xf32>
      tpu.vector_store %arg5[%swap3A, %swap3A_27], %swap3A_30 {strides = array<i32>} : memref<128x16xf32, #tpu.memory_space<vmem>>, vector<1x16xf32>,
    }
    %scan3A_5 = arith.constant 128 : i32
    %scan3A_6 = arith.constant 0 : i32
    %scan3A_7 = arith.constant 0 : i32
    %scan3A_8 = arith.constant 640 : i32
    %scan3A_9 = arith.addi %scan3A_7, %scan3A_8 : i32
    %scan3A_10 = arith.constant 1 : i32
    scf.for %scan3A_25 = %scan3A_7 to %scan3A_9 step %scan3A_10  : i32 {
      %broadcast_in_dim3A = arith.constant 0.000000e+00 : f32
      %broadcast_in_dim3A_26 = vector.broadcast %broadcast_in_dim3A : f32 to vector<16xf32>
      %swap3A = arith.index_cast %scan3A_25 : i32 to index
      %swap3A_27 = arith.constant 0 : index
      %swap3A_28 = tpu.vector_load %arg6[%swap3A, %swap3A_27] {strides = array<i32>} : memref<640x16xf32, #tpu.memory_space<vmem>>, vector<1x16xf32>,
      %swap3A_29 = vector.shape_cast %swap3A_28 : vector<1x16xf32> to vector<16xf32>
      %swap3A_30 = vector.shape_cast %broadcast_in_dim3A_26 : vector<16xf32> to vector<1x16xf32>
      tpu.vector_store %arg6[%swap3A, %swap3A_27], %swap3A_30 {strides = array<i32>} : memref<640x16xf32, #tpu.memory_space<vmem>>, vector<1x16xf32>,
    }
    %scan3A_11 = arith.constant 640 : i32
    %mul3A_12 = arith.constant 640 : i32
    %mul3A_13 = arith.muli %arg1, %mul3A_12 : i32
    "tpu.region"() ({
      %run_scoped3A = tpu.sem_alloc : memref<!tpu.dma_semaphore, #tpu.memory_space<semaphore_mem>>
      %dma_start3A = arith.constant 0 : i32
      %dma_start3A_25 = tpu.memref_slice %arg7[%mul3A_13, %dma_start3A] : memref<10240x16xf32, #tpu.memory_space<vmem_shared>> -> memref<640x16xf32, #tpu.memory_space<vmem_shared>>
      %dma_start3A_26 = arith.constant 0 : i32
      %dma_start3A_27 = tpu.memref_slice %arg7[%mul3A_13, %dma_start3A_26] : memref<10240x16xf32, #tpu.memory_space<vmem_shared>> -> memref<640x16xf32, #tpu.memory_space<vmem_shared>>
      tpu.enqueue_dma source(%arg6 : memref<640x16xf32, #tpu.memory_space<vmem>>) target(%dma_start3A_27 : memref<640x16xf32, #tpu.memory_space<vmem_shared>>) target_semaphore(%run_scoped3A : memref<!tpu.dma_semaphore, #tpu.memory_space<semaphore_mem>>)
      %dma_wait3A = arith.constant 0 : i32
      %dma_wait3A_28 = tpu.memref_slice %arg7[%mul3A_13, %dma_wait3A] : memref<10240x16xf32, #tpu.memory_space<vmem_shared>> -> memref<640x16xf32, #tpu.memory_space<vmem_shared>>
      %dma_wait3A_29 = arith.constant 0 : i32
      %dma_wait3A_30 = tpu.memref_slice %arg7[%mul3A_13, %dma_wait3A_29] : memref<10240x16xf32, #tpu.memory_space<vmem_shared>> -> memref<640x16xf32, #tpu.memory_space<vmem_shared>>
      tpu.wait_dma2 semaphore(%run_scoped3A : memref<!tpu.dma_semaphore, #tpu.memory_space<semaphore_mem>>) src(%arg6 : memref<640x16xf32, #tpu.memory_space<vmem>>) dst(%dma_wait3A_30 : memref<640x16xf32, #tpu.memory_space<vmem_shared>>)
      tpu.yield
    }) : () -> ()
    %barrier3A = arith.constant 0 : index
    tpu.barrier barrier_id(%barrier3A)
    %scan3A_14 = arith.constant 0 : i32
    %scan3A_15 = arith.constant 0 : i32
    %scan3A_16 = arith.constant 40 : i32
    %scan3A_17 = arith.addi %scan3A_15, %scan3A_16 : i32
    %scan3A_18 = arith.constant 1 : i32
    scf.for %scan3A_25 = %scan3A_15 to %scan3A_17 step %scan3A_18  : i32 {
      "tpu.region"() ({
        %run_scoped3A = tpu.sem_alloc : memref<!tpu.dma_semaphore, #tpu.memory_space<semaphore_mem>>
        %dma_start3A = arith.constant 0 : i32
        %dma_start3A_26 = tpu.memref_slice %arg4[%scan3A_25, %dma_start3A] : memref<40x128xi32, #tpu.memory_space<vmem>> -> memref<1x128xi32, #tpu.memory_space<vmem>>
        %dma_start3A_27 = tpu.memref_squeeze %dma_start3A_26 : memref<1x128xi32, #tpu.memory_space<vmem>> -> memref<128xi32, #tpu.memory_space<vmem>>
        %dma_start3A_28 = arith.constant 0 : i32
        %dma_start3A_29 = arith.constant 0 : i32
        %dma_start3A_30 = tpu.memref_slice %arg7[%dma_start3A_28, %dma_start3A_29] : memref<10240x16xf32, #tpu.memory_space<vmem_shared>> -> memref<10240x16xf32, #tpu.memory_space<vmem_shared>>
        tpu.enqueue_indirect_dma source(%arg5 : memref<128x16xf32, #tpu.memory_space<vmem>>) target(%dma_start3A_30 : memref<10240x16xf32, #tpu.memory_space<vmem_shared>>) offsets(%dma_start3A_27 : memref<128xi32, #tpu.memory_space<vmem>>) semaphore(%run_scoped3A : memref<!tpu.dma_semaphore, #tpu.memory_space<semaphore_mem>>) {add = true}
        %dma_wait3A = arith.constant 0 : i32
        %dma_wait3A_31 = tpu.memref_slice %arg4[%scan3A_25, %dma_wait3A] : memref<40x128xi32, #tpu.memory_space<vmem>> -> memref<1x128xi32, #tpu.memory_space<vmem>>
        %dma_wait3A_32 = tpu.memref_squeeze %dma_wait3A_31 : memref<1x128xi32, #tpu.memory_space<vmem>> -> memref<128xi32, #tpu.memory_space<vmem>>
        %dma_wait3A_33 = arith.constant 0 : i32
        %dma_wait3A_34 = arith.constant 0 : i32
        %dma_wait3A_35 = tpu.memref_slice %arg7[%dma_wait3A_33, %dma_wait3A_34] : memref<10240x16xf32, #tpu.memory_space<vmem_shared>> -> memref<10240x16xf32, #tpu.memory_space<vmem_shared>>
        tpu.wait_indirect_dma semaphore(%run_scoped3A : memref<!tpu.dma_semaphore, #tpu.memory_space<semaphore_mem>>) src(%arg5 : memref<128x16xf32, #tpu.memory_space<vmem>>) dst(%dma_wait3A_35 : memref<10240x16xf32, #tpu.memory_space<vmem_shared>>)
        tpu.yield
      }) : () -> ()
    }
    %scan3A_19 = arith.constant 40 : i32
    %barrier3A_20 = arith.constant 0 : index
    tpu.barrier barrier_id(%barrier3A_20)
    %mul3A_21 = arith.constant 640 : i32
    %mul3A_22 = arith.muli %arg1, %mul3A_21 : i32
    %mul3A_23 = arith.constant 640 : i32
    %mul3A_24 = arith.muli %arg1, %mul3A_23 : i32
    "tpu.region"() ({
      %run_scoped3A = tpu.sem_alloc : memref<!tpu.dma_semaphore, #tpu.memory_space<semaphore_mem>>
      %dma_start3A = arith.constant 0 : i32
      %dma_start3A_25 = tpu.memref_slice %arg3[%arg0, %mul3A_24, %dma_start3A] : memref<2x10240x16xf32, #tpu.memory_space<hbm>> -> memref<1x640x16xf32, #tpu.memory_space<hbm>>
      %dma_start3A_26 = tpu.memref_squeeze %dma_start3A_25 : memref<1x640x16xf32, #tpu.memory_space<hbm>> -> memref<640x16xf32, #tpu.memory_space<hbm>>
      %dma_start3A_27 = arith.constant 0 : i32
      %dma_start3A_28 = tpu.memref_slice %arg7[%mul3A_22, %dma_start3A_27] : memref<10240x16xf32, #tpu.memory_space<vmem_shared>> -> memref<640x16xf32, #tpu.memory_space<vmem_shared>>
      tpu.enqueue_dma source(%dma_start3A_28 : memref<640x16xf32, #tpu.memory_space<vmem_shared>>) target(%dma_start3A_26 : memref<640x16xf32, #tpu.memory_space<hbm>>) target_semaphore(%run_scoped3A : memref<!tpu.dma_semaphore, #tpu.memory_space<semaphore_mem>>)
      %dma_wait3A = arith.constant 0 : i32
      %dma_wait3A_29 = tpu.memref_slice %arg3[%arg0, %mul3A_24, %dma_wait3A] : memref<2x10240x16xf32, #tpu.memory_space<hbm>> -> memref<1x640x16xf32, #tpu.memory_space<hbm>>
      %dma_wait3A_30 = tpu.memref_squeeze %dma_wait3A_29 : memref<1x640x16xf32, #tpu.memory_space<hbm>> -> memref<640x16xf32, #tpu.memory_space<hbm>>
      %dma_wait3A_31 = arith.constant 0 : i32
      %dma_wait3A_32 = tpu.memref_slice %arg7[%mul3A_22, %dma_wait3A_31] : memref<10240x16xf32, #tpu.memory_space<vmem_shared>> -> memref<640x16xf32, #tpu.memory_space<vmem_shared>>
      tpu.wait_dma2 semaphore(%run_scoped3A : memref<!tpu.dma_semaphore, #tpu.memory_space<semaphore_mem>>) src(%dma_wait3A_32 : memref<640x16xf32, #tpu.memory_space<vmem_shared>>) dst(%dma_wait3A_30 : memref<640x16xf32, #tpu.memory_space<hbm>>)
      tpu.yield
    }) : () -> ()
    return
  }
}

#map = affine_map<(d0, d1) -> (0, 0)>
#map1 = affine_map<(d0, d1) -> (0, 0, 0)>
module attributes {stable_mosaic.version = 14 : i64} {
  func.func @_scatter_kernel(%arg0: i32, %arg1: i32, %arg2: memref<40000x128xbf16, #tpu.memory_space<hbm>>, %arg3: memref<16x80x128xi32, #tpu.memory_space<hbm>>, %arg4: memref<16x80x128xi32, #tpu.memory_space<hbm>>, %arg5: memref<4x10240x128xbf16, #tpu.memory_space<hbm>>, %arg6: memref<80x128xi32, #tpu.memory_space<vmem>>, %arg7: memref<80x128xi32, #tpu.memory_space<vmem>>, %arg8: memref<128x128xbf16, #tpu.memory_space<vmem>>, %arg9: memref<128x128xbf16, #tpu.memory_space<vmem>>, %arg10: memref<128x128xbf16, #tpu.memory_space<vmem>>, %arg11: memref<128x128xbf16, #tpu.memory_space<vmem>>, %arg12: memref<128x128xbf16, #tpu.memory_space<vmem>>, %arg13: memref<128x128xbf16, #tpu.memory_space<vmem>>, %arg14: memref<10240x128xbf16, #tpu.memory_space<vmem_shared>>, %arg15: memref<!tpu.dma_semaphore, #tpu.memory_space<semaphore_mem>>, %arg16: memref<!tpu.dma_semaphore, #tpu.memory_space<semaphore_mem>>, %arg17: memref<!tpu.dma_semaphore, #tpu.memory_space<semaphore_mem>>, %arg18: memref<!tpu.dma_semaphore, #tpu.memory_space<semaphore_mem>>, %arg19: memref<!tpu.dma_semaphore, #tpu.memory_space<semaphore_mem>>, %arg20: memref<!tpu.dma_semaphore, #tpu.memory_space<semaphore_mem>>) attributes {dimension_semantics = [#tpu.dimension_semantics<core_parallel>, #tpu.dimension_semantics<subcore_parallel>], iteration_bounds = array<i64: 2, 16>, scalar_prefetch = 0 : i64, scratch_operands = 15 : i64, tpu.core_type = #tpu.core_type<sc_vector_subcore>, window_params = [{transform_indices = #map}, {transform_indices = #map1}, {transform_indices = #map1}, {transform_indices = #map1}]} {
    "tpu.region"() ({
      %run_scoped3A = tpu.sem_alloc : memref<!tpu.dma_semaphore, #tpu.memory_space<semaphore_mem>>
      %dma_start3A = arith.constant 0 : i32
      %dma_start3A_5 = arith.constant 0 : i32
      %dma_start3A_6 = tpu.memref_slice %arg4[%arg1, %dma_start3A, %dma_start3A_5] : memref<16x80x128xi32, #tpu.memory_space<hbm>> -> memref<1x80x128xi32, #tpu.memory_space<hbm>>
      %dma_start3A_7 = tpu.memref_squeeze %dma_start3A_6 : memref<1x80x128xi32, #tpu.memory_space<hbm>> -> memref<80x128xi32, #tpu.memory_space<hbm>>
      %dma_start3A_8 = arith.constant 0 : i32
      %dma_start3A_9 = arith.constant 0 : i32
      %dma_start3A_10 = tpu.memref_slice %arg4[%arg1, %dma_start3A_8, %dma_start3A_9] : memref<16x80x128xi32, #tpu.memory_space<hbm>> -> memref<1x80x128xi32, #tpu.memory_space<hbm>>
      %dma_start3A_11 = tpu.memref_squeeze %dma_start3A_10 : memref<1x80x128xi32, #tpu.memory_space<hbm>> -> memref<80x128xi32, #tpu.memory_space<hbm>>
      tpu.enqueue_dma source(%dma_start3A_11 : memref<80x128xi32, #tpu.memory_space<hbm>>) target(%arg7 : memref<80x128xi32, #tpu.memory_space<vmem>>) target_semaphore(%run_scoped3A : memref<!tpu.dma_semaphore, #tpu.memory_space<semaphore_mem>>)
      %dma_wait3A = arith.constant 0 : i32
      %dma_wait3A_12 = arith.constant 0 : i32
      %dma_wait3A_13 = tpu.memref_slice %arg4[%arg1, %dma_wait3A, %dma_wait3A_12] : memref<16x80x128xi32, #tpu.memory_space<hbm>> -> memref<1x80x128xi32, #tpu.memory_space<hbm>>
      %dma_wait3A_14 = tpu.memref_squeeze %dma_wait3A_13 : memref<1x80x128xi32, #tpu.memory_space<hbm>> -> memref<80x128xi32, #tpu.memory_space<hbm>>
      %dma_wait3A_15 = arith.constant 0 : i32
      %dma_wait3A_16 = arith.constant 0 : i32
      %dma_wait3A_17 = tpu.memref_slice %arg4[%arg1, %dma_wait3A_15, %dma_wait3A_16] : memref<16x80x128xi32, #tpu.memory_space<hbm>> -> memref<1x80x128xi32, #tpu.memory_space<hbm>>
      %dma_wait3A_18 = tpu.memref_squeeze %dma_wait3A_17 : memref<1x80x128xi32, #tpu.memory_space<hbm>> -> memref<80x128xi32, #tpu.memory_space<hbm>>
      tpu.wait_dma2 semaphore(%run_scoped3A : memref<!tpu.dma_semaphore, #tpu.memory_space<semaphore_mem>>) src(%dma_wait3A_18 : memref<80x128xi32, #tpu.memory_space<hbm>>) dst(%arg7 : memref<80x128xi32, #tpu.memory_space<vmem>>)
      tpu.yield
    }) : () -> ()
    %scan3A = arith.constant 0 : i32
    %scan3A_0 = arith.constant 0 : i32
    %scan3A_1 = arith.constant 2 : i32
    %scan3A_2 = arith.addi %scan3A_0, %scan3A_1 : i32
    %scan3A_3 = arith.constant 1 : i32
    scf.for %scan3A_5 = %scan3A_0 to %scan3A_2 step %scan3A_3  : i32 {
      %mul3A = arith.constant 2 : i32
      %mul3A_6 = arith.muli %arg0, %mul3A : i32
      %add3A = arith.addi %mul3A_6, %scan3A_5 : i32
      "tpu.region"() ({
        %run_scoped3A = tpu.sem_alloc : memref<!tpu.dma_semaphore, #tpu.memory_space<semaphore_mem>>
        %dma_start3A_324 = arith.constant 0 : i32
        %dma_start3A_325 = arith.constant 0 : i32
        %dma_start3A_326 = tpu.memref_slice %arg3[%arg1, %dma_start3A_324, %dma_start3A_325] : memref<16x80x128xi32, #tpu.memory_space<hbm>> -> memref<1x80x128xi32, #tpu.memory_space<hbm>>
        %dma_start3A_327 = tpu.memref_squeeze %dma_start3A_326 : memref<1x80x128xi32, #tpu.memory_space<hbm>> -> memref<80x128xi32, #tpu.memory_space<hbm>>
        %dma_start3A_328 = arith.constant 0 : i32
        %dma_start3A_329 = arith.constant 0 : i32
        %dma_start3A_330 = tpu.memref_slice %arg3[%arg1, %dma_start3A_328, %dma_start3A_329] : memref<16x80x128xi32, #tpu.memory_space<hbm>> -> memref<1x80x128xi32, #tpu.memory_space<hbm>>
        %dma_start3A_331 = tpu.memref_squeeze %dma_start3A_330 : memref<1x80x128xi32, #tpu.memory_space<hbm>> -> memref<80x128xi32, #tpu.memory_space<hbm>>
        tpu.enqueue_dma source(%dma_start3A_331 : memref<80x128xi32, #tpu.memory_space<hbm>>) target(%arg6 : memref<80x128xi32, #tpu.memory_space<vmem>>) target_semaphore(%run_scoped3A : memref<!tpu.dma_semaphore, #tpu.memory_space<semaphore_mem>>)
        %dma_wait3A_332 = arith.constant 0 : i32
        %dma_wait3A_333 = arith.constant 0 : i32
        %dma_wait3A_334 = tpu.memref_slice %arg3[%arg1, %dma_wait3A_332, %dma_wait3A_333] : memref<16x80x128xi32, #tpu.memory_space<hbm>> -> memref<1x80x128xi32, #tpu.memory_space<hbm>>
        %dma_wait3A_335 = tpu.memref_squeeze %dma_wait3A_334 : memref<1x80x128xi32, #tpu.memory_space<hbm>> -> memref<80x128xi32, #tpu.memory_space<hbm>>
        %dma_wait3A_336 = arith.constant 0 : i32
        %dma_wait3A_337 = arith.constant 0 : i32
        %dma_wait3A_338 = tpu.memref_slice %arg3[%arg1, %dma_wait3A_336, %dma_wait3A_337] : memref<16x80x128xi32, #tpu.memory_space<hbm>> -> memref<1x80x128xi32, #tpu.memory_space<hbm>>
        %dma_wait3A_339 = tpu.memref_squeeze %dma_wait3A_338 : memref<1x80x128xi32, #tpu.memory_space<hbm>> -> memref<80x128xi32, #tpu.memory_space<hbm>>
        tpu.wait_dma2 semaphore(%run_scoped3A : memref<!tpu.dma_semaphore, #tpu.memory_space<semaphore_mem>>) src(%dma_wait3A_339 : memref<80x128xi32, #tpu.memory_space<hbm>>) dst(%arg6 : memref<80x128xi32, #tpu.memory_space<vmem>>)
        tpu.yield
      }) : () -> ()
      %scan3A_7 = arith.constant 0 : i32
      %scan3A_8 = arith.constant 0 : i32
      %scan3A_9 = arith.constant 80 : i32
      %scan3A_10 = arith.addi %scan3A_8, %scan3A_9 : i32
      %scan3A_11 = arith.constant 1 : i32
      scf.for %scan3A_324 = %scan3A_8 to %scan3A_10 step %scan3A_11  : i32 {
        %get3A = arith.index_cast %scan3A_324 : i32 to index
        %get3A_325 = arith.constant 0 : index
        %get3A_326 = tpu.vector_load %arg6[%get3A, %get3A_325] {strides = array<i32>} : memref<80x128xi32, #tpu.memory_space<vmem>>, vector<1x16xi32>,
        %get3A_327 = vector.shape_cast %get3A_326 : vector<1x16xi32> to vector<16xi32>
        %mul3A_328 = arith.constant 4 : i32
        %mul3A_329 = vector.broadcast %mul3A_328 : i32 to vector<16xi32>
        %mul3A_330 = arith.muli %get3A_327, %mul3A_329 : vector<16xi32>
        %add3A_331 = vector.broadcast %add3A : i32 to vector<16xi32>
        %add3A_332 = arith.addi %mul3A_330, %add3A_331 : vector<16xi32>
        %swap3A = arith.index_cast %scan3A_324 : i32 to index
        %swap3A_333 = arith.constant 0 : index
        %swap3A_334 = tpu.vector_load %arg6[%swap3A, %swap3A_333] {strides = array<i32>} : memref<80x128xi32, #tpu.memory_space<vmem>>, vector<1x16xi32>,
        %swap3A_335 = vector.shape_cast %swap3A_334 : vector<1x16xi32> to vector<16xi32>
        %swap3A_336 = vector.shape_cast %add3A_332 : vector<16xi32> to vector<1x16xi32>
        tpu.vector_store %arg6[%swap3A, %swap3A_333], %swap3A_336 {strides = array<i32>} : memref<80x128xi32, #tpu.memory_space<vmem>>, vector<1x16xi32>,
        %get3A_337 = arith.index_cast %scan3A_324 : i32 to index
        %get3A_338 = arith.constant 16 : index
        %get3A_339 = tpu.vector_load %arg6[%get3A_337, %get3A_338] {strides = array<i32>} : memref<80x128xi32, #tpu.memory_space<vmem>>, vector<1x16xi32>,
        %get3A_340 = vector.shape_cast %get3A_339 : vector<1x16xi32> to vector<16xi32>
        %mul3A_341 = arith.constant 4 : i32
        %mul3A_342 = vector.broadcast %mul3A_341 : i32 to vector<16xi32>
        %mul3A_343 = arith.muli %get3A_340, %mul3A_342 : vector<16xi32>
        %add3A_344 = vector.broadcast %add3A : i32 to vector<16xi32>
        %add3A_345 = arith.addi %mul3A_343, %add3A_344 : vector<16xi32>
        %swap3A_346 = arith.index_cast %scan3A_324 : i32 to index
        %swap3A_347 = arith.constant 16 : index
        %swap3A_348 = tpu.vector_load %arg6[%swap3A_346, %swap3A_347] {strides = array<i32>} : memref<80x128xi32, #tpu.memory_space<vmem>>, vector<1x16xi32>,
        %swap3A_349 = vector.shape_cast %swap3A_348 : vector<1x16xi32> to vector<16xi32>
        %swap3A_350 = vector.shape_cast %add3A_345 : vector<16xi32> to vector<1x16xi32>
        tpu.vector_store %arg6[%swap3A_346, %swap3A_347], %swap3A_350 {strides = array<i32>} : memref<80x128xi32, #tpu.memory_space<vmem>>, vector<1x16xi32>,
        %get3A_351 = arith.index_cast %scan3A_324 : i32 to index
        %get3A_352 = arith.constant 32 : index
        %get3A_353 = tpu.vector_load %arg6[%get3A_351, %get3A_352] {strides = array<i32>} : memref<80x128xi32, #tpu.memory_space<vmem>>, vector<1x16xi32>,
        %get3A_354 = vector.shape_cast %get3A_353 : vector<1x16xi32> to vector<16xi32>
        %mul3A_355 = arith.constant 4 : i32
        %mul3A_356 = vector.broadcast %mul3A_355 : i32 to vector<16xi32>
        %mul3A_357 = arith.muli %get3A_354, %mul3A_356 : vector<16xi32>
        %add3A_358 = vector.broadcast %add3A : i32 to vector<16xi32>
        %add3A_359 = arith.addi %mul3A_357, %add3A_358 : vector<16xi32>
        %swap3A_360 = arith.index_cast %scan3A_324 : i32 to index
        %swap3A_361 = arith.constant 32 : index
        %swap3A_362 = tpu.vector_load %arg6[%swap3A_360, %swap3A_361] {strides = array<i32>} : memref<80x128xi32, #tpu.memory_space<vmem>>, vector<1x16xi32>,
        %swap3A_363 = vector.shape_cast %swap3A_362 : vector<1x16xi32> to vector<16xi32>
        %swap3A_364 = vector.shape_cast %add3A_359 : vector<16xi32> to vector<1x16xi32>
        tpu.vector_store %arg6[%swap3A_360, %swap3A_361], %swap3A_364 {strides = array<i32>} : memref<80x128xi32, #tpu.memory_space<vmem>>, vector<1x16xi32>,
        %get3A_365 = arith.index_cast %scan3A_324 : i32 to index
        %get3A_366 = arith.constant 48 : index
        %get3A_367 = tpu.vector_load %arg6[%get3A_365, %get3A_366] {strides = array<i32>} : memref<80x128xi32, #tpu.memory_space<vmem>>, vector<1x16xi32>,
        %get3A_368 = vector.shape_cast %get3A_367 : vector<1x16xi32> to vector<16xi32>
        %mul3A_369 = arith.constant 4 : i32
        %mul3A_370 = vector.broadcast %mul3A_369 : i32 to vector<16xi32>
        %mul3A_371 = arith.muli %get3A_368, %mul3A_370 : vector<16xi32>
        %add3A_372 = vector.broadcast %add3A : i32 to vector<16xi32>
        %add3A_373 = arith.addi %mul3A_371, %add3A_372 : vector<16xi32>
        %swap3A_374 = arith.index_cast %scan3A_324 : i32 to index
        %swap3A_375 = arith.constant 48 : index
        %swap3A_376 = tpu.vector_load %arg6[%swap3A_374, %swap3A_375] {strides = array<i32>} : memref<80x128xi32, #tpu.memory_space<vmem>>, vector<1x16xi32>,
        %swap3A_377 = vector.shape_cast %swap3A_376 : vector<1x16xi32> to vector<16xi32>
        %swap3A_378 = vector.shape_cast %add3A_373 : vector<16xi32> to vector<1x16xi32>
        tpu.vector_store %arg6[%swap3A_374, %swap3A_375], %swap3A_378 {strides = array<i32>} : memref<80x128xi32, #tpu.memory_space<vmem>>, vector<1x16xi32>,
        %get3A_379 = arith.index_cast %scan3A_324 : i32 to index
        %get3A_380 = arith.constant 64 : index
        %get3A_381 = tpu.vector_load %arg6[%get3A_379, %get3A_380] {strides = array<i32>} : memref<80x128xi32, #tpu.memory_space<vmem>>, vector<1x16xi32>,
        %get3A_382 = vector.shape_cast %get3A_381 : vector<1x16xi32> to vector<16xi32>
        %mul3A_383 = arith.constant 4 : i32
        %mul3A_384 = vector.broadcast %mul3A_383 : i32 to vector<16xi32>
        %mul3A_385 = arith.muli %get3A_382, %mul3A_384 : vector<16xi32>
        %add3A_386 = vector.broadcast %add3A : i32 to vector<16xi32>
        %add3A_387 = arith.addi %mul3A_385, %add3A_386 : vector<16xi32>
        %swap3A_388 = arith.index_cast %scan3A_324 : i32 to index
        %swap3A_389 = arith.constant 64 : index
        %swap3A_390 = tpu.vector_load %arg6[%swap3A_388, %swap3A_389] {strides = array<i32>} : memref<80x128xi32, #tpu.memory_space<vmem>>, vector<1x16xi32>,
        %swap3A_391 = vector.shape_cast %swap3A_390 : vector<1x16xi32> to vector<16xi32>
        %swap3A_392 = vector.shape_cast %add3A_387 : vector<16xi32> to vector<1x16xi32>
        tpu.vector_store %arg6[%swap3A_388, %swap3A_389], %swap3A_392 {strides = array<i32>} : memref<80x128xi32, #tpu.memory_space<vmem>>, vector<1x16xi32>,
        %get3A_393 = arith.index_cast %scan3A_324 : i32 to index
        %get3A_394 = arith.constant 80 : index
        %get3A_395 = tpu.vector_load %arg6[%get3A_393, %get3A_394] {strides = array<i32>} : memref<80x128xi32, #tpu.memory_space<vmem>>, vector<1x16xi32>,
        %get3A_396 = vector.shape_cast %get3A_395 : vector<1x16xi32> to vector<16xi32>
        %mul3A_397 = arith.constant 4 : i32
        %mul3A_398 = vector.broadcast %mul3A_397 : i32 to vector<16xi32>
        %mul3A_399 = arith.muli %get3A_396, %mul3A_398 : vector<16xi32>
        %add3A_400 = vector.broadcast %add3A : i32 to vector<16xi32>
        %add3A_401 = arith.addi %mul3A_399, %add3A_400 : vector<16xi32>
        %swap3A_402 = arith.index_cast %scan3A_324 : i32 to index
        %swap3A_403 = arith.constant 80 : index
        %swap3A_404 = tpu.vector_load %arg6[%swap3A_402, %swap3A_403] {strides = array<i32>} : memref<80x128xi32, #tpu.memory_space<vmem>>, vector<1x16xi32>,
        %swap3A_405 = vector.shape_cast %swap3A_404 : vector<1x16xi32> to vector<16xi32>
        %swap3A_406 = vector.shape_cast %add3A_401 : vector<16xi32> to vector<1x16xi32>
        tpu.vector_store %arg6[%swap3A_402, %swap3A_403], %swap3A_406 {strides = array<i32>} : memref<80x128xi32, #tpu.memory_space<vmem>>, vector<1x16xi32>,
        %get3A_407 = arith.index_cast %scan3A_324 : i32 to index
        %get3A_408 = arith.constant 96 : index
        %get3A_409 = tpu.vector_load %arg6[%get3A_407, %get3A_408] {strides = array<i32>} : memref<80x128xi32, #tpu.memory_space<vmem>>, vector<1x16xi32>,
        %get3A_410 = vector.shape_cast %get3A_409 : vector<1x16xi32> to vector<16xi32>
        %mul3A_411 = arith.constant 4 : i32
        %mul3A_412 = vector.broadcast %mul3A_411 : i32 to vector<16xi32>
        %mul3A_413 = arith.muli %get3A_410, %mul3A_412 : vector<16xi32>
        %add3A_414 = vector.broadcast %add3A : i32 to vector<16xi32>
        %add3A_415 = arith.addi %mul3A_413, %add3A_414 : vector<16xi32>
        %swap3A_416 = arith.index_cast %scan3A_324 : i32 to index
        %swap3A_417 = arith.constant 96 : index
        %swap3A_418 = tpu.vector_load %arg6[%swap3A_416, %swap3A_417] {strides = array<i32>} : memref<80x128xi32, #tpu.memory_space<vmem>>, vector<1x16xi32>,
        %swap3A_419 = vector.shape_cast %swap3A_418 : vector<1x16xi32> to vector<16xi32>
        %swap3A_420 = vector.shape_cast %add3A_415 : vector<16xi32> to vector<1x16xi32>
        tpu.vector_store %arg6[%swap3A_416, %swap3A_417], %swap3A_420 {strides = array<i32>} : memref<80x128xi32, #tpu.memory_space<vmem>>, vector<1x16xi32>,
        %get3A_421 = arith.index_cast %scan3A_324 : i32 to index
        %get3A_422 = arith.constant 112 : index
        %get3A_423 = tpu.vector_load %arg6[%get3A_421, %get3A_422] {strides = array<i32>} : memref<80x128xi32, #tpu.memory_space<vmem>>, vector<1x16xi32>,
        %get3A_424 = vector.shape_cast %get3A_423 : vector<1x16xi32> to vector<16xi32>
        %mul3A_425 = arith.constant 4 : i32
        %mul3A_426 = vector.broadcast %mul3A_425 : i32 to vector<16xi32>
        %mul3A_427 = arith.muli %get3A_424, %mul3A_426 : vector<16xi32>
        %add3A_428 = vector.broadcast %add3A : i32 to vector<16xi32>
        %add3A_429 = arith.addi %mul3A_427, %add3A_428 : vector<16xi32>
        %swap3A_430 = arith.index_cast %scan3A_324 : i32 to index
        %swap3A_431 = arith.constant 112 : index
        %swap3A_432 = tpu.vector_load %arg6[%swap3A_430, %swap3A_431] {strides = array<i32>} : memref<80x128xi32, #tpu.memory_space<vmem>>, vector<1x16xi32>,
        %swap3A_433 = vector.shape_cast %swap3A_432 : vector<1x16xi32> to vector<16xi32>
        %swap3A_434 = vector.shape_cast %add3A_429 : vector<16xi32> to vector<1x16xi32>
        tpu.vector_store %arg6[%swap3A_430, %swap3A_431], %swap3A_434 {strides = array<i32>} : memref<80x128xi32, #tpu.memory_space<vmem>>, vector<1x16xi32>,
      }
      %scan3A_12 = arith.constant 80 : i32
      %scan3A_13 = arith.constant 0 : i32
      %scan3A_14 = arith.constant 0 : i32
      %scan3A_15 = arith.constant 128 : i32
      %scan3A_16 = arith.addi %scan3A_14, %scan3A_15 : i32
      %scan3A_17 = arith.constant 1 : i32
      scf.for %scan3A_324 = %scan3A_14 to %scan3A_16 step %scan3A_17  : i32 {
        %broadcast_in_dim3A = arith.constant 0.000000e+00 : bf16
        %broadcast_in_dim3A_325 = vector.broadcast %broadcast_in_dim3A : bf16 to vector<32xbf16>
        %swap3A = arith.index_cast %scan3A_324 : i32 to index
        %swap3A_326 = arith.constant 0 : index
        %swap3A_327 = tpu.vector_load %arg8[%swap3A, %swap3A_326] {strides = array<i32>} : memref<128x128xbf16, #tpu.memory_space<vmem>>, vector<1x32xbf16>,
        %swap3A_328 = vector.shape_cast %swap3A_327 : vector<1x32xbf16> to vector<32xbf16>
        %swap3A_329 = vector.shape_cast %broadcast_in_dim3A_325 : vector<32xbf16> to vector<1x32xbf16>
        tpu.vector_store %arg8[%swap3A, %swap3A_326], %swap3A_329 {strides = array<i32>} : memref<128x128xbf16, #tpu.memory_space<vmem>>, vector<1x32xbf16>,
        %broadcast_in_dim3A_330 = arith.constant 0.000000e+00 : bf16
        %broadcast_in_dim3A_331 = vector.broadcast %broadcast_in_dim3A_330 : bf16 to vector<32xbf16>
        %swap3A_332 = arith.index_cast %scan3A_324 : i32 to index
        %swap3A_333 = arith.constant 32 : index
        %swap3A_334 = tpu.vector_load %arg8[%swap3A_332, %swap3A_333] {strides = array<i32>} : memref<128x128xbf16, #tpu.memory_space<vmem>>, vector<1x32xbf16>,
        %swap3A_335 = vector.shape_cast %swap3A_334 : vector<1x32xbf16> to vector<32xbf16>
        %swap3A_336 = vector.shape_cast %broadcast_in_dim3A_331 : vector<32xbf16> to vector<1x32xbf16>
        tpu.vector_store %arg8[%swap3A_332, %swap3A_333], %swap3A_336 {strides = array<i32>} : memref<128x128xbf16, #tpu.memory_space<vmem>>, vector<1x32xbf16>,
        %broadcast_in_dim3A_337 = arith.constant 0.000000e+00 : bf16
        %broadcast_in_dim3A_338 = vector.broadcast %broadcast_in_dim3A_337 : bf16 to vector<32xbf16>
        %swap3A_339 = arith.index_cast %scan3A_324 : i32 to index
        %swap3A_340 = arith.constant 64 : index
        %swap3A_341 = tpu.vector_load %arg8[%swap3A_339, %swap3A_340] {strides = array<i32>} : memref<128x128xbf16, #tpu.memory_space<vmem>>, vector<1x32xbf16>,
        %swap3A_342 = vector.shape_cast %swap3A_341 : vector<1x32xbf16> to vector<32xbf16>
        %swap3A_343 = vector.shape_cast %broadcast_in_dim3A_338 : vector<32xbf16> to vector<1x32xbf16>
        tpu.vector_store %arg8[%swap3A_339, %swap3A_340], %swap3A_343 {strides = array<i32>} : memref<128x128xbf16, #tpu.memory_space<vmem>>, vector<1x32xbf16>,
        %broadcast_in_dim3A_344 = arith.constant 0.000000e+00 : bf16
        %broadcast_in_dim3A_345 = vector.broadcast %broadcast_in_dim3A_344 : bf16 to vector<32xbf16>
        %swap3A_346 = arith.index_cast %scan3A_324 : i32 to index
        %swap3A_347 = arith.constant 96 : index
        %swap3A_348 = tpu.vector_load %arg8[%swap3A_346, %swap3A_347] {strides = array<i32>} : memref<128x128xbf16, #tpu.memory_space<vmem>>, vector<1x32xbf16>,
        %swap3A_349 = vector.shape_cast %swap3A_348 : vector<1x32xbf16> to vector<32xbf16>
        %swap3A_350 = vector.shape_cast %broadcast_in_dim3A_345 : vector<32xbf16> to vector<1x32xbf16>
        tpu.vector_store %arg8[%swap3A_346, %swap3A_347], %swap3A_350 {strides = array<i32>} : memref<128x128xbf16, #tpu.memory_space<vmem>>, vector<1x32xbf16>,
      }
      %scan3A_18 = arith.constant 128 : i32
      %mul3A_19 = arith.constant 640 : i32
      %mul3A_20 = arith.muli %arg1, %mul3A_19 : i32
      %add3A_21 = arith.constant 0 : i32
      %add3A_22 = arith.addi %mul3A_20, %add3A_21 : i32
      "tpu.region"() ({
        %run_scoped3A = tpu.sem_alloc : memref<!tpu.dma_semaphore, #tpu.memory_space<semaphore_mem>>
        %dma_start3A_324 = arith.constant 0 : i32
        %dma_start3A_325 = tpu.memref_slice %arg14[%add3A_22, %dma_start3A_324] : memref<10240x128xbf16, #tpu.memory_space<vmem_shared>> -> memref<128x128xbf16, #tpu.memory_space<vmem_shared>>
        %dma_start3A_326 = arith.constant 0 : i32
        %dma_start3A_327 = tpu.memref_slice %arg14[%add3A_22, %dma_start3A_326] : memref<10240x128xbf16, #tpu.memory_space<vmem_shared>> -> memref<128x128xbf16, #tpu.memory_space<vmem_shared>>
        tpu.enqueue_dma source(%arg8 : memref<128x128xbf16, #tpu.memory_space<vmem>>) target(%dma_start3A_327 : memref<128x128xbf16, #tpu.memory_space<vmem_shared>>) target_semaphore(%run_scoped3A : memref<!tpu.dma_semaphore, #tpu.memory_space<semaphore_mem>>)
        %dma_wait3A_328 = arith.constant 0 : i32
        %dma_wait3A_329 = tpu.memref_slice %arg14[%add3A_22, %dma_wait3A_328] : memref<10240x128xbf16, #tpu.memory_space<vmem_shared>> -> memref<128x128xbf16, #tpu.memory_space<vmem_shared>>
        %dma_wait3A_330 = arith.constant 0 : i32
        %dma_wait3A_331 = tpu.memref_slice %arg14[%add3A_22, %dma_wait3A_330] : memref<10240x128xbf16, #tpu.memory_space<vmem_shared>> -> memref<128x128xbf16, #tpu.memory_space<vmem_shared>>
        tpu.wait_dma2 semaphore(%run_scoped3A : memref<!tpu.dma_semaphore, #tpu.memory_space<semaphore_mem>>) src(%arg8 : memref<128x128xbf16, #tpu.memory_space<vmem>>) dst(%dma_wait3A_331 : memref<128x128xbf16, #tpu.memory_space<vmem_shared>>)
        tpu.yield
      }) : () -> ()
      %mul3A_23 = arith.constant 640 : i32
      %mul3A_24 = arith.muli %arg1, %mul3A_23 : i32
      %add3A_25 = arith.constant 128 : i32
      %add3A_26 = arith.addi %mul3A_24, %add3A_25 : i32
      "tpu.region"() ({
        %run_scoped3A = tpu.sem_alloc : memref<!tpu.dma_semaphore, #tpu.memory_space<semaphore_mem>>
        %dma_start3A_324 = arith.constant 0 : i32
        %dma_start3A_325 = tpu.memref_slice %arg14[%add3A_26, %dma_start3A_324] : memref<10240x128xbf16, #tpu.memory_space<vmem_shared>> -> memref<128x128xbf16, #tpu.memory_space<vmem_shared>>
        %dma_start3A_326 = arith.constant 0 : i32
        %dma_start3A_327 = tpu.memref_slice %arg14[%add3A_26, %dma_start3A_326] : memref<10240x128xbf16, #tpu.memory_space<vmem_shared>> -> memref<128x128xbf16, #tpu.memory_space<vmem_shared>>
        tpu.enqueue_dma source(%arg8 : memref<128x128xbf16, #tpu.memory_space<vmem>>) target(%dma_start3A_327 : memref<128x128xbf16, #tpu.memory_space<vmem_shared>>) target_semaphore(%run_scoped3A : memref<!tpu.dma_semaphore, #tpu.memory_space<semaphore_mem>>)
        %dma_wait3A_328 = arith.constant 0 : i32
        %dma_wait3A_329 = tpu.memref_slice %arg14[%add3A_26, %dma_wait3A_328] : memref<10240x128xbf16, #tpu.memory_space<vmem_shared>> -> memref<128x128xbf16, #tpu.memory_space<vmem_shared>>
        %dma_wait3A_330 = arith.constant 0 : i32
        %dma_wait3A_331 = tpu.memref_slice %arg14[%add3A_26, %dma_wait3A_330] : memref<10240x128xbf16, #tpu.memory_space<vmem_shared>> -> memref<128x128xbf16, #tpu.memory_space<vmem_shared>>
        tpu.wait_dma2 semaphore(%run_scoped3A : memref<!tpu.dma_semaphore, #tpu.memory_space<semaphore_mem>>) src(%arg8 : memref<128x128xbf16, #tpu.memory_space<vmem>>) dst(%dma_wait3A_331 : memref<128x128xbf16, #tpu.memory_space<vmem_shared>>)
        tpu.yield
      }) : () -> ()
      %mul3A_27 = arith.constant 640 : i32
      %mul3A_28 = arith.muli %arg1, %mul3A_27 : i32
      %add3A_29 = arith.constant 256 : i32
      %add3A_30 = arith.addi %mul3A_28, %add3A_29 : i32
      "tpu.region"() ({
        %run_scoped3A = tpu.sem_alloc : memref<!tpu.dma_semaphore, #tpu.memory_space<semaphore_mem>>
        %dma_start3A_324 = arith.constant 0 : i32
        %dma_start3A_325 = tpu.memref_slice %arg14[%add3A_30, %dma_start3A_324] : memref<10240x128xbf16, #tpu.memory_space<vmem_shared>> -> memref<128x128xbf16, #tpu.memory_space<vmem_shared>>
        %dma_start3A_326 = arith.constant 0 : i32
        %dma_start3A_327 = tpu.memref_slice %arg14[%add3A_30, %dma_start3A_326] : memref<10240x128xbf16, #tpu.memory_space<vmem_shared>> -> memref<128x128xbf16, #tpu.memory_space<vmem_shared>>
        tpu.enqueue_dma source(%arg8 : memref<128x128xbf16, #tpu.memory_space<vmem>>) target(%dma_start3A_327 : memref<128x128xbf16, #tpu.memory_space<vmem_shared>>) target_semaphore(%run_scoped3A : memref<!tpu.dma_semaphore, #tpu.memory_space<semaphore_mem>>)
        %dma_wait3A_328 = arith.constant 0 : i32
        %dma_wait3A_329 = tpu.memref_slice %arg14[%add3A_30, %dma_wait3A_328] : memref<10240x128xbf16, #tpu.memory_space<vmem_shared>> -> memref<128x128xbf16, #tpu.memory_space<vmem_shared>>
        %dma_wait3A_330 = arith.constant 0 : i32
        %dma_wait3A_331 = tpu.memref_slice %arg14[%add3A_30, %dma_wait3A_330] : memref<10240x128xbf16, #tpu.memory_space<vmem_shared>> -> memref<128x128xbf16, #tpu.memory_space<vmem_shared>>
        tpu.wait_dma2 semaphore(%run_scoped3A : memref<!tpu.dma_semaphore, #tpu.memory_space<semaphore_mem>>) src(%arg8 : memref<128x128xbf16, #tpu.memory_space<vmem>>) dst(%dma_wait3A_331 : memref<128x128xbf16, #tpu.memory_space<vmem_shared>>)
        tpu.yield
      }) : () -> ()
      %mul3A_31 = arith.constant 640 : i32
      %mul3A_32 = arith.muli %arg1, %mul3A_31 : i32
      %add3A_33 = arith.constant 384 : i32
      %add3A_34 = arith.addi %mul3A_32, %add3A_33 : i32
      "tpu.region"() ({
        %run_scoped3A = tpu.sem_alloc : memref<!tpu.dma_semaphore, #tpu.memory_space<semaphore_mem>>
        %dma_start3A_324 = arith.constant 0 : i32
        %dma_start3A_325 = tpu.memref_slice %arg14[%add3A_34, %dma_start3A_324] : memref<10240x128xbf16, #tpu.memory_space<vmem_shared>> -> memref<128x128xbf16, #tpu.memory_space<vmem_shared>>
        %dma_start3A_326 = arith.constant 0 : i32
        %dma_start3A_327 = tpu.memref_slice %arg14[%add3A_34, %dma_start3A_326] : memref<10240x128xbf16, #tpu.memory_space<vmem_shared>> -> memref<128x128xbf16, #tpu.memory_space<vmem_shared>>
        tpu.enqueue_dma source(%arg8 : memref<128x128xbf16, #tpu.memory_space<vmem>>) target(%dma_start3A_327 : memref<128x128xbf16, #tpu.memory_space<vmem_shared>>) target_semaphore(%run_scoped3A : memref<!tpu.dma_semaphore, #tpu.memory_space<semaphore_mem>>)
        %dma_wait3A_328 = arith.constant 0 : i32
        %dma_wait3A_329 = tpu.memref_slice %arg14[%add3A_34, %dma_wait3A_328] : memref<10240x128xbf16, #tpu.memory_space<vmem_shared>> -> memref<128x128xbf16, #tpu.memory_space<vmem_shared>>
        %dma_wait3A_330 = arith.constant 0 : i32
        %dma_wait3A_331 = tpu.memref_slice %arg14[%add3A_34, %dma_wait3A_330] : memref<10240x128xbf16, #tpu.memory_space<vmem_shared>> -> memref<128x128xbf16, #tpu.memory_space<vmem_shared>>
        tpu.wait_dma2 semaphore(%run_scoped3A : memref<!tpu.dma_semaphore, #tpu.memory_space<semaphore_mem>>) src(%arg8 : memref<128x128xbf16, #tpu.memory_space<vmem>>) dst(%dma_wait3A_331 : memref<128x128xbf16, #tpu.memory_space<vmem_shared>>)
        tpu.yield
      }) : () -> ()
      %mul3A_35 = arith.constant 640 : i32
      %mul3A_36 = arith.muli %arg1, %mul3A_35 : i32
      %add3A_37 = arith.constant 512 : i32
      %add3A_38 = arith.addi %mul3A_36, %add3A_37 : i32
      "tpu.region"() ({
        %run_scoped3A = tpu.sem_alloc : memref<!tpu.dma_semaphore, #tpu.memory_space<semaphore_mem>>
        %dma_start3A_324 = arith.constant 0 : i32
        %dma_start3A_325 = tpu.memref_slice %arg14[%add3A_38, %dma_start3A_324] : memref<10240x128xbf16, #tpu.memory_space<vmem_shared>> -> memref<128x128xbf16, #tpu.memory_space<vmem_shared>>
        %dma_start3A_326 = arith.constant 0 : i32
        %dma_start3A_327 = tpu.memref_slice %arg14[%add3A_38, %dma_start3A_326] : memref<10240x128xbf16, #tpu.memory_space<vmem_shared>> -> memref<128x128xbf16, #tpu.memory_space<vmem_shared>>
        tpu.enqueue_dma source(%arg8 : memref<128x128xbf16, #tpu.memory_space<vmem>>) target(%dma_start3A_327 : memref<128x128xbf16, #tpu.memory_space<vmem_shared>>) target_semaphore(%run_scoped3A : memref<!tpu.dma_semaphore, #tpu.memory_space<semaphore_mem>>)
        %dma_wait3A_328 = arith.constant 0 : i32
        %dma_wait3A_329 = tpu.memref_slice %arg14[%add3A_38, %dma_wait3A_328] : memref<10240x128xbf16, #tpu.memory_space<vmem_shared>> -> memref<128x128xbf16, #tpu.memory_space<vmem_shared>>
        %dma_wait3A_330 = arith.constant 0 : i32
        %dma_wait3A_331 = tpu.memref_slice %arg14[%add3A_38, %dma_wait3A_330] : memref<10240x128xbf16, #tpu.memory_space<vmem_shared>> -> memref<128x128xbf16, #tpu.memory_space<vmem_shared>>
        tpu.wait_dma2 semaphore(%run_scoped3A : memref<!tpu.dma_semaphore, #tpu.memory_space<semaphore_mem>>) src(%arg8 : memref<128x128xbf16, #tpu.memory_space<vmem>>) dst(%dma_wait3A_331 : memref<128x128xbf16, #tpu.memory_space<vmem_shared>>)
        tpu.yield
      }) : () -> ()
      %dma_start3A = arith.constant 0 : i32
      %dma_start3A_39 = arith.constant 0 : i32
      %dma_start3A_40 = tpu.memref_slice %arg6[%dma_start3A, %dma_start3A_39] : memref<80x128xi32, #tpu.memory_space<vmem>> -> memref<1x128xi32, #tpu.memory_space<vmem>>
      %dma_start3A_41 = tpu.memref_squeeze %dma_start3A_40 : memref<1x128xi32, #tpu.memory_space<vmem>> -> memref<128xi32, #tpu.memory_space<vmem>>
      %dma_start3A_42 = arith.constant 0 : i32
      %dma_start3A_43 = arith.constant 0 : i32
      %dma_start3A_44 = tpu.memref_slice %arg2[%dma_start3A_42, %dma_start3A_43] : memref<40000x128xbf16, #tpu.memory_space<hbm>> -> memref<40000x128xbf16, #tpu.memory_space<hbm>>
      tpu.enqueue_indirect_dma source(%dma_start3A_44 : memref<40000x128xbf16, #tpu.memory_space<hbm>>) target(%arg8 : memref<128x128xbf16, #tpu.memory_space<vmem>>) offsets(%dma_start3A_41 : memref<128xi32, #tpu.memory_space<vmem>>) semaphore(%arg15 : memref<!tpu.dma_semaphore, #tpu.memory_space<semaphore_mem>>)
      %dma_start3A_45 = arith.constant 1 : i32
      %dma_start3A_46 = arith.constant 0 : i32
      %dma_start3A_47 = tpu.memref_slice %arg6[%dma_start3A_45, %dma_start3A_46] : memref<80x128xi32, #tpu.memory_space<vmem>> -> memref<1x128xi32, #tpu.memory_space<vmem>>
      %dma_start3A_48 = tpu.memref_squeeze %dma_start3A_47 : memref<1x128xi32, #tpu.memory_space<vmem>> -> memref<128xi32, #tpu.memory_space<vmem>>
      %dma_start3A_49 = arith.constant 0 : i32
      %dma_start3A_50 = arith.constant 0 : i32
      %dma_start3A_51 = tpu.memref_slice %arg2[%dma_start3A_49, %dma_start3A_50] : memref<40000x128xbf16, #tpu.memory_space<hbm>> -> memref<40000x128xbf16, #tpu.memory_space<hbm>>
      tpu.enqueue_indirect_dma source(%dma_start3A_51 : memref<40000x128xbf16, #tpu.memory_space<hbm>>) target(%arg9 : memref<128x128xbf16, #tpu.memory_space<vmem>>) offsets(%dma_start3A_48 : memref<128xi32, #tpu.memory_space<vmem>>) semaphore(%arg15 : memref<!tpu.dma_semaphore, #tpu.memory_space<semaphore_mem>>)
      %barrier3A = arith.constant 0 : index
      tpu.barrier barrier_id(%barrier3A)
      %rem3A = arith.constant 2 : i32
      %rem3A_52 = arith.constant 80 : i32
      %rem3A_53 = arith.remsi %rem3A, %rem3A_52 : i32
      %dma_start3A_54 = arith.constant 0 : i32
      %dma_start3A_55 = tpu.memref_slice %arg6[%rem3A_53, %dma_start3A_54] : memref<80x128xi32, #tpu.memory_space<vmem>> -> memref<1x128xi32, #tpu.memory_space<vmem>>
      %dma_start3A_56 = tpu.memref_squeeze %dma_start3A_55 : memref<1x128xi32, #tpu.memory_space<vmem>> -> memref<128xi32, #tpu.memory_space<vmem>>
      %dma_start3A_57 = arith.constant 0 : i32
      %dma_start3A_58 = arith.constant 0 : i32
      %dma_start3A_59 = tpu.memref_slice %arg2[%dma_start3A_57, %dma_start3A_58] : memref<40000x128xbf16, #tpu.memory_space<hbm>> -> memref<40000x128xbf16, #tpu.memory_space<hbm>>
      tpu.enqueue_indirect_dma source(%dma_start3A_59 : memref<40000x128xbf16, #tpu.memory_space<hbm>>) target(%arg10 : memref<128x128xbf16, #tpu.memory_space<vmem>>) offsets(%dma_start3A_56 : memref<128xi32, #tpu.memory_space<vmem>>) semaphore(%arg16 : memref<!tpu.dma_semaphore, #tpu.memory_space<semaphore_mem>>)
      %rem3A_60 = arith.constant 3 : i32
      %rem3A_61 = arith.constant 80 : i32
      %rem3A_62 = arith.remsi %rem3A_60, %rem3A_61 : i32
      %dma_start3A_63 = arith.constant 0 : i32
      %dma_start3A_64 = tpu.memref_slice %arg6[%rem3A_62, %dma_start3A_63] : memref<80x128xi32, #tpu.memory_space<vmem>> -> memref<1x128xi32, #tpu.memory_space<vmem>>
      %dma_start3A_65 = tpu.memref_squeeze %dma_start3A_64 : memref<1x128xi32, #tpu.memory_space<vmem>> -> memref<128xi32, #tpu.memory_space<vmem>>
      %dma_start3A_66 = arith.constant 0 : i32
      %dma_start3A_67 = arith.constant 0 : i32
      %dma_start3A_68 = tpu.memref_slice %arg2[%dma_start3A_66, %dma_start3A_67] : memref<40000x128xbf16, #tpu.memory_space<hbm>> -> memref<40000x128xbf16, #tpu.memory_space<hbm>>
      tpu.enqueue_indirect_dma source(%dma_start3A_68 : memref<40000x128xbf16, #tpu.memory_space<hbm>>) target(%arg11 : memref<128x128xbf16, #tpu.memory_space<vmem>>) offsets(%dma_start3A_65 : memref<128xi32, #tpu.memory_space<vmem>>) semaphore(%arg16 : memref<!tpu.dma_semaphore, #tpu.memory_space<semaphore_mem>>)
      %dma_wait3A = arith.constant 0 : i32
      %dma_wait3A_69 = arith.constant 0 : i32
      %dma_wait3A_70 = tpu.memref_slice %arg6[%dma_wait3A, %dma_wait3A_69] : memref<80x128xi32, #tpu.memory_space<vmem>> -> memref<1x128xi32, #tpu.memory_space<vmem>>
      %dma_wait3A_71 = tpu.memref_squeeze %dma_wait3A_70 : memref<1x128xi32, #tpu.memory_space<vmem>> -> memref<128xi32, #tpu.memory_space<vmem>>
      %dma_wait3A_72 = arith.constant 0 : i32
      %dma_wait3A_73 = arith.constant 0 : i32
      %dma_wait3A_74 = tpu.memref_slice %arg2[%dma_wait3A_72, %dma_wait3A_73] : memref<40000x128xbf16, #tpu.memory_space<hbm>> -> memref<40000x128xbf16, #tpu.memory_space<hbm>>
      tpu.wait_indirect_dma semaphore(%arg15 : memref<!tpu.dma_semaphore, #tpu.memory_space<semaphore_mem>>) src(%dma_wait3A_74 : memref<40000x128xbf16, #tpu.memory_space<hbm>>) dst(%arg8 : memref<128x128xbf16, #tpu.memory_space<vmem>>)
      %dma_start3A_75 = arith.constant 0 : i32
      %dma_start3A_76 = arith.constant 0 : i32
      %dma_start3A_77 = tpu.memref_slice %arg7[%dma_start3A_75, %dma_start3A_76] : memref<80x128xi32, #tpu.memory_space<vmem>> -> memref<1x128xi32, #tpu.memory_space<vmem>>
      %dma_start3A_78 = tpu.memref_squeeze %dma_start3A_77 : memref<1x128xi32, #tpu.memory_space<vmem>> -> memref<128xi32, #tpu.memory_space<vmem>>
      %dma_start3A_79 = arith.constant 0 : i32
      %dma_start3A_80 = arith.constant 0 : i32
      %dma_start3A_81 = tpu.memref_slice %arg14[%dma_start3A_79, %dma_start3A_80] : memref<10240x128xbf16, #tpu.memory_space<vmem_shared>> -> memref<10240x128xbf16, #tpu.memory_space<vmem_shared>>
      tpu.enqueue_indirect_dma source(%arg8 : memref<128x128xbf16, #tpu.memory_space<vmem>>) target(%dma_start3A_81 : memref<10240x128xbf16, #tpu.memory_space<vmem_shared>>) offsets(%dma_start3A_78 : memref<128xi32, #tpu.memory_space<vmem>>) semaphore(%arg18 : memref<!tpu.dma_semaphore, #tpu.memory_space<semaphore_mem>>) {add = true}
      %dma_wait3A_82 = arith.constant 1 : i32
      %dma_wait3A_83 = arith.constant 0 : i32
      %dma_wait3A_84 = tpu.memref_slice %arg6[%dma_wait3A_82, %dma_wait3A_83] : memref<80x128xi32, #tpu.memory_space<vmem>> -> memref<1x128xi32, #tpu.memory_space<vmem>>
      %dma_wait3A_85 = tpu.memref_squeeze %dma_wait3A_84 : memref<1x128xi32, #tpu.memory_space<vmem>> -> memref<128xi32, #tpu.memory_space<vmem>>
      %dma_wait3A_86 = arith.constant 0 : i32
      %dma_wait3A_87 = arith.constant 0 : i32
      %dma_wait3A_88 = tpu.memref_slice %arg2[%dma_wait3A_86, %dma_wait3A_87] : memref<40000x128xbf16, #tpu.memory_space<hbm>> -> memref<40000x128xbf16, #tpu.memory_space<hbm>>
      tpu.wait_indirect_dma semaphore(%arg15 : memref<!tpu.dma_semaphore, #tpu.memory_space<semaphore_mem>>) src(%dma_wait3A_88 : memref<40000x128xbf16, #tpu.memory_space<hbm>>) dst(%arg9 : memref<128x128xbf16, #tpu.memory_space<vmem>>)
      %dma_start3A_89 = arith.constant 1 : i32
      %dma_start3A_90 = arith.constant 0 : i32
      %dma_start3A_91 = tpu.memref_slice %arg7[%dma_start3A_89, %dma_start3A_90] : memref<80x128xi32, #tpu.memory_space<vmem>> -> memref<1x128xi32, #tpu.memory_space<vmem>>
      %dma_start3A_92 = tpu.memref_squeeze %dma_start3A_91 : memref<1x128xi32, #tpu.memory_space<vmem>> -> memref<128xi32, #tpu.memory_space<vmem>>
      %dma_start3A_93 = arith.constant 0 : i32
      %dma_start3A_94 = arith.constant 0 : i32
      %dma_start3A_95 = tpu.memref_slice %arg14[%dma_start3A_93, %dma_start3A_94] : memref<10240x128xbf16, #tpu.memory_space<vmem_shared>> -> memref<10240x128xbf16, #tpu.memory_space<vmem_shared>>
      tpu.enqueue_indirect_dma source(%arg9 : memref<128x128xbf16, #tpu.memory_space<vmem>>) target(%dma_start3A_95 : memref<10240x128xbf16, #tpu.memory_space<vmem_shared>>) offsets(%dma_start3A_92 : memref<128xi32, #tpu.memory_space<vmem>>) semaphore(%arg18 : memref<!tpu.dma_semaphore, #tpu.memory_space<semaphore_mem>>) {add = true}
      %rem3A_96 = arith.constant 4 : i32
      %rem3A_97 = arith.constant 80 : i32
      %rem3A_98 = arith.remsi %rem3A_96, %rem3A_97 : i32
      %dma_start3A_99 = arith.constant 0 : i32
      %dma_start3A_100 = tpu.memref_slice %arg6[%rem3A_98, %dma_start3A_99] : memref<80x128xi32, #tpu.memory_space<vmem>> -> memref<1x128xi32, #tpu.memory_space<vmem>>
      %dma_start3A_101 = tpu.memref_squeeze %dma_start3A_100 : memref<1x128xi32, #tpu.memory_space<vmem>> -> memref<128xi32, #tpu.memory_space<vmem>>
      %dma_start3A_102 = arith.constant 0 : i32
      %dma_start3A_103 = arith.constant 0 : i32
      %dma_start3A_104 = tpu.memref_slice %arg2[%dma_start3A_102, %dma_start3A_103] : memref<40000x128xbf16, #tpu.memory_space<hbm>> -> memref<40000x128xbf16, #tpu.memory_space<hbm>>
      tpu.enqueue_indirect_dma source(%dma_start3A_104 : memref<40000x128xbf16, #tpu.memory_space<hbm>>) target(%arg12 : memref<128x128xbf16, #tpu.memory_space<vmem>>) offsets(%dma_start3A_101 : memref<128xi32, #tpu.memory_space<vmem>>) semaphore(%arg17 : memref<!tpu.dma_semaphore, #tpu.memory_space<semaphore_mem>>)
      %rem3A_105 = arith.constant 5 : i32
      %rem3A_106 = arith.constant 80 : i32
      %rem3A_107 = arith.remsi %rem3A_105, %rem3A_106 : i32
      %dma_start3A_108 = arith.constant 0 : i32
      %dma_start3A_109 = tpu.memref_slice %arg6[%rem3A_107, %dma_start3A_108] : memref<80x128xi32, #tpu.memory_space<vmem>> -> memref<1x128xi32, #tpu.memory_space<vmem>>
      %dma_start3A_110 = tpu.memref_squeeze %dma_start3A_109 : memref<1x128xi32, #tpu.memory_space<vmem>> -> memref<128xi32, #tpu.memory_space<vmem>>
      %dma_start3A_111 = arith.constant 0 : i32
      %dma_start3A_112 = arith.constant 0 : i32
      %dma_start3A_113 = tpu.memref_slice %arg2[%dma_start3A_111, %dma_start3A_112] : memref<40000x128xbf16, #tpu.memory_space<hbm>> -> memref<40000x128xbf16, #tpu.memory_space<hbm>>
      tpu.enqueue_indirect_dma source(%dma_start3A_113 : memref<40000x128xbf16, #tpu.memory_space<hbm>>) target(%arg13 : memref<128x128xbf16, #tpu.memory_space<vmem>>) offsets(%dma_start3A_110 : memref<128xi32, #tpu.memory_space<vmem>>) semaphore(%arg17 : memref<!tpu.dma_semaphore, #tpu.memory_space<semaphore_mem>>)
      %dma_wait3A_114 = arith.constant 2 : i32
      %dma_wait3A_115 = arith.constant 0 : i32
      %dma_wait3A_116 = tpu.memref_slice %arg6[%dma_wait3A_114, %dma_wait3A_115] : memref<80x128xi32, #tpu.memory_space<vmem>> -> memref<1x128xi32, #tpu.memory_space<vmem>>
      %dma_wait3A_117 = tpu.memref_squeeze %dma_wait3A_116 : memref<1x128xi32, #tpu.memory_space<vmem>> -> memref<128xi32, #tpu.memory_space<vmem>>
      %dma_wait3A_118 = arith.constant 0 : i32
      %dma_wait3A_119 = arith.constant 0 : i32
      %dma_wait3A_120 = tpu.memref_slice %arg2[%dma_wait3A_118, %dma_wait3A_119] : memref<40000x128xbf16, #tpu.memory_space<hbm>> -> memref<40000x128xbf16, #tpu.memory_space<hbm>>
      tpu.wait_indirect_dma semaphore(%arg16 : memref<!tpu.dma_semaphore, #tpu.memory_space<semaphore_mem>>) src(%dma_wait3A_120 : memref<40000x128xbf16, #tpu.memory_space<hbm>>) dst(%arg10 : memref<128x128xbf16, #tpu.memory_space<vmem>>)
      %dma_start3A_121 = arith.constant 2 : i32
      %dma_start3A_122 = arith.constant 0 : i32
      %dma_start3A_123 = tpu.memref_slice %arg7[%dma_start3A_121, %dma_start3A_122] : memref<80x128xi32, #tpu.memory_space<vmem>> -> memref<1x128xi32, #tpu.memory_space<vmem>>
      %dma_start3A_124 = tpu.memref_squeeze %dma_start3A_123 : memref<1x128xi32, #tpu.memory_space<vmem>> -> memref<128xi32, #tpu.memory_space<vmem>>
      %dma_start3A_125 = arith.constant 0 : i32
      %dma_start3A_126 = arith.constant 0 : i32
      %dma_start3A_127 = tpu.memref_slice %arg14[%dma_start3A_125, %dma_start3A_126] : memref<10240x128xbf16, #tpu.memory_space<vmem_shared>> -> memref<10240x128xbf16, #tpu.memory_space<vmem_shared>>
      tpu.enqueue_indirect_dma source(%arg10 : memref<128x128xbf16, #tpu.memory_space<vmem>>) target(%dma_start3A_127 : memref<10240x128xbf16, #tpu.memory_space<vmem_shared>>) offsets(%dma_start3A_124 : memref<128xi32, #tpu.memory_space<vmem>>) semaphore(%arg19 : memref<!tpu.dma_semaphore, #tpu.memory_space<semaphore_mem>>) {add = true}
      %dma_wait3A_128 = arith.constant 3 : i32
      %dma_wait3A_129 = arith.constant 0 : i32
      %dma_wait3A_130 = tpu.memref_slice %arg6[%dma_wait3A_128, %dma_wait3A_129] : memref<80x128xi32, #tpu.memory_space<vmem>> -> memref<1x128xi32, #tpu.memory_space<vmem>>
      %dma_wait3A_131 = tpu.memref_squeeze %dma_wait3A_130 : memref<1x128xi32, #tpu.memory_space<vmem>> -> memref<128xi32, #tpu.memory_space<vmem>>
      %dma_wait3A_132 = arith.constant 0 : i32
      %dma_wait3A_133 = arith.constant 0 : i32
      %dma_wait3A_134 = tpu.memref_slice %arg2[%dma_wait3A_132, %dma_wait3A_133] : memref<40000x128xbf16, #tpu.memory_space<hbm>> -> memref<40000x128xbf16, #tpu.memory_space<hbm>>
      tpu.wait_indirect_dma semaphore(%arg16 : memref<!tpu.dma_semaphore, #tpu.memory_space<semaphore_mem>>) src(%dma_wait3A_134 : memref<40000x128xbf16, #tpu.memory_space<hbm>>) dst(%arg11 : memref<128x128xbf16, #tpu.memory_space<vmem>>)
      %dma_start3A_135 = arith.constant 3 : i32
      %dma_start3A_136 = arith.constant 0 : i32
      %dma_start3A_137 = tpu.memref_slice %arg7[%dma_start3A_135, %dma_start3A_136] : memref<80x128xi32, #tpu.memory_space<vmem>> -> memref<1x128xi32, #tpu.memory_space<vmem>>
      %dma_start3A_138 = tpu.memref_squeeze %dma_start3A_137 : memref<1x128xi32, #tpu.memory_space<vmem>> -> memref<128xi32, #tpu.memory_space<vmem>>
      %dma_start3A_139 = arith.constant 0 : i32
      %dma_start3A_140 = arith.constant 0 : i32
      %dma_start3A_141 = tpu.memref_slice %arg14[%dma_start3A_139, %dma_start3A_140] : memref<10240x128xbf16, #tpu.memory_space<vmem_shared>> -> memref<10240x128xbf16, #tpu.memory_space<vmem_shared>>
      tpu.enqueue_indirect_dma source(%arg11 : memref<128x128xbf16, #tpu.memory_space<vmem>>) target(%dma_start3A_141 : memref<10240x128xbf16, #tpu.memory_space<vmem_shared>>) offsets(%dma_start3A_138 : memref<128xi32, #tpu.memory_space<vmem>>) semaphore(%arg19 : memref<!tpu.dma_semaphore, #tpu.memory_space<semaphore_mem>>) {add = true}
      %scan3A_142 = arith.constant 0 : i32
      %scan3A_143 = arith.constant 0 : i32
      %scan3A_144 = arith.constant 12 : i32
      %scan3A_145 = arith.addi %scan3A_143, %scan3A_144 : i32
      %scan3A_146 = arith.constant 1 : i32
      scf.for %scan3A_324 = %scan3A_143 to %scan3A_145 step %scan3A_146  : i32 {
        %mul3A_325 = arith.constant 3 : i32
        %mul3A_326 = arith.muli %mul3A_325, %scan3A_324 : i32
        %add3A_327 = arith.constant 2 : i32
        %add3A_328 = arith.addi %mul3A_326, %add3A_327 : i32
        %sub3A = arith.constant 2 : i32
        %sub3A_329 = arith.subi %add3A_328, %sub3A : i32
        %mul3A_330 = arith.constant 2 : i32
        %mul3A_331 = arith.muli %mul3A_330, %sub3A_329 : i32
        %add3A_332 = arith.constant 0 : i32
        %add3A_333 = arith.addi %mul3A_331, %add3A_332 : i32
        %rem3A_334 = arith.constant 80 : i32
        %rem3A_335 = arith.remsi %add3A_333, %rem3A_334 : i32
        %dma_wait3A_336 = arith.constant 0 : i32
        %dma_wait3A_337 = tpu.memref_slice %arg7[%rem3A_335, %dma_wait3A_336] : memref<80x128xi32, #tpu.memory_space<vmem>> -> memref<1x128xi32, #tpu.memory_space<vmem>>
        %dma_wait3A_338 = tpu.memref_squeeze %dma_wait3A_337 : memref<1x128xi32, #tpu.memory_space<vmem>> -> memref<128xi32, #tpu.memory_space<vmem>>
        %dma_wait3A_339 = arith.constant 0 : i32
        %dma_wait3A_340 = arith.constant 0 : i32
        %dma_wait3A_341 = tpu.memref_slice %arg14[%dma_wait3A_339, %dma_wait3A_340] : memref<10240x128xbf16, #tpu.memory_space<vmem_shared>> -> memref<10240x128xbf16, #tpu.memory_space<vmem_shared>>
        tpu.wait_indirect_dma semaphore(%arg18 : memref<!tpu.dma_semaphore, #tpu.memory_space<semaphore_mem>>) src(%arg8 : memref<128x128xbf16, #tpu.memory_space<vmem>>) dst(%dma_wait3A_341 : memref<10240x128xbf16, #tpu.memory_space<vmem_shared>>)
        %sub3A_342 = arith.constant 2 : i32
        %sub3A_343 = arith.subi %add3A_328, %sub3A_342 : i32
        %mul3A_344 = arith.constant 2 : i32
        %mul3A_345 = arith.muli %mul3A_344, %sub3A_343 : i32
        %add3A_346 = arith.constant 1 : i32
        %add3A_347 = arith.addi %mul3A_345, %add3A_346 : i32
        %rem3A_348 = arith.constant 80 : i32
        %rem3A_349 = arith.remsi %add3A_347, %rem3A_348 : i32
        %dma_wait3A_350 = arith.constant 0 : i32
        %dma_wait3A_351 = tpu.memref_slice %arg7[%rem3A_349, %dma_wait3A_350] : memref<80x128xi32, #tpu.memory_space<vmem>> -> memref<1x128xi32, #tpu.memory_space<vmem>>
        %dma_wait3A_352 = tpu.memref_squeeze %dma_wait3A_351 : memref<1x128xi32, #tpu.memory_space<vmem>> -> memref<128xi32, #tpu.memory_space<vmem>>
        %dma_wait3A_353 = arith.constant 0 : i32
        %dma_wait3A_354 = arith.constant 0 : i32
        %dma_wait3A_355 = tpu.memref_slice %arg14[%dma_wait3A_353, %dma_wait3A_354] : memref<10240x128xbf16, #tpu.memory_space<vmem_shared>> -> memref<10240x128xbf16, #tpu.memory_space<vmem_shared>>
        tpu.wait_indirect_dma semaphore(%arg18 : memref<!tpu.dma_semaphore, #tpu.memory_space<semaphore_mem>>) src(%arg9 : memref<128x128xbf16, #tpu.memory_space<vmem>>) dst(%dma_wait3A_355 : memref<10240x128xbf16, #tpu.memory_space<vmem_shared>>)
        %add3A_356 = arith.constant 1 : i32
        %add3A_357 = arith.addi %add3A_328, %add3A_356 : i32
        %mul3A_358 = arith.constant 2 : i32
        %mul3A_359 = arith.muli %mul3A_358, %add3A_357 : i32
        %add3A_360 = arith.constant 0 : i32
        %add3A_361 = arith.addi %mul3A_359, %add3A_360 : i32
        %rem3A_362 = arith.constant 80 : i32
        %rem3A_363 = arith.remsi %add3A_361, %rem3A_362 : i32
        %dma_start3A_364 = arith.constant 0 : i32
        %dma_start3A_365 = tpu.memref_slice %arg6[%rem3A_363, %dma_start3A_364] : memref<80x128xi32, #tpu.memory_space<vmem>> -> memref<1x128xi32, #tpu.memory_space<vmem>>
        %dma_start3A_366 = tpu.memref_squeeze %dma_start3A_365 : memref<1x128xi32, #tpu.memory_space<vmem>> -> memref<128xi32, #tpu.memory_space<vmem>>
        %dma_start3A_367 = arith.constant 0 : i32
        %dma_start3A_368 = arith.constant 0 : i32
        %dma_start3A_369 = tpu.memref_slice %arg2[%dma_start3A_367, %dma_start3A_368] : memref<40000x128xbf16, #tpu.memory_space<hbm>> -> memref<40000x128xbf16, #tpu.memory_space<hbm>>
        tpu.enqueue_indirect_dma source(%dma_start3A_369 : memref<40000x128xbf16, #tpu.memory_space<hbm>>) target(%arg8 : memref<128x128xbf16, #tpu.memory_space<vmem>>) offsets(%dma_start3A_366 : memref<128xi32, #tpu.memory_space<vmem>>) semaphore(%arg15 : memref<!tpu.dma_semaphore, #tpu.memory_space<semaphore_mem>>)
        %add3A_370 = arith.constant 1 : i32
        %add3A_371 = arith.addi %add3A_328, %add3A_370 : i32
        %mul3A_372 = arith.constant 2 : i32
        %mul3A_373 = arith.muli %mul3A_372, %add3A_371 : i32
        %add3A_374 = arith.constant 1 : i32
        %add3A_375 = arith.addi %mul3A_373, %add3A_374 : i32
        %rem3A_376 = arith.constant 80 : i32
        %rem3A_377 = arith.remsi %add3A_375, %rem3A_376 : i32
        %dma_start3A_378 = arith.constant 0 : i32
        %dma_start3A_379 = tpu.memref_slice %arg6[%rem3A_377, %dma_start3A_378] : memref<80x128xi32, #tpu.memory_space<vmem>> -> memref<1x128xi32, #tpu.memory_space<vmem>>
        %dma_start3A_380 = tpu.memref_squeeze %dma_start3A_379 : memref<1x128xi32, #tpu.memory_space<vmem>> -> memref<128xi32, #tpu.memory_space<vmem>>
        %dma_start3A_381 = arith.constant 0 : i32
        %dma_start3A_382 = arith.constant 0 : i32
        %dma_start3A_383 = tpu.memref_slice %arg2[%dma_start3A_381, %dma_start3A_382] : memref<40000x128xbf16, #tpu.memory_space<hbm>> -> memref<40000x128xbf16, #tpu.memory_space<hbm>>
        tpu.enqueue_indirect_dma source(%dma_start3A_383 : memref<40000x128xbf16, #tpu.memory_space<hbm>>) target(%arg9 : memref<128x128xbf16, #tpu.memory_space<vmem>>) offsets(%dma_start3A_380 : memref<128xi32, #tpu.memory_space<vmem>>) semaphore(%arg15 : memref<!tpu.dma_semaphore, #tpu.memory_space<semaphore_mem>>)
        %mul3A_384 = arith.constant 2 : i32
        %mul3A_385 = arith.muli %mul3A_384, %add3A_328 : i32
        %add3A_386 = arith.constant 0 : i32
        %add3A_387 = arith.addi %mul3A_385, %add3A_386 : i32
        %dma_wait3A_388 = arith.constant 0 : i32
        %dma_wait3A_389 = tpu.memref_slice %arg6[%add3A_387, %dma_wait3A_388] : memref<80x128xi32, #tpu.memory_space<vmem>> -> memref<1x128xi32, #tpu.memory_space<vmem>>
        %dma_wait3A_390 = tpu.memref_squeeze %dma_wait3A_389 : memref<1x128xi32, #tpu.memory_space<vmem>> -> memref<128xi32, #tpu.memory_space<vmem>>
        %dma_wait3A_391 = arith.constant 0 : i32
        %dma_wait3A_392 = arith.constant 0 : i32
        %dma_wait3A_393 = tpu.memref_slice %arg2[%dma_wait3A_391, %dma_wait3A_392] : memref<40000x128xbf16, #tpu.memory_space<hbm>> -> memref<40000x128xbf16, #tpu.memory_space<hbm>>
        tpu.wait_indirect_dma semaphore(%arg17 : memref<!tpu.dma_semaphore, #tpu.memory_space<semaphore_mem>>) src(%dma_wait3A_393 : memref<40000x128xbf16, #tpu.memory_space<hbm>>) dst(%arg12 : memref<128x128xbf16, #tpu.memory_space<vmem>>)
        %dma_start3A_394 = arith.constant 0 : i32
        %dma_start3A_395 = tpu.memref_slice %arg7[%add3A_387, %dma_start3A_394] : memref<80x128xi32, #tpu.memory_space<vmem>> -> memref<1x128xi32, #tpu.memory_space<vmem>>
        %dma_start3A_396 = tpu.memref_squeeze %dma_start3A_395 : memref<1x128xi32, #tpu.memory_space<vmem>> -> memref<128xi32, #tpu.memory_space<vmem>>
        %dma_start3A_397 = arith.constant 0 : i32
        %dma_start3A_398 = arith.constant 0 : i32
        %dma_start3A_399 = tpu.memref_slice %arg14[%dma_start3A_397, %dma_start3A_398] : memref<10240x128xbf16, #tpu.memory_space<vmem_shared>> -> memref<10240x128xbf16, #tpu.memory_space<vmem_shared>>
        tpu.enqueue_indirect_dma source(%arg12 : memref<128x128xbf16, #tpu.memory_space<vmem>>) target(%dma_start3A_399 : memref<10240x128xbf16, #tpu.memory_space<vmem_shared>>) offsets(%dma_start3A_396 : memref<128xi32, #tpu.memory_space<vmem>>) semaphore(%arg20 : memref<!tpu.dma_semaphore, #tpu.memory_space<semaphore_mem>>) {add = true}
        %mul3A_400 = arith.constant 2 : i32
        %mul3A_401 = arith.muli %mul3A_400, %add3A_328 : i32
        %add3A_402 = arith.constant 1 : i32
        %add3A_403 = arith.addi %mul3A_401, %add3A_402 : i32
        %dma_wait3A_404 = arith.constant 0 : i32
        %dma_wait3A_405 = tpu.memref_slice %arg6[%add3A_403, %dma_wait3A_404] : memref<80x128xi32, #tpu.memory_space<vmem>> -> memref<1x128xi32, #tpu.memory_space<vmem>>
        %dma_wait3A_406 = tpu.memref_squeeze %dma_wait3A_405 : memref<1x128xi32, #tpu.memory_space<vmem>> -> memref<128xi32, #tpu.memory_space<vmem>>
        %dma_wait3A_407 = arith.constant 0 : i32
        %dma_wait3A_408 = arith.constant 0 : i32
        %dma_wait3A_409 = tpu.memref_slice %arg2[%dma_wait3A_407, %dma_wait3A_408] : memref<40000x128xbf16, #tpu.memory_space<hbm>> -> memref<40000x128xbf16, #tpu.memory_space<hbm>>
        tpu.wait_indirect_dma semaphore(%arg17 : memref<!tpu.dma_semaphore, #tpu.memory_space<semaphore_mem>>) src(%dma_wait3A_409 : memref<40000x128xbf16, #tpu.memory_space<hbm>>) dst(%arg13 : memref<128x128xbf16, #tpu.memory_space<vmem>>)
        %dma_start3A_410 = arith.constant 0 : i32
        %dma_start3A_411 = tpu.memref_slice %arg7[%add3A_403, %dma_start3A_410] : memref<80x128xi32, #tpu.memory_space<vmem>> -> memref<1x128xi32, #tpu.memory_space<vmem>>
        %dma_start3A_412 = tpu.memref_squeeze %dma_start3A_411 : memref<1x128xi32, #tpu.memory_space<vmem>> -> memref<128xi32, #tpu.memory_space<vmem>>
        %dma_start3A_413 = arith.constant 0 : i32
        %dma_start3A_414 = arith.constant 0 : i32
        %dma_start3A_415 = tpu.memref_slice %arg14[%dma_start3A_413, %dma_start3A_414] : memref<10240x128xbf16, #tpu.memory_space<vmem_shared>> -> memref<10240x128xbf16, #tpu.memory_space<vmem_shared>>
        tpu.enqueue_indirect_dma source(%arg13 : memref<128x128xbf16, #tpu.memory_space<vmem>>) target(%dma_start3A_415 : memref<10240x128xbf16, #tpu.memory_space<vmem_shared>>) offsets(%dma_start3A_412 : memref<128xi32, #tpu.memory_space<vmem>>) semaphore(%arg20 : memref<!tpu.dma_semaphore, #tpu.memory_space<semaphore_mem>>) {add = true}
        %add3A_416 = arith.constant 3 : i32
        %add3A_417 = arith.addi %mul3A_326, %add3A_416 : i32
        %sub3A_418 = arith.constant 2 : i32
        %sub3A_419 = arith.subi %add3A_417, %sub3A_418 : i32
        %mul3A_420 = arith.constant 2 : i32
        %mul3A_421 = arith.muli %mul3A_420, %sub3A_419 : i32
        %add3A_422 = arith.constant 0 : i32
        %add3A_423 = arith.addi %mul3A_421, %add3A_422 : i32
        %rem3A_424 = arith.constant 80 : i32
        %rem3A_425 = arith.remsi %add3A_423, %rem3A_424 : i32
        %dma_wait3A_426 = arith.constant 0 : i32
        %dma_wait3A_427 = tpu.memref_slice %arg7[%rem3A_425, %dma_wait3A_426] : memref<80x128xi32, #tpu.memory_space<vmem>> -> memref<1x128xi32, #tpu.memory_space<vmem>>
        %dma_wait3A_428 = tpu.memref_squeeze %dma_wait3A_427 : memref<1x128xi32, #tpu.memory_space<vmem>> -> memref<128xi32, #tpu.memory_space<vmem>>
        %dma_wait3A_429 = arith.constant 0 : i32
        %dma_wait3A_430 = arith.constant 0 : i32
        %dma_wait3A_431 = tpu.memref_slice %arg14[%dma_wait3A_429, %dma_wait3A_430] : memref<10240x128xbf16, #tpu.memory_space<vmem_shared>> -> memref<10240x128xbf16, #tpu.memory_space<vmem_shared>>
        tpu.wait_indirect_dma semaphore(%arg19 : memref<!tpu.dma_semaphore, #tpu.memory_space<semaphore_mem>>) src(%arg10 : memref<128x128xbf16, #tpu.memory_space<vmem>>) dst(%dma_wait3A_431 : memref<10240x128xbf16, #tpu.memory_space<vmem_shared>>)
        %sub3A_432 = arith.constant 2 : i32
        %sub3A_433 = arith.subi %add3A_417, %sub3A_432 : i32
        %mul3A_434 = arith.constant 2 : i32
        %mul3A_435 = arith.muli %mul3A_434, %sub3A_433 : i32
        %add3A_436 = arith.constant 1 : i32
        %add3A_437 = arith.addi %mul3A_435, %add3A_436 : i32
        %rem3A_438 = arith.constant 80 : i32
        %rem3A_439 = arith.remsi %add3A_437, %rem3A_438 : i32
        %dma_wait3A_440 = arith.constant 0 : i32
        %dma_wait3A_441 = tpu.memref_slice %arg7[%rem3A_439, %dma_wait3A_440] : memref<80x128xi32, #tpu.memory_space<vmem>> -> memref<1x128xi32, #tpu.memory_space<vmem>>
        %dma_wait3A_442 = tpu.memref_squeeze %dma_wait3A_441 : memref<1x128xi32, #tpu.memory_space<vmem>> -> memref<128xi32, #tpu.memory_space<vmem>>
        %dma_wait3A_443 = arith.constant 0 : i32
        %dma_wait3A_444 = arith.constant 0 : i32
        %dma_wait3A_445 = tpu.memref_slice %arg14[%dma_wait3A_443, %dma_wait3A_444] : memref<10240x128xbf16, #tpu.memory_space<vmem_shared>> -> memref<10240x128xbf16, #tpu.memory_space<vmem_shared>>
        tpu.wait_indirect_dma semaphore(%arg19 : memref<!tpu.dma_semaphore, #tpu.memory_space<semaphore_mem>>) src(%arg11 : memref<128x128xbf16, #tpu.memory_space<vmem>>) dst(%dma_wait3A_445 : memref<10240x128xbf16, #tpu.memory_space<vmem_shared>>)
        %add3A_446 = arith.constant 1 : i32
        %add3A_447 = arith.addi %add3A_417, %add3A_446 : i32
        %mul3A_448 = arith.constant 2 : i32
        %mul3A_449 = arith.muli %mul3A_448, %add3A_447 : i32
        %add3A_450 = arith.constant 0 : i32
        %add3A_451 = arith.addi %mul3A_449, %add3A_450 : i32
        %rem3A_452 = arith.constant 80 : i32
        %rem3A_453 = arith.remsi %add3A_451, %rem3A_452 : i32
        %dma_start3A_454 = arith.constant 0 : i32
        %dma_start3A_455 = tpu.memref_slice %arg6[%rem3A_453, %dma_start3A_454] : memref<80x128xi32, #tpu.memory_space<vmem>> -> memref<1x128xi32, #tpu.memory_space<vmem>>
        %dma_start3A_456 = tpu.memref_squeeze %dma_start3A_455 : memref<1x128xi32, #tpu.memory_space<vmem>> -> memref<128xi32, #tpu.memory_space<vmem>>
        %dma_start3A_457 = arith.constant 0 : i32
        %dma_start3A_458 = arith.constant 0 : i32
        %dma_start3A_459 = tpu.memref_slice %arg2[%dma_start3A_457, %dma_start3A_458] : memref<40000x128xbf16, #tpu.memory_space<hbm>> -> memref<40000x128xbf16, #tpu.memory_space<hbm>>
        tpu.enqueue_indirect_dma source(%dma_start3A_459 : memref<40000x128xbf16, #tpu.memory_space<hbm>>) target(%arg10 : memref<128x128xbf16, #tpu.memory_space<vmem>>) offsets(%dma_start3A_456 : memref<128xi32, #tpu.memory_space<vmem>>) semaphore(%arg16 : memref<!tpu.dma_semaphore, #tpu.memory_space<semaphore_mem>>)
        %add3A_460 = arith.constant 1 : i32
        %add3A_461 = arith.addi %add3A_417, %add3A_460 : i32
        %mul3A_462 = arith.constant 2 : i32
        %mul3A_463 = arith.muli %mul3A_462, %add3A_461 : i32
        %add3A_464 = arith.constant 1 : i32
        %add3A_465 = arith.addi %mul3A_463, %add3A_464 : i32
        %rem3A_466 = arith.constant 80 : i32
        %rem3A_467 = arith.remsi %add3A_465, %rem3A_466 : i32
        %dma_start3A_468 = arith.constant 0 : i32
        %dma_start3A_469 = tpu.memref_slice %arg6[%rem3A_467, %dma_start3A_468] : memref<80x128xi32, #tpu.memory_space<vmem>> -> memref<1x128xi32, #tpu.memory_space<vmem>>
        %dma_start3A_470 = tpu.memref_squeeze %dma_start3A_469 : memref<1x128xi32, #tpu.memory_space<vmem>> -> memref<128xi32, #tpu.memory_space<vmem>>
        %dma_start3A_471 = arith.constant 0 : i32
        %dma_start3A_472 = arith.constant 0 : i32
        %dma_start3A_473 = tpu.memref_slice %arg2[%dma_start3A_471, %dma_start3A_472] : memref<40000x128xbf16, #tpu.memory_space<hbm>> -> memref<40000x128xbf16, #tpu.memory_space<hbm>>
        tpu.enqueue_indirect_dma source(%dma_start3A_473 : memref<40000x128xbf16, #tpu.memory_space<hbm>>) target(%arg11 : memref<128x128xbf16, #tpu.memory_space<vmem>>) offsets(%dma_start3A_470 : memref<128xi32, #tpu.memory_space<vmem>>) semaphore(%arg16 : memref<!tpu.dma_semaphore, #tpu.memory_space<semaphore_mem>>)
        %mul3A_474 = arith.constant 2 : i32
        %mul3A_475 = arith.muli %mul3A_474, %add3A_417 : i32
        %add3A_476 = arith.constant 0 : i32
        %add3A_477 = arith.addi %mul3A_475, %add3A_476 : i32
        %dma_wait3A_478 = arith.constant 0 : i32
        %dma_wait3A_479 = tpu.memref_slice %arg6[%add3A_477, %dma_wait3A_478] : memref<80x128xi32, #tpu.memory_space<vmem>> -> memref<1x128xi32, #tpu.memory_space<vmem>>
        %dma_wait3A_480 = tpu.memref_squeeze %dma_wait3A_479 : memref<1x128xi32, #tpu.memory_space<vmem>> -> memref<128xi32, #tpu.memory_space<vmem>>
        %dma_wait3A_481 = arith.constant 0 : i32
        %dma_wait3A_482 = arith.constant 0 : i32
        %dma_wait3A_483 = tpu.memref_slice %arg2[%dma_wait3A_481, %dma_wait3A_482] : memref<40000x128xbf16, #tpu.memory_space<hbm>> -> memref<40000x128xbf16, #tpu.memory_space<hbm>>
        tpu.wait_indirect_dma semaphore(%arg15 : memref<!tpu.dma_semaphore, #tpu.memory_space<semaphore_mem>>) src(%dma_wait3A_483 : memref<40000x128xbf16, #tpu.memory_space<hbm>>) dst(%arg8 : memref<128x128xbf16, #tpu.memory_space<vmem>>)
        %dma_start3A_484 = arith.constant 0 : i32
        %dma_start3A_485 = tpu.memref_slice %arg7[%add3A_477, %dma_start3A_484] : memref<80x128xi32, #tpu.memory_space<vmem>> -> memref<1x128xi32, #tpu.memory_space<vmem>>
        %dma_start3A_486 = tpu.memref_squeeze %dma_start3A_485 : memref<1x128xi32, #tpu.memory_space<vmem>> -> memref<128xi32, #tpu.memory_space<vmem>>
        %dma_start3A_487 = arith.constant 0 : i32
        %dma_start3A_488 = arith.constant 0 : i32
        %dma_start3A_489 = tpu.memref_slice %arg14[%dma_start3A_487, %dma_start3A_488] : memref<10240x128xbf16, #tpu.memory_space<vmem_shared>> -> memref<10240x128xbf16, #tpu.memory_space<vmem_shared>>
        tpu.enqueue_indirect_dma source(%arg8 : memref<128x128xbf16, #tpu.memory_space<vmem>>) target(%dma_start3A_489 : memref<10240x128xbf16, #tpu.memory_space<vmem_shared>>) offsets(%dma_start3A_486 : memref<128xi32, #tpu.memory_space<vmem>>) semaphore(%arg18 : memref<!tpu.dma_semaphore, #tpu.memory_space<semaphore_mem>>) {add = true}
        %mul3A_490 = arith.constant 2 : i32
        %mul3A_491 = arith.muli %mul3A_490, %add3A_417 : i32
        %add3A_492 = arith.constant 1 : i32
        %add3A_493 = arith.addi %mul3A_491, %add3A_492 : i32
        %dma_wait3A_494 = arith.constant 0 : i32
        %dma_wait3A_495 = tpu.memref_slice %arg6[%add3A_493, %dma_wait3A_494] : memref<80x128xi32, #tpu.memory_space<vmem>> -> memref<1x128xi32, #tpu.memory_space<vmem>>
        %dma_wait3A_496 = tpu.memref_squeeze %dma_wait3A_495 : memref<1x128xi32, #tpu.memory_space<vmem>> -> memref<128xi32, #tpu.memory_space<vmem>>
        %dma_wait3A_497 = arith.constant 0 : i32
        %dma_wait3A_498 = arith.constant 0 : i32
        %dma_wait3A_499 = tpu.memref_slice %arg2[%dma_wait3A_497, %dma_wait3A_498] : memref<40000x128xbf16, #tpu.memory_space<hbm>> -> memref<40000x128xbf16, #tpu.memory_space<hbm>>
        tpu.wait_indirect_dma semaphore(%arg15 : memref<!tpu.dma_semaphore, #tpu.memory_space<semaphore_mem>>) src(%dma_wait3A_499 : memref<40000x128xbf16, #tpu.memory_space<hbm>>) dst(%arg9 : memref<128x128xbf16, #tpu.memory_space<vmem>>)
        %dma_start3A_500 = arith.constant 0 : i32
        %dma_start3A_501 = tpu.memref_slice %arg7[%add3A_493, %dma_start3A_500] : memref<80x128xi32, #tpu.memory_space<vmem>> -> memref<1x128xi32, #tpu.memory_space<vmem>>
        %dma_start3A_502 = tpu.memref_squeeze %dma_start3A_501 : memref<1x128xi32, #tpu.memory_space<vmem>> -> memref<128xi32, #tpu.memory_space<vmem>>
        %dma_start3A_503 = arith.constant 0 : i32
        %dma_start3A_504 = arith.constant 0 : i32
        %dma_start3A_505 = tpu.memref_slice %arg14[%dma_start3A_503, %dma_start3A_504] : memref<10240x128xbf16, #tpu.memory_space<vmem_shared>> -> memref<10240x128xbf16, #tpu.memory_space<vmem_shared>>
        tpu.enqueue_indirect_dma source(%arg9 : memref<128x128xbf16, #tpu.memory_space<vmem>>) target(%dma_start3A_505 : memref<10240x128xbf16, #tpu.memory_space<vmem_shared>>) offsets(%dma_start3A_502 : memref<128xi32, #tpu.memory_space<vmem>>) semaphore(%arg18 : memref<!tpu.dma_semaphore, #tpu.memory_space<semaphore_mem>>) {add = true}
        %add3A_506 = arith.constant 4 : i32
        %add3A_507 = arith.addi %mul3A_326, %add3A_506 : i32
        %sub3A_508 = arith.constant 2 : i32
        %sub3A_509 = arith.subi %add3A_507, %sub3A_508 : i32
        %mul3A_510 = arith.constant 2 : i32
        %mul3A_511 = arith.muli %mul3A_510, %sub3A_509 : i32
        %add3A_512 = arith.constant 0 : i32
        %add3A_513 = arith.addi %mul3A_511, %add3A_512 : i32
        %rem3A_514 = arith.constant 80 : i32
        %rem3A_515 = arith.remsi %add3A_513, %rem3A_514 : i32
        %dma_wait3A_516 = arith.constant 0 : i32
        %dma_wait3A_517 = tpu.memref_slice %arg7[%rem3A_515, %dma_wait3A_516] : memref<80x128xi32, #tpu.memory_space<vmem>> -> memref<1x128xi32, #tpu.memory_space<vmem>>
        %dma_wait3A_518 = tpu.memref_squeeze %dma_wait3A_517 : memref<1x128xi32, #tpu.memory_space<vmem>> -> memref<128xi32, #tpu.memory_space<vmem>>
        %dma_wait3A_519 = arith.constant 0 : i32
        %dma_wait3A_520 = arith.constant 0 : i32
        %dma_wait3A_521 = tpu.memref_slice %arg14[%dma_wait3A_519, %dma_wait3A_520] : memref<10240x128xbf16, #tpu.memory_space<vmem_shared>> -> memref<10240x128xbf16, #tpu.memory_space<vmem_shared>>
        tpu.wait_indirect_dma semaphore(%arg20 : memref<!tpu.dma_semaphore, #tpu.memory_space<semaphore_mem>>) src(%arg12 : memref<128x128xbf16, #tpu.memory_space<vmem>>) dst(%dma_wait3A_521 : memref<10240x128xbf16, #tpu.memory_space<vmem_shared>>)
        %sub3A_522 = arith.constant 2 : i32
        %sub3A_523 = arith.subi %add3A_507, %sub3A_522 : i32
        %mul3A_524 = arith.constant 2 : i32
        %mul3A_525 = arith.muli %mul3A_524, %sub3A_523 : i32
        %add3A_526 = arith.constant 1 : i32
        %add3A_527 = arith.addi %mul3A_525, %add3A_526 : i32
        %rem3A_528 = arith.constant 80 : i32
        %rem3A_529 = arith.remsi %add3A_527, %rem3A_528 : i32
        %dma_wait3A_530 = arith.constant 0 : i32
        %dma_wait3A_531 = tpu.memref_slice %arg7[%rem3A_529, %dma_wait3A_530] : memref<80x128xi32, #tpu.memory_space<vmem>> -> memref<1x128xi32, #tpu.memory_space<vmem>>
        %dma_wait3A_532 = tpu.memref_squeeze %dma_wait3A_531 : memref<1x128xi32, #tpu.memory_space<vmem>> -> memref<128xi32, #tpu.memory_space<vmem>>
        %dma_wait3A_533 = arith.constant 0 : i32
        %dma_wait3A_534 = arith.constant 0 : i32
        %dma_wait3A_535 = tpu.memref_slice %arg14[%dma_wait3A_533, %dma_wait3A_534] : memref<10240x128xbf16, #tpu.memory_space<vmem_shared>> -> memref<10240x128xbf16, #tpu.memory_space<vmem_shared>>
        tpu.wait_indirect_dma semaphore(%arg20 : memref<!tpu.dma_semaphore, #tpu.memory_space<semaphore_mem>>) src(%arg13 : memref<128x128xbf16, #tpu.memory_space<vmem>>) dst(%dma_wait3A_535 : memref<10240x128xbf16, #tpu.memory_space<vmem_shared>>)
        %add3A_536 = arith.constant 1 : i32
        %add3A_537 = arith.addi %add3A_507, %add3A_536 : i32
        %mul3A_538 = arith.constant 2 : i32
        %mul3A_539 = arith.muli %mul3A_538, %add3A_537 : i32
        %add3A_540 = arith.constant 0 : i32
        %add3A_541 = arith.addi %mul3A_539, %add3A_540 : i32
        %rem3A_542 = arith.constant 80 : i32
        %rem3A_543 = arith.remsi %add3A_541, %rem3A_542 : i32
        %dma_start3A_544 = arith.constant 0 : i32
        %dma_start3A_545 = tpu.memref_slice %arg6[%rem3A_543, %dma_start3A_544] : memref<80x128xi32, #tpu.memory_space<vmem>> -> memref<1x128xi32, #tpu.memory_space<vmem>>
        %dma_start3A_546 = tpu.memref_squeeze %dma_start3A_545 : memref<1x128xi32, #tpu.memory_space<vmem>> -> memref<128xi32, #tpu.memory_space<vmem>>
        %dma_start3A_547 = arith.constant 0 : i32
        %dma_start3A_548 = arith.constant 0 : i32
        %dma_start3A_549 = tpu.memref_slice %arg2[%dma_start3A_547, %dma_start3A_548] : memref<40000x128xbf16, #tpu.memory_space<hbm>> -> memref<40000x128xbf16, #tpu.memory_space<hbm>>
        tpu.enqueue_indirect_dma source(%dma_start3A_549 : memref<40000x128xbf16, #tpu.memory_space<hbm>>) target(%arg12 : memref<128x128xbf16, #tpu.memory_space<vmem>>) offsets(%dma_start3A_546 : memref<128xi32, #tpu.memory_space<vmem>>) semaphore(%arg17 : memref<!tpu.dma_semaphore, #tpu.memory_space<semaphore_mem>>)
        %add3A_550 = arith.constant 1 : i32
        %add3A_551 = arith.addi %add3A_507, %add3A_550 : i32
        %mul3A_552 = arith.constant 2 : i32
        %mul3A_553 = arith.muli %mul3A_552, %add3A_551 : i32
        %add3A_554 = arith.constant 1 : i32
        %add3A_555 = arith.addi %mul3A_553, %add3A_554 : i32
        %rem3A_556 = arith.constant 80 : i32
        %rem3A_557 = arith.remsi %add3A_555, %rem3A_556 : i32
        %dma_start3A_558 = arith.constant 0 : i32
        %dma_start3A_559 = tpu.memref_slice %arg6[%rem3A_557, %dma_start3A_558] : memref<80x128xi32, #tpu.memory_space<vmem>> -> memref<1x128xi32, #tpu.memory_space<vmem>>
        %dma_start3A_560 = tpu.memref_squeeze %dma_start3A_559 : memref<1x128xi32, #tpu.memory_space<vmem>> -> memref<128xi32, #tpu.memory_space<vmem>>
        %dma_start3A_561 = arith.constant 0 : i32
        %dma_start3A_562 = arith.constant 0 : i32
        %dma_start3A_563 = tpu.memref_slice %arg2[%dma_start3A_561, %dma_start3A_562] : memref<40000x128xbf16, #tpu.memory_space<hbm>> -> memref<40000x128xbf16, #tpu.memory_space<hbm>>
        tpu.enqueue_indirect_dma source(%dma_start3A_563 : memref<40000x128xbf16, #tpu.memory_space<hbm>>) target(%arg13 : memref<128x128xbf16, #tpu.memory_space<vmem>>) offsets(%dma_start3A_560 : memref<128xi32, #tpu.memory_space<vmem>>) semaphore(%arg17 : memref<!tpu.dma_semaphore, #tpu.memory_space<semaphore_mem>>)
        %mul3A_564 = arith.constant 2 : i32
        %mul3A_565 = arith.muli %mul3A_564, %add3A_507 : i32
        %add3A_566 = arith.constant 0 : i32
        %add3A_567 = arith.addi %mul3A_565, %add3A_566 : i32
        %dma_wait3A_568 = arith.constant 0 : i32
        %dma_wait3A_569 = tpu.memref_slice %arg6[%add3A_567, %dma_wait3A_568] : memref<80x128xi32, #tpu.memory_space<vmem>> -> memref<1x128xi32, #tpu.memory_space<vmem>>
        %dma_wait3A_570 = tpu.memref_squeeze %dma_wait3A_569 : memref<1x128xi32, #tpu.memory_space<vmem>> -> memref<128xi32, #tpu.memory_space<vmem>>
        %dma_wait3A_571 = arith.constant 0 : i32
        %dma_wait3A_572 = arith.constant 0 : i32
        %dma_wait3A_573 = tpu.memref_slice %arg2[%dma_wait3A_571, %dma_wait3A_572] : memref<40000x128xbf16, #tpu.memory_space<hbm>> -> memref<40000x128xbf16, #tpu.memory_space<hbm>>
        tpu.wait_indirect_dma semaphore(%arg16 : memref<!tpu.dma_semaphore, #tpu.memory_space<semaphore_mem>>) src(%dma_wait3A_573 : memref<40000x128xbf16, #tpu.memory_space<hbm>>) dst(%arg10 : memref<128x128xbf16, #tpu.memory_space<vmem>>)
        %dma_start3A_574 = arith.constant 0 : i32
        %dma_start3A_575 = tpu.memref_slice %arg7[%add3A_567, %dma_start3A_574] : memref<80x128xi32, #tpu.memory_space<vmem>> -> memref<1x128xi32, #tpu.memory_space<vmem>>
        %dma_start3A_576 = tpu.memref_squeeze %dma_start3A_575 : memref<1x128xi32, #tpu.memory_space<vmem>> -> memref<128xi32, #tpu.memory_space<vmem>>
        %dma_start3A_577 = arith.constant 0 : i32
        %dma_start3A_578 = arith.constant 0 : i32
        %dma_start3A_579 = tpu.memref_slice %arg14[%dma_start3A_577, %dma_start3A_578] : memref<10240x128xbf16, #tpu.memory_space<vmem_shared>> -> memref<10240x128xbf16, #tpu.memory_space<vmem_shared>>
        tpu.enqueue_indirect_dma source(%arg10 : memref<128x128xbf16, #tpu.memory_space<vmem>>) target(%dma_start3A_579 : memref<10240x128xbf16, #tpu.memory_space<vmem_shared>>) offsets(%dma_start3A_576 : memref<128xi32, #tpu.memory_space<vmem>>) semaphore(%arg19 : memref<!tpu.dma_semaphore, #tpu.memory_space<semaphore_mem>>) {add = true}
        %mul3A_580 = arith.constant 2 : i32
        %mul3A_581 = arith.muli %mul3A_580, %add3A_507 : i32
        %add3A_582 = arith.constant 1 : i32
        %add3A_583 = arith.addi %mul3A_581, %add3A_582 : i32
        %dma_wait3A_584 = arith.constant 0 : i32
        %dma_wait3A_585 = tpu.memref_slice %arg6[%add3A_583, %dma_wait3A_584] : memref<80x128xi32, #tpu.memory_space<vmem>> -> memref<1x128xi32, #tpu.memory_space<vmem>>
        %dma_wait3A_586 = tpu.memref_squeeze %dma_wait3A_585 : memref<1x128xi32, #tpu.memory_space<vmem>> -> memref<128xi32, #tpu.memory_space<vmem>>
        %dma_wait3A_587 = arith.constant 0 : i32
        %dma_wait3A_588 = arith.constant 0 : i32
        %dma_wait3A_589 = tpu.memref_slice %arg2[%dma_wait3A_587, %dma_wait3A_588] : memref<40000x128xbf16, #tpu.memory_space<hbm>> -> memref<40000x128xbf16, #tpu.memory_space<hbm>>
        tpu.wait_indirect_dma semaphore(%arg16 : memref<!tpu.dma_semaphore, #tpu.memory_space<semaphore_mem>>) src(%dma_wait3A_589 : memref<40000x128xbf16, #tpu.memory_space<hbm>>) dst(%arg11 : memref<128x128xbf16, #tpu.memory_space<vmem>>)
        %dma_start3A_590 = arith.constant 0 : i32
        %dma_start3A_591 = tpu.memref_slice %arg7[%add3A_583, %dma_start3A_590] : memref<80x128xi32, #tpu.memory_space<vmem>> -> memref<1x128xi32, #tpu.memory_space<vmem>>
        %dma_start3A_592 = tpu.memref_squeeze %dma_start3A_591 : memref<1x128xi32, #tpu.memory_space<vmem>> -> memref<128xi32, #tpu.memory_space<vmem>>
        %dma_start3A_593 = arith.constant 0 : i32
        %dma_start3A_594 = arith.constant 0 : i32
        %dma_start3A_595 = tpu.memref_slice %arg14[%dma_start3A_593, %dma_start3A_594] : memref<10240x128xbf16, #tpu.memory_space<vmem_shared>> -> memref<10240x128xbf16, #tpu.memory_space<vmem_shared>>
        tpu.enqueue_indirect_dma source(%arg11 : memref<128x128xbf16, #tpu.memory_space<vmem>>) target(%dma_start3A_595 : memref<10240x128xbf16, #tpu.memory_space<vmem_shared>>) offsets(%dma_start3A_592 : memref<128xi32, #tpu.memory_space<vmem>>) semaphore(%arg19 : memref<!tpu.dma_semaphore, #tpu.memory_space<semaphore_mem>>) {add = true}
      }
      %scan3A_147 = arith.constant 12 : i32
      %rem3A_148 = arith.constant 72 : i32
      %rem3A_149 = arith.constant 80 : i32
      %rem3A_150 = arith.remsi %rem3A_148, %rem3A_149 : i32
      %dma_wait3A_151 = arith.constant 0 : i32
      %dma_wait3A_152 = tpu.memref_slice %arg7[%rem3A_150, %dma_wait3A_151] : memref<80x128xi32, #tpu.memory_space<vmem>> -> memref<1x128xi32, #tpu.memory_space<vmem>>
      %dma_wait3A_153 = tpu.memref_squeeze %dma_wait3A_152 : memref<1x128xi32, #tpu.memory_space<vmem>> -> memref<128xi32, #tpu.memory_space<vmem>>
      %dma_wait3A_154 = arith.constant 0 : i32
      %dma_wait3A_155 = arith.constant 0 : i32
      %dma_wait3A_156 = tpu.memref_slice %arg14[%dma_wait3A_154, %dma_wait3A_155] : memref<10240x128xbf16, #tpu.memory_space<vmem_shared>> -> memref<10240x128xbf16, #tpu.memory_space<vmem_shared>>
      tpu.wait_indirect_dma semaphore(%arg18 : memref<!tpu.dma_semaphore, #tpu.memory_space<semaphore_mem>>) src(%arg8 : memref<128x128xbf16, #tpu.memory_space<vmem>>) dst(%dma_wait3A_156 : memref<10240x128xbf16, #tpu.memory_space<vmem_shared>>)
      %rem3A_157 = arith.constant 73 : i32
      %rem3A_158 = arith.constant 80 : i32
      %rem3A_159 = arith.remsi %rem3A_157, %rem3A_158 : i32
      %dma_wait3A_160 = arith.constant 0 : i32
      %dma_wait3A_161 = tpu.memref_slice %arg7[%rem3A_159, %dma_wait3A_160] : memref<80x128xi32, #tpu.memory_space<vmem>> -> memref<1x128xi32, #tpu.memory_space<vmem>>
      %dma_wait3A_162 = tpu.memref_squeeze %dma_wait3A_161 : memref<1x128xi32, #tpu.memory_space<vmem>> -> memref<128xi32, #tpu.memory_space<vmem>>
      %dma_wait3A_163 = arith.constant 0 : i32
      %dma_wait3A_164 = arith.constant 0 : i32
      %dma_wait3A_165 = tpu.memref_slice %arg14[%dma_wait3A_163, %dma_wait3A_164] : memref<10240x128xbf16, #tpu.memory_space<vmem_shared>> -> memref<10240x128xbf16, #tpu.memory_space<vmem_shared>>
      tpu.wait_indirect_dma semaphore(%arg18 : memref<!tpu.dma_semaphore, #tpu.memory_space<semaphore_mem>>) src(%arg9 : memref<128x128xbf16, #tpu.memory_space<vmem>>) dst(%dma_wait3A_165 : memref<10240x128xbf16, #tpu.memory_space<vmem_shared>>)
      %rem3A_166 = arith.constant 78 : i32
      %rem3A_167 = arith.constant 80 : i32
      %rem3A_168 = arith.remsi %rem3A_166, %rem3A_167 : i32
      %dma_start3A_169 = arith.constant 0 : i32
      %dma_start3A_170 = tpu.memref_slice %arg6[%rem3A_168, %dma_start3A_169] : memref<80x128xi32, #tpu.memory_space<vmem>> -> memref<1x128xi32, #tpu.memory_space<vmem>>
      %dma_start3A_171 = tpu.memref_squeeze %dma_start3A_170 : memref<1x128xi32, #tpu.memory_space<vmem>> -> memref<128xi32, #tpu.memory_space<vmem>>
      %dma_start3A_172 = arith.constant 0 : i32
      %dma_start3A_173 = arith.constant 0 : i32
      %dma_start3A_174 = tpu.memref_slice %arg2[%dma_start3A_172, %dma_start3A_173] : memref<40000x128xbf16, #tpu.memory_space<hbm>> -> memref<40000x128xbf16, #tpu.memory_space<hbm>>
      tpu.enqueue_indirect_dma source(%dma_start3A_174 : memref<40000x128xbf16, #tpu.memory_space<hbm>>) target(%arg8 : memref<128x128xbf16, #tpu.memory_space<vmem>>) offsets(%dma_start3A_171 : memref<128xi32, #tpu.memory_space<vmem>>) semaphore(%arg15 : memref<!tpu.dma_semaphore, #tpu.memory_space<semaphore_mem>>)
      %rem3A_175 = arith.constant 79 : i32
      %rem3A_176 = arith.constant 80 : i32
      %rem3A_177 = arith.remsi %rem3A_175, %rem3A_176 : i32
      %dma_start3A_178 = arith.constant 0 : i32
      %dma_start3A_179 = tpu.memref_slice %arg6[%rem3A_177, %dma_start3A_178] : memref<80x128xi32, #tpu.memory_space<vmem>> -> memref<1x128xi32, #tpu.memory_space<vmem>>
      %dma_start3A_180 = tpu.memref_squeeze %dma_start3A_179 : memref<1x128xi32, #tpu.memory_space<vmem>> -> memref<128xi32, #tpu.memory_space<vmem>>
      %dma_start3A_181 = arith.constant 0 : i32
      %dma_start3A_182 = arith.constant 0 : i32
      %dma_start3A_183 = tpu.memref_slice %arg2[%dma_start3A_181, %dma_start3A_182] : memref<40000x128xbf16, #tpu.memory_space<hbm>> -> memref<40000x128xbf16, #tpu.memory_space<hbm>>
      tpu.enqueue_indirect_dma source(%dma_start3A_183 : memref<40000x128xbf16, #tpu.memory_space<hbm>>) target(%arg9 : memref<128x128xbf16, #tpu.memory_space<vmem>>) offsets(%dma_start3A_180 : memref<128xi32, #tpu.memory_space<vmem>>) semaphore(%arg15 : memref<!tpu.dma_semaphore, #tpu.memory_space<semaphore_mem>>)
      %dma_wait3A_184 = arith.constant 76 : i32
      %dma_wait3A_185 = arith.constant 0 : i32
      %dma_wait3A_186 = tpu.memref_slice %arg6[%dma_wait3A_184, %dma_wait3A_185] : memref<80x128xi32, #tpu.memory_space<vmem>> -> memref<1x128xi32, #tpu.memory_space<vmem>>
      %dma_wait3A_187 = tpu.memref_squeeze %dma_wait3A_186 : memref<1x128xi32, #tpu.memory_space<vmem>> -> memref<128xi32, #tpu.memory_space<vmem>>
      %dma_wait3A_188 = arith.constant 0 : i32
      %dma_wait3A_189 = arith.constant 0 : i32
      %dma_wait3A_190 = tpu.memref_slice %arg2[%dma_wait3A_188, %dma_wait3A_189] : memref<40000x128xbf16, #tpu.memory_space<hbm>> -> memref<40000x128xbf16, #tpu.memory_space<hbm>>
      tpu.wait_indirect_dma semaphore(%arg17 : memref<!tpu.dma_semaphore, #tpu.memory_space<semaphore_mem>>) src(%dma_wait3A_190 : memref<40000x128xbf16, #tpu.memory_space<hbm>>) dst(%arg12 : memref<128x128xbf16, #tpu.memory_space<vmem>>)
      %dma_start3A_191 = arith.constant 76 : i32
      %dma_start3A_192 = arith.constant 0 : i32
      %dma_start3A_193 = tpu.memref_slice %arg7[%dma_start3A_191, %dma_start3A_192] : memref<80x128xi32, #tpu.memory_space<vmem>> -> memref<1x128xi32, #tpu.memory_space<vmem>>
      %dma_start3A_194 = tpu.memref_squeeze %dma_start3A_193 : memref<1x128xi32, #tpu.memory_space<vmem>> -> memref<128xi32, #tpu.memory_space<vmem>>
      %dma_start3A_195 = arith.constant 0 : i32
      %dma_start3A_196 = arith.constant 0 : i32
      %dma_start3A_197 = tpu.memref_slice %arg14[%dma_start3A_195, %dma_start3A_196] : memref<10240x128xbf16, #tpu.memory_space<vmem_shared>> -> memref<10240x128xbf16, #tpu.memory_space<vmem_shared>>
      tpu.enqueue_indirect_dma source(%arg12 : memref<128x128xbf16, #tpu.memory_space<vmem>>) target(%dma_start3A_197 : memref<10240x128xbf16, #tpu.memory_space<vmem_shared>>) offsets(%dma_start3A_194 : memref<128xi32, #tpu.memory_space<vmem>>) semaphore(%arg20 : memref<!tpu.dma_semaphore, #tpu.memory_space<semaphore_mem>>) {add = true}
      %dma_wait3A_198 = arith.constant 77 : i32
      %dma_wait3A_199 = arith.constant 0 : i32
      %dma_wait3A_200 = tpu.memref_slice %arg6[%dma_wait3A_198, %dma_wait3A_199] : memref<80x128xi32, #tpu.memory_space<vmem>> -> memref<1x128xi32, #tpu.memory_space<vmem>>
      %dma_wait3A_201 = tpu.memref_squeeze %dma_wait3A_200 : memref<1x128xi32, #tpu.memory_space<vmem>> -> memref<128xi32, #tpu.memory_space<vmem>>
      %dma_wait3A_202 = arith.constant 0 : i32
      %dma_wait3A_203 = arith.constant 0 : i32
      %dma_wait3A_204 = tpu.memref_slice %arg2[%dma_wait3A_202, %dma_wait3A_203] : memref<40000x128xbf16, #tpu.memory_space<hbm>> -> memref<40000x128xbf16, #tpu.memory_space<hbm>>
      tpu.wait_indirect_dma semaphore(%arg17 : memref<!tpu.dma_semaphore, #tpu.memory_space<semaphore_mem>>) src(%dma_wait3A_204 : memref<40000x128xbf16, #tpu.memory_space<hbm>>) dst(%arg13 : memref<128x128xbf16, #tpu.memory_space<vmem>>)
      %dma_start3A_205 = arith.constant 77 : i32
      %dma_start3A_206 = arith.constant 0 : i32
      %dma_start3A_207 = tpu.memref_slice %arg7[%dma_start3A_205, %dma_start3A_206] : memref<80x128xi32, #tpu.memory_space<vmem>> -> memref<1x128xi32, #tpu.memory_space<vmem>>
      %dma_start3A_208 = tpu.memref_squeeze %dma_start3A_207 : memref<1x128xi32, #tpu.memory_space<vmem>> -> memref<128xi32, #tpu.memory_space<vmem>>
      %dma_start3A_209 = arith.constant 0 : i32
      %dma_start3A_210 = arith.constant 0 : i32
      %dma_start3A_211 = tpu.memref_slice %arg14[%dma_start3A_209, %dma_start3A_210] : memref<10240x128xbf16, #tpu.memory_space<vmem_shared>> -> memref<10240x128xbf16, #tpu.memory_space<vmem_shared>>
      tpu.enqueue_indirect_dma source(%arg13 : memref<128x128xbf16, #tpu.memory_space<vmem>>) target(%dma_start3A_211 : memref<10240x128xbf16, #tpu.memory_space<vmem_shared>>) offsets(%dma_start3A_208 : memref<128xi32, #tpu.memory_space<vmem>>) semaphore(%arg20 : memref<!tpu.dma_semaphore, #tpu.memory_space<semaphore_mem>>) {add = true}
      %rem3A_212 = arith.constant 74 : i32
      %rem3A_213 = arith.constant 80 : i32
      %rem3A_214 = arith.remsi %rem3A_212, %rem3A_213 : i32
      %dma_wait3A_215 = arith.constant 0 : i32
      %dma_wait3A_216 = tpu.memref_slice %arg7[%rem3A_214, %dma_wait3A_215] : memref<80x128xi32, #tpu.memory_space<vmem>> -> memref<1x128xi32, #tpu.memory_space<vmem>>
      %dma_wait3A_217 = tpu.memref_squeeze %dma_wait3A_216 : memref<1x128xi32, #tpu.memory_space<vmem>> -> memref<128xi32, #tpu.memory_space<vmem>>
      %dma_wait3A_218 = arith.constant 0 : i32
      %dma_wait3A_219 = arith.constant 0 : i32
      %dma_wait3A_220 = tpu.memref_slice %arg14[%dma_wait3A_218, %dma_wait3A_219] : memref<10240x128xbf16, #tpu.memory_space<vmem_shared>> -> memref<10240x128xbf16, #tpu.memory_space<vmem_shared>>
      tpu.wait_indirect_dma semaphore(%arg19 : memref<!tpu.dma_semaphore, #tpu.memory_space<semaphore_mem>>) src(%arg10 : memref<128x128xbf16, #tpu.memory_space<vmem>>) dst(%dma_wait3A_220 : memref<10240x128xbf16, #tpu.memory_space<vmem_shared>>)
      %rem3A_221 = arith.constant 75 : i32
      %rem3A_222 = arith.constant 80 : i32
      %rem3A_223 = arith.remsi %rem3A_221, %rem3A_222 : i32
      %dma_wait3A_224 = arith.constant 0 : i32
      %dma_wait3A_225 = tpu.memref_slice %arg7[%rem3A_223, %dma_wait3A_224] : memref<80x128xi32, #tpu.memory_space<vmem>> -> memref<1x128xi32, #tpu.memory_space<vmem>>
      %dma_wait3A_226 = tpu.memref_squeeze %dma_wait3A_225 : memref<1x128xi32, #tpu.memory_space<vmem>> -> memref<128xi32, #tpu.memory_space<vmem>>
      %dma_wait3A_227 = arith.constant 0 : i32
      %dma_wait3A_228 = arith.constant 0 : i32
      %dma_wait3A_229 = tpu.memref_slice %arg14[%dma_wait3A_227, %dma_wait3A_228] : memref<10240x128xbf16, #tpu.memory_space<vmem_shared>> -> memref<10240x128xbf16, #tpu.memory_space<vmem_shared>>
      tpu.wait_indirect_dma semaphore(%arg19 : memref<!tpu.dma_semaphore, #tpu.memory_space<semaphore_mem>>) src(%arg11 : memref<128x128xbf16, #tpu.memory_space<vmem>>) dst(%dma_wait3A_229 : memref<10240x128xbf16, #tpu.memory_space<vmem_shared>>)
      %rem3A_230 = arith.constant 80 : i32
      %rem3A_231 = arith.constant 80 : i32
      %rem3A_232 = arith.remsi %rem3A_230, %rem3A_231 : i32
      %dma_start3A_233 = arith.constant 0 : i32
      %dma_start3A_234 = tpu.memref_slice %arg6[%rem3A_232, %dma_start3A_233] : memref<80x128xi32, #tpu.memory_space<vmem>> -> memref<1x128xi32, #tpu.memory_space<vmem>>
      %dma_start3A_235 = tpu.memref_squeeze %dma_start3A_234 : memref<1x128xi32, #tpu.memory_space<vmem>> -> memref<128xi32, #tpu.memory_space<vmem>>
      %dma_start3A_236 = arith.constant 0 : i32
      %dma_start3A_237 = arith.constant 0 : i32
      %dma_start3A_238 = tpu.memref_slice %arg2[%dma_start3A_236, %dma_start3A_237] : memref<40000x128xbf16, #tpu.memory_space<hbm>> -> memref<40000x128xbf16, #tpu.memory_space<hbm>>
      tpu.enqueue_indirect_dma source(%dma_start3A_238 : memref<40000x128xbf16, #tpu.memory_space<hbm>>) target(%arg10 : memref<128x128xbf16, #tpu.memory_space<vmem>>) offsets(%dma_start3A_235 : memref<128xi32, #tpu.memory_space<vmem>>) semaphore(%arg16 : memref<!tpu.dma_semaphore, #tpu.memory_space<semaphore_mem>>)
      %rem3A_239 = arith.constant 81 : i32
      %rem3A_240 = arith.constant 80 : i32
      %rem3A_241 = arith.remsi %rem3A_239, %rem3A_240 : i32
      %dma_start3A_242 = arith.constant 0 : i32
      %dma_start3A_243 = tpu.memref_slice %arg6[%rem3A_241, %dma_start3A_242] : memref<80x128xi32, #tpu.memory_space<vmem>> -> memref<1x128xi32, #tpu.memory_space<vmem>>
      %dma_start3A_244 = tpu.memref_squeeze %dma_start3A_243 : memref<1x128xi32, #tpu.memory_space<vmem>> -> memref<128xi32, #tpu.memory_space<vmem>>
      %dma_start3A_245 = arith.constant 0 : i32
      %dma_start3A_246 = arith.constant 0 : i32
      %dma_start3A_247 = tpu.memref_slice %arg2[%dma_start3A_245, %dma_start3A_246] : memref<40000x128xbf16, #tpu.memory_space<hbm>> -> memref<40000x128xbf16, #tpu.memory_space<hbm>>
      tpu.enqueue_indirect_dma source(%dma_start3A_247 : memref<40000x128xbf16, #tpu.memory_space<hbm>>) target(%arg11 : memref<128x128xbf16, #tpu.memory_space<vmem>>) offsets(%dma_start3A_244 : memref<128xi32, #tpu.memory_space<vmem>>) semaphore(%arg16 : memref<!tpu.dma_semaphore, #tpu.memory_space<semaphore_mem>>)
      %dma_wait3A_248 = arith.constant 78 : i32
      %dma_wait3A_249 = arith.constant 0 : i32
      %dma_wait3A_250 = tpu.memref_slice %arg6[%dma_wait3A_248, %dma_wait3A_249] : memref<80x128xi32, #tpu.memory_space<vmem>> -> memref<1x128xi32, #tpu.memory_space<vmem>>
      %dma_wait3A_251 = tpu.memref_squeeze %dma_wait3A_250 : memref<1x128xi32, #tpu.memory_space<vmem>> -> memref<128xi32, #tpu.memory_space<vmem>>
      %dma_wait3A_252 = arith.constant 0 : i32
      %dma_wait3A_253 = arith.constant 0 : i32
      %dma_wait3A_254 = tpu.memref_slice %arg2[%dma_wait3A_252, %dma_wait3A_253] : memref<40000x128xbf16, #tpu.memory_space<hbm>> -> memref<40000x128xbf16, #tpu.memory_space<hbm>>
      tpu.wait_indirect_dma semaphore(%arg15 : memref<!tpu.dma_semaphore, #tpu.memory_space<semaphore_mem>>) src(%dma_wait3A_254 : memref<40000x128xbf16, #tpu.memory_space<hbm>>) dst(%arg8 : memref<128x128xbf16, #tpu.memory_space<vmem>>)
      %dma_start3A_255 = arith.constant 78 : i32
      %dma_start3A_256 = arith.constant 0 : i32
      %dma_start3A_257 = tpu.memref_slice %arg7[%dma_start3A_255, %dma_start3A_256] : memref<80x128xi32, #tpu.memory_space<vmem>> -> memref<1x128xi32, #tpu.memory_space<vmem>>
      %dma_start3A_258 = tpu.memref_squeeze %dma_start3A_257 : memref<1x128xi32, #tpu.memory_space<vmem>> -> memref<128xi32, #tpu.memory_space<vmem>>
      %dma_start3A_259 = arith.constant 0 : i32
      %dma_start3A_260 = arith.constant 0 : i32
      %dma_start3A_261 = tpu.memref_slice %arg14[%dma_start3A_259, %dma_start3A_260] : memref<10240x128xbf16, #tpu.memory_space<vmem_shared>> -> memref<10240x128xbf16, #tpu.memory_space<vmem_shared>>
      tpu.enqueue_indirect_dma source(%arg8 : memref<128x128xbf16, #tpu.memory_space<vmem>>) target(%dma_start3A_261 : memref<10240x128xbf16, #tpu.memory_space<vmem_shared>>) offsets(%dma_start3A_258 : memref<128xi32, #tpu.memory_space<vmem>>) semaphore(%arg18 : memref<!tpu.dma_semaphore, #tpu.memory_space<semaphore_mem>>) {add = true}
      %dma_wait3A_262 = arith.constant 79 : i32
      %dma_wait3A_263 = arith.constant 0 : i32
      %dma_wait3A_264 = tpu.memref_slice %arg6[%dma_wait3A_262, %dma_wait3A_263] : memref<80x128xi32, #tpu.memory_space<vmem>> -> memref<1x128xi32, #tpu.memory_space<vmem>>
      %dma_wait3A_265 = tpu.memref_squeeze %dma_wait3A_264 : memref<1x128xi32, #tpu.memory_space<vmem>> -> memref<128xi32, #tpu.memory_space<vmem>>
      %dma_wait3A_266 = arith.constant 0 : i32
      %dma_wait3A_267 = arith.constant 0 : i32
      %dma_wait3A_268 = tpu.memref_slice %arg2[%dma_wait3A_266, %dma_wait3A_267] : memref<40000x128xbf16, #tpu.memory_space<hbm>> -> memref<40000x128xbf16, #tpu.memory_space<hbm>>
      tpu.wait_indirect_dma semaphore(%arg15 : memref<!tpu.dma_semaphore, #tpu.memory_space<semaphore_mem>>) src(%dma_wait3A_268 : memref<40000x128xbf16, #tpu.memory_space<hbm>>) dst(%arg9 : memref<128x128xbf16, #tpu.memory_space<vmem>>)
      %dma_start3A_269 = arith.constant 79 : i32
      %dma_start3A_270 = arith.constant 0 : i32
      %dma_start3A_271 = tpu.memref_slice %arg7[%dma_start3A_269, %dma_start3A_270] : memref<80x128xi32, #tpu.memory_space<vmem>> -> memref<1x128xi32, #tpu.memory_space<vmem>>
      %dma_start3A_272 = tpu.memref_squeeze %dma_start3A_271 : memref<1x128xi32, #tpu.memory_space<vmem>> -> memref<128xi32, #tpu.memory_space<vmem>>
      %dma_start3A_273 = arith.constant 0 : i32
      %dma_start3A_274 = arith.constant 0 : i32
      %dma_start3A_275 = tpu.memref_slice %arg14[%dma_start3A_273, %dma_start3A_274] : memref<10240x128xbf16, #tpu.memory_space<vmem_shared>> -> memref<10240x128xbf16, #tpu.memory_space<vmem_shared>>
      tpu.enqueue_indirect_dma source(%arg9 : memref<128x128xbf16, #tpu.memory_space<vmem>>) target(%dma_start3A_275 : memref<10240x128xbf16, #tpu.memory_space<vmem_shared>>) offsets(%dma_start3A_272 : memref<128xi32, #tpu.memory_space<vmem>>) semaphore(%arg18 : memref<!tpu.dma_semaphore, #tpu.memory_space<semaphore_mem>>) {add = true}
      %dma_wait3A_276 = arith.constant 76 : i32
      %dma_wait3A_277 = arith.constant 0 : i32
      %dma_wait3A_278 = tpu.memref_slice %arg7[%dma_wait3A_276, %dma_wait3A_277] : memref<80x128xi32, #tpu.memory_space<vmem>> -> memref<1x128xi32, #tpu.memory_space<vmem>>
      %dma_wait3A_279 = tpu.memref_squeeze %dma_wait3A_278 : memref<1x128xi32, #tpu.memory_space<vmem>> -> memref<128xi32, #tpu.memory_space<vmem>>
      %dma_wait3A_280 = arith.constant 0 : i32
      %dma_wait3A_281 = arith.constant 0 : i32
      %dma_wait3A_282 = tpu.memref_slice %arg14[%dma_wait3A_280, %dma_wait3A_281] : memref<10240x128xbf16, #tpu.memory_space<vmem_shared>> -> memref<10240x128xbf16, #tpu.memory_space<vmem_shared>>
      tpu.wait_indirect_dma semaphore(%arg20 : memref<!tpu.dma_semaphore, #tpu.memory_space<semaphore_mem>>) src(%arg12 : memref<128x128xbf16, #tpu.memory_space<vmem>>) dst(%dma_wait3A_282 : memref<10240x128xbf16, #tpu.memory_space<vmem_shared>>)
      %dma_wait3A_283 = arith.constant 77 : i32
      %dma_wait3A_284 = arith.constant 0 : i32
      %dma_wait3A_285 = tpu.memref_slice %arg7[%dma_wait3A_283, %dma_wait3A_284] : memref<80x128xi32, #tpu.memory_space<vmem>> -> memref<1x128xi32, #tpu.memory_space<vmem>>
      %dma_wait3A_286 = tpu.memref_squeeze %dma_wait3A_285 : memref<1x128xi32, #tpu.memory_space<vmem>> -> memref<128xi32, #tpu.memory_space<vmem>>
      %dma_wait3A_287 = arith.constant 0 : i32
      %dma_wait3A_288 = arith.constant 0 : i32
      %dma_wait3A_289 = tpu.memref_slice %arg14[%dma_wait3A_287, %dma_wait3A_288] : memref<10240x128xbf16, #tpu.memory_space<vmem_shared>> -> memref<10240x128xbf16, #tpu.memory_space<vmem_shared>>
      tpu.wait_indirect_dma semaphore(%arg20 : memref<!tpu.dma_semaphore, #tpu.memory_space<semaphore_mem>>) src(%arg13 : memref<128x128xbf16, #tpu.memory_space<vmem>>) dst(%dma_wait3A_289 : memref<10240x128xbf16, #tpu.memory_space<vmem_shared>>)
      %dma_wait3A_290 = arith.constant 78 : i32
      %dma_wait3A_291 = arith.constant 0 : i32
      %dma_wait3A_292 = tpu.memref_slice %arg7[%dma_wait3A_290, %dma_wait3A_291] : memref<80x128xi32, #tpu.memory_space<vmem>> -> memref<1x128xi32, #tpu.memory_space<vmem>>
      %dma_wait3A_293 = tpu.memref_squeeze %dma_wait3A_292 : memref<1x128xi32, #tpu.memory_space<vmem>> -> memref<128xi32, #tpu.memory_space<vmem>>
      %dma_wait3A_294 = arith.constant 0 : i32
      %dma_wait3A_295 = arith.constant 0 : i32
      %dma_wait3A_296 = tpu.memref_slice %arg14[%dma_wait3A_294, %dma_wait3A_295] : memref<10240x128xbf16, #tpu.memory_space<vmem_shared>> -> memref<10240x128xbf16, #tpu.memory_space<vmem_shared>>
      tpu.wait_indirect_dma semaphore(%arg18 : memref<!tpu.dma_semaphore, #tpu.memory_space<semaphore_mem>>) src(%arg8 : memref<128x128xbf16, #tpu.memory_space<vmem>>) dst(%dma_wait3A_296 : memref<10240x128xbf16, #tpu.memory_space<vmem_shared>>)
      %dma_wait3A_297 = arith.constant 79 : i32
      %dma_wait3A_298 = arith.constant 0 : i32
      %dma_wait3A_299 = tpu.memref_slice %arg7[%dma_wait3A_297, %dma_wait3A_298] : memref<80x128xi32, #tpu.memory_space<vmem>> -> memref<1x128xi32, #tpu.memory_space<vmem>>
      %dma_wait3A_300 = tpu.memref_squeeze %dma_wait3A_299 : memref<1x128xi32, #tpu.memory_space<vmem>> -> memref<128xi32, #tpu.memory_space<vmem>>
      %dma_wait3A_301 = arith.constant 0 : i32
      %dma_wait3A_302 = arith.constant 0 : i32
      %dma_wait3A_303 = tpu.memref_slice %arg14[%dma_wait3A_301, %dma_wait3A_302] : memref<10240x128xbf16, #tpu.memory_space<vmem_shared>> -> memref<10240x128xbf16, #tpu.memory_space<vmem_shared>>
      tpu.wait_indirect_dma semaphore(%arg18 : memref<!tpu.dma_semaphore, #tpu.memory_space<semaphore_mem>>) src(%arg9 : memref<128x128xbf16, #tpu.memory_space<vmem>>) dst(%dma_wait3A_303 : memref<10240x128xbf16, #tpu.memory_space<vmem_shared>>)
      %dma_wait3A_304 = arith.constant 0 : i32
      %dma_wait3A_305 = arith.constant 0 : i32
      %dma_wait3A_306 = tpu.memref_slice %arg6[%dma_wait3A_304, %dma_wait3A_305] : memref<80x128xi32, #tpu.memory_space<vmem>> -> memref<1x128xi32, #tpu.memory_space<vmem>>
      %dma_wait3A_307 = tpu.memref_squeeze %dma_wait3A_306 : memref<1x128xi32, #tpu.memory_space<vmem>> -> memref<128xi32, #tpu.memory_space<vmem>>
      %dma_wait3A_308 = arith.constant 0 : i32
      %dma_wait3A_309 = arith.constant 0 : i32
      %dma_wait3A_310 = tpu.memref_slice %arg2[%dma_wait3A_308, %dma_wait3A_309] : memref<40000x128xbf16, #tpu.memory_space<hbm>> -> memref<40000x128xbf16, #tpu.memory_space<hbm>>
      tpu.wait_indirect_dma semaphore(%arg16 : memref<!tpu.dma_semaphore, #tpu.memory_space<semaphore_mem>>) src(%dma_wait3A_310 : memref<40000x128xbf16, #tpu.memory_space<hbm>>) dst(%arg10 : memref<128x128xbf16, #tpu.memory_space<vmem>>)
      %dma_wait3A_311 = arith.constant 1 : i32
      %dma_wait3A_312 = arith.constant 0 : i32
      %dma_wait3A_313 = tpu.memref_slice %arg6[%dma_wait3A_311, %dma_wait3A_312] : memref<80x128xi32, #tpu.memory_space<vmem>> -> memref<1x128xi32, #tpu.memory_space<vmem>>
      %dma_wait3A_314 = tpu.memref_squeeze %dma_wait3A_313 : memref<1x128xi32, #tpu.memory_space<vmem>> -> memref<128xi32, #tpu.memory_space<vmem>>
      %dma_wait3A_315 = arith.constant 0 : i32
      %dma_wait3A_316 = arith.constant 0 : i32
      %dma_wait3A_317 = tpu.memref_slice %arg2[%dma_wait3A_315, %dma_wait3A_316] : memref<40000x128xbf16, #tpu.memory_space<hbm>> -> memref<40000x128xbf16, #tpu.memory_space<hbm>>
      tpu.wait_indirect_dma semaphore(%arg16 : memref<!tpu.dma_semaphore, #tpu.memory_space<semaphore_mem>>) src(%dma_wait3A_317 : memref<40000x128xbf16, #tpu.memory_space<hbm>>) dst(%arg11 : memref<128x128xbf16, #tpu.memory_space<vmem>>)
      %barrier3A_318 = arith.constant 0 : index
      tpu.barrier barrier_id(%barrier3A_318)
      %mul3A_319 = arith.constant 640 : i32
      %mul3A_320 = arith.muli %arg1, %mul3A_319 : i32
      %mul3A_321 = arith.constant 640 : i32
      %mul3A_322 = arith.muli %arg1, %mul3A_321 : i32
      "tpu.region"() ({
        %run_scoped3A = tpu.sem_alloc : memref<!tpu.dma_semaphore, #tpu.memory_space<semaphore_mem>>
        %dma_start3A_324 = arith.constant 0 : i32
        %dma_start3A_325 = tpu.memref_slice %arg5[%add3A, %mul3A_322, %dma_start3A_324] : memref<4x10240x128xbf16, #tpu.memory_space<hbm>> -> memref<1x640x128xbf16, #tpu.memory_space<hbm>>
        %dma_start3A_326 = tpu.memref_squeeze %dma_start3A_325 : memref<1x640x128xbf16, #tpu.memory_space<hbm>> -> memref<640x128xbf16, #tpu.memory_space<hbm>>
        %dma_start3A_327 = arith.constant 0 : i32
        %dma_start3A_328 = tpu.memref_slice %arg14[%mul3A_320, %dma_start3A_327] : memref<10240x128xbf16, #tpu.memory_space<vmem_shared>> -> memref<640x128xbf16, #tpu.memory_space<vmem_shared>>
        tpu.enqueue_dma source(%dma_start3A_328 : memref<640x128xbf16, #tpu.memory_space<vmem_shared>>) target(%dma_start3A_326 : memref<640x128xbf16, #tpu.memory_space<hbm>>) target_semaphore(%run_scoped3A : memref<!tpu.dma_semaphore, #tpu.memory_space<semaphore_mem>>)
        %dma_wait3A_329 = arith.constant 0 : i32
        %dma_wait3A_330 = tpu.memref_slice %arg5[%add3A, %mul3A_322, %dma_wait3A_329] : memref<4x10240x128xbf16, #tpu.memory_space<hbm>> -> memref<1x640x128xbf16, #tpu.memory_space<hbm>>
        %dma_wait3A_331 = tpu.memref_squeeze %dma_wait3A_330 : memref<1x640x128xbf16, #tpu.memory_space<hbm>> -> memref<640x128xbf16, #tpu.memory_space<hbm>>
        %dma_wait3A_332 = arith.constant 0 : i32
        %dma_wait3A_333 = tpu.memref_slice %arg14[%mul3A_320, %dma_wait3A_332] : memref<10240x128xbf16, #tpu.memory_space<vmem_shared>> -> memref<640x128xbf16, #tpu.memory_space<vmem_shared>>
        tpu.wait_dma2 semaphore(%run_scoped3A : memref<!tpu.dma_semaphore, #tpu.memory_space<semaphore_mem>>) src(%dma_wait3A_333 : memref<640x128xbf16, #tpu.memory_space<vmem_shared>>) dst(%dma_wait3A_331 : memref<640x128xbf16, #tpu.memory_space<hbm>>)
        tpu.yield
      }) : () -> ()
      %barrier3A_323 = arith.constant 0 : index
      tpu.barrier barrier_id(%barrier3A_323)
    }
    %scan3A_4 = arith.constant 2 : i32
    return
  }
}

#map = affine_map<(d0, d1) -> (0, 0)>
#map1 = affine_map<(d0, d1) -> (0, 0, 0)>
module attributes {stable_mosaic.version = 14 : i64} {
  func.func @_scatter_kernel(%arg0: i32, %arg1: i32, %arg2: memref<20000x128xbf16, #tpu.memory_space<hbm>>, %arg3: memref<16x80x128xi32, #tpu.memory_space<hbm>>, %arg4: memref<16x80x128xi32, #tpu.memory_space<hbm>>, %arg5: memref<2x10240x128xbf16, #tpu.memory_space<hbm>>, %arg6: memref<80x128xi32, #tpu.memory_space<vmem>>, %arg7: memref<80x128xi32, #tpu.memory_space<vmem>>, %arg8: memref<128x128xbf16, #tpu.memory_space<vmem>>, %arg9: memref<128x128xbf16, #tpu.memory_space<vmem>>, %arg10: memref<128x128xbf16, #tpu.memory_space<vmem>>, %arg11: memref<128x128xbf16, #tpu.memory_space<vmem>>, %arg12: memref<128x128xbf16, #tpu.memory_space<vmem>>, %arg13: memref<128x128xbf16, #tpu.memory_space<vmem>>, %arg14: memref<10240x128xbf16, #tpu.memory_space<vmem_shared>>, %arg15: memref<!tpu.dma_semaphore, #tpu.memory_space<semaphore_mem>>, %arg16: memref<!tpu.dma_semaphore, #tpu.memory_space<semaphore_mem>>, %arg17: memref<!tpu.dma_semaphore, #tpu.memory_space<semaphore_mem>>, %arg18: memref<!tpu.dma_semaphore, #tpu.memory_space<semaphore_mem>>, %arg19: memref<!tpu.dma_semaphore, #tpu.memory_space<semaphore_mem>>, %arg20: memref<!tpu.dma_semaphore, #tpu.memory_space<semaphore_mem>>) attributes {dimension_semantics = [#tpu.dimension_semantics<core_parallel>, #tpu.dimension_semantics<subcore_parallel>], iteration_bounds = array<i64: 2, 16>, scalar_prefetch = 0 : i64, scratch_operands = 15 : i64, tpu.core_type = #tpu.core_type<sc_vector_subcore>, window_params = [{transform_indices = #map}, {transform_indices = #map1}, {transform_indices = #map1}, {transform_indices = #map1}]} {
    "tpu.region"() ({
      %run_scoped3A = tpu.sem_alloc : memref<!tpu.dma_semaphore, #tpu.memory_space<semaphore_mem>>
      %dma_start3A_320 = arith.constant 0 : i32
      %dma_start3A_321 = arith.constant 0 : i32
      %dma_start3A_322 = tpu.memref_slice %arg4[%arg1, %dma_start3A_320, %dma_start3A_321] : memref<16x80x128xi32, #tpu.memory_space<hbm>> -> memref<1x80x128xi32, #tpu.memory_space<hbm>>
      %dma_start3A_323 = tpu.memref_squeeze %dma_start3A_322 : memref<1x80x128xi32, #tpu.memory_space<hbm>> -> memref<80x128xi32, #tpu.memory_space<hbm>>
      %dma_start3A_324 = arith.constant 0 : i32
      %dma_start3A_325 = arith.constant 0 : i32
      %dma_start3A_326 = tpu.memref_slice %arg4[%arg1, %dma_start3A_324, %dma_start3A_325] : memref<16x80x128xi32, #tpu.memory_space<hbm>> -> memref<1x80x128xi32, #tpu.memory_space<hbm>>
      %dma_start3A_327 = tpu.memref_squeeze %dma_start3A_326 : memref<1x80x128xi32, #tpu.memory_space<hbm>> -> memref<80x128xi32, #tpu.memory_space<hbm>>
      tpu.enqueue_dma source(%dma_start3A_327 : memref<80x128xi32, #tpu.memory_space<hbm>>) target(%arg7 : memref<80x128xi32, #tpu.memory_space<vmem>>) target_semaphore(%run_scoped3A : memref<!tpu.dma_semaphore, #tpu.memory_space<semaphore_mem>>)
      %dma_wait3A_328 = arith.constant 0 : i32
      %dma_wait3A_329 = arith.constant 0 : i32
      %dma_wait3A_330 = tpu.memref_slice %arg4[%arg1, %dma_wait3A_328, %dma_wait3A_329] : memref<16x80x128xi32, #tpu.memory_space<hbm>> -> memref<1x80x128xi32, #tpu.memory_space<hbm>>
      %dma_wait3A_331 = tpu.memref_squeeze %dma_wait3A_330 : memref<1x80x128xi32, #tpu.memory_space<hbm>> -> memref<80x128xi32, #tpu.memory_space<hbm>>
      %dma_wait3A_332 = arith.constant 0 : i32
      %dma_wait3A_333 = arith.constant 0 : i32
      %dma_wait3A_334 = tpu.memref_slice %arg4[%arg1, %dma_wait3A_332, %dma_wait3A_333] : memref<16x80x128xi32, #tpu.memory_space<hbm>> -> memref<1x80x128xi32, #tpu.memory_space<hbm>>
      %dma_wait3A_335 = tpu.memref_squeeze %dma_wait3A_334 : memref<1x80x128xi32, #tpu.memory_space<hbm>> -> memref<80x128xi32, #tpu.memory_space<hbm>>
      tpu.wait_dma2 semaphore(%run_scoped3A : memref<!tpu.dma_semaphore, #tpu.memory_space<semaphore_mem>>) src(%dma_wait3A_335 : memref<80x128xi32, #tpu.memory_space<hbm>>) dst(%arg7 : memref<80x128xi32, #tpu.memory_space<vmem>>)
      tpu.yield
    }) : () -> ()
    %scan3A = arith.constant 0 : i32
    %scan3A_0 = arith.constant 0 : i32
    %mul3A = arith.constant 1 : i32
    %mul3A_1 = arith.muli %arg0, %mul3A : i32
    %add3A = arith.addi %mul3A_1, %scan3A_0 : i32
    "tpu.region"() ({
      %run_scoped3A = tpu.sem_alloc : memref<!tpu.dma_semaphore, #tpu.memory_space<semaphore_mem>>
      %dma_start3A_320 = arith.constant 0 : i32
      %dma_start3A_321 = arith.constant 0 : i32
      %dma_start3A_322 = tpu.memref_slice %arg3[%arg1, %dma_start3A_320, %dma_start3A_321] : memref<16x80x128xi32, #tpu.memory_space<hbm>> -> memref<1x80x128xi32, #tpu.memory_space<hbm>>
      %dma_start3A_323 = tpu.memref_squeeze %dma_start3A_322 : memref<1x80x128xi32, #tpu.memory_space<hbm>> -> memref<80x128xi32, #tpu.memory_space<hbm>>
      %dma_start3A_324 = arith.constant 0 : i32
      %dma_start3A_325 = arith.constant 0 : i32
      %dma_start3A_326 = tpu.memref_slice %arg3[%arg1, %dma_start3A_324, %dma_start3A_325] : memref<16x80x128xi32, #tpu.memory_space<hbm>> -> memref<1x80x128xi32, #tpu.memory_space<hbm>>
      %dma_start3A_327 = tpu.memref_squeeze %dma_start3A_326 : memref<1x80x128xi32, #tpu.memory_space<hbm>> -> memref<80x128xi32, #tpu.memory_space<hbm>>
      tpu.enqueue_dma source(%dma_start3A_327 : memref<80x128xi32, #tpu.memory_space<hbm>>) target(%arg6 : memref<80x128xi32, #tpu.memory_space<vmem>>) target_semaphore(%run_scoped3A : memref<!tpu.dma_semaphore, #tpu.memory_space<semaphore_mem>>)
      %dma_wait3A_328 = arith.constant 0 : i32
      %dma_wait3A_329 = arith.constant 0 : i32
      %dma_wait3A_330 = tpu.memref_slice %arg3[%arg1, %dma_wait3A_328, %dma_wait3A_329] : memref<16x80x128xi32, #tpu.memory_space<hbm>> -> memref<1x80x128xi32, #tpu.memory_space<hbm>>
      %dma_wait3A_331 = tpu.memref_squeeze %dma_wait3A_330 : memref<1x80x128xi32, #tpu.memory_space<hbm>> -> memref<80x128xi32, #tpu.memory_space<hbm>>
      %dma_wait3A_332 = arith.constant 0 : i32
      %dma_wait3A_333 = arith.constant 0 : i32
      %dma_wait3A_334 = tpu.memref_slice %arg3[%arg1, %dma_wait3A_332, %dma_wait3A_333] : memref<16x80x128xi32, #tpu.memory_space<hbm>> -> memref<1x80x128xi32, #tpu.memory_space<hbm>>
      %dma_wait3A_335 = tpu.memref_squeeze %dma_wait3A_334 : memref<1x80x128xi32, #tpu.memory_space<hbm>> -> memref<80x128xi32, #tpu.memory_space<hbm>>
      tpu.wait_dma2 semaphore(%run_scoped3A : memref<!tpu.dma_semaphore, #tpu.memory_space<semaphore_mem>>) src(%dma_wait3A_335 : memref<80x128xi32, #tpu.memory_space<hbm>>) dst(%arg6 : memref<80x128xi32, #tpu.memory_space<vmem>>)
      tpu.yield
    }) : () -> ()
    %scan3A_2 = arith.constant 0 : i32
    %scan3A_3 = arith.constant 0 : i32
    %scan3A_4 = arith.constant 80 : i32
    %scan3A_5 = arith.addi %scan3A_3, %scan3A_4 : i32
    %scan3A_6 = arith.constant 1 : i32
    scf.for %scan3A_320 = %scan3A_3 to %scan3A_5 step %scan3A_6  : i32 {
      %get3A = arith.index_cast %scan3A_320 : i32 to index
      %get3A_321 = arith.constant 0 : index
      %get3A_322 = tpu.vector_load %arg6[%get3A, %get3A_321] {strides = array<i32>} : memref<80x128xi32, #tpu.memory_space<vmem>>, vector<1x16xi32>,
      %get3A_323 = vector.shape_cast %get3A_322 : vector<1x16xi32> to vector<16xi32>
      %mul3A_324 = arith.constant 2 : i32
      %mul3A_325 = vector.broadcast %mul3A_324 : i32 to vector<16xi32>
      %mul3A_326 = arith.muli %get3A_323, %mul3A_325 : vector<16xi32>
      %add3A_327 = vector.broadcast %add3A : i32 to vector<16xi32>
      %add3A_328 = arith.addi %mul3A_326, %add3A_327 : vector<16xi32>
      %swap3A = arith.index_cast %scan3A_320 : i32 to index
      %swap3A_329 = arith.constant 0 : index
      %swap3A_330 = tpu.vector_load %arg6[%swap3A, %swap3A_329] {strides = array<i32>} : memref<80x128xi32, #tpu.memory_space<vmem>>, vector<1x16xi32>,
      %swap3A_331 = vector.shape_cast %swap3A_330 : vector<1x16xi32> to vector<16xi32>
      %swap3A_332 = vector.shape_cast %add3A_328 : vector<16xi32> to vector<1x16xi32>
      tpu.vector_store %arg6[%swap3A, %swap3A_329], %swap3A_332 {strides = array<i32>} : memref<80x128xi32, #tpu.memory_space<vmem>>, vector<1x16xi32>,
      %get3A_333 = arith.index_cast %scan3A_320 : i32 to index
      %get3A_334 = arith.constant 16 : index
      %get3A_335 = tpu.vector_load %arg6[%get3A_333, %get3A_334] {strides = array<i32>} : memref<80x128xi32, #tpu.memory_space<vmem>>, vector<1x16xi32>,
      %get3A_336 = vector.shape_cast %get3A_335 : vector<1x16xi32> to vector<16xi32>
      %mul3A_337 = arith.constant 2 : i32
      %mul3A_338 = vector.broadcast %mul3A_337 : i32 to vector<16xi32>
      %mul3A_339 = arith.muli %get3A_336, %mul3A_338 : vector<16xi32>
      %add3A_340 = vector.broadcast %add3A : i32 to vector<16xi32>
      %add3A_341 = arith.addi %mul3A_339, %add3A_340 : vector<16xi32>
      %swap3A_342 = arith.index_cast %scan3A_320 : i32 to index
      %swap3A_343 = arith.constant 16 : index
      %swap3A_344 = tpu.vector_load %arg6[%swap3A_342, %swap3A_343] {strides = array<i32>} : memref<80x128xi32, #tpu.memory_space<vmem>>, vector<1x16xi32>,
      %swap3A_345 = vector.shape_cast %swap3A_344 : vector<1x16xi32> to vector<16xi32>
      %swap3A_346 = vector.shape_cast %add3A_341 : vector<16xi32> to vector<1x16xi32>
      tpu.vector_store %arg6[%swap3A_342, %swap3A_343], %swap3A_346 {strides = array<i32>} : memref<80x128xi32, #tpu.memory_space<vmem>>, vector<1x16xi32>,
      %get3A_347 = arith.index_cast %scan3A_320 : i32 to index
      %get3A_348 = arith.constant 32 : index
      %get3A_349 = tpu.vector_load %arg6[%get3A_347, %get3A_348] {strides = array<i32>} : memref<80x128xi32, #tpu.memory_space<vmem>>, vector<1x16xi32>,
      %get3A_350 = vector.shape_cast %get3A_349 : vector<1x16xi32> to vector<16xi32>
      %mul3A_351 = arith.constant 2 : i32
      %mul3A_352 = vector.broadcast %mul3A_351 : i32 to vector<16xi32>
      %mul3A_353 = arith.muli %get3A_350, %mul3A_352 : vector<16xi32>
      %add3A_354 = vector.broadcast %add3A : i32 to vector<16xi32>
      %add3A_355 = arith.addi %mul3A_353, %add3A_354 : vector<16xi32>
      %swap3A_356 = arith.index_cast %scan3A_320 : i32 to index
      %swap3A_357 = arith.constant 32 : index
      %swap3A_358 = tpu.vector_load %arg6[%swap3A_356, %swap3A_357] {strides = array<i32>} : memref<80x128xi32, #tpu.memory_space<vmem>>, vector<1x16xi32>,
      %swap3A_359 = vector.shape_cast %swap3A_358 : vector<1x16xi32> to vector<16xi32>
      %swap3A_360 = vector.shape_cast %add3A_355 : vector<16xi32> to vector<1x16xi32>
      tpu.vector_store %arg6[%swap3A_356, %swap3A_357], %swap3A_360 {strides = array<i32>} : memref<80x128xi32, #tpu.memory_space<vmem>>, vector<1x16xi32>,
      %get3A_361 = arith.index_cast %scan3A_320 : i32 to index
      %get3A_362 = arith.constant 48 : index
      %get3A_363 = tpu.vector_load %arg6[%get3A_361, %get3A_362] {strides = array<i32>} : memref<80x128xi32, #tpu.memory_space<vmem>>, vector<1x16xi32>,
      %get3A_364 = vector.shape_cast %get3A_363 : vector<1x16xi32> to vector<16xi32>
      %mul3A_365 = arith.constant 2 : i32
      %mul3A_366 = vector.broadcast %mul3A_365 : i32 to vector<16xi32>
      %mul3A_367 = arith.muli %get3A_364, %mul3A_366 : vector<16xi32>
      %add3A_368 = vector.broadcast %add3A : i32 to vector<16xi32>
      %add3A_369 = arith.addi %mul3A_367, %add3A_368 : vector<16xi32>
      %swap3A_370 = arith.index_cast %scan3A_320 : i32 to index
      %swap3A_371 = arith.constant 48 : index
      %swap3A_372 = tpu.vector_load %arg6[%swap3A_370, %swap3A_371] {strides = array<i32>} : memref<80x128xi32, #tpu.memory_space<vmem>>, vector<1x16xi32>,
      %swap3A_373 = vector.shape_cast %swap3A_372 : vector<1x16xi32> to vector<16xi32>
      %swap3A_374 = vector.shape_cast %add3A_369 : vector<16xi32> to vector<1x16xi32>
      tpu.vector_store %arg6[%swap3A_370, %swap3A_371], %swap3A_374 {strides = array<i32>} : memref<80x128xi32, #tpu.memory_space<vmem>>, vector<1x16xi32>,
      %get3A_375 = arith.index_cast %scan3A_320 : i32 to index
      %get3A_376 = arith.constant 64 : index
      %get3A_377 = tpu.vector_load %arg6[%get3A_375, %get3A_376] {strides = array<i32>} : memref<80x128xi32, #tpu.memory_space<vmem>>, vector<1x16xi32>,
      %get3A_378 = vector.shape_cast %get3A_377 : vector<1x16xi32> to vector<16xi32>
      %mul3A_379 = arith.constant 2 : i32
      %mul3A_380 = vector.broadcast %mul3A_379 : i32 to vector<16xi32>
      %mul3A_381 = arith.muli %get3A_378, %mul3A_380 : vector<16xi32>
      %add3A_382 = vector.broadcast %add3A : i32 to vector<16xi32>
      %add3A_383 = arith.addi %mul3A_381, %add3A_382 : vector<16xi32>
      %swap3A_384 = arith.index_cast %scan3A_320 : i32 to index
      %swap3A_385 = arith.constant 64 : index
      %swap3A_386 = tpu.vector_load %arg6[%swap3A_384, %swap3A_385] {strides = array<i32>} : memref<80x128xi32, #tpu.memory_space<vmem>>, vector<1x16xi32>,
      %swap3A_387 = vector.shape_cast %swap3A_386 : vector<1x16xi32> to vector<16xi32>
      %swap3A_388 = vector.shape_cast %add3A_383 : vector<16xi32> to vector<1x16xi32>
      tpu.vector_store %arg6[%swap3A_384, %swap3A_385], %swap3A_388 {strides = array<i32>} : memref<80x128xi32, #tpu.memory_space<vmem>>, vector<1x16xi32>,
      %get3A_389 = arith.index_cast %scan3A_320 : i32 to index
      %get3A_390 = arith.constant 80 : index
      %get3A_391 = tpu.vector_load %arg6[%get3A_389, %get3A_390] {strides = array<i32>} : memref<80x128xi32, #tpu.memory_space<vmem>>, vector<1x16xi32>,
      %get3A_392 = vector.shape_cast %get3A_391 : vector<1x16xi32> to vector<16xi32>
      %mul3A_393 = arith.constant 2 : i32
      %mul3A_394 = vector.broadcast %mul3A_393 : i32 to vector<16xi32>
      %mul3A_395 = arith.muli %get3A_392, %mul3A_394 : vector<16xi32>
      %add3A_396 = vector.broadcast %add3A : i32 to vector<16xi32>
      %add3A_397 = arith.addi %mul3A_395, %add3A_396 : vector<16xi32>
      %swap3A_398 = arith.index_cast %scan3A_320 : i32 to index
      %swap3A_399 = arith.constant 80 : index
      %swap3A_400 = tpu.vector_load %arg6[%swap3A_398, %swap3A_399] {strides = array<i32>} : memref<80x128xi32, #tpu.memory_space<vmem>>, vector<1x16xi32>,
      %swap3A_401 = vector.shape_cast %swap3A_400 : vector<1x16xi32> to vector<16xi32>
      %swap3A_402 = vector.shape_cast %add3A_397 : vector<16xi32> to vector<1x16xi32>
      tpu.vector_store %arg6[%swap3A_398, %swap3A_399], %swap3A_402 {strides = array<i32>} : memref<80x128xi32, #tpu.memory_space<vmem>>, vector<1x16xi32>,
      %get3A_403 = arith.index_cast %scan3A_320 : i32 to index
      %get3A_404 = arith.constant 96 : index
      %get3A_405 = tpu.vector_load %arg6[%get3A_403, %get3A_404] {strides = array<i32>} : memref<80x128xi32, #tpu.memory_space<vmem>>, vector<1x16xi32>,
      %get3A_406 = vector.shape_cast %get3A_405 : vector<1x16xi32> to vector<16xi32>
      %mul3A_407 = arith.constant 2 : i32
      %mul3A_408 = vector.broadcast %mul3A_407 : i32 to vector<16xi32>
      %mul3A_409 = arith.muli %get3A_406, %mul3A_408 : vector<16xi32>
      %add3A_410 = vector.broadcast %add3A : i32 to vector<16xi32>
      %add3A_411 = arith.addi %mul3A_409, %add3A_410 : vector<16xi32>
      %swap3A_412 = arith.index_cast %scan3A_320 : i32 to index
      %swap3A_413 = arith.constant 96 : index
      %swap3A_414 = tpu.vector_load %arg6[%swap3A_412, %swap3A_413] {strides = array<i32>} : memref<80x128xi32, #tpu.memory_space<vmem>>, vector<1x16xi32>,
      %swap3A_415 = vector.shape_cast %swap3A_414 : vector<1x16xi32> to vector<16xi32>
      %swap3A_416 = vector.shape_cast %add3A_411 : vector<16xi32> to vector<1x16xi32>
      tpu.vector_store %arg6[%swap3A_412, %swap3A_413], %swap3A_416 {strides = array<i32>} : memref<80x128xi32, #tpu.memory_space<vmem>>, vector<1x16xi32>,
      %get3A_417 = arith.index_cast %scan3A_320 : i32 to index
      %get3A_418 = arith.constant 112 : index
      %get3A_419 = tpu.vector_load %arg6[%get3A_417, %get3A_418] {strides = array<i32>} : memref<80x128xi32, #tpu.memory_space<vmem>>, vector<1x16xi32>,
      %get3A_420 = vector.shape_cast %get3A_419 : vector<1x16xi32> to vector<16xi32>
      %mul3A_421 = arith.constant 2 : i32
      %mul3A_422 = vector.broadcast %mul3A_421 : i32 to vector<16xi32>
      %mul3A_423 = arith.muli %get3A_420, %mul3A_422 : vector<16xi32>
      %add3A_424 = vector.broadcast %add3A : i32 to vector<16xi32>
      %add3A_425 = arith.addi %mul3A_423, %add3A_424 : vector<16xi32>
      %swap3A_426 = arith.index_cast %scan3A_320 : i32 to index
      %swap3A_427 = arith.constant 112 : index
      %swap3A_428 = tpu.vector_load %arg6[%swap3A_426, %swap3A_427] {strides = array<i32>} : memref<80x128xi32, #tpu.memory_space<vmem>>, vector<1x16xi32>,
      %swap3A_429 = vector.shape_cast %swap3A_428 : vector<1x16xi32> to vector<16xi32>
      %swap3A_430 = vector.shape_cast %add3A_425 : vector<16xi32> to vector<1x16xi32>
      tpu.vector_store %arg6[%swap3A_426, %swap3A_427], %swap3A_430 {strides = array<i32>} : memref<80x128xi32, #tpu.memory_space<vmem>>, vector<1x16xi32>,
    }
    %scan3A_7 = arith.constant 80 : i32
    %scan3A_8 = arith.constant 0 : i32
    %scan3A_9 = arith.constant 0 : i32
    %scan3A_10 = arith.constant 128 : i32
    %scan3A_11 = arith.addi %scan3A_9, %scan3A_10 : i32
    %scan3A_12 = arith.constant 1 : i32
    scf.for %scan3A_320 = %scan3A_9 to %scan3A_11 step %scan3A_12  : i32 {
      %broadcast_in_dim3A = arith.constant 0.000000e+00 : bf16
      %broadcast_in_dim3A_321 = vector.broadcast %broadcast_in_dim3A : bf16 to vector<32xbf16>
      %swap3A = arith.index_cast %scan3A_320 : i32 to index
      %swap3A_322 = arith.constant 0 : index
      %swap3A_323 = tpu.vector_load %arg8[%swap3A, %swap3A_322] {strides = array<i32>} : memref<128x128xbf16, #tpu.memory_space<vmem>>, vector<1x32xbf16>,
      %swap3A_324 = vector.shape_cast %swap3A_323 : vector<1x32xbf16> to vector<32xbf16>
      %swap3A_325 = vector.shape_cast %broadcast_in_dim3A_321 : vector<32xbf16> to vector<1x32xbf16>
      tpu.vector_store %arg8[%swap3A, %swap3A_322], %swap3A_325 {strides = array<i32>} : memref<128x128xbf16, #tpu.memory_space<vmem>>, vector<1x32xbf16>,
      %broadcast_in_dim3A_326 = arith.constant 0.000000e+00 : bf16
      %broadcast_in_dim3A_327 = vector.broadcast %broadcast_in_dim3A_326 : bf16 to vector<32xbf16>
      %swap3A_328 = arith.index_cast %scan3A_320 : i32 to index
      %swap3A_329 = arith.constant 32 : index
      %swap3A_330 = tpu.vector_load %arg8[%swap3A_328, %swap3A_329] {strides = array<i32>} : memref<128x128xbf16, #tpu.memory_space<vmem>>, vector<1x32xbf16>,
      %swap3A_331 = vector.shape_cast %swap3A_330 : vector<1x32xbf16> to vector<32xbf16>
      %swap3A_332 = vector.shape_cast %broadcast_in_dim3A_327 : vector<32xbf16> to vector<1x32xbf16>
      tpu.vector_store %arg8[%swap3A_328, %swap3A_329], %swap3A_332 {strides = array<i32>} : memref<128x128xbf16, #tpu.memory_space<vmem>>, vector<1x32xbf16>,
      %broadcast_in_dim3A_333 = arith.constant 0.000000e+00 : bf16
      %broadcast_in_dim3A_334 = vector.broadcast %broadcast_in_dim3A_333 : bf16 to vector<32xbf16>
      %swap3A_335 = arith.index_cast %scan3A_320 : i32 to index
      %swap3A_336 = arith.constant 64 : index
      %swap3A_337 = tpu.vector_load %arg8[%swap3A_335, %swap3A_336] {strides = array<i32>} : memref<128x128xbf16, #tpu.memory_space<vmem>>, vector<1x32xbf16>,
      %swap3A_338 = vector.shape_cast %swap3A_337 : vector<1x32xbf16> to vector<32xbf16>
      %swap3A_339 = vector.shape_cast %broadcast_in_dim3A_334 : vector<32xbf16> to vector<1x32xbf16>
      tpu.vector_store %arg8[%swap3A_335, %swap3A_336], %swap3A_339 {strides = array<i32>} : memref<128x128xbf16, #tpu.memory_space<vmem>>, vector<1x32xbf16>,
      %broadcast_in_dim3A_340 = arith.constant 0.000000e+00 : bf16
      %broadcast_in_dim3A_341 = vector.broadcast %broadcast_in_dim3A_340 : bf16 to vector<32xbf16>
      %swap3A_342 = arith.index_cast %scan3A_320 : i32 to index
      %swap3A_343 = arith.constant 96 : index
      %swap3A_344 = tpu.vector_load %arg8[%swap3A_342, %swap3A_343] {strides = array<i32>} : memref<128x128xbf16, #tpu.memory_space<vmem>>, vector<1x32xbf16>,
      %swap3A_345 = vector.shape_cast %swap3A_344 : vector<1x32xbf16> to vector<32xbf16>
      %swap3A_346 = vector.shape_cast %broadcast_in_dim3A_341 : vector<32xbf16> to vector<1x32xbf16>
      tpu.vector_store %arg8[%swap3A_342, %swap3A_343], %swap3A_346 {strides = array<i32>} : memref<128x128xbf16, #tpu.memory_space<vmem>>, vector<1x32xbf16>,
    }
    %scan3A_13 = arith.constant 128 : i32
    %mul3A_14 = arith.constant 640 : i32
    %mul3A_15 = arith.muli %arg1, %mul3A_14 : i32
    %add3A_16 = arith.constant 0 : i32
    %add3A_17 = arith.addi %mul3A_15, %add3A_16 : i32
    "tpu.region"() ({
      %run_scoped3A = tpu.sem_alloc : memref<!tpu.dma_semaphore, #tpu.memory_space<semaphore_mem>>
      %dma_start3A_320 = arith.constant 0 : i32
      %dma_start3A_321 = tpu.memref_slice %arg14[%add3A_17, %dma_start3A_320] : memref<10240x128xbf16, #tpu.memory_space<vmem_shared>> -> memref<128x128xbf16, #tpu.memory_space<vmem_shared>>
      %dma_start3A_322 = arith.constant 0 : i32
      %dma_start3A_323 = tpu.memref_slice %arg14[%add3A_17, %dma_start3A_322] : memref<10240x128xbf16, #tpu.memory_space<vmem_shared>> -> memref<128x128xbf16, #tpu.memory_space<vmem_shared>>
      tpu.enqueue_dma source(%arg8 : memref<128x128xbf16, #tpu.memory_space<vmem>>) target(%dma_start3A_323 : memref<128x128xbf16, #tpu.memory_space<vmem_shared>>) target_semaphore(%run_scoped3A : memref<!tpu.dma_semaphore, #tpu.memory_space<semaphore_mem>>)
      %dma_wait3A_324 = arith.constant 0 : i32
      %dma_wait3A_325 = tpu.memref_slice %arg14[%add3A_17, %dma_wait3A_324] : memref<10240x128xbf16, #tpu.memory_space<vmem_shared>> -> memref<128x128xbf16, #tpu.memory_space<vmem_shared>>
      %dma_wait3A_326 = arith.constant 0 : i32
      %dma_wait3A_327 = tpu.memref_slice %arg14[%add3A_17, %dma_wait3A_326] : memref<10240x128xbf16, #tpu.memory_space<vmem_shared>> -> memref<128x128xbf16, #tpu.memory_space<vmem_shared>>
      tpu.wait_dma2 semaphore(%run_scoped3A : memref<!tpu.dma_semaphore, #tpu.memory_space<semaphore_mem>>) src(%arg8 : memref<128x128xbf16, #tpu.memory_space<vmem>>) dst(%dma_wait3A_327 : memref<128x128xbf16, #tpu.memory_space<vmem_shared>>)
      tpu.yield
    }) : () -> ()
    %mul3A_18 = arith.constant 640 : i32
    %mul3A_19 = arith.muli %arg1, %mul3A_18 : i32
    %add3A_20 = arith.constant 128 : i32
    %add3A_21 = arith.addi %mul3A_19, %add3A_20 : i32
    "tpu.region"() ({
      %run_scoped3A = tpu.sem_alloc : memref<!tpu.dma_semaphore, #tpu.memory_space<semaphore_mem>>
      %dma_start3A_320 = arith.constant 0 : i32
      %dma_start3A_321 = tpu.memref_slice %arg14[%add3A_21, %dma_start3A_320] : memref<10240x128xbf16, #tpu.memory_space<vmem_shared>> -> memref<128x128xbf16, #tpu.memory_space<vmem_shared>>
      %dma_start3A_322 = arith.constant 0 : i32
      %dma_start3A_323 = tpu.memref_slice %arg14[%add3A_21, %dma_start3A_322] : memref<10240x128xbf16, #tpu.memory_space<vmem_shared>> -> memref<128x128xbf16, #tpu.memory_space<vmem_shared>>
      tpu.enqueue_dma source(%arg8 : memref<128x128xbf16, #tpu.memory_space<vmem>>) target(%dma_start3A_323 : memref<128x128xbf16, #tpu.memory_space<vmem_shared>>) target_semaphore(%run_scoped3A : memref<!tpu.dma_semaphore, #tpu.memory_space<semaphore_mem>>)
      %dma_wait3A_324 = arith.constant 0 : i32
      %dma_wait3A_325 = tpu.memref_slice %arg14[%add3A_21, %dma_wait3A_324] : memref<10240x128xbf16, #tpu.memory_space<vmem_shared>> -> memref<128x128xbf16, #tpu.memory_space<vmem_shared>>
      %dma_wait3A_326 = arith.constant 0 : i32
      %dma_wait3A_327 = tpu.memref_slice %arg14[%add3A_21, %dma_wait3A_326] : memref<10240x128xbf16, #tpu.memory_space<vmem_shared>> -> memref<128x128xbf16, #tpu.memory_space<vmem_shared>>
      tpu.wait_dma2 semaphore(%run_scoped3A : memref<!tpu.dma_semaphore, #tpu.memory_space<semaphore_mem>>) src(%arg8 : memref<128x128xbf16, #tpu.memory_space<vmem>>) dst(%dma_wait3A_327 : memref<128x128xbf16, #tpu.memory_space<vmem_shared>>)
      tpu.yield
    }) : () -> ()
    %mul3A_22 = arith.constant 640 : i32
    %mul3A_23 = arith.muli %arg1, %mul3A_22 : i32
    %add3A_24 = arith.constant 256 : i32
    %add3A_25 = arith.addi %mul3A_23, %add3A_24 : i32
    "tpu.region"() ({
      %run_scoped3A = tpu.sem_alloc : memref<!tpu.dma_semaphore, #tpu.memory_space<semaphore_mem>>
      %dma_start3A_320 = arith.constant 0 : i32
      %dma_start3A_321 = tpu.memref_slice %arg14[%add3A_25, %dma_start3A_320] : memref<10240x128xbf16, #tpu.memory_space<vmem_shared>> -> memref<128x128xbf16, #tpu.memory_space<vmem_shared>>
      %dma_start3A_322 = arith.constant 0 : i32
      %dma_start3A_323 = tpu.memref_slice %arg14[%add3A_25, %dma_start3A_322] : memref<10240x128xbf16, #tpu.memory_space<vmem_shared>> -> memref<128x128xbf16, #tpu.memory_space<vmem_shared>>
      tpu.enqueue_dma source(%arg8 : memref<128x128xbf16, #tpu.memory_space<vmem>>) target(%dma_start3A_323 : memref<128x128xbf16, #tpu.memory_space<vmem_shared>>) target_semaphore(%run_scoped3A : memref<!tpu.dma_semaphore, #tpu.memory_space<semaphore_mem>>)
      %dma_wait3A_324 = arith.constant 0 : i32
      %dma_wait3A_325 = tpu.memref_slice %arg14[%add3A_25, %dma_wait3A_324] : memref<10240x128xbf16, #tpu.memory_space<vmem_shared>> -> memref<128x128xbf16, #tpu.memory_space<vmem_shared>>
      %dma_wait3A_326 = arith.constant 0 : i32
      %dma_wait3A_327 = tpu.memref_slice %arg14[%add3A_25, %dma_wait3A_326] : memref<10240x128xbf16, #tpu.memory_space<vmem_shared>> -> memref<128x128xbf16, #tpu.memory_space<vmem_shared>>
      tpu.wait_dma2 semaphore(%run_scoped3A : memref<!tpu.dma_semaphore, #tpu.memory_space<semaphore_mem>>) src(%arg8 : memref<128x128xbf16, #tpu.memory_space<vmem>>) dst(%dma_wait3A_327 : memref<128x128xbf16, #tpu.memory_space<vmem_shared>>)
      tpu.yield
    }) : () -> ()
    %mul3A_26 = arith.constant 640 : i32
    %mul3A_27 = arith.muli %arg1, %mul3A_26 : i32
    %add3A_28 = arith.constant 384 : i32
    %add3A_29 = arith.addi %mul3A_27, %add3A_28 : i32
    "tpu.region"() ({
      %run_scoped3A = tpu.sem_alloc : memref<!tpu.dma_semaphore, #tpu.memory_space<semaphore_mem>>
      %dma_start3A_320 = arith.constant 0 : i32
      %dma_start3A_321 = tpu.memref_slice %arg14[%add3A_29, %dma_start3A_320] : memref<10240x128xbf16, #tpu.memory_space<vmem_shared>> -> memref<128x128xbf16, #tpu.memory_space<vmem_shared>>
      %dma_start3A_322 = arith.constant 0 : i32
      %dma_start3A_323 = tpu.memref_slice %arg14[%add3A_29, %dma_start3A_322] : memref<10240x128xbf16, #tpu.memory_space<vmem_shared>> -> memref<128x128xbf16, #tpu.memory_space<vmem_shared>>
      tpu.enqueue_dma source(%arg8 : memref<128x128xbf16, #tpu.memory_space<vmem>>) target(%dma_start3A_323 : memref<128x128xbf16, #tpu.memory_space<vmem_shared>>) target_semaphore(%run_scoped3A : memref<!tpu.dma_semaphore, #tpu.memory_space<semaphore_mem>>)
      %dma_wait3A_324 = arith.constant 0 : i32
      %dma_wait3A_325 = tpu.memref_slice %arg14[%add3A_29, %dma_wait3A_324] : memref<10240x128xbf16, #tpu.memory_space<vmem_shared>> -> memref<128x128xbf16, #tpu.memory_space<vmem_shared>>
      %dma_wait3A_326 = arith.constant 0 : i32
      %dma_wait3A_327 = tpu.memref_slice %arg14[%add3A_29, %dma_wait3A_326] : memref<10240x128xbf16, #tpu.memory_space<vmem_shared>> -> memref<128x128xbf16, #tpu.memory_space<vmem_shared>>
      tpu.wait_dma2 semaphore(%run_scoped3A : memref<!tpu.dma_semaphore, #tpu.memory_space<semaphore_mem>>) src(%arg8 : memref<128x128xbf16, #tpu.memory_space<vmem>>) dst(%dma_wait3A_327 : memref<128x128xbf16, #tpu.memory_space<vmem_shared>>)
      tpu.yield
    }) : () -> ()
    %mul3A_30 = arith.constant 640 : i32
    %mul3A_31 = arith.muli %arg1, %mul3A_30 : i32
    %add3A_32 = arith.constant 512 : i32
    %add3A_33 = arith.addi %mul3A_31, %add3A_32 : i32
    "tpu.region"() ({
      %run_scoped3A = tpu.sem_alloc : memref<!tpu.dma_semaphore, #tpu.memory_space<semaphore_mem>>
      %dma_start3A_320 = arith.constant 0 : i32
      %dma_start3A_321 = tpu.memref_slice %arg14[%add3A_33, %dma_start3A_320] : memref<10240x128xbf16, #tpu.memory_space<vmem_shared>> -> memref<128x128xbf16, #tpu.memory_space<vmem_shared>>
      %dma_start3A_322 = arith.constant 0 : i32
      %dma_start3A_323 = tpu.memref_slice %arg14[%add3A_33, %dma_start3A_322] : memref<10240x128xbf16, #tpu.memory_space<vmem_shared>> -> memref<128x128xbf16, #tpu.memory_space<vmem_shared>>
      tpu.enqueue_dma source(%arg8 : memref<128x128xbf16, #tpu.memory_space<vmem>>) target(%dma_start3A_323 : memref<128x128xbf16, #tpu.memory_space<vmem_shared>>) target_semaphore(%run_scoped3A : memref<!tpu.dma_semaphore, #tpu.memory_space<semaphore_mem>>)
      %dma_wait3A_324 = arith.constant 0 : i32
      %dma_wait3A_325 = tpu.memref_slice %arg14[%add3A_33, %dma_wait3A_324] : memref<10240x128xbf16, #tpu.memory_space<vmem_shared>> -> memref<128x128xbf16, #tpu.memory_space<vmem_shared>>
      %dma_wait3A_326 = arith.constant 0 : i32
      %dma_wait3A_327 = tpu.memref_slice %arg14[%add3A_33, %dma_wait3A_326] : memref<10240x128xbf16, #tpu.memory_space<vmem_shared>> -> memref<128x128xbf16, #tpu.memory_space<vmem_shared>>
      tpu.wait_dma2 semaphore(%run_scoped3A : memref<!tpu.dma_semaphore, #tpu.memory_space<semaphore_mem>>) src(%arg8 : memref<128x128xbf16, #tpu.memory_space<vmem>>) dst(%dma_wait3A_327 : memref<128x128xbf16, #tpu.memory_space<vmem_shared>>)
      tpu.yield
    }) : () -> ()
    %dma_start3A = arith.constant 0 : i32
    %dma_start3A_34 = arith.constant 0 : i32
    %dma_start3A_35 = tpu.memref_slice %arg6[%dma_start3A, %dma_start3A_34] : memref<80x128xi32, #tpu.memory_space<vmem>> -> memref<1x128xi32, #tpu.memory_space<vmem>>
    %dma_start3A_36 = tpu.memref_squeeze %dma_start3A_35 : memref<1x128xi32, #tpu.memory_space<vmem>> -> memref<128xi32, #tpu.memory_space<vmem>>
    %dma_start3A_37 = arith.constant 0 : i32
    %dma_start3A_38 = arith.constant 0 : i32
    %dma_start3A_39 = tpu.memref_slice %arg2[%dma_start3A_37, %dma_start3A_38] : memref<20000x128xbf16, #tpu.memory_space<hbm>> -> memref<20000x128xbf16, #tpu.memory_space<hbm>>
    tpu.enqueue_indirect_dma source(%dma_start3A_39 : memref<20000x128xbf16, #tpu.memory_space<hbm>>) target(%arg8 : memref<128x128xbf16, #tpu.memory_space<vmem>>) offsets(%dma_start3A_36 : memref<128xi32, #tpu.memory_space<vmem>>) semaphore(%arg15 : memref<!tpu.dma_semaphore, #tpu.memory_space<semaphore_mem>>)
    %dma_start3A_40 = arith.constant 1 : i32
    %dma_start3A_41 = arith.constant 0 : i32
    %dma_start3A_42 = tpu.memref_slice %arg6[%dma_start3A_40, %dma_start3A_41] : memref<80x128xi32, #tpu.memory_space<vmem>> -> memref<1x128xi32, #tpu.memory_space<vmem>>
    %dma_start3A_43 = tpu.memref_squeeze %dma_start3A_42 : memref<1x128xi32, #tpu.memory_space<vmem>> -> memref<128xi32, #tpu.memory_space<vmem>>
    %dma_start3A_44 = arith.constant 0 : i32
    %dma_start3A_45 = arith.constant 0 : i32
    %dma_start3A_46 = tpu.memref_slice %arg2[%dma_start3A_44, %dma_start3A_45] : memref<20000x128xbf16, #tpu.memory_space<hbm>> -> memref<20000x128xbf16, #tpu.memory_space<hbm>>
    tpu.enqueue_indirect_dma source(%dma_start3A_46 : memref<20000x128xbf16, #tpu.memory_space<hbm>>) target(%arg9 : memref<128x128xbf16, #tpu.memory_space<vmem>>) offsets(%dma_start3A_43 : memref<128xi32, #tpu.memory_space<vmem>>) semaphore(%arg15 : memref<!tpu.dma_semaphore, #tpu.memory_space<semaphore_mem>>)
    %barrier3A = arith.constant 0 : index
    tpu.barrier barrier_id(%barrier3A)
    %rem3A = arith.constant 2 : i32
    %rem3A_47 = arith.constant 80 : i32
    %rem3A_48 = arith.remsi %rem3A, %rem3A_47 : i32
    %dma_start3A_49 = arith.constant 0 : i32
    %dma_start3A_50 = tpu.memref_slice %arg6[%rem3A_48, %dma_start3A_49] : memref<80x128xi32, #tpu.memory_space<vmem>> -> memref<1x128xi32, #tpu.memory_space<vmem>>
    %dma_start3A_51 = tpu.memref_squeeze %dma_start3A_50 : memref<1x128xi32, #tpu.memory_space<vmem>> -> memref<128xi32, #tpu.memory_space<vmem>>
    %dma_start3A_52 = arith.constant 0 : i32
    %dma_start3A_53 = arith.constant 0 : i32
    %dma_start3A_54 = tpu.memref_slice %arg2[%dma_start3A_52, %dma_start3A_53] : memref<20000x128xbf16, #tpu.memory_space<hbm>> -> memref<20000x128xbf16, #tpu.memory_space<hbm>>
    tpu.enqueue_indirect_dma source(%dma_start3A_54 : memref<20000x128xbf16, #tpu.memory_space<hbm>>) target(%arg10 : memref<128x128xbf16, #tpu.memory_space<vmem>>) offsets(%dma_start3A_51 : memref<128xi32, #tpu.memory_space<vmem>>) semaphore(%arg16 : memref<!tpu.dma_semaphore, #tpu.memory_space<semaphore_mem>>)
    %rem3A_55 = arith.constant 3 : i32
    %rem3A_56 = arith.constant 80 : i32
    %rem3A_57 = arith.remsi %rem3A_55, %rem3A_56 : i32
    %dma_start3A_58 = arith.constant 0 : i32
    %dma_start3A_59 = tpu.memref_slice %arg6[%rem3A_57, %dma_start3A_58] : memref<80x128xi32, #tpu.memory_space<vmem>> -> memref<1x128xi32, #tpu.memory_space<vmem>>
    %dma_start3A_60 = tpu.memref_squeeze %dma_start3A_59 : memref<1x128xi32, #tpu.memory_space<vmem>> -> memref<128xi32, #tpu.memory_space<vmem>>
    %dma_start3A_61 = arith.constant 0 : i32
    %dma_start3A_62 = arith.constant 0 : i32
    %dma_start3A_63 = tpu.memref_slice %arg2[%dma_start3A_61, %dma_start3A_62] : memref<20000x128xbf16, #tpu.memory_space<hbm>> -> memref<20000x128xbf16, #tpu.memory_space<hbm>>
    tpu.enqueue_indirect_dma source(%dma_start3A_63 : memref<20000x128xbf16, #tpu.memory_space<hbm>>) target(%arg11 : memref<128x128xbf16, #tpu.memory_space<vmem>>) offsets(%dma_start3A_60 : memref<128xi32, #tpu.memory_space<vmem>>) semaphore(%arg16 : memref<!tpu.dma_semaphore, #tpu.memory_space<semaphore_mem>>)
    %dma_wait3A = arith.constant 0 : i32
    %dma_wait3A_64 = arith.constant 0 : i32
    %dma_wait3A_65 = tpu.memref_slice %arg6[%dma_wait3A, %dma_wait3A_64] : memref<80x128xi32, #tpu.memory_space<vmem>> -> memref<1x128xi32, #tpu.memory_space<vmem>>
    %dma_wait3A_66 = tpu.memref_squeeze %dma_wait3A_65 : memref<1x128xi32, #tpu.memory_space<vmem>> -> memref<128xi32, #tpu.memory_space<vmem>>
    %dma_wait3A_67 = arith.constant 0 : i32
    %dma_wait3A_68 = arith.constant 0 : i32
    %dma_wait3A_69 = tpu.memref_slice %arg2[%dma_wait3A_67, %dma_wait3A_68] : memref<20000x128xbf16, #tpu.memory_space<hbm>> -> memref<20000x128xbf16, #tpu.memory_space<hbm>>
    tpu.wait_indirect_dma semaphore(%arg15 : memref<!tpu.dma_semaphore, #tpu.memory_space<semaphore_mem>>) src(%dma_wait3A_69 : memref<20000x128xbf16, #tpu.memory_space<hbm>>) dst(%arg8 : memref<128x128xbf16, #tpu.memory_space<vmem>>)
    %dma_start3A_70 = arith.constant 0 : i32
    %dma_start3A_71 = arith.constant 0 : i32
    %dma_start3A_72 = tpu.memref_slice %arg7[%dma_start3A_70, %dma_start3A_71] : memref<80x128xi32, #tpu.memory_space<vmem>> -> memref<1x128xi32, #tpu.memory_space<vmem>>
    %dma_start3A_73 = tpu.memref_squeeze %dma_start3A_72 : memref<1x128xi32, #tpu.memory_space<vmem>> -> memref<128xi32, #tpu.memory_space<vmem>>
    %dma_start3A_74 = arith.constant 0 : i32
    %dma_start3A_75 = arith.constant 0 : i32
    %dma_start3A_76 = tpu.memref_slice %arg14[%dma_start3A_74, %dma_start3A_75] : memref<10240x128xbf16, #tpu.memory_space<vmem_shared>> -> memref<10240x128xbf16, #tpu.memory_space<vmem_shared>>
    tpu.enqueue_indirect_dma source(%arg8 : memref<128x128xbf16, #tpu.memory_space<vmem>>) target(%dma_start3A_76 : memref<10240x128xbf16, #tpu.memory_space<vmem_shared>>) offsets(%dma_start3A_73 : memref<128xi32, #tpu.memory_space<vmem>>) semaphore(%arg18 : memref<!tpu.dma_semaphore, #tpu.memory_space<semaphore_mem>>) {add = true}
    %dma_wait3A_77 = arith.constant 1 : i32
    %dma_wait3A_78 = arith.constant 0 : i32
    %dma_wait3A_79 = tpu.memref_slice %arg6[%dma_wait3A_77, %dma_wait3A_78] : memref<80x128xi32, #tpu.memory_space<vmem>> -> memref<1x128xi32, #tpu.memory_space<vmem>>
    %dma_wait3A_80 = tpu.memref_squeeze %dma_wait3A_79 : memref<1x128xi32, #tpu.memory_space<vmem>> -> memref<128xi32, #tpu.memory_space<vmem>>
    %dma_wait3A_81 = arith.constant 0 : i32
    %dma_wait3A_82 = arith.constant 0 : i32
    %dma_wait3A_83 = tpu.memref_slice %arg2[%dma_wait3A_81, %dma_wait3A_82] : memref<20000x128xbf16, #tpu.memory_space<hbm>> -> memref<20000x128xbf16, #tpu.memory_space<hbm>>
    tpu.wait_indirect_dma semaphore(%arg15 : memref<!tpu.dma_semaphore, #tpu.memory_space<semaphore_mem>>) src(%dma_wait3A_83 : memref<20000x128xbf16, #tpu.memory_space<hbm>>) dst(%arg9 : memref<128x128xbf16, #tpu.memory_space<vmem>>)
    %dma_start3A_84 = arith.constant 1 : i32
    %dma_start3A_85 = arith.constant 0 : i32
    %dma_start3A_86 = tpu.memref_slice %arg7[%dma_start3A_84, %dma_start3A_85] : memref<80x128xi32, #tpu.memory_space<vmem>> -> memref<1x128xi32, #tpu.memory_space<vmem>>
    %dma_start3A_87 = tpu.memref_squeeze %dma_start3A_86 : memref<1x128xi32, #tpu.memory_space<vmem>> -> memref<128xi32, #tpu.memory_space<vmem>>
    %dma_start3A_88 = arith.constant 0 : i32
    %dma_start3A_89 = arith.constant 0 : i32
    %dma_start3A_90 = tpu.memref_slice %arg14[%dma_start3A_88, %dma_start3A_89] : memref<10240x128xbf16, #tpu.memory_space<vmem_shared>> -> memref<10240x128xbf16, #tpu.memory_space<vmem_shared>>
    tpu.enqueue_indirect_dma source(%arg9 : memref<128x128xbf16, #tpu.memory_space<vmem>>) target(%dma_start3A_90 : memref<10240x128xbf16, #tpu.memory_space<vmem_shared>>) offsets(%dma_start3A_87 : memref<128xi32, #tpu.memory_space<vmem>>) semaphore(%arg18 : memref<!tpu.dma_semaphore, #tpu.memory_space<semaphore_mem>>) {add = true}
    %rem3A_91 = arith.constant 4 : i32
    %rem3A_92 = arith.constant 80 : i32
    %rem3A_93 = arith.remsi %rem3A_91, %rem3A_92 : i32
    %dma_start3A_94 = arith.constant 0 : i32
    %dma_start3A_95 = tpu.memref_slice %arg6[%rem3A_93, %dma_start3A_94] : memref<80x128xi32, #tpu.memory_space<vmem>> -> memref<1x128xi32, #tpu.memory_space<vmem>>
    %dma_start3A_96 = tpu.memref_squeeze %dma_start3A_95 : memref<1x128xi32, #tpu.memory_space<vmem>> -> memref<128xi32, #tpu.memory_space<vmem>>
    %dma_start3A_97 = arith.constant 0 : i32
    %dma_start3A_98 = arith.constant 0 : i32
    %dma_start3A_99 = tpu.memref_slice %arg2[%dma_start3A_97, %dma_start3A_98] : memref<20000x128xbf16, #tpu.memory_space<hbm>> -> memref<20000x128xbf16, #tpu.memory_space<hbm>>
    tpu.enqueue_indirect_dma source(%dma_start3A_99 : memref<20000x128xbf16, #tpu.memory_space<hbm>>) target(%arg12 : memref<128x128xbf16, #tpu.memory_space<vmem>>) offsets(%dma_start3A_96 : memref<128xi32, #tpu.memory_space<vmem>>) semaphore(%arg17 : memref<!tpu.dma_semaphore, #tpu.memory_space<semaphore_mem>>)
    %rem3A_100 = arith.constant 5 : i32
    %rem3A_101 = arith.constant 80 : i32
    %rem3A_102 = arith.remsi %rem3A_100, %rem3A_101 : i32
    %dma_start3A_103 = arith.constant 0 : i32
    %dma_start3A_104 = tpu.memref_slice %arg6[%rem3A_102, %dma_start3A_103] : memref<80x128xi32, #tpu.memory_space<vmem>> -> memref<1x128xi32, #tpu.memory_space<vmem>>
    %dma_start3A_105 = tpu.memref_squeeze %dma_start3A_104 : memref<1x128xi32, #tpu.memory_space<vmem>> -> memref<128xi32, #tpu.memory_space<vmem>>
    %dma_start3A_106 = arith.constant 0 : i32
    %dma_start3A_107 = arith.constant 0 : i32
    %dma_start3A_108 = tpu.memref_slice %arg2[%dma_start3A_106, %dma_start3A_107] : memref<20000x128xbf16, #tpu.memory_space<hbm>> -> memref<20000x128xbf16, #tpu.memory_space<hbm>>
    tpu.enqueue_indirect_dma source(%dma_start3A_108 : memref<20000x128xbf16, #tpu.memory_space<hbm>>) target(%arg13 : memref<128x128xbf16, #tpu.memory_space<vmem>>) offsets(%dma_start3A_105 : memref<128xi32, #tpu.memory_space<vmem>>) semaphore(%arg17 : memref<!tpu.dma_semaphore, #tpu.memory_space<semaphore_mem>>)
    %dma_wait3A_109 = arith.constant 2 : i32
    %dma_wait3A_110 = arith.constant 0 : i32
    %dma_wait3A_111 = tpu.memref_slice %arg6[%dma_wait3A_109, %dma_wait3A_110] : memref<80x128xi32, #tpu.memory_space<vmem>> -> memref<1x128xi32, #tpu.memory_space<vmem>>
    %dma_wait3A_112 = tpu.memref_squeeze %dma_wait3A_111 : memref<1x128xi32, #tpu.memory_space<vmem>> -> memref<128xi32, #tpu.memory_space<vmem>>
    %dma_wait3A_113 = arith.constant 0 : i32
    %dma_wait3A_114 = arith.constant 0 : i32
    %dma_wait3A_115 = tpu.memref_slice %arg2[%dma_wait3A_113, %dma_wait3A_114] : memref<20000x128xbf16, #tpu.memory_space<hbm>> -> memref<20000x128xbf16, #tpu.memory_space<hbm>>
    tpu.wait_indirect_dma semaphore(%arg16 : memref<!tpu.dma_semaphore, #tpu.memory_space<semaphore_mem>>) src(%dma_wait3A_115 : memref<20000x128xbf16, #tpu.memory_space<hbm>>) dst(%arg10 : memref<128x128xbf16, #tpu.memory_space<vmem>>)
    %dma_start3A_116 = arith.constant 2 : i32
    %dma_start3A_117 = arith.constant 0 : i32
    %dma_start3A_118 = tpu.memref_slice %arg7[%dma_start3A_116, %dma_start3A_117] : memref<80x128xi32, #tpu.memory_space<vmem>> -> memref<1x128xi32, #tpu.memory_space<vmem>>
    %dma_start3A_119 = tpu.memref_squeeze %dma_start3A_118 : memref<1x128xi32, #tpu.memory_space<vmem>> -> memref<128xi32, #tpu.memory_space<vmem>>
    %dma_start3A_120 = arith.constant 0 : i32
    %dma_start3A_121 = arith.constant 0 : i32
    %dma_start3A_122 = tpu.memref_slice %arg14[%dma_start3A_120, %dma_start3A_121] : memref<10240x128xbf16, #tpu.memory_space<vmem_shared>> -> memref<10240x128xbf16, #tpu.memory_space<vmem_shared>>
    tpu.enqueue_indirect_dma source(%arg10 : memref<128x128xbf16, #tpu.memory_space<vmem>>) target(%dma_start3A_122 : memref<10240x128xbf16, #tpu.memory_space<vmem_shared>>) offsets(%dma_start3A_119 : memref<128xi32, #tpu.memory_space<vmem>>) semaphore(%arg19 : memref<!tpu.dma_semaphore, #tpu.memory_space<semaphore_mem>>) {add = true}
    %dma_wait3A_123 = arith.constant 3 : i32
    %dma_wait3A_124 = arith.constant 0 : i32
    %dma_wait3A_125 = tpu.memref_slice %arg6[%dma_wait3A_123, %dma_wait3A_124] : memref<80x128xi32, #tpu.memory_space<vmem>> -> memref<1x128xi32, #tpu.memory_space<vmem>>
    %dma_wait3A_126 = tpu.memref_squeeze %dma_wait3A_125 : memref<1x128xi32, #tpu.memory_space<vmem>> -> memref<128xi32, #tpu.memory_space<vmem>>
    %dma_wait3A_127 = arith.constant 0 : i32
    %dma_wait3A_128 = arith.constant 0 : i32
    %dma_wait3A_129 = tpu.memref_slice %arg2[%dma_wait3A_127, %dma_wait3A_128] : memref<20000x128xbf16, #tpu.memory_space<hbm>> -> memref<20000x128xbf16, #tpu.memory_space<hbm>>
    tpu.wait_indirect_dma semaphore(%arg16 : memref<!tpu.dma_semaphore, #tpu.memory_space<semaphore_mem>>) src(%dma_wait3A_129 : memref<20000x128xbf16, #tpu.memory_space<hbm>>) dst(%arg11 : memref<128x128xbf16, #tpu.memory_space<vmem>>)
    %dma_start3A_130 = arith.constant 3 : i32
    %dma_start3A_131 = arith.constant 0 : i32
    %dma_start3A_132 = tpu.memref_slice %arg7[%dma_start3A_130, %dma_start3A_131] : memref<80x128xi32, #tpu.memory_space<vmem>> -> memref<1x128xi32, #tpu.memory_space<vmem>>
    %dma_start3A_133 = tpu.memref_squeeze %dma_start3A_132 : memref<1x128xi32, #tpu.memory_space<vmem>> -> memref<128xi32, #tpu.memory_space<vmem>>
    %dma_start3A_134 = arith.constant 0 : i32
    %dma_start3A_135 = arith.constant 0 : i32
    %dma_start3A_136 = tpu.memref_slice %arg14[%dma_start3A_134, %dma_start3A_135] : memref<10240x128xbf16, #tpu.memory_space<vmem_shared>> -> memref<10240x128xbf16, #tpu.memory_space<vmem_shared>>
    tpu.enqueue_indirect_dma source(%arg11 : memref<128x128xbf16, #tpu.memory_space<vmem>>) target(%dma_start3A_136 : memref<10240x128xbf16, #tpu.memory_space<vmem_shared>>) offsets(%dma_start3A_133 : memref<128xi32, #tpu.memory_space<vmem>>) semaphore(%arg19 : memref<!tpu.dma_semaphore, #tpu.memory_space<semaphore_mem>>) {add = true}
    %scan3A_137 = arith.constant 0 : i32
    %scan3A_138 = arith.constant 0 : i32
    %scan3A_139 = arith.constant 12 : i32
    %scan3A_140 = arith.addi %scan3A_138, %scan3A_139 : i32
    %scan3A_141 = arith.constant 1 : i32
    scf.for %scan3A_320 = %scan3A_138 to %scan3A_140 step %scan3A_141  : i32 {
      %mul3A_321 = arith.constant 3 : i32
      %mul3A_322 = arith.muli %mul3A_321, %scan3A_320 : i32
      %add3A_323 = arith.constant 2 : i32
      %add3A_324 = arith.addi %mul3A_322, %add3A_323 : i32
      %sub3A = arith.constant 2 : i32
      %sub3A_325 = arith.subi %add3A_324, %sub3A : i32
      %mul3A_326 = arith.constant 2 : i32
      %mul3A_327 = arith.muli %mul3A_326, %sub3A_325 : i32
      %add3A_328 = arith.constant 0 : i32
      %add3A_329 = arith.addi %mul3A_327, %add3A_328 : i32
      %rem3A_330 = arith.constant 80 : i32
      %rem3A_331 = arith.remsi %add3A_329, %rem3A_330 : i32
      %dma_wait3A_332 = arith.constant 0 : i32
      %dma_wait3A_333 = tpu.memref_slice %arg7[%rem3A_331, %dma_wait3A_332] : memref<80x128xi32, #tpu.memory_space<vmem>> -> memref<1x128xi32, #tpu.memory_space<vmem>>
      %dma_wait3A_334 = tpu.memref_squeeze %dma_wait3A_333 : memref<1x128xi32, #tpu.memory_space<vmem>> -> memref<128xi32, #tpu.memory_space<vmem>>
      %dma_wait3A_335 = arith.constant 0 : i32
      %dma_wait3A_336 = arith.constant 0 : i32
      %dma_wait3A_337 = tpu.memref_slice %arg14[%dma_wait3A_335, %dma_wait3A_336] : memref<10240x128xbf16, #tpu.memory_space<vmem_shared>> -> memref<10240x128xbf16, #tpu.memory_space<vmem_shared>>
      tpu.wait_indirect_dma semaphore(%arg18 : memref<!tpu.dma_semaphore, #tpu.memory_space<semaphore_mem>>) src(%arg8 : memref<128x128xbf16, #tpu.memory_space<vmem>>) dst(%dma_wait3A_337 : memref<10240x128xbf16, #tpu.memory_space<vmem_shared>>)
      %sub3A_338 = arith.constant 2 : i32
      %sub3A_339 = arith.subi %add3A_324, %sub3A_338 : i32
      %mul3A_340 = arith.constant 2 : i32
      %mul3A_341 = arith.muli %mul3A_340, %sub3A_339 : i32
      %add3A_342 = arith.constant 1 : i32
      %add3A_343 = arith.addi %mul3A_341, %add3A_342 : i32
      %rem3A_344 = arith.constant 80 : i32
      %rem3A_345 = arith.remsi %add3A_343, %rem3A_344 : i32
      %dma_wait3A_346 = arith.constant 0 : i32
      %dma_wait3A_347 = tpu.memref_slice %arg7[%rem3A_345, %dma_wait3A_346] : memref<80x128xi32, #tpu.memory_space<vmem>> -> memref<1x128xi32, #tpu.memory_space<vmem>>
      %dma_wait3A_348 = tpu.memref_squeeze %dma_wait3A_347 : memref<1x128xi32, #tpu.memory_space<vmem>> -> memref<128xi32, #tpu.memory_space<vmem>>
      %dma_wait3A_349 = arith.constant 0 : i32
      %dma_wait3A_350 = arith.constant 0 : i32
      %dma_wait3A_351 = tpu.memref_slice %arg14[%dma_wait3A_349, %dma_wait3A_350] : memref<10240x128xbf16, #tpu.memory_space<vmem_shared>> -> memref<10240x128xbf16, #tpu.memory_space<vmem_shared>>
      tpu.wait_indirect_dma semaphore(%arg18 : memref<!tpu.dma_semaphore, #tpu.memory_space<semaphore_mem>>) src(%arg9 : memref<128x128xbf16, #tpu.memory_space<vmem>>) dst(%dma_wait3A_351 : memref<10240x128xbf16, #tpu.memory_space<vmem_shared>>)
      %add3A_352 = arith.constant 1 : i32
      %add3A_353 = arith.addi %add3A_324, %add3A_352 : i32
      %mul3A_354 = arith.constant 2 : i32
      %mul3A_355 = arith.muli %mul3A_354, %add3A_353 : i32
      %add3A_356 = arith.constant 0 : i32
      %add3A_357 = arith.addi %mul3A_355, %add3A_356 : i32
      %rem3A_358 = arith.constant 80 : i32
      %rem3A_359 = arith.remsi %add3A_357, %rem3A_358 : i32
      %dma_start3A_360 = arith.constant 0 : i32
      %dma_start3A_361 = tpu.memref_slice %arg6[%rem3A_359, %dma_start3A_360] : memref<80x128xi32, #tpu.memory_space<vmem>> -> memref<1x128xi32, #tpu.memory_space<vmem>>
      %dma_start3A_362 = tpu.memref_squeeze %dma_start3A_361 : memref<1x128xi32, #tpu.memory_space<vmem>> -> memref<128xi32, #tpu.memory_space<vmem>>
      %dma_start3A_363 = arith.constant 0 : i32
      %dma_start3A_364 = arith.constant 0 : i32
      %dma_start3A_365 = tpu.memref_slice %arg2[%dma_start3A_363, %dma_start3A_364] : memref<20000x128xbf16, #tpu.memory_space<hbm>> -> memref<20000x128xbf16, #tpu.memory_space<hbm>>
      tpu.enqueue_indirect_dma source(%dma_start3A_365 : memref<20000x128xbf16, #tpu.memory_space<hbm>>) target(%arg8 : memref<128x128xbf16, #tpu.memory_space<vmem>>) offsets(%dma_start3A_362 : memref<128xi32, #tpu.memory_space<vmem>>) semaphore(%arg15 : memref<!tpu.dma_semaphore, #tpu.memory_space<semaphore_mem>>)
      %add3A_366 = arith.constant 1 : i32
      %add3A_367 = arith.addi %add3A_324, %add3A_366 : i32
      %mul3A_368 = arith.constant 2 : i32
      %mul3A_369 = arith.muli %mul3A_368, %add3A_367 : i32
      %add3A_370 = arith.constant 1 : i32
      %add3A_371 = arith.addi %mul3A_369, %add3A_370 : i32
      %rem3A_372 = arith.constant 80 : i32
      %rem3A_373 = arith.remsi %add3A_371, %rem3A_372 : i32
      %dma_start3A_374 = arith.constant 0 : i32
      %dma_start3A_375 = tpu.memref_slice %arg6[%rem3A_373, %dma_start3A_374] : memref<80x128xi32, #tpu.memory_space<vmem>> -> memref<1x128xi32, #tpu.memory_space<vmem>>
      %dma_start3A_376 = tpu.memref_squeeze %dma_start3A_375 : memref<1x128xi32, #tpu.memory_space<vmem>> -> memref<128xi32, #tpu.memory_space<vmem>>
      %dma_start3A_377 = arith.constant 0 : i32
      %dma_start3A_378 = arith.constant 0 : i32
      %dma_start3A_379 = tpu.memref_slice %arg2[%dma_start3A_377, %dma_start3A_378] : memref<20000x128xbf16, #tpu.memory_space<hbm>> -> memref<20000x128xbf16, #tpu.memory_space<hbm>>
      tpu.enqueue_indirect_dma source(%dma_start3A_379 : memref<20000x128xbf16, #tpu.memory_space<hbm>>) target(%arg9 : memref<128x128xbf16, #tpu.memory_space<vmem>>) offsets(%dma_start3A_376 : memref<128xi32, #tpu.memory_space<vmem>>) semaphore(%arg15 : memref<!tpu.dma_semaphore, #tpu.memory_space<semaphore_mem>>)
      %mul3A_380 = arith.constant 2 : i32
      %mul3A_381 = arith.muli %mul3A_380, %add3A_324 : i32
      %add3A_382 = arith.constant 0 : i32
      %add3A_383 = arith.addi %mul3A_381, %add3A_382 : i32
      %dma_wait3A_384 = arith.constant 0 : i32
      %dma_wait3A_385 = tpu.memref_slice %arg6[%add3A_383, %dma_wait3A_384] : memref<80x128xi32, #tpu.memory_space<vmem>> -> memref<1x128xi32, #tpu.memory_space<vmem>>
      %dma_wait3A_386 = tpu.memref_squeeze %dma_wait3A_385 : memref<1x128xi32, #tpu.memory_space<vmem>> -> memref<128xi32, #tpu.memory_space<vmem>>
      %dma_wait3A_387 = arith.constant 0 : i32
      %dma_wait3A_388 = arith.constant 0 : i32
      %dma_wait3A_389 = tpu.memref_slice %arg2[%dma_wait3A_387, %dma_wait3A_388] : memref<20000x128xbf16, #tpu.memory_space<hbm>> -> memref<20000x128xbf16, #tpu.memory_space<hbm>>
      tpu.wait_indirect_dma semaphore(%arg17 : memref<!tpu.dma_semaphore, #tpu.memory_space<semaphore_mem>>) src(%dma_wait3A_389 : memref<20000x128xbf16, #tpu.memory_space<hbm>>) dst(%arg12 : memref<128x128xbf16, #tpu.memory_space<vmem>>)
      %dma_start3A_390 = arith.constant 0 : i32
      %dma_start3A_391 = tpu.memref_slice %arg7[%add3A_383, %dma_start3A_390] : memref<80x128xi32, #tpu.memory_space<vmem>> -> memref<1x128xi32, #tpu.memory_space<vmem>>
      %dma_start3A_392 = tpu.memref_squeeze %dma_start3A_391 : memref<1x128xi32, #tpu.memory_space<vmem>> -> memref<128xi32, #tpu.memory_space<vmem>>
      %dma_start3A_393 = arith.constant 0 : i32
      %dma_start3A_394 = arith.constant 0 : i32
      %dma_start3A_395 = tpu.memref_slice %arg14[%dma_start3A_393, %dma_start3A_394] : memref<10240x128xbf16, #tpu.memory_space<vmem_shared>> -> memref<10240x128xbf16, #tpu.memory_space<vmem_shared>>
      tpu.enqueue_indirect_dma source(%arg12 : memref<128x128xbf16, #tpu.memory_space<vmem>>) target(%dma_start3A_395 : memref<10240x128xbf16, #tpu.memory_space<vmem_shared>>) offsets(%dma_start3A_392 : memref<128xi32, #tpu.memory_space<vmem>>) semaphore(%arg20 : memref<!tpu.dma_semaphore, #tpu.memory_space<semaphore_mem>>) {add = true}
      %mul3A_396 = arith.constant 2 : i32
      %mul3A_397 = arith.muli %mul3A_396, %add3A_324 : i32
      %add3A_398 = arith.constant 1 : i32
      %add3A_399 = arith.addi %mul3A_397, %add3A_398 : i32
      %dma_wait3A_400 = arith.constant 0 : i32
      %dma_wait3A_401 = tpu.memref_slice %arg6[%add3A_399, %dma_wait3A_400] : memref<80x128xi32, #tpu.memory_space<vmem>> -> memref<1x128xi32, #tpu.memory_space<vmem>>
      %dma_wait3A_402 = tpu.memref_squeeze %dma_wait3A_401 : memref<1x128xi32, #tpu.memory_space<vmem>> -> memref<128xi32, #tpu.memory_space<vmem>>
      %dma_wait3A_403 = arith.constant 0 : i32
      %dma_wait3A_404 = arith.constant 0 : i32
      %dma_wait3A_405 = tpu.memref_slice %arg2[%dma_wait3A_403, %dma_wait3A_404] : memref<20000x128xbf16, #tpu.memory_space<hbm>> -> memref<20000x128xbf16, #tpu.memory_space<hbm>>
      tpu.wait_indirect_dma semaphore(%arg17 : memref<!tpu.dma_semaphore, #tpu.memory_space<semaphore_mem>>) src(%dma_wait3A_405 : memref<20000x128xbf16, #tpu.memory_space<hbm>>) dst(%arg13 : memref<128x128xbf16, #tpu.memory_space<vmem>>)
      %dma_start3A_406 = arith.constant 0 : i32
      %dma_start3A_407 = tpu.memref_slice %arg7[%add3A_399, %dma_start3A_406] : memref<80x128xi32, #tpu.memory_space<vmem>> -> memref<1x128xi32, #tpu.memory_space<vmem>>
      %dma_start3A_408 = tpu.memref_squeeze %dma_start3A_407 : memref<1x128xi32, #tpu.memory_space<vmem>> -> memref<128xi32, #tpu.memory_space<vmem>>
      %dma_start3A_409 = arith.constant 0 : i32
      %dma_start3A_410 = arith.constant 0 : i32
      %dma_start3A_411 = tpu.memref_slice %arg14[%dma_start3A_409, %dma_start3A_410] : memref<10240x128xbf16, #tpu.memory_space<vmem_shared>> -> memref<10240x128xbf16, #tpu.memory_space<vmem_shared>>
      tpu.enqueue_indirect_dma source(%arg13 : memref<128x128xbf16, #tpu.memory_space<vmem>>) target(%dma_start3A_411 : memref<10240x128xbf16, #tpu.memory_space<vmem_shared>>) offsets(%dma_start3A_408 : memref<128xi32, #tpu.memory_space<vmem>>) semaphore(%arg20 : memref<!tpu.dma_semaphore, #tpu.memory_space<semaphore_mem>>) {add = true}
      %add3A_412 = arith.constant 3 : i32
      %add3A_413 = arith.addi %mul3A_322, %add3A_412 : i32
      %sub3A_414 = arith.constant 2 : i32
      %sub3A_415 = arith.subi %add3A_413, %sub3A_414 : i32
      %mul3A_416 = arith.constant 2 : i32
      %mul3A_417 = arith.muli %mul3A_416, %sub3A_415 : i32
      %add3A_418 = arith.constant 0 : i32
      %add3A_419 = arith.addi %mul3A_417, %add3A_418 : i32
      %rem3A_420 = arith.constant 80 : i32
      %rem3A_421 = arith.remsi %add3A_419, %rem3A_420 : i32
      %dma_wait3A_422 = arith.constant 0 : i32
      %dma_wait3A_423 = tpu.memref_slice %arg7[%rem3A_421, %dma_wait3A_422] : memref<80x128xi32, #tpu.memory_space<vmem>> -> memref<1x128xi32, #tpu.memory_space<vmem>>
      %dma_wait3A_424 = tpu.memref_squeeze %dma_wait3A_423 : memref<1x128xi32, #tpu.memory_space<vmem>> -> memref<128xi32, #tpu.memory_space<vmem>>
      %dma_wait3A_425 = arith.constant 0 : i32
      %dma_wait3A_426 = arith.constant 0 : i32
      %dma_wait3A_427 = tpu.memref_slice %arg14[%dma_wait3A_425, %dma_wait3A_426] : memref<10240x128xbf16, #tpu.memory_space<vmem_shared>> -> memref<10240x128xbf16, #tpu.memory_space<vmem_shared>>
      tpu.wait_indirect_dma semaphore(%arg19 : memref<!tpu.dma_semaphore, #tpu.memory_space<semaphore_mem>>) src(%arg10 : memref<128x128xbf16, #tpu.memory_space<vmem>>) dst(%dma_wait3A_427 : memref<10240x128xbf16, #tpu.memory_space<vmem_shared>>)
      %sub3A_428 = arith.constant 2 : i32
      %sub3A_429 = arith.subi %add3A_413, %sub3A_428 : i32
      %mul3A_430 = arith.constant 2 : i32
      %mul3A_431 = arith.muli %mul3A_430, %sub3A_429 : i32
      %add3A_432 = arith.constant 1 : i32
      %add3A_433 = arith.addi %mul3A_431, %add3A_432 : i32
      %rem3A_434 = arith.constant 80 : i32
      %rem3A_435 = arith.remsi %add3A_433, %rem3A_434 : i32
      %dma_wait3A_436 = arith.constant 0 : i32
      %dma_wait3A_437 = tpu.memref_slice %arg7[%rem3A_435, %dma_wait3A_436] : memref<80x128xi32, #tpu.memory_space<vmem>> -> memref<1x128xi32, #tpu.memory_space<vmem>>
      %dma_wait3A_438 = tpu.memref_squeeze %dma_wait3A_437 : memref<1x128xi32, #tpu.memory_space<vmem>> -> memref<128xi32, #tpu.memory_space<vmem>>
      %dma_wait3A_439 = arith.constant 0 : i32
      %dma_wait3A_440 = arith.constant 0 : i32
      %dma_wait3A_441 = tpu.memref_slice %arg14[%dma_wait3A_439, %dma_wait3A_440] : memref<10240x128xbf16, #tpu.memory_space<vmem_shared>> -> memref<10240x128xbf16, #tpu.memory_space<vmem_shared>>
      tpu.wait_indirect_dma semaphore(%arg19 : memref<!tpu.dma_semaphore, #tpu.memory_space<semaphore_mem>>) src(%arg11 : memref<128x128xbf16, #tpu.memory_space<vmem>>) dst(%dma_wait3A_441 : memref<10240x128xbf16, #tpu.memory_space<vmem_shared>>)
      %add3A_442 = arith.constant 1 : i32
      %add3A_443 = arith.addi %add3A_413, %add3A_442 : i32
      %mul3A_444 = arith.constant 2 : i32
      %mul3A_445 = arith.muli %mul3A_444, %add3A_443 : i32
      %add3A_446 = arith.constant 0 : i32
      %add3A_447 = arith.addi %mul3A_445, %add3A_446 : i32
      %rem3A_448 = arith.constant 80 : i32
      %rem3A_449 = arith.remsi %add3A_447, %rem3A_448 : i32
      %dma_start3A_450 = arith.constant 0 : i32
      %dma_start3A_451 = tpu.memref_slice %arg6[%rem3A_449, %dma_start3A_450] : memref<80x128xi32, #tpu.memory_space<vmem>> -> memref<1x128xi32, #tpu.memory_space<vmem>>
      %dma_start3A_452 = tpu.memref_squeeze %dma_start3A_451 : memref<1x128xi32, #tpu.memory_space<vmem>> -> memref<128xi32, #tpu.memory_space<vmem>>
      %dma_start3A_453 = arith.constant 0 : i32
      %dma_start3A_454 = arith.constant 0 : i32
      %dma_start3A_455 = tpu.memref_slice %arg2[%dma_start3A_453, %dma_start3A_454] : memref<20000x128xbf16, #tpu.memory_space<hbm>> -> memref<20000x128xbf16, #tpu.memory_space<hbm>>
      tpu.enqueue_indirect_dma source(%dma_start3A_455 : memref<20000x128xbf16, #tpu.memory_space<hbm>>) target(%arg10 : memref<128x128xbf16, #tpu.memory_space<vmem>>) offsets(%dma_start3A_452 : memref<128xi32, #tpu.memory_space<vmem>>) semaphore(%arg16 : memref<!tpu.dma_semaphore, #tpu.memory_space<semaphore_mem>>)
      %add3A_456 = arith.constant 1 : i32
      %add3A_457 = arith.addi %add3A_413, %add3A_456 : i32
      %mul3A_458 = arith.constant 2 : i32
      %mul3A_459 = arith.muli %mul3A_458, %add3A_457 : i32
      %add3A_460 = arith.constant 1 : i32
      %add3A_461 = arith.addi %mul3A_459, %add3A_460 : i32
      %rem3A_462 = arith.constant 80 : i32
      %rem3A_463 = arith.remsi %add3A_461, %rem3A_462 : i32
      %dma_start3A_464 = arith.constant 0 : i32
      %dma_start3A_465 = tpu.memref_slice %arg6[%rem3A_463, %dma_start3A_464] : memref<80x128xi32, #tpu.memory_space<vmem>> -> memref<1x128xi32, #tpu.memory_space<vmem>>
      %dma_start3A_466 = tpu.memref_squeeze %dma_start3A_465 : memref<1x128xi32, #tpu.memory_space<vmem>> -> memref<128xi32, #tpu.memory_space<vmem>>
      %dma_start3A_467 = arith.constant 0 : i32
      %dma_start3A_468 = arith.constant 0 : i32
      %dma_start3A_469 = tpu.memref_slice %arg2[%dma_start3A_467, %dma_start3A_468] : memref<20000x128xbf16, #tpu.memory_space<hbm>> -> memref<20000x128xbf16, #tpu.memory_space<hbm>>
      tpu.enqueue_indirect_dma source(%dma_start3A_469 : memref<20000x128xbf16, #tpu.memory_space<hbm>>) target(%arg11 : memref<128x128xbf16, #tpu.memory_space<vmem>>) offsets(%dma_start3A_466 : memref<128xi32, #tpu.memory_space<vmem>>) semaphore(%arg16 : memref<!tpu.dma_semaphore, #tpu.memory_space<semaphore_mem>>)
      %mul3A_470 = arith.constant 2 : i32
      %mul3A_471 = arith.muli %mul3A_470, %add3A_413 : i32
      %add3A_472 = arith.constant 0 : i32
      %add3A_473 = arith.addi %mul3A_471, %add3A_472 : i32
      %dma_wait3A_474 = arith.constant 0 : i32
      %dma_wait3A_475 = tpu.memref_slice %arg6[%add3A_473, %dma_wait3A_474] : memref<80x128xi32, #tpu.memory_space<vmem>> -> memref<1x128xi32, #tpu.memory_space<vmem>>
      %dma_wait3A_476 = tpu.memref_squeeze %dma_wait3A_475 : memref<1x128xi32, #tpu.memory_space<vmem>> -> memref<128xi32, #tpu.memory_space<vmem>>
      %dma_wait3A_477 = arith.constant 0 : i32
      %dma_wait3A_478 = arith.constant 0 : i32
      %dma_wait3A_479 = tpu.memref_slice %arg2[%dma_wait3A_477, %dma_wait3A_478] : memref<20000x128xbf16, #tpu.memory_space<hbm>> -> memref<20000x128xbf16, #tpu.memory_space<hbm>>
      tpu.wait_indirect_dma semaphore(%arg15 : memref<!tpu.dma_semaphore, #tpu.memory_space<semaphore_mem>>) src(%dma_wait3A_479 : memref<20000x128xbf16, #tpu.memory_space<hbm>>) dst(%arg8 : memref<128x128xbf16, #tpu.memory_space<vmem>>)
      %dma_start3A_480 = arith.constant 0 : i32
      %dma_start3A_481 = tpu.memref_slice %arg7[%add3A_473, %dma_start3A_480] : memref<80x128xi32, #tpu.memory_space<vmem>> -> memref<1x128xi32, #tpu.memory_space<vmem>>
      %dma_start3A_482 = tpu.memref_squeeze %dma_start3A_481 : memref<1x128xi32, #tpu.memory_space<vmem>> -> memref<128xi32, #tpu.memory_space<vmem>>
      %dma_start3A_483 = arith.constant 0 : i32
      %dma_start3A_484 = arith.constant 0 : i32
      %dma_start3A_485 = tpu.memref_slice %arg14[%dma_start3A_483, %dma_start3A_484] : memref<10240x128xbf16, #tpu.memory_space<vmem_shared>> -> memref<10240x128xbf16, #tpu.memory_space<vmem_shared>>
      tpu.enqueue_indirect_dma source(%arg8 : memref<128x128xbf16, #tpu.memory_space<vmem>>) target(%dma_start3A_485 : memref<10240x128xbf16, #tpu.memory_space<vmem_shared>>) offsets(%dma_start3A_482 : memref<128xi32, #tpu.memory_space<vmem>>) semaphore(%arg18 : memref<!tpu.dma_semaphore, #tpu.memory_space<semaphore_mem>>) {add = true}
      %mul3A_486 = arith.constant 2 : i32
      %mul3A_487 = arith.muli %mul3A_486, %add3A_413 : i32
      %add3A_488 = arith.constant 1 : i32
      %add3A_489 = arith.addi %mul3A_487, %add3A_488 : i32
      %dma_wait3A_490 = arith.constant 0 : i32
      %dma_wait3A_491 = tpu.memref_slice %arg6[%add3A_489, %dma_wait3A_490] : memref<80x128xi32, #tpu.memory_space<vmem>> -> memref<1x128xi32, #tpu.memory_space<vmem>>
      %dma_wait3A_492 = tpu.memref_squeeze %dma_wait3A_491 : memref<1x128xi32, #tpu.memory_space<vmem>> -> memref<128xi32, #tpu.memory_space<vmem>>
      %dma_wait3A_493 = arith.constant 0 : i32
      %dma_wait3A_494 = arith.constant 0 : i32
      %dma_wait3A_495 = tpu.memref_slice %arg2[%dma_wait3A_493, %dma_wait3A_494] : memref<20000x128xbf16, #tpu.memory_space<hbm>> -> memref<20000x128xbf16, #tpu.memory_space<hbm>>
      tpu.wait_indirect_dma semaphore(%arg15 : memref<!tpu.dma_semaphore, #tpu.memory_space<semaphore_mem>>) src(%dma_wait3A_495 : memref<20000x128xbf16, #tpu.memory_space<hbm>>) dst(%arg9 : memref<128x128xbf16, #tpu.memory_space<vmem>>)
      %dma_start3A_496 = arith.constant 0 : i32
      %dma_start3A_497 = tpu.memref_slice %arg7[%add3A_489, %dma_start3A_496] : memref<80x128xi32, #tpu.memory_space<vmem>> -> memref<1x128xi32, #tpu.memory_space<vmem>>
      %dma_start3A_498 = tpu.memref_squeeze %dma_start3A_497 : memref<1x128xi32, #tpu.memory_space<vmem>> -> memref<128xi32, #tpu.memory_space<vmem>>
      %dma_start3A_499 = arith.constant 0 : i32
      %dma_start3A_500 = arith.constant 0 : i32
      %dma_start3A_501 = tpu.memref_slice %arg14[%dma_start3A_499, %dma_start3A_500] : memref<10240x128xbf16, #tpu.memory_space<vmem_shared>> -> memref<10240x128xbf16, #tpu.memory_space<vmem_shared>>
      tpu.enqueue_indirect_dma source(%arg9 : memref<128x128xbf16, #tpu.memory_space<vmem>>) target(%dma_start3A_501 : memref<10240x128xbf16, #tpu.memory_space<vmem_shared>>) offsets(%dma_start3A_498 : memref<128xi32, #tpu.memory_space<vmem>>) semaphore(%arg18 : memref<!tpu.dma_semaphore, #tpu.memory_space<semaphore_mem>>) {add = true}
      %add3A_502 = arith.constant 4 : i32
      %add3A_503 = arith.addi %mul3A_322, %add3A_502 : i32
      %sub3A_504 = arith.constant 2 : i32
      %sub3A_505 = arith.subi %add3A_503, %sub3A_504 : i32
      %mul3A_506 = arith.constant 2 : i32
      %mul3A_507 = arith.muli %mul3A_506, %sub3A_505 : i32
      %add3A_508 = arith.constant 0 : i32
      %add3A_509 = arith.addi %mul3A_507, %add3A_508 : i32
      %rem3A_510 = arith.constant 80 : i32
      %rem3A_511 = arith.remsi %add3A_509, %rem3A_510 : i32
      %dma_wait3A_512 = arith.constant 0 : i32
      %dma_wait3A_513 = tpu.memref_slice %arg7[%rem3A_511, %dma_wait3A_512] : memref<80x128xi32, #tpu.memory_space<vmem>> -> memref<1x128xi32, #tpu.memory_space<vmem>>
      %dma_wait3A_514 = tpu.memref_squeeze %dma_wait3A_513 : memref<1x128xi32, #tpu.memory_space<vmem>> -> memref<128xi32, #tpu.memory_space<vmem>>
      %dma_wait3A_515 = arith.constant 0 : i32
      %dma_wait3A_516 = arith.constant 0 : i32
      %dma_wait3A_517 = tpu.memref_slice %arg14[%dma_wait3A_515, %dma_wait3A_516] : memref<10240x128xbf16, #tpu.memory_space<vmem_shared>> -> memref<10240x128xbf16, #tpu.memory_space<vmem_shared>>
      tpu.wait_indirect_dma semaphore(%arg20 : memref<!tpu.dma_semaphore, #tpu.memory_space<semaphore_mem>>) src(%arg12 : memref<128x128xbf16, #tpu.memory_space<vmem>>) dst(%dma_wait3A_517 : memref<10240x128xbf16, #tpu.memory_space<vmem_shared>>)
      %sub3A_518 = arith.constant 2 : i32
      %sub3A_519 = arith.subi %add3A_503, %sub3A_518 : i32
      %mul3A_520 = arith.constant 2 : i32
      %mul3A_521 = arith.muli %mul3A_520, %sub3A_519 : i32
      %add3A_522 = arith.constant 1 : i32
      %add3A_523 = arith.addi %mul3A_521, %add3A_522 : i32
      %rem3A_524 = arith.constant 80 : i32
      %rem3A_525 = arith.remsi %add3A_523, %rem3A_524 : i32
      %dma_wait3A_526 = arith.constant 0 : i32
      %dma_wait3A_527 = tpu.memref_slice %arg7[%rem3A_525, %dma_wait3A_526] : memref<80x128xi32, #tpu.memory_space<vmem>> -> memref<1x128xi32, #tpu.memory_space<vmem>>
      %dma_wait3A_528 = tpu.memref_squeeze %dma_wait3A_527 : memref<1x128xi32, #tpu.memory_space<vmem>> -> memref<128xi32, #tpu.memory_space<vmem>>
      %dma_wait3A_529 = arith.constant 0 : i32
      %dma_wait3A_530 = arith.constant 0 : i32
      %dma_wait3A_531 = tpu.memref_slice %arg14[%dma_wait3A_529, %dma_wait3A_530] : memref<10240x128xbf16, #tpu.memory_space<vmem_shared>> -> memref<10240x128xbf16, #tpu.memory_space<vmem_shared>>
      tpu.wait_indirect_dma semaphore(%arg20 : memref<!tpu.dma_semaphore, #tpu.memory_space<semaphore_mem>>) src(%arg13 : memref<128x128xbf16, #tpu.memory_space<vmem>>) dst(%dma_wait3A_531 : memref<10240x128xbf16, #tpu.memory_space<vmem_shared>>)
      %add3A_532 = arith.constant 1 : i32
      %add3A_533 = arith.addi %add3A_503, %add3A_532 : i32
      %mul3A_534 = arith.constant 2 : i32
      %mul3A_535 = arith.muli %mul3A_534, %add3A_533 : i32
      %add3A_536 = arith.constant 0 : i32
      %add3A_537 = arith.addi %mul3A_535, %add3A_536 : i32
      %rem3A_538 = arith.constant 80 : i32
      %rem3A_539 = arith.remsi %add3A_537, %rem3A_538 : i32
      %dma_start3A_540 = arith.constant 0 : i32
      %dma_start3A_541 = tpu.memref_slice %arg6[%rem3A_539, %dma_start3A_540] : memref<80x128xi32, #tpu.memory_space<vmem>> -> memref<1x128xi32, #tpu.memory_space<vmem>>
      %dma_start3A_542 = tpu.memref_squeeze %dma_start3A_541 : memref<1x128xi32, #tpu.memory_space<vmem>> -> memref<128xi32, #tpu.memory_space<vmem>>
      %dma_start3A_543 = arith.constant 0 : i32
      %dma_start3A_544 = arith.constant 0 : i32
      %dma_start3A_545 = tpu.memref_slice %arg2[%dma_start3A_543, %dma_start3A_544] : memref<20000x128xbf16, #tpu.memory_space<hbm>> -> memref<20000x128xbf16, #tpu.memory_space<hbm>>
      tpu.enqueue_indirect_dma source(%dma_start3A_545 : memref<20000x128xbf16, #tpu.memory_space<hbm>>) target(%arg12 : memref<128x128xbf16, #tpu.memory_space<vmem>>) offsets(%dma_start3A_542 : memref<128xi32, #tpu.memory_space<vmem>>) semaphore(%arg17 : memref<!tpu.dma_semaphore, #tpu.memory_space<semaphore_mem>>)
      %add3A_546 = arith.constant 1 : i32
      %add3A_547 = arith.addi %add3A_503, %add3A_546 : i32
      %mul3A_548 = arith.constant 2 : i32
      %mul3A_549 = arith.muli %mul3A_548, %add3A_547 : i32
      %add3A_550 = arith.constant 1 : i32
      %add3A_551 = arith.addi %mul3A_549, %add3A_550 : i32
      %rem3A_552 = arith.constant 80 : i32
      %rem3A_553 = arith.remsi %add3A_551, %rem3A_552 : i32
      %dma_start3A_554 = arith.constant 0 : i32
      %dma_start3A_555 = tpu.memref_slice %arg6[%rem3A_553, %dma_start3A_554] : memref<80x128xi32, #tpu.memory_space<vmem>> -> memref<1x128xi32, #tpu.memory_space<vmem>>
      %dma_start3A_556 = tpu.memref_squeeze %dma_start3A_555 : memref<1x128xi32, #tpu.memory_space<vmem>> -> memref<128xi32, #tpu.memory_space<vmem>>
      %dma_start3A_557 = arith.constant 0 : i32
      %dma_start3A_558 = arith.constant 0 : i32
      %dma_start3A_559 = tpu.memref_slice %arg2[%dma_start3A_557, %dma_start3A_558] : memref<20000x128xbf16, #tpu.memory_space<hbm>> -> memref<20000x128xbf16, #tpu.memory_space<hbm>>
      tpu.enqueue_indirect_dma source(%dma_start3A_559 : memref<20000x128xbf16, #tpu.memory_space<hbm>>) target(%arg13 : memref<128x128xbf16, #tpu.memory_space<vmem>>) offsets(%dma_start3A_556 : memref<128xi32, #tpu.memory_space<vmem>>) semaphore(%arg17 : memref<!tpu.dma_semaphore, #tpu.memory_space<semaphore_mem>>)
      %mul3A_560 = arith.constant 2 : i32
      %mul3A_561 = arith.muli %mul3A_560, %add3A_503 : i32
      %add3A_562 = arith.constant 0 : i32
      %add3A_563 = arith.addi %mul3A_561, %add3A_562 : i32
      %dma_wait3A_564 = arith.constant 0 : i32
      %dma_wait3A_565 = tpu.memref_slice %arg6[%add3A_563, %dma_wait3A_564] : memref<80x128xi32, #tpu.memory_space<vmem>> -> memref<1x128xi32, #tpu.memory_space<vmem>>
      %dma_wait3A_566 = tpu.memref_squeeze %dma_wait3A_565 : memref<1x128xi32, #tpu.memory_space<vmem>> -> memref<128xi32, #tpu.memory_space<vmem>>
      %dma_wait3A_567 = arith.constant 0 : i32
      %dma_wait3A_568 = arith.constant 0 : i32
      %dma_wait3A_569 = tpu.memref_slice %arg2[%dma_wait3A_567, %dma_wait3A_568] : memref<20000x128xbf16, #tpu.memory_space<hbm>> -> memref<20000x128xbf16, #tpu.memory_space<hbm>>
      tpu.wait_indirect_dma semaphore(%arg16 : memref<!tpu.dma_semaphore, #tpu.memory_space<semaphore_mem>>) src(%dma_wait3A_569 : memref<20000x128xbf16, #tpu.memory_space<hbm>>) dst(%arg10 : memref<128x128xbf16, #tpu.memory_space<vmem>>)
      %dma_start3A_570 = arith.constant 0 : i32
      %dma_start3A_571 = tpu.memref_slice %arg7[%add3A_563, %dma_start3A_570] : memref<80x128xi32, #tpu.memory_space<vmem>> -> memref<1x128xi32, #tpu.memory_space<vmem>>
      %dma_start3A_572 = tpu.memref_squeeze %dma_start3A_571 : memref<1x128xi32, #tpu.memory_space<vmem>> -> memref<128xi32, #tpu.memory_space<vmem>>
      %dma_start3A_573 = arith.constant 0 : i32
      %dma_start3A_574 = arith.constant 0 : i32
      %dma_start3A_575 = tpu.memref_slice %arg14[%dma_start3A_573, %dma_start3A_574] : memref<10240x128xbf16, #tpu.memory_space<vmem_shared>> -> memref<10240x128xbf16, #tpu.memory_space<vmem_shared>>
      tpu.enqueue_indirect_dma source(%arg10 : memref<128x128xbf16, #tpu.memory_space<vmem>>) target(%dma_start3A_575 : memref<10240x128xbf16, #tpu.memory_space<vmem_shared>>) offsets(%dma_start3A_572 : memref<128xi32, #tpu.memory_space<vmem>>) semaphore(%arg19 : memref<!tpu.dma_semaphore, #tpu.memory_space<semaphore_mem>>) {add = true}
      %mul3A_576 = arith.constant 2 : i32
      %mul3A_577 = arith.muli %mul3A_576, %add3A_503 : i32
      %add3A_578 = arith.constant 1 : i32
      %add3A_579 = arith.addi %mul3A_577, %add3A_578 : i32
      %dma_wait3A_580 = arith.constant 0 : i32
      %dma_wait3A_581 = tpu.memref_slice %arg6[%add3A_579, %dma_wait3A_580] : memref<80x128xi32, #tpu.memory_space<vmem>> -> memref<1x128xi32, #tpu.memory_space<vmem>>
      %dma_wait3A_582 = tpu.memref_squeeze %dma_wait3A_581 : memref<1x128xi32, #tpu.memory_space<vmem>> -> memref<128xi32, #tpu.memory_space<vmem>>
      %dma_wait3A_583 = arith.constant 0 : i32
      %dma_wait3A_584 = arith.constant 0 : i32
      %dma_wait3A_585 = tpu.memref_slice %arg2[%dma_wait3A_583, %dma_wait3A_584] : memref<20000x128xbf16, #tpu.memory_space<hbm>> -> memref<20000x128xbf16, #tpu.memory_space<hbm>>
      tpu.wait_indirect_dma semaphore(%arg16 : memref<!tpu.dma_semaphore, #tpu.memory_space<semaphore_mem>>) src(%dma_wait3A_585 : memref<20000x128xbf16, #tpu.memory_space<hbm>>) dst(%arg11 : memref<128x128xbf16, #tpu.memory_space<vmem>>)
      %dma_start3A_586 = arith.constant 0 : i32
      %dma_start3A_587 = tpu.memref_slice %arg7[%add3A_579, %dma_start3A_586] : memref<80x128xi32, #tpu.memory_space<vmem>> -> memref<1x128xi32, #tpu.memory_space<vmem>>
      %dma_start3A_588 = tpu.memref_squeeze %dma_start3A_587 : memref<1x128xi32, #tpu.memory_space<vmem>> -> memref<128xi32, #tpu.memory_space<vmem>>
      %dma_start3A_589 = arith.constant 0 : i32
      %dma_start3A_590 = arith.constant 0 : i32
      %dma_start3A_591 = tpu.memref_slice %arg14[%dma_start3A_589, %dma_start3A_590] : memref<10240x128xbf16, #tpu.memory_space<vmem_shared>> -> memref<10240x128xbf16, #tpu.memory_space<vmem_shared>>
      tpu.enqueue_indirect_dma source(%arg11 : memref<128x128xbf16, #tpu.memory_space<vmem>>) target(%dma_start3A_591 : memref<10240x128xbf16, #tpu.memory_space<vmem_shared>>) offsets(%dma_start3A_588 : memref<128xi32, #tpu.memory_space<vmem>>) semaphore(%arg19 : memref<!tpu.dma_semaphore, #tpu.memory_space<semaphore_mem>>) {add = true}
    }
    %scan3A_142 = arith.constant 12 : i32
    %rem3A_143 = arith.constant 72 : i32
    %rem3A_144 = arith.constant 80 : i32
    %rem3A_145 = arith.remsi %rem3A_143, %rem3A_144 : i32
    %dma_wait3A_146 = arith.constant 0 : i32
    %dma_wait3A_147 = tpu.memref_slice %arg7[%rem3A_145, %dma_wait3A_146] : memref<80x128xi32, #tpu.memory_space<vmem>> -> memref<1x128xi32, #tpu.memory_space<vmem>>
    %dma_wait3A_148 = tpu.memref_squeeze %dma_wait3A_147 : memref<1x128xi32, #tpu.memory_space<vmem>> -> memref<128xi32, #tpu.memory_space<vmem>>
    %dma_wait3A_149 = arith.constant 0 : i32
    %dma_wait3A_150 = arith.constant 0 : i32
    %dma_wait3A_151 = tpu.memref_slice %arg14[%dma_wait3A_149, %dma_wait3A_150] : memref<10240x128xbf16, #tpu.memory_space<vmem_shared>> -> memref<10240x128xbf16, #tpu.memory_space<vmem_shared>>
    tpu.wait_indirect_dma semaphore(%arg18 : memref<!tpu.dma_semaphore, #tpu.memory_space<semaphore_mem>>) src(%arg8 : memref<128x128xbf16, #tpu.memory_space<vmem>>) dst(%dma_wait3A_151 : memref<10240x128xbf16, #tpu.memory_space<vmem_shared>>)
    %rem3A_152 = arith.constant 73 : i32
    %rem3A_153 = arith.constant 80 : i32
    %rem3A_154 = arith.remsi %rem3A_152, %rem3A_153 : i32
    %dma_wait3A_155 = arith.constant 0 : i32
    %dma_wait3A_156 = tpu.memref_slice %arg7[%rem3A_154, %dma_wait3A_155] : memref<80x128xi32, #tpu.memory_space<vmem>> -> memref<1x128xi32, #tpu.memory_space<vmem>>
    %dma_wait3A_157 = tpu.memref_squeeze %dma_wait3A_156 : memref<1x128xi32, #tpu.memory_space<vmem>> -> memref<128xi32, #tpu.memory_space<vmem>>
    %dma_wait3A_158 = arith.constant 0 : i32
    %dma_wait3A_159 = arith.constant 0 : i32
    %dma_wait3A_160 = tpu.memref_slice %arg14[%dma_wait3A_158, %dma_wait3A_159] : memref<10240x128xbf16, #tpu.memory_space<vmem_shared>> -> memref<10240x128xbf16, #tpu.memory_space<vmem_shared>>
    tpu.wait_indirect_dma semaphore(%arg18 : memref<!tpu.dma_semaphore, #tpu.memory_space<semaphore_mem>>) src(%arg9 : memref<128x128xbf16, #tpu.memory_space<vmem>>) dst(%dma_wait3A_160 : memref<10240x128xbf16, #tpu.memory_space<vmem_shared>>)
    %rem3A_161 = arith.constant 78 : i32
    %rem3A_162 = arith.constant 80 : i32
    %rem3A_163 = arith.remsi %rem3A_161, %rem3A_162 : i32
    %dma_start3A_164 = arith.constant 0 : i32
    %dma_start3A_165 = tpu.memref_slice %arg6[%rem3A_163, %dma_start3A_164] : memref<80x128xi32, #tpu.memory_space<vmem>> -> memref<1x128xi32, #tpu.memory_space<vmem>>
    %dma_start3A_166 = tpu.memref_squeeze %dma_start3A_165 : memref<1x128xi32, #tpu.memory_space<vmem>> -> memref<128xi32, #tpu.memory_space<vmem>>
    %dma_start3A_167 = arith.constant 0 : i32
    %dma_start3A_168 = arith.constant 0 : i32
    %dma_start3A_169 = tpu.memref_slice %arg2[%dma_start3A_167, %dma_start3A_168] : memref<20000x128xbf16, #tpu.memory_space<hbm>> -> memref<20000x128xbf16, #tpu.memory_space<hbm>>
    tpu.enqueue_indirect_dma source(%dma_start3A_169 : memref<20000x128xbf16, #tpu.memory_space<hbm>>) target(%arg8 : memref<128x128xbf16, #tpu.memory_space<vmem>>) offsets(%dma_start3A_166 : memref<128xi32, #tpu.memory_space<vmem>>) semaphore(%arg15 : memref<!tpu.dma_semaphore, #tpu.memory_space<semaphore_mem>>)
    %rem3A_170 = arith.constant 79 : i32
    %rem3A_171 = arith.constant 80 : i32
    %rem3A_172 = arith.remsi %rem3A_170, %rem3A_171 : i32
    %dma_start3A_173 = arith.constant 0 : i32
    %dma_start3A_174 = tpu.memref_slice %arg6[%rem3A_172, %dma_start3A_173] : memref<80x128xi32, #tpu.memory_space<vmem>> -> memref<1x128xi32, #tpu.memory_space<vmem>>
    %dma_start3A_175 = tpu.memref_squeeze %dma_start3A_174 : memref<1x128xi32, #tpu.memory_space<vmem>> -> memref<128xi32, #tpu.memory_space<vmem>>
    %dma_start3A_176 = arith.constant 0 : i32
    %dma_start3A_177 = arith.constant 0 : i32
    %dma_start3A_178 = tpu.memref_slice %arg2[%dma_start3A_176, %dma_start3A_177] : memref<20000x128xbf16, #tpu.memory_space<hbm>> -> memref<20000x128xbf16, #tpu.memory_space<hbm>>
    tpu.enqueue_indirect_dma source(%dma_start3A_178 : memref<20000x128xbf16, #tpu.memory_space<hbm>>) target(%arg9 : memref<128x128xbf16, #tpu.memory_space<vmem>>) offsets(%dma_start3A_175 : memref<128xi32, #tpu.memory_space<vmem>>) semaphore(%arg15 : memref<!tpu.dma_semaphore, #tpu.memory_space<semaphore_mem>>)
    %dma_wait3A_179 = arith.constant 76 : i32
    %dma_wait3A_180 = arith.constant 0 : i32
    %dma_wait3A_181 = tpu.memref_slice %arg6[%dma_wait3A_179, %dma_wait3A_180] : memref<80x128xi32, #tpu.memory_space<vmem>> -> memref<1x128xi32, #tpu.memory_space<vmem>>
    %dma_wait3A_182 = tpu.memref_squeeze %dma_wait3A_181 : memref<1x128xi32, #tpu.memory_space<vmem>> -> memref<128xi32, #tpu.memory_space<vmem>>
    %dma_wait3A_183 = arith.constant 0 : i32
    %dma_wait3A_184 = arith.constant 0 : i32
    %dma_wait3A_185 = tpu.memref_slice %arg2[%dma_wait3A_183, %dma_wait3A_184] : memref<20000x128xbf16, #tpu.memory_space<hbm>> -> memref<20000x128xbf16, #tpu.memory_space<hbm>>
    tpu.wait_indirect_dma semaphore(%arg17 : memref<!tpu.dma_semaphore, #tpu.memory_space<semaphore_mem>>) src(%dma_wait3A_185 : memref<20000x128xbf16, #tpu.memory_space<hbm>>) dst(%arg12 : memref<128x128xbf16, #tpu.memory_space<vmem>>)
    %dma_start3A_186 = arith.constant 76 : i32
    %dma_start3A_187 = arith.constant 0 : i32
    %dma_start3A_188 = tpu.memref_slice %arg7[%dma_start3A_186, %dma_start3A_187] : memref<80x128xi32, #tpu.memory_space<vmem>> -> memref<1x128xi32, #tpu.memory_space<vmem>>
    %dma_start3A_189 = tpu.memref_squeeze %dma_start3A_188 : memref<1x128xi32, #tpu.memory_space<vmem>> -> memref<128xi32, #tpu.memory_space<vmem>>
    %dma_start3A_190 = arith.constant 0 : i32
    %dma_start3A_191 = arith.constant 0 : i32
    %dma_start3A_192 = tpu.memref_slice %arg14[%dma_start3A_190, %dma_start3A_191] : memref<10240x128xbf16, #tpu.memory_space<vmem_shared>> -> memref<10240x128xbf16, #tpu.memory_space<vmem_shared>>
    tpu.enqueue_indirect_dma source(%arg12 : memref<128x128xbf16, #tpu.memory_space<vmem>>) target(%dma_start3A_192 : memref<10240x128xbf16, #tpu.memory_space<vmem_shared>>) offsets(%dma_start3A_189 : memref<128xi32, #tpu.memory_space<vmem>>) semaphore(%arg20 : memref<!tpu.dma_semaphore, #tpu.memory_space<semaphore_mem>>) {add = true}
    %dma_wait3A_193 = arith.constant 77 : i32
    %dma_wait3A_194 = arith.constant 0 : i32
    %dma_wait3A_195 = tpu.memref_slice %arg6[%dma_wait3A_193, %dma_wait3A_194] : memref<80x128xi32, #tpu.memory_space<vmem>> -> memref<1x128xi32, #tpu.memory_space<vmem>>
    %dma_wait3A_196 = tpu.memref_squeeze %dma_wait3A_195 : memref<1x128xi32, #tpu.memory_space<vmem>> -> memref<128xi32, #tpu.memory_space<vmem>>
    %dma_wait3A_197 = arith.constant 0 : i32
    %dma_wait3A_198 = arith.constant 0 : i32
    %dma_wait3A_199 = tpu.memref_slice %arg2[%dma_wait3A_197, %dma_wait3A_198] : memref<20000x128xbf16, #tpu.memory_space<hbm>> -> memref<20000x128xbf16, #tpu.memory_space<hbm>>
    tpu.wait_indirect_dma semaphore(%arg17 : memref<!tpu.dma_semaphore, #tpu.memory_space<semaphore_mem>>) src(%dma_wait3A_199 : memref<20000x128xbf16, #tpu.memory_space<hbm>>) dst(%arg13 : memref<128x128xbf16, #tpu.memory_space<vmem>>)
    %dma_start3A_200 = arith.constant 77 : i32
    %dma_start3A_201 = arith.constant 0 : i32
    %dma_start3A_202 = tpu.memref_slice %arg7[%dma_start3A_200, %dma_start3A_201] : memref<80x128xi32, #tpu.memory_space<vmem>> -> memref<1x128xi32, #tpu.memory_space<vmem>>
    %dma_start3A_203 = tpu.memref_squeeze %dma_start3A_202 : memref<1x128xi32, #tpu.memory_space<vmem>> -> memref<128xi32, #tpu.memory_space<vmem>>
    %dma_start3A_204 = arith.constant 0 : i32
    %dma_start3A_205 = arith.constant 0 : i32
    %dma_start3A_206 = tpu.memref_slice %arg14[%dma_start3A_204, %dma_start3A_205] : memref<10240x128xbf16, #tpu.memory_space<vmem_shared>> -> memref<10240x128xbf16, #tpu.memory_space<vmem_shared>>
    tpu.enqueue_indirect_dma source(%arg13 : memref<128x128xbf16, #tpu.memory_space<vmem>>) target(%dma_start3A_206 : memref<10240x128xbf16, #tpu.memory_space<vmem_shared>>) offsets(%dma_start3A_203 : memref<128xi32, #tpu.memory_space<vmem>>) semaphore(%arg20 : memref<!tpu.dma_semaphore, #tpu.memory_space<semaphore_mem>>) {add = true}
    %rem3A_207 = arith.constant 74 : i32
    %rem3A_208 = arith.constant 80 : i32
    %rem3A_209 = arith.remsi %rem3A_207, %rem3A_208 : i32
    %dma_wait3A_210 = arith.constant 0 : i32
    %dma_wait3A_211 = tpu.memref_slice %arg7[%rem3A_209, %dma_wait3A_210] : memref<80x128xi32, #tpu.memory_space<vmem>> -> memref<1x128xi32, #tpu.memory_space<vmem>>
    %dma_wait3A_212 = tpu.memref_squeeze %dma_wait3A_211 : memref<1x128xi32, #tpu.memory_space<vmem>> -> memref<128xi32, #tpu.memory_space<vmem>>
    %dma_wait3A_213 = arith.constant 0 : i32
    %dma_wait3A_214 = arith.constant 0 : i32
    %dma_wait3A_215 = tpu.memref_slice %arg14[%dma_wait3A_213, %dma_wait3A_214] : memref<10240x128xbf16, #tpu.memory_space<vmem_shared>> -> memref<10240x128xbf16, #tpu.memory_space<vmem_shared>>
    tpu.wait_indirect_dma semaphore(%arg19 : memref<!tpu.dma_semaphore, #tpu.memory_space<semaphore_mem>>) src(%arg10 : memref<128x128xbf16, #tpu.memory_space<vmem>>) dst(%dma_wait3A_215 : memref<10240x128xbf16, #tpu.memory_space<vmem_shared>>)
    %rem3A_216 = arith.constant 75 : i32
    %rem3A_217 = arith.constant 80 : i32
    %rem3A_218 = arith.remsi %rem3A_216, %rem3A_217 : i32
    %dma_wait3A_219 = arith.constant 0 : i32
    %dma_wait3A_220 = tpu.memref_slice %arg7[%rem3A_218, %dma_wait3A_219] : memref<80x128xi32, #tpu.memory_space<vmem>> -> memref<1x128xi32, #tpu.memory_space<vmem>>
    %dma_wait3A_221 = tpu.memref_squeeze %dma_wait3A_220 : memref<1x128xi32, #tpu.memory_space<vmem>> -> memref<128xi32, #tpu.memory_space<vmem>>
    %dma_wait3A_222 = arith.constant 0 : i32
    %dma_wait3A_223 = arith.constant 0 : i32
    %dma_wait3A_224 = tpu.memref_slice %arg14[%dma_wait3A_222, %dma_wait3A_223] : memref<10240x128xbf16, #tpu.memory_space<vmem_shared>> -> memref<10240x128xbf16, #tpu.memory_space<vmem_shared>>
    tpu.wait_indirect_dma semaphore(%arg19 : memref<!tpu.dma_semaphore, #tpu.memory_space<semaphore_mem>>) src(%arg11 : memref<128x128xbf16, #tpu.memory_space<vmem>>) dst(%dma_wait3A_224 : memref<10240x128xbf16, #tpu.memory_space<vmem_shared>>)
    %rem3A_225 = arith.constant 80 : i32
    %rem3A_226 = arith.constant 80 : i32
    %rem3A_227 = arith.remsi %rem3A_225, %rem3A_226 : i32
    %dma_start3A_228 = arith.constant 0 : i32
    %dma_start3A_229 = tpu.memref_slice %arg6[%rem3A_227, %dma_start3A_228] : memref<80x128xi32, #tpu.memory_space<vmem>> -> memref<1x128xi32, #tpu.memory_space<vmem>>
    %dma_start3A_230 = tpu.memref_squeeze %dma_start3A_229 : memref<1x128xi32, #tpu.memory_space<vmem>> -> memref<128xi32, #tpu.memory_space<vmem>>
    %dma_start3A_231 = arith.constant 0 : i32
    %dma_start3A_232 = arith.constant 0 : i32
    %dma_start3A_233 = tpu.memref_slice %arg2[%dma_start3A_231, %dma_start3A_232] : memref<20000x128xbf16, #tpu.memory_space<hbm>> -> memref<20000x128xbf16, #tpu.memory_space<hbm>>
    tpu.enqueue_indirect_dma source(%dma_start3A_233 : memref<20000x128xbf16, #tpu.memory_space<hbm>>) target(%arg10 : memref<128x128xbf16, #tpu.memory_space<vmem>>) offsets(%dma_start3A_230 : memref<128xi32, #tpu.memory_space<vmem>>) semaphore(%arg16 : memref<!tpu.dma_semaphore, #tpu.memory_space<semaphore_mem>>)
    %rem3A_234 = arith.constant 81 : i32
    %rem3A_235 = arith.constant 80 : i32
    %rem3A_236 = arith.remsi %rem3A_234, %rem3A_235 : i32
    %dma_start3A_237 = arith.constant 0 : i32
    %dma_start3A_238 = tpu.memref_slice %arg6[%rem3A_236, %dma_start3A_237] : memref<80x128xi32, #tpu.memory_space<vmem>> -> memref<1x128xi32, #tpu.memory_space<vmem>>
    %dma_start3A_239 = tpu.memref_squeeze %dma_start3A_238 : memref<1x128xi32, #tpu.memory_space<vmem>> -> memref<128xi32, #tpu.memory_space<vmem>>
    %dma_start3A_240 = arith.constant 0 : i32
    %dma_start3A_241 = arith.constant 0 : i32
    %dma_start3A_242 = tpu.memref_slice %arg2[%dma_start3A_240, %dma_start3A_241] : memref<20000x128xbf16, #tpu.memory_space<hbm>> -> memref<20000x128xbf16, #tpu.memory_space<hbm>>
    tpu.enqueue_indirect_dma source(%dma_start3A_242 : memref<20000x128xbf16, #tpu.memory_space<hbm>>) target(%arg11 : memref<128x128xbf16, #tpu.memory_space<vmem>>) offsets(%dma_start3A_239 : memref<128xi32, #tpu.memory_space<vmem>>) semaphore(%arg16 : memref<!tpu.dma_semaphore, #tpu.memory_space<semaphore_mem>>)
    %dma_wait3A_243 = arith.constant 78 : i32
    %dma_wait3A_244 = arith.constant 0 : i32
    %dma_wait3A_245 = tpu.memref_slice %arg6[%dma_wait3A_243, %dma_wait3A_244] : memref<80x128xi32, #tpu.memory_space<vmem>> -> memref<1x128xi32, #tpu.memory_space<vmem>>
    %dma_wait3A_246 = tpu.memref_squeeze %dma_wait3A_245 : memref<1x128xi32, #tpu.memory_space<vmem>> -> memref<128xi32, #tpu.memory_space<vmem>>
    %dma_wait3A_247 = arith.constant 0 : i32
    %dma_wait3A_248 = arith.constant 0 : i32
    %dma_wait3A_249 = tpu.memref_slice %arg2[%dma_wait3A_247, %dma_wait3A_248] : memref<20000x128xbf16, #tpu.memory_space<hbm>> -> memref<20000x128xbf16, #tpu.memory_space<hbm>>
    tpu.wait_indirect_dma semaphore(%arg15 : memref<!tpu.dma_semaphore, #tpu.memory_space<semaphore_mem>>) src(%dma_wait3A_249 : memref<20000x128xbf16, #tpu.memory_space<hbm>>) dst(%arg8 : memref<128x128xbf16, #tpu.memory_space<vmem>>)
    %dma_start3A_250 = arith.constant 78 : i32
    %dma_start3A_251 = arith.constant 0 : i32
    %dma_start3A_252 = tpu.memref_slice %arg7[%dma_start3A_250, %dma_start3A_251] : memref<80x128xi32, #tpu.memory_space<vmem>> -> memref<1x128xi32, #tpu.memory_space<vmem>>
    %dma_start3A_253 = tpu.memref_squeeze %dma_start3A_252 : memref<1x128xi32, #tpu.memory_space<vmem>> -> memref<128xi32, #tpu.memory_space<vmem>>
    %dma_start3A_254 = arith.constant 0 : i32
    %dma_start3A_255 = arith.constant 0 : i32
    %dma_start3A_256 = tpu.memref_slice %arg14[%dma_start3A_254, %dma_start3A_255] : memref<10240x128xbf16, #tpu.memory_space<vmem_shared>> -> memref<10240x128xbf16, #tpu.memory_space<vmem_shared>>
    tpu.enqueue_indirect_dma source(%arg8 : memref<128x128xbf16, #tpu.memory_space<vmem>>) target(%dma_start3A_256 : memref<10240x128xbf16, #tpu.memory_space<vmem_shared>>) offsets(%dma_start3A_253 : memref<128xi32, #tpu.memory_space<vmem>>) semaphore(%arg18 : memref<!tpu.dma_semaphore, #tpu.memory_space<semaphore_mem>>) {add = true}
    %dma_wait3A_257 = arith.constant 79 : i32
    %dma_wait3A_258 = arith.constant 0 : i32
    %dma_wait3A_259 = tpu.memref_slice %arg6[%dma_wait3A_257, %dma_wait3A_258] : memref<80x128xi32, #tpu.memory_space<vmem>> -> memref<1x128xi32, #tpu.memory_space<vmem>>
    %dma_wait3A_260 = tpu.memref_squeeze %dma_wait3A_259 : memref<1x128xi32, #tpu.memory_space<vmem>> -> memref<128xi32, #tpu.memory_space<vmem>>
    %dma_wait3A_261 = arith.constant 0 : i32
    %dma_wait3A_262 = arith.constant 0 : i32
    %dma_wait3A_263 = tpu.memref_slice %arg2[%dma_wait3A_261, %dma_wait3A_262] : memref<20000x128xbf16, #tpu.memory_space<hbm>> -> memref<20000x128xbf16, #tpu.memory_space<hbm>>
    tpu.wait_indirect_dma semaphore(%arg15 : memref<!tpu.dma_semaphore, #tpu.memory_space<semaphore_mem>>) src(%dma_wait3A_263 : memref<20000x128xbf16, #tpu.memory_space<hbm>>) dst(%arg9 : memref<128x128xbf16, #tpu.memory_space<vmem>>)
    %dma_start3A_264 = arith.constant 79 : i32
    %dma_start3A_265 = arith.constant 0 : i32
    %dma_start3A_266 = tpu.memref_slice %arg7[%dma_start3A_264, %dma_start3A_265] : memref<80x128xi32, #tpu.memory_space<vmem>> -> memref<1x128xi32, #tpu.memory_space<vmem>>
    %dma_start3A_267 = tpu.memref_squeeze %dma_start3A_266 : memref<1x128xi32, #tpu.memory_space<vmem>> -> memref<128xi32, #tpu.memory_space<vmem>>
    %dma_start3A_268 = arith.constant 0 : i32
    %dma_start3A_269 = arith.constant 0 : i32
    %dma_start3A_270 = tpu.memref_slice %arg14[%dma_start3A_268, %dma_start3A_269] : memref<10240x128xbf16, #tpu.memory_space<vmem_shared>> -> memref<10240x128xbf16, #tpu.memory_space<vmem_shared>>
    tpu.enqueue_indirect_dma source(%arg9 : memref<128x128xbf16, #tpu.memory_space<vmem>>) target(%dma_start3A_270 : memref<10240x128xbf16, #tpu.memory_space<vmem_shared>>) offsets(%dma_start3A_267 : memref<128xi32, #tpu.memory_space<vmem>>) semaphore(%arg18 : memref<!tpu.dma_semaphore, #tpu.memory_space<semaphore_mem>>) {add = true}
    %dma_wait3A_271 = arith.constant 76 : i32
    %dma_wait3A_272 = arith.constant 0 : i32
    %dma_wait3A_273 = tpu.memref_slice %arg7[%dma_wait3A_271, %dma_wait3A_272] : memref<80x128xi32, #tpu.memory_space<vmem>> -> memref<1x128xi32, #tpu.memory_space<vmem>>
    %dma_wait3A_274 = tpu.memref_squeeze %dma_wait3A_273 : memref<1x128xi32, #tpu.memory_space<vmem>> -> memref<128xi32, #tpu.memory_space<vmem>>
    %dma_wait3A_275 = arith.constant 0 : i32
    %dma_wait3A_276 = arith.constant 0 : i32
    %dma_wait3A_277 = tpu.memref_slice %arg14[%dma_wait3A_275, %dma_wait3A_276] : memref<10240x128xbf16, #tpu.memory_space<vmem_shared>> -> memref<10240x128xbf16, #tpu.memory_space<vmem_shared>>
    tpu.wait_indirect_dma semaphore(%arg20 : memref<!tpu.dma_semaphore, #tpu.memory_space<semaphore_mem>>) src(%arg12 : memref<128x128xbf16, #tpu.memory_space<vmem>>) dst(%dma_wait3A_277 : memref<10240x128xbf16, #tpu.memory_space<vmem_shared>>)
    %dma_wait3A_278 = arith.constant 77 : i32
    %dma_wait3A_279 = arith.constant 0 : i32
    %dma_wait3A_280 = tpu.memref_slice %arg7[%dma_wait3A_278, %dma_wait3A_279] : memref<80x128xi32, #tpu.memory_space<vmem>> -> memref<1x128xi32, #tpu.memory_space<vmem>>
    %dma_wait3A_281 = tpu.memref_squeeze %dma_wait3A_280 : memref<1x128xi32, #tpu.memory_space<vmem>> -> memref<128xi32, #tpu.memory_space<vmem>>
    %dma_wait3A_282 = arith.constant 0 : i32
    %dma_wait3A_283 = arith.constant 0 : i32
    %dma_wait3A_284 = tpu.memref_slice %arg14[%dma_wait3A_282, %dma_wait3A_283] : memref<10240x128xbf16, #tpu.memory_space<vmem_shared>> -> memref<10240x128xbf16, #tpu.memory_space<vmem_shared>>
    tpu.wait_indirect_dma semaphore(%arg20 : memref<!tpu.dma_semaphore, #tpu.memory_space<semaphore_mem>>) src(%arg13 : memref<128x128xbf16, #tpu.memory_space<vmem>>) dst(%dma_wait3A_284 : memref<10240x128xbf16, #tpu.memory_space<vmem_shared>>)
    %dma_wait3A_285 = arith.constant 78 : i32
    %dma_wait3A_286 = arith.constant 0 : i32
    %dma_wait3A_287 = tpu.memref_slice %arg7[%dma_wait3A_285, %dma_wait3A_286] : memref<80x128xi32, #tpu.memory_space<vmem>> -> memref<1x128xi32, #tpu.memory_space<vmem>>
    %dma_wait3A_288 = tpu.memref_squeeze %dma_wait3A_287 : memref<1x128xi32, #tpu.memory_space<vmem>> -> memref<128xi32, #tpu.memory_space<vmem>>
    %dma_wait3A_289 = arith.constant 0 : i32
    %dma_wait3A_290 = arith.constant 0 : i32
    %dma_wait3A_291 = tpu.memref_slice %arg14[%dma_wait3A_289, %dma_wait3A_290] : memref<10240x128xbf16, #tpu.memory_space<vmem_shared>> -> memref<10240x128xbf16, #tpu.memory_space<vmem_shared>>
    tpu.wait_indirect_dma semaphore(%arg18 : memref<!tpu.dma_semaphore, #tpu.memory_space<semaphore_mem>>) src(%arg8 : memref<128x128xbf16, #tpu.memory_space<vmem>>) dst(%dma_wait3A_291 : memref<10240x128xbf16, #tpu.memory_space<vmem_shared>>)
    %dma_wait3A_292 = arith.constant 79 : i32
    %dma_wait3A_293 = arith.constant 0 : i32
    %dma_wait3A_294 = tpu.memref_slice %arg7[%dma_wait3A_292, %dma_wait3A_293] : memref<80x128xi32, #tpu.memory_space<vmem>> -> memref<1x128xi32, #tpu.memory_space<vmem>>
    %dma_wait3A_295 = tpu.memref_squeeze %dma_wait3A_294 : memref<1x128xi32, #tpu.memory_space<vmem>> -> memref<128xi32, #tpu.memory_space<vmem>>
    %dma_wait3A_296 = arith.constant 0 : i32
    %dma_wait3A_297 = arith.constant 0 : i32
    %dma_wait3A_298 = tpu.memref_slice %arg14[%dma_wait3A_296, %dma_wait3A_297] : memref<10240x128xbf16, #tpu.memory_space<vmem_shared>> -> memref<10240x128xbf16, #tpu.memory_space<vmem_shared>>
    tpu.wait_indirect_dma semaphore(%arg18 : memref<!tpu.dma_semaphore, #tpu.memory_space<semaphore_mem>>) src(%arg9 : memref<128x128xbf16, #tpu.memory_space<vmem>>) dst(%dma_wait3A_298 : memref<10240x128xbf16, #tpu.memory_space<vmem_shared>>)
    %dma_wait3A_299 = arith.constant 0 : i32
    %dma_wait3A_300 = arith.constant 0 : i32
    %dma_wait3A_301 = tpu.memref_slice %arg6[%dma_wait3A_299, %dma_wait3A_300] : memref<80x128xi32, #tpu.memory_space<vmem>> -> memref<1x128xi32, #tpu.memory_space<vmem>>
    %dma_wait3A_302 = tpu.memref_squeeze %dma_wait3A_301 : memref<1x128xi32, #tpu.memory_space<vmem>> -> memref<128xi32, #tpu.memory_space<vmem>>
    %dma_wait3A_303 = arith.constant 0 : i32
    %dma_wait3A_304 = arith.constant 0 : i32
    %dma_wait3A_305 = tpu.memref_slice %arg2[%dma_wait3A_303, %dma_wait3A_304] : memref<20000x128xbf16, #tpu.memory_space<hbm>> -> memref<20000x128xbf16, #tpu.memory_space<hbm>>
    tpu.wait_indirect_dma semaphore(%arg16 : memref<!tpu.dma_semaphore, #tpu.memory_space<semaphore_mem>>) src(%dma_wait3A_305 : memref<20000x128xbf16, #tpu.memory_space<hbm>>) dst(%arg10 : memref<128x128xbf16, #tpu.memory_space<vmem>>)
    %dma_wait3A_306 = arith.constant 1 : i32
    %dma_wait3A_307 = arith.constant 0 : i32
    %dma_wait3A_308 = tpu.memref_slice %arg6[%dma_wait3A_306, %dma_wait3A_307] : memref<80x128xi32, #tpu.memory_space<vmem>> -> memref<1x128xi32, #tpu.memory_space<vmem>>
    %dma_wait3A_309 = tpu.memref_squeeze %dma_wait3A_308 : memref<1x128xi32, #tpu.memory_space<vmem>> -> memref<128xi32, #tpu.memory_space<vmem>>
    %dma_wait3A_310 = arith.constant 0 : i32
    %dma_wait3A_311 = arith.constant 0 : i32
    %dma_wait3A_312 = tpu.memref_slice %arg2[%dma_wait3A_310, %dma_wait3A_311] : memref<20000x128xbf16, #tpu.memory_space<hbm>> -> memref<20000x128xbf16, #tpu.memory_space<hbm>>
    tpu.wait_indirect_dma semaphore(%arg16 : memref<!tpu.dma_semaphore, #tpu.memory_space<semaphore_mem>>) src(%dma_wait3A_312 : memref<20000x128xbf16, #tpu.memory_space<hbm>>) dst(%arg11 : memref<128x128xbf16, #tpu.memory_space<vmem>>)
    %barrier3A_313 = arith.constant 0 : index
    tpu.barrier barrier_id(%barrier3A_313)
    %mul3A_314 = arith.constant 640 : i32
    %mul3A_315 = arith.muli %arg1, %mul3A_314 : i32
    %mul3A_316 = arith.constant 640 : i32
    %mul3A_317 = arith.muli %arg1, %mul3A_316 : i32
    "tpu.region"() ({
      %run_scoped3A = tpu.sem_alloc : memref<!tpu.dma_semaphore, #tpu.memory_space<semaphore_mem>>
      %dma_start3A_320 = arith.constant 0 : i32
      %dma_start3A_321 = tpu.memref_slice %arg5[%add3A, %mul3A_317, %dma_start3A_320] : memref<2x10240x128xbf16, #tpu.memory_space<hbm>> -> memref<1x640x128xbf16, #tpu.memory_space<hbm>>
      %dma_start3A_322 = tpu.memref_squeeze %dma_start3A_321 : memref<1x640x128xbf16, #tpu.memory_space<hbm>> -> memref<640x128xbf16, #tpu.memory_space<hbm>>
      %dma_start3A_323 = arith.constant 0 : i32
      %dma_start3A_324 = tpu.memref_slice %arg14[%mul3A_315, %dma_start3A_323] : memref<10240x128xbf16, #tpu.memory_space<vmem_shared>> -> memref<640x128xbf16, #tpu.memory_space<vmem_shared>>
      tpu.enqueue_dma source(%dma_start3A_324 : memref<640x128xbf16, #tpu.memory_space<vmem_shared>>) target(%dma_start3A_322 : memref<640x128xbf16, #tpu.memory_space<hbm>>) target_semaphore(%run_scoped3A : memref<!tpu.dma_semaphore, #tpu.memory_space<semaphore_mem>>)
      %dma_wait3A_325 = arith.constant 0 : i32
      %dma_wait3A_326 = tpu.memref_slice %arg5[%add3A, %mul3A_317, %dma_wait3A_325] : memref<2x10240x128xbf16, #tpu.memory_space<hbm>> -> memref<1x640x128xbf16, #tpu.memory_space<hbm>>
      %dma_wait3A_327 = tpu.memref_squeeze %dma_wait3A_326 : memref<1x640x128xbf16, #tpu.memory_space<hbm>> -> memref<640x128xbf16, #tpu.memory_space<hbm>>
      %dma_wait3A_328 = arith.constant 0 : i32
      %dma_wait3A_329 = tpu.memref_slice %arg14[%mul3A_315, %dma_wait3A_328] : memref<10240x128xbf16, #tpu.memory_space<vmem_shared>> -> memref<640x128xbf16, #tpu.memory_space<vmem_shared>>
      tpu.wait_dma2 semaphore(%run_scoped3A : memref<!tpu.dma_semaphore, #tpu.memory_space<semaphore_mem>>) src(%dma_wait3A_329 : memref<640x128xbf16, #tpu.memory_space<vmem_shared>>) dst(%dma_wait3A_327 : memref<640x128xbf16, #tpu.memory_space<hbm>>)
      tpu.yield
    }) : () -> ()
    %barrier3A_318 = arith.constant 0 : index
    tpu.barrier barrier_id(%barrier3A_318)
    %scan3A_319 = arith.constant 1 : i32
    return
  }
}

module attributes {stable_mosaic.version = 14 : i64} {
  func.func @_h0_body(%arg0: i32, %arg1: memref<2000x256xf32, #tpu.memory_space<vmem>>, %arg2: memref<256x512xbf16, #tpu.memory_space<vmem>>, %arg3: memref<1x512xf32, #tpu.memory_space<vmem>>, %arg4: memref<2x2000x16xf32, #tpu.memory_space<vmem>>, %arg5: memref<2000x512xbf16, #tpu.memory_space<vmem>>, %arg6: memref<2000x1xf32, #tpu.memory_space<vmem>>, %arg7: memref<2000x256xbf16, #tpu.memory_space<vmem>>) attributes {dimension_semantics = [#tpu.dimension_semantics<arbitrary>], iteration_bounds = array<i64: 5>, scalar_prefetch = 0 : i64, scratch_operands = 0 : i64, tpu.core_type = #tpu.core_type<tc>, window_params = [{transform_indices = @transform_0, window_bounds = array<i64: 2000, 256>}, {pipeline_mode = #tpu.pipeline_mode<synchronous>, transform_indices = @transform_1, window_bounds = array<i64: 256, 512>}, {pipeline_mode = #tpu.pipeline_mode<synchronous>, transform_indices = @transform_2, window_bounds = array<i64: 1, 512>}, {transform_indices = @transform_3, window_bounds = array<i64: 2, 2000, 16>}, {transform_indices = @transform_4, window_bounds = array<i64: 2000, 512>}, {transform_indices = @transform_5, window_bounds = array<i64: 2000, 1>}, {transform_indices = @transform_6, window_bounds = array<i64: 2000, 256>}]} {
    %get3A = arith.constant 0 : index
    %get3A_0 = arith.constant 0 : index
    %get3A_1 = vector.load %arg1[%get3A, %get3A_0] : memref<2000x256xf32, #tpu.memory_space<vmem>>, vector<2000x256xf32>
    %convert_element_type3A = arith.truncf %get3A_1 : vector<2000x256xf32> to vector<2000x256xbf16>
    %get3A_2 = arith.constant 0 : index
    %get3A_3 = arith.constant 0 : index
    %get3A_4 = vector.load %arg2[%get3A_2, %get3A_3] : memref<256x512xbf16, #tpu.memory_space<vmem>>, vector<256x512xbf16>
    %dot_general3A = arith.constant dense<0.000000e+00> : vector<2000x512xf32>
    %dot_general3A_5 = tpu.matmul %convert_element_type3A, %get3A_4, %dot_general3A {dimension_numbers = #tpu.dot_dimension_numbers<[1], [0], [0], [1], [0, 0, 1, 1], [], []>, transpose_lhs_hint = false} : vector<2000x256xbf16>, vector<256x512xbf16>, vector<2000x512xf32> -> vector<2000x512xf32>
    %get3A_6 = arith.constant 0 : index
    %get3A_7 = arith.constant 0 : index
    %get3A_8 = vector.load %arg3[%get3A_6, %get3A_7] : memref<1x512xf32, #tpu.memory_space<vmem>>, vector<1x512xf32>
    %add3A = vector.broadcast %get3A_8 : vector<1x512xf32> to vector<2000x512xf32>
    %add3A_9 = arith.addf %dot_general3A_5, %add3A : vector<2000x512xf32>
    %max3A = arith.constant 0.000000e+00 : f32
    %max3A_10 = vector.broadcast %max3A : f32 to vector<2000x512xf32>
    %max3A_11 = arith.maximumf %add3A_9, %max3A_10 : vector<2000x512xf32>
    %convert_element_type3A_12 = arith.truncf %max3A_11 : vector<2000x512xf32> to vector<2000x512xbf16>
    %swap3A = arith.constant 0 : index
    %swap3A_13 = arith.constant 0 : index
    %swap3A_14 = vector.load %arg5[%swap3A, %swap3A_13] : memref<2000x512xbf16, #tpu.memory_space<vmem>>, vector<2000x512xbf16>
    tpu.vector_store %arg5[%swap3A, %swap3A_13], %convert_element_type3A_12 {strides = array<i32>} : memref<2000x512xbf16, #tpu.memory_space<vmem>>, vector<2000x512xbf16>,
    %get3A_15 = arith.constant 0 : index
    %get3A_16 = arith.constant 0 : index
    %get3A_17 = arith.constant 0 : index
    %get3A_18 = vector.load %arg4[%get3A_15, %get3A_16, %get3A_17] : memref<2x2000x16xf32, #tpu.memory_space<vmem>>, vector<2x2000x16xf32>
    %slice3A = vector.extract_strided_slice %get3A_18 {offsets = [0, 0, 0], sizes = [1, 2000, 1], strides = [1, 1, 1]} : vector<2x2000x16xf32> to vector<1x2000x1xf32>
    %squeeze3A = vector.shape_cast %slice3A : vector<1x2000x1xf32> to vector<2000x1xf32>
    %slice3A_19 = vector.extract_strided_slice %get3A_18 {offsets = [1, 0, 0], sizes = [1, 2000, 1], strides = [1, 1, 1]} : vector<2x2000x16xf32> to vector<1x2000x1xf32>
    %squeeze3A_20 = vector.shape_cast %slice3A_19 : vector<1x2000x1xf32> to vector<2000x1xf32>
    %add3A_21 = arith.addf %squeeze3A, %squeeze3A_20 : vector<2000x1xf32>
    %add3A_22 = arith.constant 1.000000e+00 : f32
    %add3A_23 = vector.broadcast %add3A_22 : f32 to vector<2000x1xf32>
    %add3A_24 = arith.addf %add3A_21, %add3A_23 : vector<2000x1xf32>
    %rsqrt3A = math.rsqrt %add3A_24 : vector<2000x1xf32>
    %swap3A_25 = arith.constant 0 : index
    %swap3A_26 = arith.constant 0 : index
    %swap3A_27 = vector.load %arg6[%swap3A_25, %swap3A_26] : memref<2000x1xf32, #tpu.memory_space<vmem>>, vector<2000x1xf32>
    tpu.vector_store %arg6[%swap3A_25, %swap3A_26], %rsqrt3A {strides = array<i32>} : memref<2000x1xf32, #tpu.memory_space<vmem>>, vector<2000x1xf32>,
    %mul3A = vector.broadcast %rsqrt3A : vector<2000x1xf32> to vector<2000x256xf32>
    %mul3A_28 = arith.mulf %mul3A, %get3A_1 : vector<2000x256xf32>
    %convert_element_type3A_29 = arith.truncf %mul3A_28 : vector<2000x256xf32> to vector<2000x256xbf16>
    %swap3A_30 = arith.constant 0 : index
    %swap3A_31 = arith.constant 0 : index
    %swap3A_32 = vector.load %arg7[%swap3A_30, %swap3A_31] : memref<2000x256xbf16, #tpu.memory_space<vmem>>, vector<2000x256xbf16>
    tpu.vector_store %arg7[%swap3A_30, %swap3A_31], %convert_element_type3A_29 {strides = array<i32>} : memref<2000x256xbf16, #tpu.memory_space<vmem>>, vector<2000x256xbf16>,
    return
  }
  func.func @transform_0(%arg0: i32) -> (i32, i32) {
    %c0_i32 = arith.constant 0 : i32
    %c0_i32_0 = arith.constant 0 : i32
    return %arg0, %c0_i32 : i32, i32
  }
  func.func @transform_1(%arg0: i32) -> (i32, i32) {
    %c0_i32 = arith.constant 0 : i32
    %c0_i32_0 = arith.constant 0 : i32
    %c0_i32_1 = arith.constant 0 : i32
    return %c0_i32, %c0_i32_0 : i32, i32
  }
  func.func @transform_2(%arg0: i32) -> (i32, i32) {
    %c0_i32 = arith.constant 0 : i32
    %c0_i32_0 = arith.constant 0 : i32
    %c0_i32_1 = arith.constant 0 : i32
    return %c0_i32, %c0_i32_0 : i32, i32
  }
  func.func @transform_3(%arg0: i32) -> (i32, i32, i32) {
    %c0_i32 = arith.constant 0 : i32
    %c0_i32_0 = arith.constant 0 : i32
    %c0_i32_1 = arith.constant 0 : i32
    return %c0_i32, %arg0, %c0_i32_0 : i32, i32, i32
  }
  func.func @transform_4(%arg0: i32) -> (i32, i32) {
    %c0_i32 = arith.constant 0 : i32
    %c0_i32_0 = arith.constant 0 : i32
    return %arg0, %c0_i32 : i32, i32
  }
  func.func @transform_5(%arg0: i32) -> (i32, i32) {
    %c0_i32 = arith.constant 0 : i32
    %c0_i32_0 = arith.constant 0 : i32
    return %arg0, %c0_i32 : i32, i32
  }
  func.func @transform_6(%arg0: i32) -> (i32, i32) {
    %c0_i32 = arith.constant 0 : i32
    %c0_i32_0 = arith.constant 0 : i32
    return %arg0, %c0_i32 : i32, i32
  }
}

module attributes {stable_mosaic.version = 14 : i64} {
  func.func @_body(%arg0: i32, %arg1: i32, %arg2: memref<1x2000x128xbf16, #tpu.memory_space<vmem>>, %arg3: memref<2000x128xbf16, #tpu.memory_space<vmem>>, %arg4: memref<2000x1xf32, #tpu.memory_space<vmem>>, %arg5: memref<2000x256xf32, #tpu.memory_space<vmem>>, %arg6: memref<128x512xbf16, #tpu.memory_space<vmem>>, %arg7: memref<256x512xbf16, #tpu.memory_space<vmem>>, %arg8: memref<1x512xf32, #tpu.memory_space<vmem>>, %arg9: memref<1x512xf32, #tpu.memory_space<vmem>>, %arg10: memref<1x512xf32, #tpu.memory_space<vmem>>, %arg11: memref<1x512xf32, #tpu.memory_space<vmem>>, %arg12: memref<1x512xf32, #tpu.memory_space<vmem>>, %arg13: memref<2000x512xf32, #tpu.memory_space<vmem>>, %arg14: memref<2000x512xbf16, #tpu.memory_space<vmem>>, %arg15: memref<5x2000x512xf32, #tpu.memory_space<vmem>>, %arg16: memref<8x512xf32, #tpu.memory_space<vmem>>) attributes {dimension_semantics = [#tpu.dimension_semantics<arbitrary>, #tpu.dimension_semantics<arbitrary>], iteration_bounds = array<i64: 3, 5>, scalar_prefetch = 0 : i64, scratch_operands = 2 : i64, tpu.core_type = #tpu.core_type<tc>, window_params = [{transform_indices = @transform_0, window_bounds = array<i64: 1, 2000, 128>}, {transform_indices = @transform_1, window_bounds = array<i64: 2000, 128>}, {transform_indices = @transform_2, window_bounds = array<i64: 2000, 1>}, {transform_indices = @transform_3, window_bounds = array<i64: 2000, 256>}, {transform_indices = @transform_4, window_bounds = array<i64: 128, 512>}, {pipeline_mode = #tpu.pipeline_mode<synchronous>, transform_indices = @transform_5, window_bounds = array<i64: 256, 512>}, {pipeline_mode = #tpu.pipeline_mode<synchronous>, transform_indices = @transform_6, window_bounds = array<i64: 1, 512>}, {pipeline_mode = #tpu.pipeline_mode<synchronous>, transform_indices = @transform_7, window_bounds = array<i64: 1, 512>}, {pipeline_mode = #tpu.pipeline_mode<synchronous>, transform_indices = @transform_8, window_bounds = array<i64: 1, 512>}, {pipeline_mode = #tpu.pipeline_mode<synchronous>, transform_indices = @transform_9, window_bounds = array<i64: 1, 512>}, {pipeline_mode = #tpu.pipeline_mode<synchronous>, transform_indices = @transform_10, window_bounds = array<i64: 1, 512>}, {transform_indices = @transform_11, window_bounds = array<i64: 2000, 512>}, {transform_indices = @transform_12, window_bounds = array<i64: 2000, 512>}]} {
    %lt3A = arith.constant 2 : i32
    %lt3A_0 = arith.cmpi slt, %arg0, %lt3A : i32
    %convert_element_type3A = arith.extui %lt3A_0 : i1 to i32
    %cond3A = arith.constant 0 : i32
    %cond3A_1 = arith.cmpi ne, %convert_element_type3A, %cond3A : i32
    scf.if %cond3A_1 {
      %get3A = arith.constant 0 : index
      %get3A_11 = arith.constant 0 : index
      %get3A_12 = arith.constant 0 : index
      %get3A_13 = vector.load %arg2[%get3A, %get3A_11, %get3A_12] : memref<1x2000x128xbf16, #tpu.memory_space<vmem>>, vector<1x2000x128xbf16>
      %get3A_14 = vector.shape_cast %get3A_13 : vector<1x2000x128xbf16> to vector<2000x128xbf16>
      %convert_element_type3A_15 = arith.extf %get3A_14 : vector<2000x128xbf16> to vector<2000x128xf32>
      %get3A_16 = arith.constant 0 : index
      %get3A_17 = arith.constant 0 : index
      %get3A_18 = vector.load %arg4[%get3A_16, %get3A_17] : memref<2000x1xf32, #tpu.memory_space<vmem>>, vector<2000x1xf32>
      %get3A_19 = arith.constant 0 : index
      %get3A_20 = arith.constant 0 : index
      %get3A_21 = vector.load %arg3[%get3A_19, %get3A_20] : memref<2000x128xbf16, #tpu.memory_space<vmem>>, vector<2000x128xbf16>
      %convert_element_type3A_22 = arith.extf %get3A_21 : vector<2000x128xbf16> to vector<2000x128xf32>
      %add3A = arith.addf %convert_element_type3A_15, %convert_element_type3A_22 : vector<2000x128xf32>
      %mul3A = vector.broadcast %get3A_18 : vector<2000x1xf32> to vector<2000x128xf32>
      %mul3A_23 = arith.mulf %mul3A, %add3A : vector<2000x128xf32>
      %convert_element_type3A_24 = arith.truncf %mul3A_23 : vector<2000x128xf32> to vector<2000x128xbf16>
      %get3A_25 = arith.constant 0 : index
      %get3A_26 = arith.constant 0 : index
      %get3A_27 = vector.load %arg6[%get3A_25, %get3A_26] : memref<128x512xbf16, #tpu.memory_space<vmem>>, vector<128x512xbf16>
      %dot_general3A = arith.constant dense<0.000000e+00> : vector<2000x512xf32>
      %dot_general3A_28 = tpu.matmul %convert_element_type3A_24, %get3A_27, %dot_general3A {dimension_numbers = #tpu.dot_dimension_numbers<[1], [0], [0], [1], [0, 0, 1, 1], [], []>, transpose_lhs_hint = false} : vector<2000x128xbf16>, vector<128x512xbf16>, vector<2000x512xf32> -> vector<2000x512xf32>
      %eq3A_29 = arith.constant 0 : i32
      %eq3A_30 = arith.cmpi eq, %arg0, %eq3A_29 : i32
      %convert_element_type3A_31 = arith.extui %eq3A_30 : i1 to i32
      %cond3A_32 = arith.constant 0 : i32
      %cond3A_33 = arith.cmpi ne, %convert_element_type3A_31, %cond3A_32 : i32
      scf.if %cond3A_33 {
        %get3A_38 = arith.constant 0 : index
        %get3A_39 = arith.constant 0 : index
        %get3A_40 = vector.load %arg5[%get3A_38, %get3A_39] : memref<2000x256xf32, #tpu.memory_space<vmem>>, vector<2000x256xf32>
        %convert_element_type3A_41 = arith.truncf %get3A_40 : vector<2000x256xf32> to vector<2000x256xbf16>
        %get3A_42 = arith.constant 0 : index
        %get3A_43 = arith.constant 0 : index
        %get3A_44 = vector.load %arg7[%get3A_42, %get3A_43] : memref<256x512xbf16, #tpu.memory_space<vmem>>, vector<256x512xbf16>
        %dot_general3A_45 = arith.constant dense<0.000000e+00> : vector<2000x512xf32>
        %dot_general3A_46 = tpu.matmul %convert_element_type3A_41, %get3A_44, %dot_general3A_45 {dimension_numbers = #tpu.dot_dimension_numbers<[1], [0], [0], [1], [0, 0, 1, 1], [], []>, transpose_lhs_hint = false} : vector<2000x256xbf16>, vector<256x512xbf16>, vector<2000x512xf32> -> vector<2000x512xf32>
        %add3A_47 = arith.addf %dot_general3A_28, %dot_general3A_46 : vector<2000x512xf32>
        %get3A_48 = arith.constant 0 : index
        %get3A_49 = arith.constant 0 : index
        %get3A_50 = vector.load %arg8[%get3A_48, %get3A_49] : memref<1x512xf32, #tpu.memory_space<vmem>>, vector<1x512xf32>
        %add3A_51 = vector.broadcast %get3A_50 : vector<1x512xf32> to vector<2000x512xf32>
        %add3A_52 = arith.addf %add3A_47, %add3A_51 : vector<2000x512xf32>
        %swap3A = arith.index_cast %arg1 : i32 to index
        %swap3A_53 = arith.constant 0 : index
        %swap3A_54 = arith.constant 0 : index
        %swap3A_55 = vector.load %arg15[%swap3A, %swap3A_53, %swap3A_54] : memref<5x2000x512xf32, #tpu.memory_space<vmem>>, vector<1x2000x512xf32>
        %swap3A_56 = vector.shape_cast %swap3A_55 : vector<1x2000x512xf32> to vector<2000x512xf32>
        %swap3A_57 = vector.shape_cast %add3A_52 : vector<2000x512xf32> to vector<1x2000x512xf32>
        tpu.vector_store %arg15[%swap3A, %swap3A_53, %swap3A_54], %swap3A_57 {strides = array<i32>} : memref<5x2000x512xf32, #tpu.memory_space<vmem>>, vector<1x2000x512xf32>,
      } else {
      }
      %gt3A = arith.constant 0 : i32
      %gt3A_34 = arith.cmpi sgt, %arg0, %gt3A : i32
      %convert_element_type3A_35 = arith.extui %gt3A_34 : i1 to i32
      %cond3A_36 = arith.constant 0 : i32
      %cond3A_37 = arith.cmpi ne, %convert_element_type3A_35, %cond3A_36 : i32
      scf.if %cond3A_37 {
        %get3A_38 = arith.index_cast %arg1 : i32 to index
        %get3A_39 = arith.constant 0 : index
        %get3A_40 = arith.constant 0 : index
        %get3A_41 = vector.load %arg15[%get3A_38, %get3A_39, %get3A_40] : memref<5x2000x512xf32, #tpu.memory_space<vmem>>, vector<1x2000x512xf32>
        %get3A_42 = vector.shape_cast %get3A_41 : vector<1x2000x512xf32> to vector<2000x512xf32>
        %add3A_43 = arith.addf %get3A_42, %dot_general3A_28 : vector<2000x512xf32>
        %swap3A = arith.index_cast %arg1 : i32 to index
        %swap3A_44 = arith.constant 0 : index
        %swap3A_45 = arith.constant 0 : index
        %swap3A_46 = vector.load %arg15[%swap3A, %swap3A_44, %swap3A_45] : memref<5x2000x512xf32, #tpu.memory_space<vmem>>, vector<1x2000x512xf32>
        %swap3A_47 = vector.shape_cast %swap3A_46 : vector<1x2000x512xf32> to vector<2000x512xf32>
        %swap3A_48 = vector.shape_cast %add3A_43 : vector<2000x512xf32> to vector<1x2000x512xf32>
        tpu.vector_store %arg15[%swap3A, %swap3A_44, %swap3A_45], %swap3A_48 {strides = array<i32>} : memref<5x2000x512xf32, #tpu.memory_space<vmem>>, vector<1x2000x512xf32>,
      } else {
      }
    } else {
    }
    %eq3A = arith.constant 1 : i32
    %eq3A_2 = arith.cmpi eq, %arg0, %eq3A : i32
    %convert_element_type3A_3 = arith.extui %eq3A_2 : i1 to i32
    %cond3A_4 = arith.constant 0 : i32
    %cond3A_5 = arith.cmpi ne, %convert_element_type3A_3, %cond3A_4 : i32
    scf.if %cond3A_5 {
      %get3A = arith.index_cast %arg1 : i32 to index
      %get3A_11 = arith.constant 0 : index
      %get3A_12 = arith.constant 0 : index
      %get3A_13 = vector.load %arg15[%get3A, %get3A_11, %get3A_12] : memref<5x2000x512xf32, #tpu.memory_space<vmem>>, vector<1x2000x512xf32>
      %get3A_14 = vector.shape_cast %get3A_13 : vector<1x2000x512xf32> to vector<2000x512xf32>
      %reduce_sum3A = arith.constant dense<0.000000e+00> : vector<512xf32>
      %reduce_sum3A_15 = vector.multi_reduction <add>, %get3A_14, %reduce_sum3A [0] : vector<2000x512xf32> to vector<512xf32>
      %broadcast_in_dim3A = vector.shape_cast %reduce_sum3A_15 : vector<512xf32> to vector<1x512xf32>
      %mul3A = arith.mulf %get3A_14, %get3A_14 : vector<2000x512xf32>
      %reduce_sum3A_16 = arith.constant dense<0.000000e+00> : vector<512xf32>
      %reduce_sum3A_17 = vector.multi_reduction <add>, %mul3A, %reduce_sum3A_16 [0] : vector<2000x512xf32> to vector<512xf32>
      %broadcast_in_dim3A_18 = vector.shape_cast %reduce_sum3A_17 : vector<512xf32> to vector<1x512xf32>
      %broadcast_in_dim3A_19 = arith.constant 0.000000e+00 : f32
      %broadcast_in_dim3A_20 = vector.broadcast %broadcast_in_dim3A_19 : f32 to vector<6x512xf32>
      %concatenate3A = tpu.concatenate %broadcast_in_dim3A, %broadcast_in_dim3A_18, %broadcast_in_dim3A_20 in 0 : vector<1x512xf32>, vector<1x512xf32>, vector<6x512xf32> -> vector<8x512xf32>
      %eq3A_21 = arith.constant 0 : i32
      %eq3A_22 = arith.cmpi eq, %arg1, %eq3A_21 : i32
      %convert_element_type3A_23 = arith.extui %eq3A_22 : i1 to i32
      %cond3A_24 = arith.constant 0 : i32
      %cond3A_25 = arith.cmpi ne, %convert_element_type3A_23, %cond3A_24 : i32
      scf.if %cond3A_25 {
        %swap3A = arith.constant 0 : index
        %swap3A_30 = arith.constant 0 : index
        %swap3A_31 = vector.load %arg16[%swap3A, %swap3A_30] : memref<8x512xf32, #tpu.memory_space<vmem>>, vector<8x512xf32>
        tpu.vector_store %arg16[%swap3A, %swap3A_30], %concatenate3A {strides = array<i32>} : memref<8x512xf32, #tpu.memory_space<vmem>>, vector<8x512xf32>,
      } else {
      }
      %gt3A = arith.constant 0 : i32
      %gt3A_26 = arith.cmpi sgt, %arg1, %gt3A : i32
      %convert_element_type3A_27 = arith.extui %gt3A_26 : i1 to i32
      %cond3A_28 = arith.constant 0 : i32
      %cond3A_29 = arith.cmpi ne, %convert_element_type3A_27, %cond3A_28 : i32
      scf.if %cond3A_29 {
        %get3A_30 = arith.constant 0 : index
        %get3A_31 = arith.constant 0 : index
        %get3A_32 = vector.load %arg16[%get3A_30, %get3A_31] : memref<8x512xf32, #tpu.memory_space<vmem>>, vector<8x512xf32>
        %add3A = arith.addf %get3A_32, %concatenate3A : vector<8x512xf32>
        %swap3A = arith.constant 0 : index
        %swap3A_33 = arith.constant 0 : index
        %swap3A_34 = vector.load %arg16[%swap3A, %swap3A_33] : memref<8x512xf32, #tpu.memory_space<vmem>>, vector<8x512xf32>
        tpu.vector_store %arg16[%swap3A, %swap3A_33], %add3A {strides = array<i32>} : memref<8x512xf32, #tpu.memory_space<vmem>>, vector<8x512xf32>,
      } else {
      }
    } else {
    }
    %eq3A_6 = arith.constant 2 : i32
    %eq3A_7 = arith.cmpi eq, %arg0, %eq3A_6 : i32
    %convert_element_type3A_8 = arith.extui %eq3A_7 : i1 to i32
    %cond3A_9 = arith.constant 0 : i32
    %cond3A_10 = arith.cmpi ne, %convert_element_type3A_8, %cond3A_9 : i32
    scf.if %cond3A_10 {
      %get3A = arith.index_cast %arg1 : i32 to index
      %get3A_11 = arith.constant 0 : index
      %get3A_12 = arith.constant 0 : index
      %get3A_13 = vector.load %arg15[%get3A, %get3A_11, %get3A_12] : memref<5x2000x512xf32, #tpu.memory_space<vmem>>, vector<1x2000x512xf32>
      %get3A_14 = vector.shape_cast %get3A_13 : vector<1x2000x512xf32> to vector<2000x512xf32>
      %get3A_15 = arith.constant 0 : index
      %get3A_16 = arith.constant 0 : index
      %get3A_17 = vector.load %arg16[%get3A_15, %get3A_16] : memref<8x512xf32, #tpu.memory_space<vmem>>, vector<1x512xf32>
      %mul3A = arith.constant 9.99999974E-5 : f32
      %mul3A_18 = vector.broadcast %mul3A : f32 to vector<1x512xf32>
      %mul3A_19 = arith.mulf %get3A_17, %mul3A_18 : vector<1x512xf32>
      %get3A_20 = arith.constant 1 : index
      %get3A_21 = arith.constant 0 : index
      %get3A_22 = vector.load %arg16[%get3A_20, %get3A_21] : memref<8x512xf32, #tpu.memory_space<vmem>>, vector<1x512xf32>
      %mul3A_23 = arith.constant 9.99999974E-5 : f32
      %mul3A_24 = vector.broadcast %mul3A_23 : f32 to vector<1x512xf32>
      %mul3A_25 = arith.mulf %get3A_22, %mul3A_24 : vector<1x512xf32>
      %mul3A_26 = arith.mulf %mul3A_19, %mul3A_19 : vector<1x512xf32>
      %sub3A = arith.subf %mul3A_25, %mul3A_26 : vector<1x512xf32>
      %sub3A_27 = vector.broadcast %mul3A_19 : vector<1x512xf32> to vector<2000x512xf32>
      %sub3A_28 = arith.subf %get3A_14, %sub3A_27 : vector<2000x512xf32>
      %add3A = arith.constant 9.99999974E-6 : f32
      %add3A_29 = vector.broadcast %add3A : f32 to vector<1x512xf32>
      %add3A_30 = arith.addf %sub3A, %add3A_29 : vector<1x512xf32>
      %rsqrt3A = math.rsqrt %add3A_30 : vector<1x512xf32>
      %mul3A_31 = vector.broadcast %rsqrt3A : vector<1x512xf32> to vector<2000x512xf32>
      %mul3A_32 = arith.mulf %sub3A_28, %mul3A_31 : vector<2000x512xf32>
      %get3A_33 = arith.constant 0 : index
      %get3A_34 = arith.constant 0 : index
      %get3A_35 = vector.load %arg9[%get3A_33, %get3A_34] : memref<1x512xf32, #tpu.memory_space<vmem>>, vector<1x512xf32>
      %mul3A_36 = vector.broadcast %get3A_35 : vector<1x512xf32> to vector<2000x512xf32>
      %mul3A_37 = arith.mulf %mul3A_32, %mul3A_36 : vector<2000x512xf32>
      %get3A_38 = arith.constant 0 : index
      %get3A_39 = arith.constant 0 : index
      %get3A_40 = vector.load %arg10[%get3A_38, %get3A_39] : memref<1x512xf32, #tpu.memory_space<vmem>>, vector<1x512xf32>
      %add3A_41 = vector.broadcast %get3A_40 : vector<1x512xf32> to vector<2000x512xf32>
      %add3A_42 = arith.addf %mul3A_37, %add3A_41 : vector<2000x512xf32>
      %reduce_sum3A = arith.constant dense<0.000000e+00> : vector<2000xf32>
      %reduce_sum3A_43 = vector.multi_reduction <add>, %add3A_42, %reduce_sum3A [1] : vector<2000x512xf32> to vector<2000xf32>
      %broadcast_in_dim3A = vector.shape_cast %reduce_sum3A_43 : vector<2000xf32> to vector<2000x1xf32>
      %div3A = arith.constant 5.120000e+02 : f32
      %div3A_44 = vector.broadcast %div3A : f32 to vector<2000x1xf32>
      %div3A_45 = arith.divf %broadcast_in_dim3A, %div3A_44 : vector<2000x1xf32>
      %mul3A_46 = arith.mulf %add3A_42, %add3A_42 : vector<2000x512xf32>
      %reduce_sum3A_47 = arith.constant dense<0.000000e+00> : vector<2000xf32>
      %reduce_sum3A_48 = vector.multi_reduction <add>, %mul3A_46, %reduce_sum3A_47 [1] : vector<2000x512xf32> to vector<2000xf32>
      %broadcast_in_dim3A_49 = vector.shape_cast %reduce_sum3A_48 : vector<2000xf32> to vector<2000x1xf32>
      %div3A_50 = arith.constant 5.120000e+02 : f32
      %div3A_51 = vector.broadcast %div3A_50 : f32 to vector<2000x1xf32>
      %div3A_52 = arith.divf %broadcast_in_dim3A_49, %div3A_51 : vector<2000x1xf32>
      %mul3A_53 = arith.mulf %div3A_45, %div3A_45 : vector<2000x1xf32>
      %sub3A_54 = arith.subf %div3A_52, %mul3A_53 : vector<2000x1xf32>
      %sub3A_55 = vector.broadcast %div3A_45 : vector<2000x1xf32> to vector<2000x512xf32>
      %sub3A_56 = arith.subf %add3A_42, %sub3A_55 : vector<2000x512xf32>
      %add3A_57 = arith.constant 9.99999974E-6 : f32
      %add3A_58 = vector.broadcast %add3A_57 : f32 to vector<2000x1xf32>
      %add3A_59 = arith.addf %sub3A_54, %add3A_58 : vector<2000x1xf32>
      %rsqrt3A_60 = math.rsqrt %add3A_59 : vector<2000x1xf32>
      %mul3A_61 = vector.broadcast %rsqrt3A_60 : vector<2000x1xf32> to vector<2000x512xf32>
      %mul3A_62 = arith.mulf %sub3A_56, %mul3A_61 : vector<2000x512xf32>
      %get3A_63 = arith.constant 0 : index
      %get3A_64 = arith.constant 0 : index
      %get3A_65 = vector.load %arg11[%get3A_63, %get3A_64] : memref<1x512xf32, #tpu.memory_space<vmem>>, vector<1x512xf32>
      %mul3A_66 = vector.broadcast %get3A_65 : vector<1x512xf32> to vector<2000x512xf32>
      %mul3A_67 = arith.mulf %mul3A_62, %mul3A_66 : vector<2000x512xf32>
      %get3A_68 = arith.constant 0 : index
      %get3A_69 = arith.constant 0 : index
      %get3A_70 = vector.load %arg12[%get3A_68, %get3A_69] : memref<1x512xf32, #tpu.memory_space<vmem>>, vector<1x512xf32>
      %add3A_71 = vector.broadcast %get3A_70 : vector<1x512xf32> to vector<2000x512xf32>
      %add3A_72 = arith.addf %mul3A_67, %add3A_71 : vector<2000x512xf32>
      %max3A = arith.constant 0.000000e+00 : f32
      %max3A_73 = vector.broadcast %max3A : f32 to vector<2000x512xf32>
      %max3A_74 = arith.maximumf %add3A_72, %max3A_73 : vector<2000x512xf32>
      %swap3A = arith.constant 0 : index
      %swap3A_75 = arith.constant 0 : index
      %swap3A_76 = vector.load %arg13[%swap3A, %swap3A_75] : memref<2000x512xf32, #tpu.memory_space<vmem>>, vector<2000x512xf32>
      tpu.vector_store %arg13[%swap3A, %swap3A_75], %max3A_74 {strides = array<i32>} : memref<2000x512xf32, #tpu.memory_space<vmem>>, vector<2000x512xf32>,
      %get3A_77 = arith.constant 0 : index
      %get3A_78 = arith.constant 0 : index
      %get3A_79 = vector.load %arg4[%get3A_77, %get3A_78] : memref<2000x1xf32, #tpu.memory_space<vmem>>, vector<2000x1xf32>
      %mul3A_80 = vector.broadcast %get3A_79 : vector<2000x1xf32> to vector<2000x512xf32>
      %mul3A_81 = arith.mulf %mul3A_80, %max3A_74 : vector<2000x512xf32>
      %convert_element_type3A_82 = arith.truncf %mul3A_81 : vector<2000x512xf32> to vector<2000x512xbf16>
      %swap3A_83 = arith.constant 0 : index
      %swap3A_84 = arith.constant 0 : index
      %swap3A_85 = vector.load %arg14[%swap3A_83, %swap3A_84] : memref<2000x512xbf16, #tpu.memory_space<vmem>>, vector<2000x512xbf16>
      tpu.vector_store %arg14[%swap3A_83, %swap3A_84], %convert_element_type3A_82 {strides = array<i32>} : memref<2000x512xbf16, #tpu.memory_space<vmem>>, vector<2000x512xbf16>,
    } else {
    }
    return
  }
  func.func @transform_0(%arg0: i32, %arg1: i32) -> (i32, i32, i32) {
    %min3A = arith.constant 1 : i32
    %min3A_0 = arith.minsi %arg0, %min3A : i32
    %lt3A = arith.constant 2 : i32
    %lt3A_1 = arith.cmpi slt, %arg0, %lt3A : i32
    %jit3A = arith.constant 0 : i32
    %select_n3A = arith.select %lt3A_1, %arg1, %jit3A : i32
    %c0_i32 = arith.constant 0 : i32
    %c0_i32_2 = arith.constant 0 : i32
    return %min3A_0, %select_n3A, %c0_i32 : i32, i32, i32
  }
  func.func @transform_1(%arg0: i32, %arg1: i32) -> (i32, i32) {
    %lt3A = arith.constant 2 : i32
    %lt3A_0 = arith.cmpi slt, %arg0, %lt3A : i32
    %jit3A = arith.constant 0 : i32
    %select_n3A = arith.select %lt3A_0, %arg1, %jit3A : i32
    %min3A = arith.constant 1 : i32
    %min3A_1 = arith.minsi %arg0, %min3A : i32
    %c0_i32 = arith.constant 0 : i32
    return %select_n3A, %min3A_1 : i32, i32
  }
  func.func @transform_2(%arg0: i32, %arg1: i32) -> (i32, i32) {
    %c0_i32 = arith.constant 0 : i32
    %c0_i32_0 = arith.constant 0 : i32
    return %arg1, %c0_i32 : i32, i32
  }
  func.func @transform_3(%arg0: i32, %arg1: i32) -> (i32, i32) {
    %eq3A = arith.constant 0 : i32
    %eq3A_0 = arith.cmpi eq, %arg0, %eq3A : i32
    %jit3A = arith.constant 0 : i32
    %select_n3A = arith.select %eq3A_0, %arg1, %jit3A : i32
    %c0_i32 = arith.constant 0 : i32
    %c0_i32_1 = arith.constant 0 : i32
    return %select_n3A, %c0_i32 : i32, i32
  }
  func.func @transform_4(%arg0: i32, %arg1: i32) -> (i32, i32) {
    %min3A = arith.constant 1 : i32
    %min3A_0 = arith.minsi %arg0, %min3A : i32
    %c0_i32 = arith.constant 0 : i32
    %c0_i32_1 = arith.constant 0 : i32
    return %min3A_0, %c0_i32 : i32, i32
  }
  func.func @transform_5(%arg0: i32, %arg1: i32) -> (i32, i32) {
    %c0_i32 = arith.constant 0 : i32
    %c0_i32_0 = arith.constant 0 : i32
    %c0_i32_1 = arith.constant 0 : i32
    return %c0_i32, %c0_i32_0 : i32, i32
  }
  func.func @transform_6(%arg0: i32, %arg1: i32) -> (i32, i32) {
    %c0_i32 = arith.constant 0 : i32
    %c0_i32_0 = arith.constant 0 : i32
    %c0_i32_1 = arith.constant 0 : i32
    return %c0_i32, %c0_i32_0 : i32, i32
  }
  func.func @transform_7(%arg0: i32, %arg1: i32) -> (i32, i32) {
    %c0_i32 = arith.constant 0 : i32
    %c0_i32_0 = arith.constant 0 : i32
    %c0_i32_1 = arith.constant 0 : i32
    return %c0_i32, %c0_i32_0 : i32, i32
  }
  func.func @transform_8(%arg0: i32, %arg1: i32) -> (i32, i32) {
    %c0_i32 = arith.constant 0 : i32
    %c0_i32_0 = arith.constant 0 : i32
    %c0_i32_1 = arith.constant 0 : i32
    return %c0_i32, %c0_i32_0 : i32, i32
  }
  func.func @transform_9(%arg0: i32, %arg1: i32) -> (i32, i32) {
    %c0_i32 = arith.constant 0 : i32
    %c0_i32_0 = arith.constant 0 : i32
    %c0_i32_1 = arith.constant 0 : i32
    return %c0_i32, %c0_i32_0 : i32, i32
  }
  func.func @transform_10(%arg0: i32, %arg1: i32) -> (i32, i32) {
    %c0_i32 = arith.constant 0 : i32
    %c0_i32_0 = arith.constant 0 : i32
    %c0_i32_1 = arith.constant 0 : i32
    return %c0_i32, %c0_i32_0 : i32, i32
  }
  func.func @transform_11(%arg0: i32, %arg1: i32) -> (i32, i32) {
    %eq3A = arith.constant 2 : i32
    %eq3A_0 = arith.cmpi eq, %arg0, %eq3A : i32
    %jit3A = arith.constant 0 : i32
    %select_n3A = arith.select %eq3A_0, %arg1, %jit3A : i32
    %c0_i32 = arith.constant 0 : i32
    %c0_i32_1 = arith.constant 0 : i32
    return %select_n3A, %c0_i32 : i32, i32
  }
  func.func @transform_12(%arg0: i32, %arg1: i32) -> (i32, i32) {
    %eq3A = arith.constant 2 : i32
    %eq3A_0 = arith.cmpi eq, %arg0, %eq3A : i32
    %jit3A = arith.constant 0 : i32
    %select_n3A = arith.select %eq3A_0, %arg1, %jit3A : i32
    %c0_i32 = arith.constant 0 : i32
    %c0_i32_1 = arith.constant 0 : i32
    return %select_n3A, %c0_i32 : i32, i32
  }
}

module attributes {stable_mosaic.version = 14 : i64} {
  func.func @_body(%arg0: i32, %arg1: i32, %arg2: memref<1x2000x128xbf16, #tpu.memory_space<vmem>>, %arg3: memref<2000x128xbf16, #tpu.memory_space<vmem>>, %arg4: memref<2000x1xf32, #tpu.memory_space<vmem>>, %arg5: memref<2000x512xf32, #tpu.memory_space<vmem>>, %arg6: memref<128x512xbf16, #tpu.memory_space<vmem>>, %arg7: memref<512x512xbf16, #tpu.memory_space<vmem>>, %arg8: memref<1x512xf32, #tpu.memory_space<vmem>>, %arg9: memref<1x512xf32, #tpu.memory_space<vmem>>, %arg10: memref<1x512xf32, #tpu.memory_space<vmem>>, %arg11: memref<1x512xf32, #tpu.memory_space<vmem>>, %arg12: memref<1x512xf32, #tpu.memory_space<vmem>>, %arg13: memref<2000x512xf32, #tpu.memory_space<vmem>>, %arg14: memref<2000x512xbf16, #tpu.memory_space<vmem>>, %arg15: memref<5x2000x512xf32, #tpu.memory_space<vmem>>, %arg16: memref<8x512xf32, #tpu.memory_space<vmem>>) attributes {dimension_semantics = [#tpu.dimension_semantics<arbitrary>, #tpu.dimension_semantics<arbitrary>], iteration_bounds = array<i64: 5, 5>, scalar_prefetch = 0 : i64, scratch_operands = 2 : i64, tpu.core_type = #tpu.core_type<tc>, window_params = [{transform_indices = @transform_0, window_bounds = array<i64: 1, 2000, 128>}, {transform_indices = @transform_1, window_bounds = array<i64: 2000, 128>}, {transform_indices = @transform_2, window_bounds = array<i64: 2000, 1>}, {transform_indices = @transform_3, window_bounds = array<i64: 2000, 512>}, {transform_indices = @transform_4, window_bounds = array<i64: 128, 512>}, {pipeline_mode = #tpu.pipeline_mode<synchronous>, transform_indices = @transform_5, window_bounds = array<i64: 512, 512>}, {pipeline_mode = #tpu.pipeline_mode<synchronous>, transform_indices = @transform_6, window_bounds = array<i64: 1, 512>}, {pipeline_mode = #tpu.pipeline_mode<synchronous>, transform_indices = @transform_7, window_bounds = array<i64: 1, 512>}, {pipeline_mode = #tpu.pipeline_mode<synchronous>, transform_indices = @transform_8, window_bounds = array<i64: 1, 512>}, {pipeline_mode = #tpu.pipeline_mode<synchronous>, transform_indices = @transform_9, window_bounds = array<i64: 1, 512>}, {pipeline_mode = #tpu.pipeline_mode<synchronous>, transform_indices = @transform_10, window_bounds = array<i64: 1, 512>}, {transform_indices = @transform_11, window_bounds = array<i64: 2000, 512>}, {transform_indices = @transform_12, window_bounds = array<i64: 2000, 512>}]} {
    %lt3A = arith.constant 4 : i32
    %lt3A_0 = arith.cmpi slt, %arg0, %lt3A : i32
    %convert_element_type3A = arith.extui %lt3A_0 : i1 to i32
    %cond3A = arith.constant 0 : i32
    %cond3A_1 = arith.cmpi ne, %convert_element_type3A, %cond3A : i32
    scf.if %cond3A_1 {
      %get3A = arith.constant 0 : index
      %get3A_11 = arith.constant 0 : index
      %get3A_12 = arith.constant 0 : index
      %get3A_13 = vector.load %arg2[%get3A, %get3A_11, %get3A_12] : memref<1x2000x128xbf16, #tpu.memory_space<vmem>>, vector<1x2000x128xbf16>
      %get3A_14 = vector.shape_cast %get3A_13 : vector<1x2000x128xbf16> to vector<2000x128xbf16>
      %convert_element_type3A_15 = arith.extf %get3A_14 : vector<2000x128xbf16> to vector<2000x128xf32>
      %get3A_16 = arith.constant 0 : index
      %get3A_17 = arith.constant 0 : index
      %get3A_18 = vector.load %arg4[%get3A_16, %get3A_17] : memref<2000x1xf32, #tpu.memory_space<vmem>>, vector<2000x1xf32>
      %get3A_19 = arith.constant 0 : index
      %get3A_20 = arith.constant 0 : index
      %get3A_21 = vector.load %arg3[%get3A_19, %get3A_20] : memref<2000x128xbf16, #tpu.memory_space<vmem>>, vector<2000x128xbf16>
      %convert_element_type3A_22 = arith.extf %get3A_21 : vector<2000x128xbf16> to vector<2000x128xf32>
      %add3A = arith.addf %convert_element_type3A_15, %convert_element_type3A_22 : vector<2000x128xf32>
      %mul3A = vector.broadcast %get3A_18 : vector<2000x1xf32> to vector<2000x128xf32>
      %mul3A_23 = arith.mulf %mul3A, %add3A : vector<2000x128xf32>
      %convert_element_type3A_24 = arith.truncf %mul3A_23 : vector<2000x128xf32> to vector<2000x128xbf16>
      %get3A_25 = arith.constant 0 : index
      %get3A_26 = arith.constant 0 : index
      %get3A_27 = vector.load %arg6[%get3A_25, %get3A_26] : memref<128x512xbf16, #tpu.memory_space<vmem>>, vector<128x512xbf16>
      %dot_general3A = arith.constant dense<0.000000e+00> : vector<2000x512xf32>
      %dot_general3A_28 = tpu.matmul %convert_element_type3A_24, %get3A_27, %dot_general3A {dimension_numbers = #tpu.dot_dimension_numbers<[1], [0], [0], [1], [0, 0, 1, 1], [], []>, transpose_lhs_hint = false} : vector<2000x128xbf16>, vector<128x512xbf16>, vector<2000x512xf32> -> vector<2000x512xf32>
      %eq3A_29 = arith.constant 0 : i32
      %eq3A_30 = arith.cmpi eq, %arg0, %eq3A_29 : i32
      %convert_element_type3A_31 = arith.extui %eq3A_30 : i1 to i32
      %cond3A_32 = arith.constant 0 : i32
      %cond3A_33 = arith.cmpi ne, %convert_element_type3A_31, %cond3A_32 : i32
      scf.if %cond3A_33 {
        %get3A_38 = arith.constant 0 : index
        %get3A_39 = arith.constant 0 : index
        %get3A_40 = vector.load %arg5[%get3A_38, %get3A_39] : memref<2000x512xf32, #tpu.memory_space<vmem>>, vector<2000x512xf32>
        %convert_element_type3A_41 = arith.truncf %get3A_40 : vector<2000x512xf32> to vector<2000x512xbf16>
        %get3A_42 = arith.constant 0 : index
        %get3A_43 = arith.constant 0 : index
        %get3A_44 = vector.load %arg7[%get3A_42, %get3A_43] : memref<512x512xbf16, #tpu.memory_space<vmem>>, vector<512x512xbf16>
        %dot_general3A_45 = arith.constant dense<0.000000e+00> : vector<2000x512xf32>
        %dot_general3A_46 = tpu.matmul %convert_element_type3A_41, %get3A_44, %dot_general3A_45 {dimension_numbers = #tpu.dot_dimension_numbers<[1], [0], [0], [1], [0, 0, 1, 1], [], []>, transpose_lhs_hint = false} : vector<2000x512xbf16>, vector<512x512xbf16>, vector<2000x512xf32> -> vector<2000x512xf32>
        %add3A_47 = arith.addf %dot_general3A_28, %dot_general3A_46 : vector<2000x512xf32>
        %get3A_48 = arith.constant 0 : index
        %get3A_49 = arith.constant 0 : index
        %get3A_50 = vector.load %arg8[%get3A_48, %get3A_49] : memref<1x512xf32, #tpu.memory_space<vmem>>, vector<1x512xf32>
        %add3A_51 = vector.broadcast %get3A_50 : vector<1x512xf32> to vector<2000x512xf32>
        %add3A_52 = arith.addf %add3A_47, %add3A_51 : vector<2000x512xf32>
        %swap3A = arith.index_cast %arg1 : i32 to index
        %swap3A_53 = arith.constant 0 : index
        %swap3A_54 = arith.constant 0 : index
        %swap3A_55 = vector.load %arg15[%swap3A, %swap3A_53, %swap3A_54] : memref<5x2000x512xf32, #tpu.memory_space<vmem>>, vector<1x2000x512xf32>
        %swap3A_56 = vector.shape_cast %swap3A_55 : vector<1x2000x512xf32> to vector<2000x512xf32>
        %swap3A_57 = vector.shape_cast %add3A_52 : vector<2000x512xf32> to vector<1x2000x512xf32>
        tpu.vector_store %arg15[%swap3A, %swap3A_53, %swap3A_54], %swap3A_57 {strides = array<i32>} : memref<5x2000x512xf32, #tpu.memory_space<vmem>>, vector<1x2000x512xf32>,
      } else {
      }
      %gt3A = arith.constant 0 : i32
      %gt3A_34 = arith.cmpi sgt, %arg0, %gt3A : i32
      %convert_element_type3A_35 = arith.extui %gt3A_34 : i1 to i32
      %cond3A_36 = arith.constant 0 : i32
      %cond3A_37 = arith.cmpi ne, %convert_element_type3A_35, %cond3A_36 : i32
      scf.if %cond3A_37 {
        %get3A_38 = arith.index_cast %arg1 : i32 to index
        %get3A_39 = arith.constant 0 : index
        %get3A_40 = arith.constant 0 : index
        %get3A_41 = vector.load %arg15[%get3A_38, %get3A_39, %get3A_40] : memref<5x2000x512xf32, #tpu.memory_space<vmem>>, vector<1x2000x512xf32>
        %get3A_42 = vector.shape_cast %get3A_41 : vector<1x2000x512xf32> to vector<2000x512xf32>
        %add3A_43 = arith.addf %get3A_42, %dot_general3A_28 : vector<2000x512xf32>
        %swap3A = arith.index_cast %arg1 : i32 to index
        %swap3A_44 = arith.constant 0 : index
        %swap3A_45 = arith.constant 0 : index
        %swap3A_46 = vector.load %arg15[%swap3A, %swap3A_44, %swap3A_45] : memref<5x2000x512xf32, #tpu.memory_space<vmem>>, vector<1x2000x512xf32>
        %swap3A_47 = vector.shape_cast %swap3A_46 : vector<1x2000x512xf32> to vector<2000x512xf32>
        %swap3A_48 = vector.shape_cast %add3A_43 : vector<2000x512xf32> to vector<1x2000x512xf32>
        tpu.vector_store %arg15[%swap3A, %swap3A_44, %swap3A_45], %swap3A_48 {strides = array<i32>} : memref<5x2000x512xf32, #tpu.memory_space<vmem>>, vector<1x2000x512xf32>,
      } else {
      }
    } else {
    }
    %eq3A = arith.constant 3 : i32
    %eq3A_2 = arith.cmpi eq, %arg0, %eq3A : i32
    %convert_element_type3A_3 = arith.extui %eq3A_2 : i1 to i32
    %cond3A_4 = arith.constant 0 : i32
    %cond3A_5 = arith.cmpi ne, %convert_element_type3A_3, %cond3A_4 : i32
    scf.if %cond3A_5 {
      %get3A = arith.index_cast %arg1 : i32 to index
      %get3A_11 = arith.constant 0 : index
      %get3A_12 = arith.constant 0 : index
      %get3A_13 = vector.load %arg15[%get3A, %get3A_11, %get3A_12] : memref<5x2000x512xf32, #tpu.memory_space<vmem>>, vector<1x2000x512xf32>
      %get3A_14 = vector.shape_cast %get3A_13 : vector<1x2000x512xf32> to vector<2000x512xf32>
      %reduce_sum3A = arith.constant dense<0.000000e+00> : vector<512xf32>
      %reduce_sum3A_15 = vector.multi_reduction <add>, %get3A_14, %reduce_sum3A [0] : vector<2000x512xf32> to vector<512xf32>
      %broadcast_in_dim3A = vector.shape_cast %reduce_sum3A_15 : vector<512xf32> to vector<1x512xf32>
      %mul3A = arith.mulf %get3A_14, %get3A_14 : vector<2000x512xf32>
      %reduce_sum3A_16 = arith.constant dense<0.000000e+00> : vector<512xf32>
      %reduce_sum3A_17 = vector.multi_reduction <add>, %mul3A, %reduce_sum3A_16 [0] : vector<2000x512xf32> to vector<512xf32>
      %broadcast_in_dim3A_18 = vector.shape_cast %reduce_sum3A_17 : vector<512xf32> to vector<1x512xf32>
      %broadcast_in_dim3A_19 = arith.constant 0.000000e+00 : f32
      %broadcast_in_dim3A_20 = vector.broadcast %broadcast_in_dim3A_19 : f32 to vector<6x512xf32>
      %concatenate3A = tpu.concatenate %broadcast_in_dim3A, %broadcast_in_dim3A_18, %broadcast_in_dim3A_20 in 0 : vector<1x512xf32>, vector<1x512xf32>, vector<6x512xf32> -> vector<8x512xf32>
      %eq3A_21 = arith.constant 0 : i32
      %eq3A_22 = arith.cmpi eq, %arg1, %eq3A_21 : i32
      %convert_element_type3A_23 = arith.extui %eq3A_22 : i1 to i32
      %cond3A_24 = arith.constant 0 : i32
      %cond3A_25 = arith.cmpi ne, %convert_element_type3A_23, %cond3A_24 : i32
      scf.if %cond3A_25 {
        %swap3A = arith.constant 0 : index
        %swap3A_30 = arith.constant 0 : index
        %swap3A_31 = vector.load %arg16[%swap3A, %swap3A_30] : memref<8x512xf32, #tpu.memory_space<vmem>>, vector<8x512xf32>
        tpu.vector_store %arg16[%swap3A, %swap3A_30], %concatenate3A {strides = array<i32>} : memref<8x512xf32, #tpu.memory_space<vmem>>, vector<8x512xf32>,
      } else {
      }
      %gt3A = arith.constant 0 : i32
      %gt3A_26 = arith.cmpi sgt, %arg1, %gt3A : i32
      %convert_element_type3A_27 = arith.extui %gt3A_26 : i1 to i32
      %cond3A_28 = arith.constant 0 : i32
      %cond3A_29 = arith.cmpi ne, %convert_element_type3A_27, %cond3A_28 : i32
      scf.if %cond3A_29 {
        %get3A_30 = arith.constant 0 : index
        %get3A_31 = arith.constant 0 : index
        %get3A_32 = vector.load %arg16[%get3A_30, %get3A_31] : memref<8x512xf32, #tpu.memory_space<vmem>>, vector<8x512xf32>
        %add3A = arith.addf %get3A_32, %concatenate3A : vector<8x512xf32>
        %swap3A = arith.constant 0 : index
        %swap3A_33 = arith.constant 0 : index
        %swap3A_34 = vector.load %arg16[%swap3A, %swap3A_33] : memref<8x512xf32, #tpu.memory_space<vmem>>, vector<8x512xf32>
        tpu.vector_store %arg16[%swap3A, %swap3A_33], %add3A {strides = array<i32>} : memref<8x512xf32, #tpu.memory_space<vmem>>, vector<8x512xf32>,
      } else {
      }
    } else {
    }
    %eq3A_6 = arith.constant 4 : i32
    %eq3A_7 = arith.cmpi eq, %arg0, %eq3A_6 : i32
    %convert_element_type3A_8 = arith.extui %eq3A_7 : i1 to i32
    %cond3A_9 = arith.constant 0 : i32
    %cond3A_10 = arith.cmpi ne, %convert_element_type3A_8, %cond3A_9 : i32
    scf.if %cond3A_10 {
      %get3A = arith.index_cast %arg1 : i32 to index
      %get3A_11 = arith.constant 0 : index
      %get3A_12 = arith.constant 0 : index
      %get3A_13 = vector.load %arg15[%get3A, %get3A_11, %get3A_12] : memref<5x2000x512xf32, #tpu.memory_space<vmem>>, vector<1x2000x512xf32>
      %get3A_14 = vector.shape_cast %get3A_13 : vector<1x2000x512xf32> to vector<2000x512xf32>
      %get3A_15 = arith.constant 0 : index
      %get3A_16 = arith.constant 0 : index
      %get3A_17 = vector.load %arg16[%get3A_15, %get3A_16] : memref<8x512xf32, #tpu.memory_space<vmem>>, vector<1x512xf32>
      %mul3A = arith.constant 9.99999974E-5 : f32
      %mul3A_18 = vector.broadcast %mul3A : f32 to vector<1x512xf32>
      %mul3A_19 = arith.mulf %get3A_17, %mul3A_18 : vector<1x512xf32>
      %get3A_20 = arith.constant 1 : index
      %get3A_21 = arith.constant 0 : index
      %get3A_22 = vector.load %arg16[%get3A_20, %get3A_21] : memref<8x512xf32, #tpu.memory_space<vmem>>, vector<1x512xf32>
      %mul3A_23 = arith.constant 9.99999974E-5 : f32
      %mul3A_24 = vector.broadcast %mul3A_23 : f32 to vector<1x512xf32>
      %mul3A_25 = arith.mulf %get3A_22, %mul3A_24 : vector<1x512xf32>
      %mul3A_26 = arith.mulf %mul3A_19, %mul3A_19 : vector<1x512xf32>
      %sub3A = arith.subf %mul3A_25, %mul3A_26 : vector<1x512xf32>
      %sub3A_27 = vector.broadcast %mul3A_19 : vector<1x512xf32> to vector<2000x512xf32>
      %sub3A_28 = arith.subf %get3A_14, %sub3A_27 : vector<2000x512xf32>
      %add3A = arith.constant 9.99999974E-6 : f32
      %add3A_29 = vector.broadcast %add3A : f32 to vector<1x512xf32>
      %add3A_30 = arith.addf %sub3A, %add3A_29 : vector<1x512xf32>
      %rsqrt3A = math.rsqrt %add3A_30 : vector<1x512xf32>
      %mul3A_31 = vector.broadcast %rsqrt3A : vector<1x512xf32> to vector<2000x512xf32>
      %mul3A_32 = arith.mulf %sub3A_28, %mul3A_31 : vector<2000x512xf32>
      %get3A_33 = arith.constant 0 : index
      %get3A_34 = arith.constant 0 : index
      %get3A_35 = vector.load %arg9[%get3A_33, %get3A_34] : memref<1x512xf32, #tpu.memory_space<vmem>>, vector<1x512xf32>
      %mul3A_36 = vector.broadcast %get3A_35 : vector<1x512xf32> to vector<2000x512xf32>
      %mul3A_37 = arith.mulf %mul3A_32, %mul3A_36 : vector<2000x512xf32>
      %get3A_38 = arith.constant 0 : index
      %get3A_39 = arith.constant 0 : index
      %get3A_40 = vector.load %arg10[%get3A_38, %get3A_39] : memref<1x512xf32, #tpu.memory_space<vmem>>, vector<1x512xf32>
      %add3A_41 = vector.broadcast %get3A_40 : vector<1x512xf32> to vector<2000x512xf32>
      %add3A_42 = arith.addf %mul3A_37, %add3A_41 : vector<2000x512xf32>
      %reduce_sum3A = arith.constant dense<0.000000e+00> : vector<2000xf32>
      %reduce_sum3A_43 = vector.multi_reduction <add>, %add3A_42, %reduce_sum3A [1] : vector<2000x512xf32> to vector<2000xf32>
      %broadcast_in_dim3A = vector.shape_cast %reduce_sum3A_43 : vector<2000xf32> to vector<2000x1xf32>
      %div3A = arith.constant 5.120000e+02 : f32
      %div3A_44 = vector.broadcast %div3A : f32 to vector<2000x1xf32>
      %div3A_45 = arith.divf %broadcast_in_dim3A, %div3A_44 : vector<2000x1xf32>
      %mul3A_46 = arith.mulf %add3A_42, %add3A_42 : vector<2000x512xf32>
      %reduce_sum3A_47 = arith.constant dense<0.000000e+00> : vector<2000xf32>
      %reduce_sum3A_48 = vector.multi_reduction <add>, %mul3A_46, %reduce_sum3A_47 [1] : vector<2000x512xf32> to vector<2000xf32>
      %broadcast_in_dim3A_49 = vector.shape_cast %reduce_sum3A_48 : vector<2000xf32> to vector<2000x1xf32>
      %div3A_50 = arith.constant 5.120000e+02 : f32
      %div3A_51 = vector.broadcast %div3A_50 : f32 to vector<2000x1xf32>
      %div3A_52 = arith.divf %broadcast_in_dim3A_49, %div3A_51 : vector<2000x1xf32>
      %mul3A_53 = arith.mulf %div3A_45, %div3A_45 : vector<2000x1xf32>
      %sub3A_54 = arith.subf %div3A_52, %mul3A_53 : vector<2000x1xf32>
      %sub3A_55 = vector.broadcast %div3A_45 : vector<2000x1xf32> to vector<2000x512xf32>
      %sub3A_56 = arith.subf %add3A_42, %sub3A_55 : vector<2000x512xf32>
      %add3A_57 = arith.constant 9.99999974E-6 : f32
      %add3A_58 = vector.broadcast %add3A_57 : f32 to vector<2000x1xf32>
      %add3A_59 = arith.addf %sub3A_54, %add3A_58 : vector<2000x1xf32>
      %rsqrt3A_60 = math.rsqrt %add3A_59 : vector<2000x1xf32>
      %mul3A_61 = vector.broadcast %rsqrt3A_60 : vector<2000x1xf32> to vector<2000x512xf32>
      %mul3A_62 = arith.mulf %sub3A_56, %mul3A_61 : vector<2000x512xf32>
      %get3A_63 = arith.constant 0 : index
      %get3A_64 = arith.constant 0 : index
      %get3A_65 = vector.load %arg11[%get3A_63, %get3A_64] : memref<1x512xf32, #tpu.memory_space<vmem>>, vector<1x512xf32>
      %mul3A_66 = vector.broadcast %get3A_65 : vector<1x512xf32> to vector<2000x512xf32>
      %mul3A_67 = arith.mulf %mul3A_62, %mul3A_66 : vector<2000x512xf32>
      %get3A_68 = arith.constant 0 : index
      %get3A_69 = arith.constant 0 : index
      %get3A_70 = vector.load %arg12[%get3A_68, %get3A_69] : memref<1x512xf32, #tpu.memory_space<vmem>>, vector<1x512xf32>
      %add3A_71 = vector.broadcast %get3A_70 : vector<1x512xf32> to vector<2000x512xf32>
      %add3A_72 = arith.addf %mul3A_67, %add3A_71 : vector<2000x512xf32>
      %max3A = arith.constant 0.000000e+00 : f32
      %max3A_73 = vector.broadcast %max3A : f32 to vector<2000x512xf32>
      %max3A_74 = arith.maximumf %add3A_72, %max3A_73 : vector<2000x512xf32>
      %swap3A = arith.constant 0 : index
      %swap3A_75 = arith.constant 0 : index
      %swap3A_76 = vector.load %arg13[%swap3A, %swap3A_75] : memref<2000x512xf32, #tpu.memory_space<vmem>>, vector<2000x512xf32>
      tpu.vector_store %arg13[%swap3A, %swap3A_75], %max3A_74 {strides = array<i32>} : memref<2000x512xf32, #tpu.memory_space<vmem>>, vector<2000x512xf32>,
      %get3A_77 = arith.constant 0 : index
      %get3A_78 = arith.constant 0 : index
      %get3A_79 = vector.load %arg4[%get3A_77, %get3A_78] : memref<2000x1xf32, #tpu.memory_space<vmem>>, vector<2000x1xf32>
      %mul3A_80 = vector.broadcast %get3A_79 : vector<2000x1xf32> to vector<2000x512xf32>
      %mul3A_81 = arith.mulf %mul3A_80, %max3A_74 : vector<2000x512xf32>
      %convert_element_type3A_82 = arith.truncf %mul3A_81 : vector<2000x512xf32> to vector<2000x512xbf16>
      %swap3A_83 = arith.constant 0 : index
      %swap3A_84 = arith.constant 0 : index
      %swap3A_85 = vector.load %arg14[%swap3A_83, %swap3A_84] : memref<2000x512xbf16, #tpu.memory_space<vmem>>, vector<2000x512xbf16>
      tpu.vector_store %arg14[%swap3A_83, %swap3A_84], %convert_element_type3A_82 {strides = array<i32>} : memref<2000x512xbf16, #tpu.memory_space<vmem>>, vector<2000x512xbf16>,
    } else {
    }
    return
  }
  func.func @transform_0(%arg0: i32, %arg1: i32) -> (i32, i32, i32) {
    %min3A = arith.constant 3 : i32
    %min3A_0 = arith.minsi %arg0, %min3A : i32
    %lt3A = arith.constant 4 : i32
    %lt3A_1 = arith.cmpi slt, %arg0, %lt3A : i32
    %jit3A = arith.constant 0 : i32
    %select_n3A = arith.select %lt3A_1, %arg1, %jit3A : i32
    %c0_i32 = arith.constant 0 : i32
    %c0_i32_2 = arith.constant 0 : i32
    return %min3A_0, %select_n3A, %c0_i32 : i32, i32, i32
  }
  func.func @transform_1(%arg0: i32, %arg1: i32) -> (i32, i32) {
    %lt3A = arith.constant 4 : i32
    %lt3A_0 = arith.cmpi slt, %arg0, %lt3A : i32
    %jit3A = arith.constant 0 : i32
    %select_n3A = arith.select %lt3A_0, %arg1, %jit3A : i32
    %min3A = arith.constant 3 : i32
    %min3A_1 = arith.minsi %arg0, %min3A : i32
    %c0_i32 = arith.constant 0 : i32
    return %select_n3A, %min3A_1 : i32, i32
  }
  func.func @transform_2(%arg0: i32, %arg1: i32) -> (i32, i32) {
    %c0_i32 = arith.constant 0 : i32
    %c0_i32_0 = arith.constant 0 : i32
    return %arg1, %c0_i32 : i32, i32
  }
  func.func @transform_3(%arg0: i32, %arg1: i32) -> (i32, i32) {
    %eq3A = arith.constant 0 : i32
    %eq3A_0 = arith.cmpi eq, %arg0, %eq3A : i32
    %jit3A = arith.constant 0 : i32
    %select_n3A = arith.select %eq3A_0, %arg1, %jit3A : i32
    %c0_i32 = arith.constant 0 : i32
    %c0_i32_1 = arith.constant 0 : i32
    return %select_n3A, %c0_i32 : i32, i32
  }
  func.func @transform_4(%arg0: i32, %arg1: i32) -> (i32, i32) {
    %min3A = arith.constant 3 : i32
    %min3A_0 = arith.minsi %arg0, %min3A : i32
    %c0_i32 = arith.constant 0 : i32
    %c0_i32_1 = arith.constant 0 : i32
    return %min3A_0, %c0_i32 : i32, i32
  }
  func.func @transform_5(%arg0: i32, %arg1: i32) -> (i32, i32) {
    %c0_i32 = arith.constant 0 : i32
    %c0_i32_0 = arith.constant 0 : i32
    %c0_i32_1 = arith.constant 0 : i32
    return %c0_i32, %c0_i32_0 : i32, i32
  }
  func.func @transform_6(%arg0: i32, %arg1: i32) -> (i32, i32) {
    %c0_i32 = arith.constant 0 : i32
    %c0_i32_0 = arith.constant 0 : i32
    %c0_i32_1 = arith.constant 0 : i32
    return %c0_i32, %c0_i32_0 : i32, i32
  }
  func.func @transform_7(%arg0: i32, %arg1: i32) -> (i32, i32) {
    %c0_i32 = arith.constant 0 : i32
    %c0_i32_0 = arith.constant 0 : i32
    %c0_i32_1 = arith.constant 0 : i32
    return %c0_i32, %c0_i32_0 : i32, i32
  }
  func.func @transform_8(%arg0: i32, %arg1: i32) -> (i32, i32) {
    %c0_i32 = arith.constant 0 : i32
    %c0_i32_0 = arith.constant 0 : i32
    %c0_i32_1 = arith.constant 0 : i32
    return %c0_i32, %c0_i32_0 : i32, i32
  }
  func.func @transform_9(%arg0: i32, %arg1: i32) -> (i32, i32) {
    %c0_i32 = arith.constant 0 : i32
    %c0_i32_0 = arith.constant 0 : i32
    %c0_i32_1 = arith.constant 0 : i32
    return %c0_i32, %c0_i32_0 : i32, i32
  }
  func.func @transform_10(%arg0: i32, %arg1: i32) -> (i32, i32) {
    %c0_i32 = arith.constant 0 : i32
    %c0_i32_0 = arith.constant 0 : i32
    %c0_i32_1 = arith.constant 0 : i32
    return %c0_i32, %c0_i32_0 : i32, i32
  }
  func.func @transform_11(%arg0: i32, %arg1: i32) -> (i32, i32) {
    %eq3A = arith.constant 4 : i32
    %eq3A_0 = arith.cmpi eq, %arg0, %eq3A : i32
    %jit3A = arith.constant 0 : i32
    %select_n3A = arith.select %eq3A_0, %arg1, %jit3A : i32
    %c0_i32 = arith.constant 0 : i32
    %c0_i32_1 = arith.constant 0 : i32
    return %select_n3A, %c0_i32 : i32, i32
  }
  func.func @transform_12(%arg0: i32, %arg1: i32) -> (i32, i32) {
    %eq3A = arith.constant 4 : i32
    %eq3A_0 = arith.cmpi eq, %arg0, %eq3A : i32
    %jit3A = arith.constant 0 : i32
    %select_n3A = arith.select %eq3A_0, %arg1, %jit3A : i32
    %c0_i32 = arith.constant 0 : i32
    %c0_i32_1 = arith.constant 0 : i32
    return %select_n3A, %c0_i32 : i32, i32
  }
}

module attributes {stable_mosaic.version = 14 : i64} {
  func.func @_body(%arg0: i32, %arg1: i32, %arg2: memref<1x2000x128xbf16, #tpu.memory_space<vmem>>, %arg3: memref<2000x128xbf16, #tpu.memory_space<vmem>>, %arg4: memref<2000x1xf32, #tpu.memory_space<vmem>>, %arg5: memref<2000x512xf32, #tpu.memory_space<vmem>>, %arg6: memref<128x512xbf16, #tpu.memory_space<vmem>>, %arg7: memref<512x512xbf16, #tpu.memory_space<vmem>>, %arg8: memref<1x512xf32, #tpu.memory_space<vmem>>, %arg9: memref<1x512xf32, #tpu.memory_space<vmem>>, %arg10: memref<1x512xf32, #tpu.memory_space<vmem>>, %arg11: memref<1x512xf32, #tpu.memory_space<vmem>>, %arg12: memref<1x512xf32, #tpu.memory_space<vmem>>, %arg13: memref<2000x512xbf16, #tpu.memory_space<vmem>>, %arg14: memref<512x7xbf16, #tpu.memory_space<vmem>>, %arg15: memref<1x7xf32, #tpu.memory_space<vmem>>, %arg16: memref<2000x7xf32, #tpu.memory_space<vmem>>, %arg17: memref<5x2000x512xf32, #tpu.memory_space<vmem>>, %arg18: memref<8x512xf32, #tpu.memory_space<vmem>>) attributes {dimension_semantics = [#tpu.dimension_semantics<arbitrary>, #tpu.dimension_semantics<arbitrary>], iteration_bounds = array<i64: 5, 5>, scalar_prefetch = 0 : i64, scratch_operands = 2 : i64, tpu.core_type = #tpu.core_type<tc>, window_params = [{transform_indices = @transform_0, window_bounds = array<i64: 1, 2000, 128>}, {transform_indices = @transform_1, window_bounds = array<i64: 2000, 128>}, {transform_indices = @transform_2, window_bounds = array<i64: 2000, 1>}, {transform_indices = @transform_3, window_bounds = array<i64: 2000, 512>}, {transform_indices = @transform_4, window_bounds = array<i64: 128, 512>}, {pipeline_mode = #tpu.pipeline_mode<synchronous>, transform_indices = @transform_5, window_bounds = array<i64: 512, 512>}, {pipeline_mode = #tpu.pipeline_mode<synchronous>, transform_indices = @transform_6, window_bounds = array<i64: 1, 512>}, {pipeline_mode = #tpu.pipeline_mode<synchronous>, transform_indices = @transform_7, window_bounds = array<i64: 1, 512>}, {pipeline_mode = #tpu.pipeline_mode<synchronous>, transform_indices = @transform_8, window_bounds = array<i64: 1, 512>}, {pipeline_mode = #tpu.pipeline_mode<synchronous>, transform_indices = @transform_9, window_bounds = array<i64: 1, 512>}, {pipeline_mode = #tpu.pipeline_mode<synchronous>, transform_indices = @transform_10, window_bounds = array<i64: 1, 512>}, {transform_indices = @transform_11, window_bounds = array<i64: 2000, 512>}, {pipeline_mode = #tpu.pipeline_mode<synchronous>, transform_indices = @transform_12, window_bounds = array<i64: 512, 7>}, {pipeline_mode = #tpu.pipeline_mode<synchronous>, transform_indices = @transform_13, window_bounds = array<i64: 1, 7>}, {transform_indices = @transform_14, window_bounds = array<i64: 2000, 7>}]} {
    %lt3A = arith.constant 4 : i32
    %lt3A_0 = arith.cmpi slt, %arg0, %lt3A : i32
    %convert_element_type3A = arith.extui %lt3A_0 : i1 to i32
    %cond3A = arith.constant 0 : i32
    %cond3A_1 = arith.cmpi ne, %convert_element_type3A, %cond3A : i32
    scf.if %cond3A_1 {
      %get3A = arith.constant 0 : index
      %get3A_11 = arith.constant 0 : index
      %get3A_12 = arith.constant 0 : index
      %get3A_13 = vector.load %arg2[%get3A, %get3A_11, %get3A_12] : memref<1x2000x128xbf16, #tpu.memory_space<vmem>>, vector<1x2000x128xbf16>
      %get3A_14 = vector.shape_cast %get3A_13 : vector<1x2000x128xbf16> to vector<2000x128xbf16>
      %convert_element_type3A_15 = arith.extf %get3A_14 : vector<2000x128xbf16> to vector<2000x128xf32>
      %get3A_16 = arith.constant 0 : index
      %get3A_17 = arith.constant 0 : index
      %get3A_18 = vector.load %arg4[%get3A_16, %get3A_17] : memref<2000x1xf32, #tpu.memory_space<vmem>>, vector<2000x1xf32>
      %get3A_19 = arith.constant 0 : index
      %get3A_20 = arith.constant 0 : index
      %get3A_21 = vector.load %arg3[%get3A_19, %get3A_20] : memref<2000x128xbf16, #tpu.memory_space<vmem>>, vector<2000x128xbf16>
      %convert_element_type3A_22 = arith.extf %get3A_21 : vector<2000x128xbf16> to vector<2000x128xf32>
      %add3A = arith.addf %convert_element_type3A_15, %convert_element_type3A_22 : vector<2000x128xf32>
      %mul3A = vector.broadcast %get3A_18 : vector<2000x1xf32> to vector<2000x128xf32>
      %mul3A_23 = arith.mulf %mul3A, %add3A : vector<2000x128xf32>
      %convert_element_type3A_24 = arith.truncf %mul3A_23 : vector<2000x128xf32> to vector<2000x128xbf16>
      %get3A_25 = arith.constant 0 : index
      %get3A_26 = arith.constant 0 : index
      %get3A_27 = vector.load %arg6[%get3A_25, %get3A_26] : memref<128x512xbf16, #tpu.memory_space<vmem>>, vector<128x512xbf16>
      %dot_general3A = arith.constant dense<0.000000e+00> : vector<2000x512xf32>
      %dot_general3A_28 = tpu.matmul %convert_element_type3A_24, %get3A_27, %dot_general3A {dimension_numbers = #tpu.dot_dimension_numbers<[1], [0], [0], [1], [0, 0, 1, 1], [], []>, transpose_lhs_hint = false} : vector<2000x128xbf16>, vector<128x512xbf16>, vector<2000x512xf32> -> vector<2000x512xf32>
      %eq3A_29 = arith.constant 0 : i32
      %eq3A_30 = arith.cmpi eq, %arg0, %eq3A_29 : i32
      %convert_element_type3A_31 = arith.extui %eq3A_30 : i1 to i32
      %cond3A_32 = arith.constant 0 : i32
      %cond3A_33 = arith.cmpi ne, %convert_element_type3A_31, %cond3A_32 : i32
      scf.if %cond3A_33 {
        %get3A_38 = arith.constant 0 : index
        %get3A_39 = arith.constant 0 : index
        %get3A_40 = vector.load %arg5[%get3A_38, %get3A_39] : memref<2000x512xf32, #tpu.memory_space<vmem>>, vector<2000x512xf32>
        %convert_element_type3A_41 = arith.truncf %get3A_40 : vector<2000x512xf32> to vector<2000x512xbf16>
        %get3A_42 = arith.constant 0 : index
        %get3A_43 = arith.constant 0 : index
        %get3A_44 = vector.load %arg7[%get3A_42, %get3A_43] : memref<512x512xbf16, #tpu.memory_space<vmem>>, vector<512x512xbf16>
        %dot_general3A_45 = arith.constant dense<0.000000e+00> : vector<2000x512xf32>
        %dot_general3A_46 = tpu.matmul %convert_element_type3A_41, %get3A_44, %dot_general3A_45 {dimension_numbers = #tpu.dot_dimension_numbers<[1], [0], [0], [1], [0, 0, 1, 1], [], []>, transpose_lhs_hint = false} : vector<2000x512xbf16>, vector<512x512xbf16>, vector<2000x512xf32> -> vector<2000x512xf32>
        %add3A_47 = arith.addf %dot_general3A_28, %dot_general3A_46 : vector<2000x512xf32>
        %get3A_48 = arith.constant 0 : index
        %get3A_49 = arith.constant 0 : index
        %get3A_50 = vector.load %arg8[%get3A_48, %get3A_49] : memref<1x512xf32, #tpu.memory_space<vmem>>, vector<1x512xf32>
        %add3A_51 = vector.broadcast %get3A_50 : vector<1x512xf32> to vector<2000x512xf32>
        %add3A_52 = arith.addf %add3A_47, %add3A_51 : vector<2000x512xf32>
        %swap3A = arith.index_cast %arg1 : i32 to index
        %swap3A_53 = arith.constant 0 : index
        %swap3A_54 = arith.constant 0 : index
        %swap3A_55 = vector.load %arg17[%swap3A, %swap3A_53, %swap3A_54] : memref<5x2000x512xf32, #tpu.memory_space<vmem>>, vector<1x2000x512xf32>
        %swap3A_56 = vector.shape_cast %swap3A_55 : vector<1x2000x512xf32> to vector<2000x512xf32>
        %swap3A_57 = vector.shape_cast %add3A_52 : vector<2000x512xf32> to vector<1x2000x512xf32>
        tpu.vector_store %arg17[%swap3A, %swap3A_53, %swap3A_54], %swap3A_57 {strides = array<i32>} : memref<5x2000x512xf32, #tpu.memory_space<vmem>>, vector<1x2000x512xf32>,
      } else {
      }
      %gt3A = arith.constant 0 : i32
      %gt3A_34 = arith.cmpi sgt, %arg0, %gt3A : i32
      %convert_element_type3A_35 = arith.extui %gt3A_34 : i1 to i32
      %cond3A_36 = arith.constant 0 : i32
      %cond3A_37 = arith.cmpi ne, %convert_element_type3A_35, %cond3A_36 : i32
      scf.if %cond3A_37 {
        %get3A_38 = arith.index_cast %arg1 : i32 to index
        %get3A_39 = arith.constant 0 : index
        %get3A_40 = arith.constant 0 : index
        %get3A_41 = vector.load %arg17[%get3A_38, %get3A_39, %get3A_40] : memref<5x2000x512xf32, #tpu.memory_space<vmem>>, vector<1x2000x512xf32>
        %get3A_42 = vector.shape_cast %get3A_41 : vector<1x2000x512xf32> to vector<2000x512xf32>
        %add3A_43 = arith.addf %get3A_42, %dot_general3A_28 : vector<2000x512xf32>
        %swap3A = arith.index_cast %arg1 : i32 to index
        %swap3A_44 = arith.constant 0 : index
        %swap3A_45 = arith.constant 0 : index
        %swap3A_46 = vector.load %arg17[%swap3A, %swap3A_44, %swap3A_45] : memref<5x2000x512xf32, #tpu.memory_space<vmem>>, vector<1x2000x512xf32>
        %swap3A_47 = vector.shape_cast %swap3A_46 : vector<1x2000x512xf32> to vector<2000x512xf32>
        %swap3A_48 = vector.shape_cast %add3A_43 : vector<2000x512xf32> to vector<1x2000x512xf32>
        tpu.vector_store %arg17[%swap3A, %swap3A_44, %swap3A_45], %swap3A_48 {strides = array<i32>} : memref<5x2000x512xf32, #tpu.memory_space<vmem>>, vector<1x2000x512xf32>,
      } else {
      }
    } else {
    }
    %eq3A = arith.constant 3 : i32
    %eq3A_2 = arith.cmpi eq, %arg0, %eq3A : i32
    %convert_element_type3A_3 = arith.extui %eq3A_2 : i1 to i32
    %cond3A_4 = arith.constant 0 : i32
    %cond3A_5 = arith.cmpi ne, %convert_element_type3A_3, %cond3A_4 : i32
    scf.if %cond3A_5 {
      %get3A = arith.index_cast %arg1 : i32 to index
      %get3A_11 = arith.constant 0 : index
      %get3A_12 = arith.constant 0 : index
      %get3A_13 = vector.load %arg17[%get3A, %get3A_11, %get3A_12] : memref<5x2000x512xf32, #tpu.memory_space<vmem>>, vector<1x2000x512xf32>
      %get3A_14 = vector.shape_cast %get3A_13 : vector<1x2000x512xf32> to vector<2000x512xf32>
      %reduce_sum3A = arith.constant dense<0.000000e+00> : vector<512xf32>
      %reduce_sum3A_15 = vector.multi_reduction <add>, %get3A_14, %reduce_sum3A [0] : vector<2000x512xf32> to vector<512xf32>
      %broadcast_in_dim3A = vector.shape_cast %reduce_sum3A_15 : vector<512xf32> to vector<1x512xf32>
      %mul3A = arith.mulf %get3A_14, %get3A_14 : vector<2000x512xf32>
      %reduce_sum3A_16 = arith.constant dense<0.000000e+00> : vector<512xf32>
      %reduce_sum3A_17 = vector.multi_reduction <add>, %mul3A, %reduce_sum3A_16 [0] : vector<2000x512xf32> to vector<512xf32>
      %broadcast_in_dim3A_18 = vector.shape_cast %reduce_sum3A_17 : vector<512xf32> to vector<1x512xf32>
      %broadcast_in_dim3A_19 = arith.constant 0.000000e+00 : f32
      %broadcast_in_dim3A_20 = vector.broadcast %broadcast_in_dim3A_19 : f32 to vector<6x512xf32>
      %concatenate3A = tpu.concatenate %broadcast_in_dim3A, %broadcast_in_dim3A_18, %broadcast_in_dim3A_20 in 0 : vector<1x512xf32>, vector<1x512xf32>, vector<6x512xf32> -> vector<8x512xf32>
      %eq3A_21 = arith.constant 0 : i32
      %eq3A_22 = arith.cmpi eq, %arg1, %eq3A_21 : i32
      %convert_element_type3A_23 = arith.extui %eq3A_22 : i1 to i32
      %cond3A_24 = arith.constant 0 : i32
      %cond3A_25 = arith.cmpi ne, %convert_element_type3A_23, %cond3A_24 : i32
      scf.if %cond3A_25 {
        %swap3A = arith.constant 0 : index
        %swap3A_30 = arith.constant 0 : index
        %swap3A_31 = vector.load %arg18[%swap3A, %swap3A_30] : memref<8x512xf32, #tpu.memory_space<vmem>>, vector<8x512xf32>
        tpu.vector_store %arg18[%swap3A, %swap3A_30], %concatenate3A {strides = array<i32>} : memref<8x512xf32, #tpu.memory_space<vmem>>, vector<8x512xf32>,
      } else {
      }
      %gt3A = arith.constant 0 : i32
      %gt3A_26 = arith.cmpi sgt, %arg1, %gt3A : i32
      %convert_element_type3A_27 = arith.extui %gt3A_26 : i1 to i32
      %cond3A_28 = arith.constant 0 : i32
      %cond3A_29 = arith.cmpi ne, %convert_element_type3A_27, %cond3A_28 : i32
      scf.if %cond3A_29 {
        %get3A_30 = arith.constant 0 : index
        %get3A_31 = arith.constant 0 : index
        %get3A_32 = vector.load %arg18[%get3A_30, %get3A_31] : memref<8x512xf32, #tpu.memory_space<vmem>>, vector<8x512xf32>
        %add3A = arith.addf %get3A_32, %concatenate3A : vector<8x512xf32>
        %swap3A = arith.constant 0 : index
        %swap3A_33 = arith.constant 0 : index
        %swap3A_34 = vector.load %arg18[%swap3A, %swap3A_33] : memref<8x512xf32, #tpu.memory_space<vmem>>, vector<8x512xf32>
        tpu.vector_store %arg18[%swap3A, %swap3A_33], %add3A {strides = array<i32>} : memref<8x512xf32, #tpu.memory_space<vmem>>, vector<8x512xf32>,
      } else {
      }
    } else {
    }
    %eq3A_6 = arith.constant 4 : i32
    %eq3A_7 = arith.cmpi eq, %arg0, %eq3A_6 : i32
    %convert_element_type3A_8 = arith.extui %eq3A_7 : i1 to i32
    %cond3A_9 = arith.constant 0 : i32
    %cond3A_10 = arith.cmpi ne, %convert_element_type3A_8, %cond3A_9 : i32
    scf.if %cond3A_10 {
      %get3A = arith.index_cast %arg1 : i32 to index
      %get3A_11 = arith.constant 0 : index
      %get3A_12 = arith.constant 0 : index
      %get3A_13 = vector.load %arg17[%get3A, %get3A_11, %get3A_12] : memref<5x2000x512xf32, #tpu.memory_space<vmem>>, vector<1x2000x512xf32>
      %get3A_14 = vector.shape_cast %get3A_13 : vector<1x2000x512xf32> to vector<2000x512xf32>
      %get3A_15 = arith.constant 0 : index
      %get3A_16 = arith.constant 0 : index
      %get3A_17 = vector.load %arg18[%get3A_15, %get3A_16] : memref<8x512xf32, #tpu.memory_space<vmem>>, vector<1x512xf32>
      %mul3A = arith.constant 9.99999974E-5 : f32
      %mul3A_18 = vector.broadcast %mul3A : f32 to vector<1x512xf32>
      %mul3A_19 = arith.mulf %get3A_17, %mul3A_18 : vector<1x512xf32>
      %get3A_20 = arith.constant 1 : index
      %get3A_21 = arith.constant 0 : index
      %get3A_22 = vector.load %arg18[%get3A_20, %get3A_21] : memref<8x512xf32, #tpu.memory_space<vmem>>, vector<1x512xf32>
      %mul3A_23 = arith.constant 9.99999974E-5 : f32
      %mul3A_24 = vector.broadcast %mul3A_23 : f32 to vector<1x512xf32>
      %mul3A_25 = arith.mulf %get3A_22, %mul3A_24 : vector<1x512xf32>
      %mul3A_26 = arith.mulf %mul3A_19, %mul3A_19 : vector<1x512xf32>
      %sub3A = arith.subf %mul3A_25, %mul3A_26 : vector<1x512xf32>
      %sub3A_27 = vector.broadcast %mul3A_19 : vector<1x512xf32> to vector<2000x512xf32>
      %sub3A_28 = arith.subf %get3A_14, %sub3A_27 : vector<2000x512xf32>
      %add3A = arith.constant 9.99999974E-6 : f32
      %add3A_29 = vector.broadcast %add3A : f32 to vector<1x512xf32>
      %add3A_30 = arith.addf %sub3A, %add3A_29 : vector<1x512xf32>
      %rsqrt3A = math.rsqrt %add3A_30 : vector<1x512xf32>
      %mul3A_31 = vector.broadcast %rsqrt3A : vector<1x512xf32> to vector<2000x512xf32>
      %mul3A_32 = arith.mulf %sub3A_28, %mul3A_31 : vector<2000x512xf32>
      %get3A_33 = arith.constant 0 : index
      %get3A_34 = arith.constant 0 : index
      %get3A_35 = vector.load %arg9[%get3A_33, %get3A_34] : memref<1x512xf32, #tpu.memory_space<vmem>>, vector<1x512xf32>
      %mul3A_36 = vector.broadcast %get3A_35 : vector<1x512xf32> to vector<2000x512xf32>
      %mul3A_37 = arith.mulf %mul3A_32, %mul3A_36 : vector<2000x512xf32>
      %get3A_38 = arith.constant 0 : index
      %get3A_39 = arith.constant 0 : index
      %get3A_40 = vector.load %arg10[%get3A_38, %get3A_39] : memref<1x512xf32, #tpu.memory_space<vmem>>, vector<1x512xf32>
      %add3A_41 = vector.broadcast %get3A_40 : vector<1x512xf32> to vector<2000x512xf32>
      %add3A_42 = arith.addf %mul3A_37, %add3A_41 : vector<2000x512xf32>
      %reduce_sum3A = arith.constant dense<0.000000e+00> : vector<2000xf32>
      %reduce_sum3A_43 = vector.multi_reduction <add>, %add3A_42, %reduce_sum3A [1] : vector<2000x512xf32> to vector<2000xf32>
      %broadcast_in_dim3A = vector.shape_cast %reduce_sum3A_43 : vector<2000xf32> to vector<2000x1xf32>
      %div3A = arith.constant 5.120000e+02 : f32
      %div3A_44 = vector.broadcast %div3A : f32 to vector<2000x1xf32>
      %div3A_45 = arith.divf %broadcast_in_dim3A, %div3A_44 : vector<2000x1xf32>
      %mul3A_46 = arith.mulf %add3A_42, %add3A_42 : vector<2000x512xf32>
      %reduce_sum3A_47 = arith.constant dense<0.000000e+00> : vector<2000xf32>
      %reduce_sum3A_48 = vector.multi_reduction <add>, %mul3A_46, %reduce_sum3A_47 [1] : vector<2000x512xf32> to vector<2000xf32>
      %broadcast_in_dim3A_49 = vector.shape_cast %reduce_sum3A_48 : vector<2000xf32> to vector<2000x1xf32>
      %div3A_50 = arith.constant 5.120000e+02 : f32
      %div3A_51 = vector.broadcast %div3A_50 : f32 to vector<2000x1xf32>
      %div3A_52 = arith.divf %broadcast_in_dim3A_49, %div3A_51 : vector<2000x1xf32>
      %mul3A_53 = arith.mulf %div3A_45, %div3A_45 : vector<2000x1xf32>
      %sub3A_54 = arith.subf %div3A_52, %mul3A_53 : vector<2000x1xf32>
      %sub3A_55 = vector.broadcast %div3A_45 : vector<2000x1xf32> to vector<2000x512xf32>
      %sub3A_56 = arith.subf %add3A_42, %sub3A_55 : vector<2000x512xf32>
      %add3A_57 = arith.constant 9.99999974E-6 : f32
      %add3A_58 = vector.broadcast %add3A_57 : f32 to vector<2000x1xf32>
      %add3A_59 = arith.addf %sub3A_54, %add3A_58 : vector<2000x1xf32>
      %rsqrt3A_60 = math.rsqrt %add3A_59 : vector<2000x1xf32>
      %mul3A_61 = vector.broadcast %rsqrt3A_60 : vector<2000x1xf32> to vector<2000x512xf32>
      %mul3A_62 = arith.mulf %sub3A_56, %mul3A_61 : vector<2000x512xf32>
      %get3A_63 = arith.constant 0 : index
      %get3A_64 = arith.constant 0 : index
      %get3A_65 = vector.load %arg11[%get3A_63, %get3A_64] : memref<1x512xf32, #tpu.memory_space<vmem>>, vector<1x512xf32>
      %mul3A_66 = vector.broadcast %get3A_65 : vector<1x512xf32> to vector<2000x512xf32>
      %mul3A_67 = arith.mulf %mul3A_62, %mul3A_66 : vector<2000x512xf32>
      %get3A_68 = arith.constant 0 : index
      %get3A_69 = arith.constant 0 : index
      %get3A_70 = vector.load %arg12[%get3A_68, %get3A_69] : memref<1x512xf32, #tpu.memory_space<vmem>>, vector<1x512xf32>
      %add3A_71 = vector.broadcast %get3A_70 : vector<1x512xf32> to vector<2000x512xf32>
      %add3A_72 = arith.addf %mul3A_67, %add3A_71 : vector<2000x512xf32>
      %max3A = arith.constant 0.000000e+00 : f32
      %max3A_73 = vector.broadcast %max3A : f32 to vector<2000x512xf32>
      %max3A_74 = arith.maximumf %add3A_72, %max3A_73 : vector<2000x512xf32>
      %convert_element_type3A_75 = arith.truncf %max3A_74 : vector<2000x512xf32> to vector<2000x512xbf16>
      %get3A_76 = arith.constant 0 : index
      %get3A_77 = arith.constant 0 : index
      %get3A_78 = vector.load %arg13[%get3A_76, %get3A_77] : memref<2000x512xbf16, #tpu.memory_space<vmem>>, vector<2000x512xbf16>
      %add3A_79 = arith.addf %convert_element_type3A_75, %get3A_78 : vector<2000x512xbf16>
      %get3A_80 = arith.constant 0 : index
      %get3A_81 = arith.constant 0 : index
      %get3A_82 = vector.load %arg14[%get3A_80, %get3A_81] : memref<512x7xbf16, #tpu.memory_space<vmem>>, vector<512x7xbf16>
      %dot_general3A = arith.constant dense<0.000000e+00> : vector<2000x7xf32>
      %dot_general3A_83 = tpu.matmul %add3A_79, %get3A_82, %dot_general3A {dimension_numbers = #tpu.dot_dimension_numbers<[1], [0], [0], [1], [0, 0, 1, 1], [], []>, transpose_lhs_hint = false} : vector<2000x512xbf16>, vector<512x7xbf16>, vector<2000x7xf32> -> vector<2000x7xf32>
      %get3A_84 = arith.constant 0 : index
      %get3A_85 = arith.constant 0 : index
      %get3A_86 = vector.load %arg15[%get3A_84, %get3A_85] : memref<1x7xf32, #tpu.memory_space<vmem>>, vector<1x7xf32>
      %add3A_87 = vector.broadcast %get3A_86 : vector<1x7xf32> to vector<2000x7xf32>
      %add3A_88 = arith.addf %dot_general3A_83, %add3A_87 : vector<2000x7xf32>
      %swap3A = arith.constant 0 : index
      %swap3A_89 = arith.constant 0 : index
      %swap3A_90 = vector.load %arg16[%swap3A, %swap3A_89] : memref<2000x7xf32, #tpu.memory_space<vmem>>, vector<2000x7xf32>
      tpu.vector_store %arg16[%swap3A, %swap3A_89], %add3A_88 {strides = array<i32>} : memref<2000x7xf32, #tpu.memory_space<vmem>>, vector<2000x7xf32>,
    } else {
    }
    return
  }
  func.func @transform_0(%arg0: i32, %arg1: i32) -> (i32, i32, i32) {
    %min3A = arith.constant 3 : i32
    %min3A_0 = arith.minsi %arg0, %min3A : i32
    %lt3A = arith.constant 4 : i32
    %lt3A_1 = arith.cmpi slt, %arg0, %lt3A : i32
    %jit3A = arith.constant 0 : i32
    %select_n3A = arith.select %lt3A_1, %arg1, %jit3A : i32
    %c0_i32 = arith.constant 0 : i32
    %c0_i32_2 = arith.constant 0 : i32
    return %min3A_0, %select_n3A, %c0_i32 : i32, i32, i32
  }
  func.func @transform_1(%arg0: i32, %arg1: i32) -> (i32, i32) {
    %lt3A = arith.constant 4 : i32
    %lt3A_0 = arith.cmpi slt, %arg0, %lt3A : i32
    %jit3A = arith.constant 0 : i32
    %select_n3A = arith.select %lt3A_0, %arg1, %jit3A : i32
    %min3A = arith.constant 3 : i32
    %min3A_1 = arith.minsi %arg0, %min3A : i32
    %c0_i32 = arith.constant 0 : i32
    return %select_n3A, %min3A_1 : i32, i32
  }
  func.func @transform_2(%arg0: i32, %arg1: i32) -> (i32, i32) {
    %c0_i32 = arith.constant 0 : i32
    %c0_i32_0 = arith.constant 0 : i32
    return %arg1, %c0_i32 : i32, i32
  }
  func.func @transform_3(%arg0: i32, %arg1: i32) -> (i32, i32) {
    %eq3A = arith.constant 0 : i32
    %eq3A_0 = arith.cmpi eq, %arg0, %eq3A : i32
    %jit3A = arith.constant 0 : i32
    %select_n3A = arith.select %eq3A_0, %arg1, %jit3A : i32
    %c0_i32 = arith.constant 0 : i32
    %c0_i32_1 = arith.constant 0 : i32
    return %select_n3A, %c0_i32 : i32, i32
  }
  func.func @transform_4(%arg0: i32, %arg1: i32) -> (i32, i32) {
    %min3A = arith.constant 3 : i32
    %min3A_0 = arith.minsi %arg0, %min3A : i32
    %c0_i32 = arith.constant 0 : i32
    %c0_i32_1 = arith.constant 0 : i32
    return %min3A_0, %c0_i32 : i32, i32
  }
  func.func @transform_5(%arg0: i32, %arg1: i32) -> (i32, i32) {
    %c0_i32 = arith.constant 0 : i32
    %c0_i32_0 = arith.constant 0 : i32
    %c0_i32_1 = arith.constant 0 : i32
    return %c0_i32, %c0_i32_0 : i32, i32
  }
  func.func @transform_6(%arg0: i32, %arg1: i32) -> (i32, i32) {
    %c0_i32 = arith.constant 0 : i32
    %c0_i32_0 = arith.constant 0 : i32
    %c0_i32_1 = arith.constant 0 : i32
    return %c0_i32, %c0_i32_0 : i32, i32
  }
  func.func @transform_7(%arg0: i32, %arg1: i32) -> (i32, i32) {
    %c0_i32 = arith.constant 0 : i32
    %c0_i32_0 = arith.constant 0 : i32
    %c0_i32_1 = arith.constant 0 : i32
    return %c0_i32, %c0_i32_0 : i32, i32
  }
  func.func @transform_8(%arg0: i32, %arg1: i32) -> (i32, i32) {
    %c0_i32 = arith.constant 0 : i32
    %c0_i32_0 = arith.constant 0 : i32
    %c0_i32_1 = arith.constant 0 : i32
    return %c0_i32, %c0_i32_0 : i32, i32
  }
  func.func @transform_9(%arg0: i32, %arg1: i32) -> (i32, i32) {
    %c0_i32 = arith.constant 0 : i32
    %c0_i32_0 = arith.constant 0 : i32
    %c0_i32_1 = arith.constant 0 : i32
    return %c0_i32, %c0_i32_0 : i32, i32
  }
  func.func @transform_10(%arg0: i32, %arg1: i32) -> (i32, i32) {
    %c0_i32 = arith.constant 0 : i32
    %c0_i32_0 = arith.constant 0 : i32
    %c0_i32_1 = arith.constant 0 : i32
    return %c0_i32, %c0_i32_0 : i32, i32
  }
  func.func @transform_11(%arg0: i32, %arg1: i32) -> (i32, i32) {
    %eq3A = arith.constant 4 : i32
    %eq3A_0 = arith.cmpi eq, %arg0, %eq3A : i32
    %jit3A = arith.constant 0 : i32
    %select_n3A = arith.select %eq3A_0, %arg1, %jit3A : i32
    %c0_i32 = arith.constant 0 : i32
    %c0_i32_1 = arith.constant 0 : i32
    return %select_n3A, %c0_i32 : i32, i32
  }
  func.func @transform_12(%arg0: i32, %arg1: i32) -> (i32, i32) {
    %c0_i32 = arith.constant 0 : i32
    %c0_i32_0 = arith.constant 0 : i32
    %c0_i32_1 = arith.constant 0 : i32
    return %c0_i32, %c0_i32_0 : i32, i32
  }
  func.func @transform_13(%arg0: i32, %arg1: i32) -> (i32, i32) {
    %c0_i32 = arith.constant 0 : i32
    %c0_i32_0 = arith.constant 0 : i32
    %c0_i32_1 = arith.constant 0 : i32
    return %c0_i32, %c0_i32_0 : i32, i32
  }
  func.func @transform_14(%arg0: i32, %arg1: i32) -> (i32, i32) {
    %eq3A = arith.constant 4 : i32
    %eq3A_0 = arith.cmpi eq, %arg0, %eq3A : i32
    %jit3A = arith.constant 0 : i32
    %select_n3A = arith.select %eq3A_0, %arg1, %jit3A : i32
    %c0_i32 = arith.constant 0 : i32
    %c0_i32_1 = arith.constant 0 : i32
    return %select_n3A, %c0_i32 : i32, i32
  }
}

</mosaic_0001>

<sc_bundles>
// kernel: kernel.10.cloned.1.call-start
scs
__scs_entry_jumppad:
0x0: {  	(pc) =	sbr.rel $0x88, $3  }
0x1: {  	(tag) =	ssettag $0x0;
	lr =	simm.s32 $0x1  }
0x2: {  	[smem:$0x3F83] =	sst lr;
	_ =	strace $0xD0000000  }
0x3: {  	_ = 	snop  }
0x4: {  	_ = 	snop  }
0x5: {  	_ = 	snop  }
0x6: {  	_ = 	snop  }
0x7: {  	_ = 	snop  }
__scs_overlays_trampoline_lowered:
0x8: {  	[smem:$0x3F92] =	sst s0  }
0x9: {  	[smem:$0x3F93] =	sst s1  }
0xa: {  	[smem:$0x3F94] =	sst s2  }
0xb: {  	[smem:$0x3F95] =	sst s3  }
0xc: {  	[smem:$0x3F96] =	sst s4  }
0xd: {  	[smem:$0x3F97] =	sst s5  }
0xe: {  	[smem:$0x3F98] =	sst s6  }
0xf: {  	[smem:$0x3F99] =	sst s7  }
0x10: {  	[smem:$0x3F9A] =	sst s8  }
0x11: {  	[smem:$0x3F9B] =	sst s9;
	s0 =	simm.s32 @!p0 $0x0  }
0x12: {  	s1 =	sld [smem:$0x3F81];
	s0 =	simm.s32 @p0 $0x1  }
0x13: {  	[smem:$0x3F9C] =	sst s0;
	s0 =	simm.s32 @!p1 $0x0  }
0x14: {  	s2 =	sld [smem:$0x3F80];
	s0 =	simm.s32 @p1 $0x1  }
0x15: {  	[smem:$0x3F9D] =	sst s0;
	s0 =	simm.s32 @!p2 $0x0  }
0x16: {  	s3 =	sld [smem:$0x3FDB];
	s0 =	simm.s32 @p2 $0x1  }
0x17: {  	s4 =	simm.s32 $0x1BF5;
	[smem:$0x3F9F] =	sst s0  }
0x18: {  	s0 =	sld [smem:$0x3F82];
	_ =	swait.ge [sflag:s4], $0x0  }
0x19: {  	s7 =	sld [smem:$0x3F83]  }
0x1a: {  	s8 =	sadd.s32 $0xFFFFE003, lr  }
0x1b: {  	s9 =	sadd.s32 $0xFFFFFEF7, lr;
	s5 =	simm.s32 $0xFFFFFFFF;
	p2 =	slt.u32 s8, $0xFFFFF086  }
0x1c: {  	p1 =	slt.u32 s9, $0xF7A;
	s5 =	simm.s32 @!p2 $0x0  }
0x1d: {  	s5 =	simm.s32 @p1 $0x1;
	p0 =	seq.s32 s7, s2  }
0x1e: {  	s7 =	smul.u32 @!p0 $0xF7A, s2;
	p2 =	seq.s32 @!p0 s5, $0x0  }
0x1f: {  	s9 =	smul.u32 $0xF7A, s1;
	s8 =	simm.s32 @!p0 $0x1BF5;
	p2 =	por !p2, p0  }
0x20: {  	[sflag:s8] =	ssyncset.s32 @!p0 $0xFFFFF086;
	s6 =	sadd.s32 @!p0 s3, s7;
	s7 =	simm.s32 @!p0 $0x108  }
0x21: {  	s3 =	sadd.s32 s3, s9;
	s6 =	sadd.s32 @!p0 $0x88, s6;
	s7 =	simm.s32 @p2 $0x1082  }
0x22: {  	[simem:s7], [sflag:s8] =	dma.local @!p0 [hbm:s6], $0xF7A  }
0x23: {  	s9 =	sor.u32 $0xD0000000, s2;
	s6 =	simm.s32 $0x108;
	_ =	swait.ge @!p0 [sflag:s8], $0x0  }
0x24: {  	s3 =	sadd.s32 $0x88, s3;
	s6 =	simm.s32 @!p1 $0x1082;
	[sflag:s4] =	ssyncset.s32 $0xFFFFF086  }
0x25: {  	[simem:s6], [sflag:s4] =	dma.local [hbm:s3], $0xF7A  }
0x26: {  	[smem:$0x3F83] =	sst s1;
	(tag) =	ssettag s2;
	_ =	strace s9  }
0x27: {  	s1 =	sld [smem:$0x3F93]  }
0x28: {  	s2 =	sld [smem:$0x3F94]  }
0x29: {  	s4 =	sld [smem:$0x3F96]  }
0x2a: {  	p0 =	seq.s32 s5, $0x0;
	s5 =	sld [smem:$0x3F97]  }
0x2b: {  	s6 =	sld [smem:$0x3F98]  }
0x2c: {  	s7 =	sld [smem:$0x3F99]  }
0x2d: {  	s3 =	simm.s32 $0x108;
	s8 =	sld [smem:$0x3F9A]  }
0x2e: {  	s3 =	simm.s32 @!p0 $0x1082;
	s9 =	sld [smem:$0x3F9B]  }
0x2f: {  	lr =	sadd.s32 s0, s3;
	s0 =	sld [smem:$0x3F92]  }
0x30: {  	s3 =	sld [smem:$0x3F95]  }
0x31: {  	[smem:$0x3F9E] =	sst s10  }
0x32: {  	s10 =	sld [smem:$0x3F9C];
	_ =	sdelay $0x3  }
0x33: {  	p0 =	seq.s32 s10, $0x1;
	s10 =	sld [smem:$0x3F9E];
	_ =	sdelay $0x3  }
0x34: {  	[smem:$0x3F9E] =	sst s10  }
0x35: {  	s10 =	sld [smem:$0x3F9D];
	_ =	sdelay $0x3  }
0x36: {  	p1 =	seq.s32 s10, $0x1;
	s10 =	sld [smem:$0x3F9E];
	_ =	sdelay $0x3  }
0x37: {  	[smem:$0x3F9E] =	sst s10  }
0x38: {  	s10 =	sld [smem:$0x3F9F]  }
0x39: {  	_ = 	snop;
	(pc) =	sbr.ind lr, $3  }
0x3a: {  	_ = 	snop  }
0x3b: {  	_ = 	snop  }
0x3c: {  	p2 =	seq.s32 s10, $0x1;
	s10 =	sld [smem:$0x3F9E]  }
0x3d: {  	_ =	shalt  }
0x3e: {  	_ =	shalt  }
0x3f: {  	_ =	shalt  }
0x40: {  	_ =	shalt  }
0x41: {  	_ =	shalt  }
0x42: {  	_ =	shalt  }
0x43: {  	_ =	shalt  }
0x44: {  	_ =	shalt  }
0x45: {  	_ =	shalt  }
0x46: {  	_ =	shalt  }
0x47: {  	_ =	shalt  }
0x48: {  	_ =	shalt  }
0x49: {  	_ =	shalt  }
0x4a: {  	_ =	shalt  }
0x4b: {  	_ =	shalt  }
0x4c: {  	_ =	shalt  }
0x4d: {  	_ =	shalt  }
0x4e: {  	_ =	shalt  }
0x4f: {  	_ =	shalt  }
0x50: {  	_ =	shalt  }
0x51: {  	_ =	shalt  }
0x52: {  	_ =	shalt  }
0x53: {  	_ =	shalt  }
0x54: {  	_ =	shalt  }
0x55: {  	_ =	shalt  }
0x56: {  	_ =	shalt  }
0x57: {  	_ =	shalt  }
0x58: {  	_ =	shalt  }
0x59: {  	_ =	shalt  }
0x5a: {  	_ =	shalt  }
0x5b: {  	_ =	shalt  }
0x5c: {  	_ =	shalt  }
0x5d: {  	_ =	shalt  }
0x5e: {  	_ =	shalt  }
0x5f: {  	_ =	shalt  }
0x60: {  	_ =	shalt  }
0x61: {  	_ =	shalt  }
0x62: {  	_ =	shalt  }
0x63: {  	_ =	shalt  }
0x64: {  	_ =	shalt  }
0x65: {  	_ =	shalt  }
0x66: {  	_ =	shalt  }
0x67: {  	_ =	shalt  }
0x68: {  	_ =	shalt  }
0x69: {  	_ =	shalt  }
0x6a: {  	_ =	shalt  }
0x6b: {  	_ =	shalt  }
0x6c: {  	_ =	shalt  }
0x6d: {  	_ =	shalt  }
0x6e: {  	_ =	shalt  }
0x6f: {  	_ =	shalt  }
0x70: {  	_ =	shalt  }
0x71: {  	_ =	shalt  }
0x72: {  	_ =	shalt  }
0x73: {  	_ =	shalt  }
0x74: {  	_ =	shalt  }
0x75: {  	_ =	shalt  }
0x76: {  	_ =	shalt  }
0x77: {  	_ =	shalt  }
0x78: {  	_ =	shalt  }
0x79: {  	_ =	shalt  }
0x7a: {  	_ =	shalt  }
0x7b: {  	_ =	shalt  }
0x7c: {  	_ =	shalt  }
0x7d: {  	_ =	shalt  }
0x7e: {  	_ =	shalt  }
0x7f: {  	_ =	shalt  }
0x80: {  	_ =	shalt  }
0x81: {  	_ =	shalt  }
0x82: {  	_ =	shalt  }
0x83: {  	_ =	shalt  }
0x84: {  	_ =	shalt  }
0x85: {  	_ =	shalt  }
0x86: {  	_ =	shalt  }
0x87: {  	_ =	shalt  }
.Lfunc_end0:
.L_simem_size_0:
called_computation_lowered:
.L_overlay_start_0:
0x88: {  	s2 =	sld [smem:$0x3FD9]  }
0x89: {  	s3 =	sld [smem:$0x3FFE];
	_ =	sdelay $0x1  }
0x8a: {  	s1 =	srdreg.scid  }
0x8b: {  	s0 =	sand.u32 $0x1, s1  }
0x8c: {  	s16 =	sshll.u32 s0, $0xA;
	s2 =	sadd.s32 s3, s2  }
0x8d: {  	s2 =	sadd.s32 s2, s16  }
0x8e: {  	[smem:$0x3FAA] =	sst s2  }
0x8f: {  	_ = 	snop  }
0x90: {  	(tm) =	ssettm $0x1  }
0x91: {  	s17 =	sld [smem:$0x3FFB];
	_ =	sdelay $0x3  }
0x92: {  	_ =	strace s17  }
0x93: {  	s2 =	sld [smem:$0x3FFC];
	_ =	sdelay $0x3  }
0x94: {  	_ =	strace s2  }
0x95: {  	s2 =	sld [smem:$0x3FFD];
	_ =	sdelay $0x3  }
0x96: {  	_ =	strace s2  }
0x97: {  	_ =	strace $0x8FFFFFFF  }
0x98: {  	s18 =	sld [smem:$0x3FDB];
	_ =	sdelay $0x1  }
0x99: {  	s19 =	simm.s32 $_scs_section_size  }
0x9a: {  	s4 =	simm.s32 $_size__tile_overlayer_lowered;
	s5 =	simm.s32 $_tile_overlayer_lowered  }
0x9b: {  	s22 =	simm.s32 $0x1BFF;
	s21 =	sshll.u32 s5, $0x1;
	s2 =	sadd.s32 s19, s18  }
0x9c: {  	s6 =	simm.s32 $0x0;
	s20 =	sshll.u32 s4, $0x1;
	s4 =	sadd.s32 s21, s2  }
0x9d: {  	[timem:s6], [sflag:s22] =	dma.local [hbm:s4], s20  }
0x9e: {  	_ =	swait.ge [sflag:s22], s20  }
0x9f: {  	s3 =	ssub.s32 $0x0, s20;
	[sflag:s22] =	ssyncset.done $0x0  }
0xa0: {  	[sflag:s22] =	ssyncadd.s32 s3;
	_ =	sdelay $0x1  }
0xa1: {  	s23 =	simm.s32 $0x1B8B  }
0xa2: {  	_ =	swait.ge [sflag:s23], $0x1  }
0xa3: {  	[sflag:s23] =	ssyncset.done $0x0  }
0xa4: {  	s25 =	simm.s32 $0x1B8E;
	s24 =	sld [smem:$0x3FFE];
	[sflag:s23] =	ssyncadd.s32 $0xFFFFFFFF  }
0xa5: {  	s26 =	simm.s32 $execute0_lowered;
	[smem:$0x3FD2] =	sst s25  }
0xa6: {  	s4 =	sshll.u32 s26, $0x1;
	_ =	strace $0x80000046;
	[dreg:$0x1] =	wrdreg $0xFFFFFFFF  }
0xa7: {  	s28 =	simm.s32 $_size_execute0_lowered;
	s2 =	sadd.s32 s2, s4;
	[dreg:$0x0] =	wrdreg $0x0  }
0xa8: {  	s4 =	sshll.u32 s28, $0x1;
	[dreg:$0x2] =	wrdreg s2  }
0xa9: {  	[dreg:$0x3] =	wrdreg s4  }
0xaa: {  	[dreg:$0x4] =	wrdreg $0xC0  }
0xab: {  	_ =	task [dreg:s6], $0x5FFFF  }
0xac: {  	[dreg:$0x1] =	wrdreg $0xFFFFFFFF  }
0xad: {  	[dreg:$0x0] =	wrdreg $0x60  }
0xae: {  	[dreg:$0x2] =	wrdreg s24  }
0xaf: {  	[dreg:$0x3] =	wrdreg $0x44000  }
0xb0: {  	[dreg:$0x4] =	wrdreg $0x9  }
0xb1: {  	_ =	task.clear_ibuf [dreg:s6], $0x5FFFF;
	_ =	strace $0x90000046  }
0xb2: {  	s29 =	simm.s32 $0x9;
	_ =	strace $0x80000048  }
0xb3: {  	_ =	swait.ge [sflag:s29], $0x1  }
0xb4: {  	[sflag:s29] =	ssyncadd.s32 $0xFFFFFFFF  }
0xb5: {  	_ =	strace $0x90000048  }
0xb6: {  	_ =	sfence  }
0xb7: {  	s30 =	sld [smem:$0x0];
	_ =	sdelay $0x2  }
0xb8: {  	s31 =	sshll.u32 s1, $0xD;
	s1 =	sshrl.u32 s1, $0x2  }
0xb9: {  	s3 =	sand.u32 $0x4000, s31;
	s1 =	sadd.s32 s1, s30  }
0xba: {  	s0 =	sor.u32 s3, s0;
	s1 =	sshll.u32 s1, $0x11  }
0xbb: {  	s0 =	sor.u32 s1, s0  }
0xbc: {  	s0 =	sadd.s32 $0x8F2B, s0  }
0xbd: {  	[sflag:s0] =	ssyncadd.remote.s32 $0x1  }
0xbe: {  	_ =	sfence.sel $0xFFFF  }
0xbf: {  	[dreg:$0x0] =	wrdreg $0xFFFFFFFF;
	(pc) =	sbr.abs _section_cstart, $3  }
0xc0: {  	[dreg:$0x1] =	wrdreg $0xFFFFFFFF  }
0xc1: {  	_ =	task.clear_ibuf [dreg:s6], $0x2FFFF;
	_ =	strace $0x9FFFFFFF  }
0xc2: {  	(tm) =	ssettm $0x7FFFFFFF  }
0xc3: {  	_ =	shalt  }
tec
execute0_lowered:
.L_overlay_start_1:
0x0: {  	(tag) =	ssettag $0x1  }
0x1: {  	s4 =	rddreg [dreg:$0x0]  }
0x2: {  	s2 =	rddreg [dreg:$0x1];
	s3 =	srdreg.scid  }
0x3: {  	s1 =	stileid.u32;
	s0 =	rddreg [dreg:$0x2];
	s10 =	simm.s32 $0x80  }
0x4: {  	s11 =	simm.s32 $0x1400;
	s14 =	simm.s32 $0x0;
	s5 =	sand.u32 $0x1, s3  }
0x5: {  	s6 =	smul.u32 $0x2800, s1;
	s3 =	simm.s32 $0x0;
	s12 =	sshll.u32 s1, $0x6  }
0x6: {  	s7 =	sshll.u32 s5, $0x4;
	s8 =	smul.u32 $0x28000, s5;
	[smem:$0x7FF] =	sst s3  }
0x7: {  	s5 =	ssub.s32 $0x2, s5;
	s12 =	sor.u32 $0x1C01, s12;
	s7 =	sor.u32 s1, s7  }
0x8: {  	s9 =	sshrl.u32 s5, $0x1;
	s7 =	smul.u32 $0x280, s7;
	s8 =	sadd.s32 s6, s8  }
0x9: {  	_ =	strace $0x80000047;
	s9 =	ssub.s32 s5, s9;
	s8 =	sshrl.u32 s8, $0x3  }
0xa: {  	s5 =	sadd.s32 s6, s2;
	s7 =	sadd.s32 s7, s4;
	s8 =	sadd.s32 s8, s4  }
0xb: {  	s13 =	sshrl.u32 s5, $0x3;
	s4 =	sadd.s32 $0x4800, s7;
	s6 =	sadd.s32 $0x9800, s8  }
0xc: {  	v0 =	vimm.f32 $1.000000000e+00;
	v1 =	vimm.f32 $0.0e+00;
	s7 =	smax.u32 s9, $0x1;
	s8 =	simm.s32 $0x1;
	s9 =	simm.s32 $0x1C00  }
.LBB2_1:
0xd: {  	[tilespmem:s3], [sflag:$0x1] =	stream.linear.gather [hbm4b:s4+s3], $0x1400, $0x38;
	[tilespmem:$0x6C00] =	vst v63  }
0xe: {  	_ =	swait.ge [sflag:s8], $0x1400  }
0xf: {  	[sflag:s8] =	ssyncset.done $0x0  }
0x10: {  	s15 =	simm.s32 $0x0;
	[sflag:s8] =	ssyncadd.s32 $0xFFFFEC00  }
.LBB2_2:
0x11: {  	p0 =	sne.s32 s15, $0x1FC0  }
.Ltmp0:
0x12: {  	_ = 	snop;
	(pc) =	sbr.rel @p0 .LBB2_2-.Ltmp0, $3  }
0x13: {  	_ =	sdelay $0x1  }
0x14: {  	s16 =	sshra.s32 s15, $0x2  }
0x15: {  	s15 =	sadd.s32 $0x40, s15;
	[tilespmem:s16+$0x1400] =	vst v0  }
0x16: {  	s15 =	simm.s32 $0x40;
	s16 =	simm.s32 $0x0  }
.LBB2_4:
0x17: {  	p0 =	sne.s32 s15, $0x9FC0;
	[tilespmem:s16+$0x1C00] =	vst v1;
	s16 =	smov.u32 s15;
	s15 =	sadd.s32 $0x40, s15  }
.Ltmp1:
0x18: {  	(pc) =	sbr.rel @p0 .LBB2_4-.Ltmp1, $2  }
0x19: {  	_ =	sdelay $0x2  }
0x1a: {  	s16 =	sshra.s32 s16, $0x2  }
0x1b: {  	[tilespmem:s16+$0x1C00] =	vst v1  }
0x1c: {  	[spmem:s5] =	stream.linear.scatter [tilespmem:s9], [sflag:$0x1], $0x2800, $0x38;
	[tilespmem:$0x6C00] =	vst v63  }
0x1d: {  	_ =	swait.ge [sflag:s8], $0x2800  }
0x1e: {  	[sflag:s8] =	ssyncset.done $0x0  }
0x1f: {  	[sflag:s8] =	ssyncadd.s32 $0xFFFFD800  }
0x20: {  	s15 =	simm.s32 $0x0;
	[bflag:$0x0] =	sbarrier.arrive $0xFFFF  }
0x21: {  	[spmem:s2] =	stream.indirect.scatter.add.f32 [tilespmem:s11], [sflag:$0x1], $0x10, s15, s10, $0xb8;
	[tilespmem:$0x6C00] =	vst v63  }
0x22: {  	_ =	swait.ge [sflag:s8], $0x800  }
0x23: {  	s15 =	simm.s32 $0x200;
	[sflag:s8] =	ssyncset.done $0x0  }
.LBB2_6:
0x24: {  	s16 =	sshra.s32 s15, $0x2;
	[sflag:s8] =	ssyncadd.s32 $0xFFFFF800;
	p0 =	sne.s32 s15, $0x4E00  }
0x25: {  	[spmem:s2] =	stream.indirect.scatter.add.f32 [tilespmem:s11], [sflag:$0x1], $0x10, s16, s10, $0xb8;
	[tilespmem:$0x6C00] =	vst v63  }
.Ltmp2:
0x26: {  	_ = 	snop;
	(pc) =	sbr.rel @p0 .LBB2_6-.Ltmp2, $4  }
0x27: {  	_ = 	snop  }
0x28: {  	s15 =	sadd.s32 $0x200, s15  }
0x29: {  	_ =	swait.ge [sflag:s8], $0x800  }
0x2a: {  	[sflag:s8] =	ssyncset.done $0x0  }
0x2b: {  	s14 =	sadd.s32 $0x1, s14  }
0x2c: {  	[sflag:s8] =	ssyncadd.s32 $0xFFFFF800;
	p0 =	sne.s32 s14, s7  }
.Ltmp3:
0x2d: {  	[bflag:$0x0] =	sbarrier.arrive $0xFFFF;
	(pc) =	sbr.rel @p0 .LBB2_1-.Ltmp3, $4  }
0x2e: {  	[hbm:s6], [sflag:s12] =	dma.local [spmem:s13], $0x500  }
0x2f: {  	_ =	swait.ge [sflag:s8], $0x500  }
0x30: {  	[sflag:s8] =	ssyncset.done $0x0  }
0x31: {  	[sflag:s8] =	ssyncadd.s32 $0xFFFFFB00  }
0x32: {  	_ =	sfence.sel $0x180000  }
0x33: {  	[bflag:$0x0] =	sbarrier.arrive $0xFFFF  }
0x34: {  	p0 =	sne.s32 s1, $0x0;
	_ =	strace $0x90000047  }
0x35: {  	s0 =	sadd.s32 @!p0 $0x100000, s0;
	[bflag:$0x2] =	sbarrier.arrive $0xFFFF  }
0x36: {  	[sflag:s0] =	ssyncadd.tile.s32 @!p0 $0x1;
	_ =	shalt  }
.Lfunc_end2:
_tile_overlayer_lowered:
.L_overlay_start_2:
0x37: {  	(tag) =	ssettag $0x2  }
0x38: {  	s0 =	rddreg [dreg:$0x0];
	s2 =	stileid.u32  }
0x39: {  	s1 =	rddreg [dreg:$0x1];
	p0 =	sne.s32 s2, $0x0  }
0x3a: {  	s3 =	rddreg [dreg:$0x2];
	[bflag:$0x3] =	sbarrier.arrive $0xFFFF;
	s2 =	simm.s32 @!p0 $0x1C01  }
0x3b: {  	[timem:s3], [sflag:s2] =	dma.local @!p0 [hbm:s0], s1  }
0x3c: {  	s0 =	simm.s32 @!p0 $0x1  }
0x3d: {  	_ =	swait.ge @!p0 [sflag:s0], s1  }
0x3e: {  	s1 =	ssub.s32 @!p0 $0x0, s1;
	[sflag:s0] =	ssyncset.done @!p0 $0x0  }
0x3f: {  	[sflag:s0] =	ssyncadd.s32 @!p0 s1  }
0x40: {  	[bflag:$0x3] =	sbarrier.arrive $0xFFFF  }
0x41: {  	_ =	shalt  }

// kernel: kernel.13.cloned.1.call-start
scs
__scs_entry_jumppad:
0x0: {  	(pc) =	sbr.rel $0x88, $3  }
0x1: {  	(tag) =	ssettag $0x0;
	lr =	simm.s32 $0x1  }
0x2: {  	[smem:$0x3F83] =	sst lr;
	_ =	strace $0xD0000000  }
0x3: {  	_ = 	snop  }
0x4: {  	_ = 	snop  }
0x5: {  	_ = 	snop  }
0x6: {  	_ = 	snop  }
0x7: {  	_ = 	snop  }
__scs_overlays_trampoline_lowered:
0x8: {  	[smem:$0x3F92] =	sst s0  }
0x9: {  	[smem:$0x3F93] =	sst s1  }
0xa: {  	[smem:$0x3F94] =	sst s2  }
0xb: {  	[smem:$0x3F95] =	sst s3  }
0xc: {  	[smem:$0x3F96] =	sst s4  }
0xd: {  	[smem:$0x3F97] =	sst s5  }
0xe: {  	[smem:$0x3F98] =	sst s6  }
0xf: {  	[smem:$0x3F99] =	sst s7  }
0x10: {  	[smem:$0x3F9A] =	sst s8  }
0x11: {  	[smem:$0x3F9B] =	sst s9;
	s0 =	simm.s32 @!p0 $0x0  }
0x12: {  	s1 =	sld [smem:$0x3F81];
	s0 =	simm.s32 @p0 $0x1  }
0x13: {  	[smem:$0x3F9C] =	sst s0;
	s0 =	simm.s32 @!p1 $0x0  }
0x14: {  	s2 =	sld [smem:$0x3F80];
	s0 =	simm.s32 @p1 $0x1  }
0x15: {  	[smem:$0x3F9D] =	sst s0;
	s0 =	simm.s32 @!p2 $0x0  }
0x16: {  	s3 =	sld [smem:$0x3FDB];
	s0 =	simm.s32 @p2 $0x1  }
0x17: {  	s4 =	simm.s32 $0x1BF5;
	[smem:$0x3F9F] =	sst s0  }
0x18: {  	s0 =	sld [smem:$0x3F82];
	_ =	swait.ge [sflag:s4], $0x0  }
0x19: {  	s7 =	sld [smem:$0x3F83]  }
0x1a: {  	s8 =	sadd.s32 $0xFFFFE003, lr  }
0x1b: {  	s9 =	sadd.s32 $0xFFFFFEF7, lr;
	s5 =	simm.s32 $0xFFFFFFFF;
	p2 =	slt.u32 s8, $0xFFFFF086  }
0x1c: {  	p1 =	slt.u32 s9, $0xF7A;
	s5 =	simm.s32 @!p2 $0x0  }
0x1d: {  	s5 =	simm.s32 @p1 $0x1;
	p0 =	seq.s32 s7, s2  }
0x1e: {  	s7 =	smul.u32 @!p0 $0xF7A, s2;
	p2 =	seq.s32 @!p0 s5, $0x0  }
0x1f: {  	s9 =	smul.u32 $0xF7A, s1;
	s8 =	simm.s32 @!p0 $0x1BF5;
	p2 =	por !p2, p0  }
0x20: {  	[sflag:s8] =	ssyncset.s32 @!p0 $0xFFFFF086;
	s6 =	sadd.s32 @!p0 s3, s7;
	s7 =	simm.s32 @!p0 $0x108  }
0x21: {  	s3 =	sadd.s32 s3, s9;
	s6 =	sadd.s32 @!p0 $0x88, s6;
	s7 =	simm.s32 @p2 $0x1082  }
0x22: {  	[simem:s7], [sflag:s8] =	dma.local @!p0 [hbm:s6], $0xF7A  }
0x23: {  	s9 =	sor.u32 $0xD0000000, s2;
	s6 =	simm.s32 $0x108;
	_ =	swait.ge @!p0 [sflag:s8], $0x0  }
0x24: {  	s3 =	sadd.s32 $0x88, s3;
	s6 =	simm.s32 @!p1 $0x1082;
	[sflag:s4] =	ssyncset.s32 $0xFFFFF086  }
0x25: {  	[simem:s6], [sflag:s4] =	dma.local [hbm:s3], $0xF7A  }
0x26: {  	[smem:$0x3F83] =	sst s1;
	(tag) =	ssettag s2;
	_ =	strace s9  }
0x27: {  	s1 =	sld [smem:$0x3F93]  }
0x28: {  	s2 =	sld [smem:$0x3F94]  }
0x29: {  	s4 =	sld [smem:$0x3F96]  }
0x2a: {  	p0 =	seq.s32 s5, $0x0;
	s5 =	sld [smem:$0x3F97]  }
0x2b: {  	s6 =	sld [smem:$0x3F98]  }
0x2c: {  	s7 =	sld [smem:$0x3F99]  }
0x2d: {  	s3 =	simm.s32 $0x108;
	s8 =	sld [smem:$0x3F9A]  }
0x2e: {  	s3 =	simm.s32 @!p0 $0x1082;
	s9 =	sld [smem:$0x3F9B]  }
0x2f: {  	lr =	sadd.s32 s0, s3;
	s0 =	sld [smem:$0x3F92]  }
0x30: {  	s3 =	sld [smem:$0x3F95]  }
0x31: {  	[smem:$0x3F9E] =	sst s10  }
0x32: {  	s10 =	sld [smem:$0x3F9C];
	_ =	sdelay $0x3  }
0x33: {  	p0 =	seq.s32 s10, $0x1;
	s10 =	sld [smem:$0x3F9E];
	_ =	sdelay $0x3  }
0x34: {  	[smem:$0x3F9E] =	sst s10  }
0x35: {  	s10 =	sld [smem:$0x3F9D];
	_ =	sdelay $0x3  }
0x36: {  	p1 =	seq.s32 s10, $0x1;
	s10 =	sld [smem:$0x3F9E];
	_ =	sdelay $0x3  }
0x37: {  	[smem:$0x3F9E] =	sst s10  }
0x38: {  	s10 =	sld [smem:$0x3F9F]  }
0x39: {  	_ = 	snop;
	(pc) =	sbr.ind lr, $3  }
0x3a: {  	_ = 	snop  }
0x3b: {  	_ = 	snop  }
0x3c: {  	p2 =	seq.s32 s10, $0x1;
	s10 =	sld [smem:$0x3F9E]  }
0x3d: {  	_ =	shalt  }
0x3e: {  	_ =	shalt  }
0x3f: {  	_ =	shalt  }
0x40: {  	_ =	shalt  }
0x41: {  	_ =	shalt  }
0x42: {  	_ =	shalt  }
0x43: {  	_ =	shalt  }
0x44: {  	_ =	shalt  }
0x45: {  	_ =	shalt  }
0x46: {  	_ =	shalt  }
0x47: {  	_ =	shalt  }
0x48: {  	_ =	shalt  }
0x49: {  	_ =	shalt  }
0x4a: {  	_ =	shalt  }
0x4b: {  	_ =	shalt  }
0x4c: {  	_ =	shalt  }
0x4d: {  	_ =	shalt  }
0x4e: {  	_ =	shalt  }
0x4f: {  	_ =	shalt  }
0x50: {  	_ =	shalt  }
0x51: {  	_ =	shalt  }
0x52: {  	_ =	shalt  }
0x53: {  	_ =	shalt  }
0x54: {  	_ =	shalt  }
0x55: {  	_ =	shalt  }
0x56: {  	_ =	shalt  }
0x57: {  	_ =	shalt  }
0x58: {  	_ =	shalt  }
0x59: {  	_ =	shalt  }
0x5a: {  	_ =	shalt  }
0x5b: {  	_ =	shalt  }
0x5c: {  	_ =	shalt  }
0x5d: {  	_ =	shalt  }
0x5e: {  	_ =	shalt  }
0x5f: {  	_ =	shalt  }
0x60: {  	_ =	shalt  }
0x61: {  	_ =	shalt  }
0x62: {  	_ =	shalt  }
0x63: {  	_ =	shalt  }
0x64: {  	_ =	shalt  }
0x65: {  	_ =	shalt  }
0x66: {  	_ =	shalt  }
0x67: {  	_ =	shalt  }
0x68: {  	_ =	shalt  }
0x69: {  	_ =	shalt  }
0x6a: {  	_ =	shalt  }
0x6b: {  	_ =	shalt  }
0x6c: {  	_ =	shalt  }
0x6d: {  	_ =	shalt  }
0x6e: {  	_ =	shalt  }
0x6f: {  	_ =	shalt  }
0x70: {  	_ =	shalt  }
0x71: {  	_ =	shalt  }
0x72: {  	_ =	shalt  }
0x73: {  	_ =	shalt  }
0x74: {  	_ =	shalt  }
0x75: {  	_ =	shalt  }
0x76: {  	_ =	shalt  }
0x77: {  	_ =	shalt  }
0x78: {  	_ =	shalt  }
0x79: {  	_ =	shalt  }
0x7a: {  	_ =	shalt  }
0x7b: {  	_ =	shalt  }
0x7c: {  	_ =	shalt  }
0x7d: {  	_ =	shalt  }
0x7e: {  	_ =	shalt  }
0x7f: {  	_ =	shalt  }
0x80: {  	_ =	shalt  }
0x81: {  	_ =	shalt  }
0x82: {  	_ =	shalt  }
0x83: {  	_ =	shalt  }
0x84: {  	_ =	shalt  }
0x85: {  	_ =	shalt  }
0x86: {  	_ =	shalt  }
0x87: {  	_ =	shalt  }
.Lfunc_end0:
.L_simem_size_0:
called_computation.1_lowered:
.L_overlay_start_0:
0x88: {  	s2 =	sld [smem:$0x3FD9]  }
0x89: {  	s3 =	sld [smem:$0x3FFE];
	_ =	sdelay $0x1  }
0x8a: {  	s1 =	srdreg.scid  }
0x8b: {  	s0 =	sand.u32 $0x1, s1  }
0x8c: {  	s16 =	sshll.u32 s0, $0xA;
	s2 =	sadd.s32 s3, s2  }
0x8d: {  	s2 =	sadd.s32 s2, s16  }
0x8e: {  	[smem:$0x3FAA] =	sst s2  }
0x8f: {  	_ = 	snop  }
0x90: {  	(tm) =	ssettm $0x1  }
0x91: {  	s17 =	sld [smem:$0x3FFB];
	_ =	sdelay $0x3  }
0x92: {  	_ =	strace s17  }
0x93: {  	s2 =	sld [smem:$0x3FFC];
	_ =	sdelay $0x3  }
0x94: {  	_ =	strace s2  }
0x95: {  	s2 =	sld [smem:$0x3FFD];
	_ =	sdelay $0x3  }
0x96: {  	_ =	strace s2  }
0x97: {  	_ =	strace $0x8FFFFFFF  }
0x98: {  	s18 =	sld [smem:$0x3FDB];
	_ =	sdelay $0x1  }
0x99: {  	s19 =	simm.s32 $_scs_section_size  }
0x9a: {  	s4 =	simm.s32 $_size__tile_overlayer_lowered;
	s5 =	simm.s32 $_tile_overlayer_lowered  }
0x9b: {  	s22 =	simm.s32 $0x1BFF;
	s21 =	sshll.u32 s5, $0x1;
	s2 =	sadd.s32 s19, s18  }
0x9c: {  	s6 =	simm.s32 $0x0;
	s20 =	sshll.u32 s4, $0x1;
	s4 =	sadd.s32 s21, s2  }
0x9d: {  	[timem:s6], [sflag:s22] =	dma.local [hbm:s4], s20  }
0x9e: {  	_ =	swait.ge [sflag:s22], s20  }
0x9f: {  	s3 =	ssub.s32 $0x0, s20;
	[sflag:s22] =	ssyncset.done $0x0  }
0xa0: {  	[sflag:s22] =	ssyncadd.s32 s3;
	_ =	sdelay $0x1  }
0xa1: {  	s23 =	simm.s32 $0x1B8B  }
0xa2: {  	_ =	swait.ge [sflag:s23], $0x1  }
0xa3: {  	[sflag:s23] =	ssyncset.done $0x0  }
0xa4: {  	s25 =	simm.s32 $0x1B8E;
	s24 =	sld [smem:$0x3FFE];
	[sflag:s23] =	ssyncadd.s32 $0xFFFFFFFF  }
0xa5: {  	s26 =	simm.s32 $execute0_lowered;
	[smem:$0x3FD2] =	sst s25  }
0xa6: {  	s4 =	sshll.u32 s26, $0x1;
	_ =	strace $0x80000049;
	[dreg:$0x1] =	wrdreg $0xFFFFFFFF  }
0xa7: {  	s28 =	simm.s32 $_size_execute0_lowered;
	s2 =	sadd.s32 s2, s4;
	[dreg:$0x0] =	wrdreg $0x0  }
0xa8: {  	s4 =	sshll.u32 s28, $0x1;
	[dreg:$0x2] =	wrdreg s2  }
0xa9: {  	[dreg:$0x3] =	wrdreg s4  }
0xaa: {  	[dreg:$0x4] =	wrdreg $0xC0  }
0xab: {  	_ =	task [dreg:s6], $0x5FFFF  }
0xac: {  	[dreg:$0x1] =	wrdreg $0xFFFFFFFF  }
0xad: {  	[dreg:$0x0] =	wrdreg $0x60  }
0xae: {  	[dreg:$0x2] =	wrdreg s24  }
0xaf: {  	[dreg:$0x3] =	wrdreg $0x110000  }
0xb0: {  	[dreg:$0x4] =	wrdreg $0x9  }
0xb1: {  	_ =	task.clear_ibuf [dreg:s6], $0x5FFFF;
	_ =	strace $0x90000049  }
0xb2: {  	s29 =	simm.s32 $0x9;
	_ =	strace $0x8000004B  }
0xb3: {  	_ =	swait.ge [sflag:s29], $0x1  }
0xb4: {  	[sflag:s29] =	ssyncadd.s32 $0xFFFFFFFF  }
0xb5: {  	_ =	strace $0x9000004B  }
0xb6: {  	_ =	sfence  }
0xb7: {  	s30 =	sld [smem:$0x0];
	_ =	sdelay $0x2  }
0xb8: {  	s31 =	sshll.u32 s1, $0xD;
	s1 =	sshrl.u32 s1, $0x2  }
0xb9: {  	s3 =	sand.u32 $0x4000, s31;
	s1 =	sadd.s32 s1, s30  }
0xba: {  	s0 =	sor.u32 s3, s0;
	s1 =	sshll.u32 s1, $0x11  }
0xbb: {  	s0 =	sor.u32 s1, s0  }
0xbc: {  	s0 =	sadd.s32 $0x8F2B, s0  }
0xbd: {  	[sflag:s0] =	ssyncadd.remote.s32 $0x1  }
0xbe: {  	_ =	sfence.sel $0xFFFF  }
0xbf: {  	[dreg:$0x0] =	wrdreg $0xFFFFFFFF;
	(pc) =	sbr.abs _section_cstart, $3  }
0xc0: {  	[dreg:$0x1] =	wrdreg $0xFFFFFFFF  }
0xc1: {  	_ =	task.clear_ibuf [dreg:s6], $0x2FFFF;
	_ =	strace $0x9FFFFFFF  }
0xc2: {  	(tm) =	ssettm $0x7FFFFFFF  }
0xc3: {  	_ =	shalt  }
tec
execute0_lowered:
.L_overlay_start_1:
0x0: {  	(tag) =	ssettag $0x1  }
0x1: {  	s0 =	rddreg [dreg:$0x0]  }
0x2: {  	s2 =	rddreg [dreg:$0x1];
	s9 =	stileid.u32  }
0x3: {  	s1 =	srdreg.scid;
	s3 =	simm.s32 $0x0;
	s14 =	simm.s32 $0x2800  }
0x4: {  	s15 =	simm.s32 $0x7;
	s16 =	simm.s32 $0x5000;
	s17 =	simm.s32 $0x80  }
0x5: {  	s18 =	simm.s32 $0x7000;
	s20 =	simm.s32 $0x9000;
	s22 =	simm.s32 $0xB000  }
0x6: {  	s23 =	simm.s32 $0x1;
	s26 =	simm.s32 $0xD000;
	s29 =	simm.s32 $0xF000  }
0x7: {  	s30 =	simm.s32 $0x2;
	s19 =	simm.s32 $0x4;
	s7 =	smul.u32 $0x14000, s9  }
0x8: {  	s21 =	simm.s32 $0x3;
	s24 =	simm.s32 $0x5;
	s6 =	smul.u32 $0x500, s9  }
0x9: {  	s25 =	simm.s32 $0x6;
	s1 =	sand.u32 $0x1, s1;
	s9 =	smul.u32 $0x28000, s9  }
0xa: {  	[smem:$0x7FF] =	sst s3;
	s4 =	sadd.s32 $0x8DC00, s0;
	s5 =	smul.u32 $0x140000, s1  }
0xb: {  	_ =	strace $0x8000004A;
	s8 =	ssub.s32 $0x2, s1;
	s6 =	sadd.s32 s6, s0  }
0xc: {  	s28 =	sshrl.u32 s8, $0x1;
	s31 =	sshrl.u32 s9, $0x2;
	s5 =	sadd.s32 s7, s5  }
0xd: {  	s13 =	ssub.s32 s8, s28;
	s7 =	sshrl.u32 s7, $0x1;
	s11 =	sadd.s32 s31, s2  }
0xe: {  	s5 =	sshrl.u32 s5, $0x4;
	s7 =	sadd.s32 s7, s2;
	s8 =	sadd.s32 $0x2000, s11  }
0xf: {  	s9 =	sadd.s32 $0x4000, s11;
	s10 =	sadd.s32 $0x6000, s11;
	s11 =	sadd.s32 $0x8000, s11  }
0x10: {  	s13 =	smax.u32 s13, $0x1;
	s0 =	sadd.s32 s5, s0;
	s5 =	sadd.s32 $0x4800, s6  }
0x11: {  	v1 =	vimm.bf16 $0.0e+00;
	v0 =	vmov s1;
	s6 =	sadd.s32 $0x13800, s6;
	s12 =	sadd.s32 $0xB4E00, s0;
	s0 =	simm.s32 $0x0  }
.LBB2_1:
0x12: {  	[tilespmem:s14], [sflag:$0x7] =	stream.linear.gather [hbm4b:s5+s3], $0x2800, $0x38;
	[tilespmem:$0x1B000] =	vst v63  }
0x13: {  	_ =	swait.ge [sflag:s15], $0x2800  }
0x14: {  	[sflag:s15] =	ssyncset.done $0x0  }
0x15: {  	[sflag:s15] =	ssyncadd.s32 $0xFFFFD800  }
0x16: {  	[tilespmem:s3], [sflag:$0x7] =	stream.linear.gather [hbm4b:s6+s3], $0x2800, $0x38;
	[tilespmem:$0x1B000] =	vst v63  }
0x17: {  	_ =	swait.ge [sflag:s15], $0x2800  }
0x18: {  	[sflag:s15] =	ssyncset.done $0x0  }
0x19: {  	s1 =	simm.s32 $0x0;
	[sflag:s15] =	ssyncadd.s32 $0xFFFFD800  }
0x1a: {  	v3 =	vld [tilespmem:s1+$0x0]  }
0x1b: {  	v4 =	vld [tilespmem:s1+$0x10]  }
0x1c: {  	v6 =	vld [tilespmem:s1+$0x20]  }
0x1d: {  	v5 =	vld [tilespmem:s1+$0x30]  }
0x1e: {  	v2 =	vld [tilespmem:s1+$0x40]  }
0x1f: {  	v7 =	vshll.u32 v3, $0x1;
	v3 =	vld [tilespmem:s1+$0x50]  }
0x20: {  	s28 =	simm.s32 $0x200;
	v8 =	vshll.u32 v4, $0x1;
	v4 =	vld [tilespmem:s1+$0x60];
	v7 =	vor.u32 v0, v7  }
.LBB2_2:
0x21: {  	s31 =	sshra.s32 s28, $0x2;
	p0 =	sne.s32 s28, $0x9E00;
	[tilespmem:s1+$0x0] =	vst v7;
	v7 =	vor.u32 v0, v8;
	v6 =	vshll.u32 v6, $0x1;
	v8 =	vld [tilespmem:s1+$0x70]  }
0x22: {  	v9 =	vld [tilespmem:s31+$0x0];
	[tilespmem:s1+$0x10] =	vst v7;
	v6 =	vor.u32 v0, v6;
	v5 =	vshll.u32 v5, $0x1  }
0x23: {  	v10 =	vld [tilespmem:s31+$0x10];
	[tilespmem:s1+$0x20] =	vst v6;
	v5 =	vor.u32 v0, v5;
	v2 =	vshll.u32 v2, $0x1  }
.Ltmp0:
0x24: {  	v6 =	vld [tilespmem:s31+$0x20];
	[tilespmem:s1+$0x30] =	vst v5;
	v2 =	vor.u32 v0, v2;
	v3 =	vshll.u32 v3, $0x1;
	(pc) =	sbr.rel @p0 .LBB2_2-.Ltmp0, $4  }
0x25: {  	v5 =	vld [tilespmem:s31+$0x30];
	[tilespmem:s1+$0x40] =	vst v2;
	v3 =	vor.u32 v0, v3;
	v4 =	vshll.u32 v4, $0x1  }
0x26: {  	v2 =	vld [tilespmem:s31+$0x40];
	[tilespmem:s1+$0x50] =	vst v3;
	v4 =	vor.u32 v0, v4;
	v7 =	vshll.u32 v8, $0x1  }
0x27: {  	v8 =	vshll.u32 v9, $0x1;
	v3 =	vld [tilespmem:s31+$0x50];
	[tilespmem:s1+$0x60] =	vst v4;
	v9 =	vor.u32 v0, v7  }
0x28: {  	s28 =	sadd.s32 $0x200, s28;
	v7 =	vor.u32 v0, v8;
	v8 =	vshll.u32 v10, $0x1;
	v4 =	vld [tilespmem:s31+$0x60];
	[tilespmem:s1+$0x70] =	vst v9;
	s1 =	smov.u32 s31  }
0x29: {  	[tilespmem:s1+$0x0] =	vst v7;
	v62 =	vor.u32 v0, v8;
	v6 =	vshll.u32 v6, $0x1;
	v63 =	vld [tilespmem:s1+$0x70]  }
0x2a: {  	[tilespmem:s1+$0x10] =	vst v62;
	v6 =	vor.u32 v0, v6;
	v5 =	vshll.u32 v5, $0x1  }
0x2b: {  	[tilespmem:s1+$0x20] =	vst v6;
	v5 =	vor.u32 v0, v5;
	v2 =	vshll.u32 v2, $0x1  }
0x2c: {  	[tilespmem:s1+$0x30] =	vst v5;
	v2 =	vor.u32 v0, v2;
	v3 =	vshll.u32 v3, $0x1  }
0x2d: {  	[tilespmem:s1+$0x40] =	vst v2;
	v2 =	vor.u32 v0, v3;
	v3 =	vshll.u32 v4, $0x1  }
0x2e: {  	[tilespmem:s1+$0x50] =	vst v2;
	v2 =	vor.u32 v0, v3;
	v3 =	vshll.u32 v63, $0x1  }
0x2f: {  	[tilespmem:s1+$0x60] =	vst v2;
	v2 =	vor.u32 v0, v3  }
0x30: {  	s28 =	simm.s32 $0x100;
	[tilespmem:s1+$0x70] =	vst v2;
	s1 =	simm.s32 $0x0  }
.LBB2_4:
0x31: {  	p0 =	sne.s32 s28, $0x7F00;
	[tilespmem:s1+$0x5030] =	vst v1;
	s31 =	smov.u32 s28;
	s28 =	sadd.s32 $0x100, s28  }
.Ltmp1:
0x32: {  	[tilespmem:s1+$0x5020] =	vst v1;
	(pc) =	sbr.rel @p0 .LBB2_4-.Ltmp1, $3  }
0x33: {  	[tilespmem:s1+$0x5000] =	vst v1  }
0x34: {  	[tilespmem:s1+$0x5010] =	vst v1;
	_ =	sdelay $0x1  }
0x35: {  	s1 =	sshra.s32 s31, $0x2  }
0x36: {  	[tilespmem:s1+$0x5030] =	vst v1  }
0x37: {  	[tilespmem:s1+$0x5020] =	vst v1  }
0x38: {  	[tilespmem:s1+$0x5000] =	vst v1  }
0x39: {  	[tilespmem:s1+$0x5010] =	vst v1  }
0x3a: {  	[spmem:s7] =	stream.linear.scatter [tilespmem:s16], [sflag:$0x7], $0x2000, $0x38;
	[tilespmem:$0x1B000] =	vst v63  }
0x3b: {  	_ =	swait.ge [sflag:s15], $0x2000  }
0x3c: {  	[sflag:s15] =	ssyncset.done $0x0  }
0x3d: {  	[sflag:s15] =	ssyncadd.s32 $0xFFFFE000  }
0x3e: {  	[spmem:s8] =	stream.linear.scatter [tilespmem:s16], [sflag:$0x7], $0x2000, $0x38;
	[tilespmem:$0x1B000] =	vst v63  }
0x3f: {  	_ =	swait.ge [sflag:s15], $0x2000  }
0x40: {  	[sflag:s15] =	ssyncset.done $0x0  }
0x41: {  	[sflag:s15] =	ssyncadd.s32 $0xFFFFE000  }
0x42: {  	[spmem:s9] =	stream.linear.scatter [tilespmem:s16], [sflag:$0x7], $0x2000, $0x38;
	[tilespmem:$0x1B000] =	vst v63  }
0x43: {  	_ =	swait.ge [sflag:s15], $0x2000  }
0x44: {  	[sflag:s15] =	ssyncset.done $0x0  }
0x45: {  	[sflag:s15] =	ssyncadd.s32 $0xFFFFE000  }
0x46: {  	[spmem:s10] =	stream.linear.scatter [tilespmem:s16], [sflag:$0x7], $0x2000, $0x38;
	[tilespmem:$0x1B000] =	vst v63  }
0x47: {  	_ =	swait.ge [sflag:s15], $0x2000  }
0x48: {  	[sflag:s15] =	ssyncset.done $0x0  }
0x49: {  	[sflag:s15] =	ssyncadd.s32 $0xFFFFE000  }
0x4a: {  	[spmem:s11] =	stream.linear.scatter [tilespmem:s16], [sflag:$0x7], $0x2000, $0x38;
	[tilespmem:$0x1B000] =	vst v63  }
0x4b: {  	_ =	swait.ge [sflag:s15], $0x2000  }
0x4c: {  	[sflag:s15] =	ssyncset.done $0x0  }
0x4d: {  	s31 =	simm.s32 $0x0;
	[sflag:s15] =	ssyncadd.s32 $0xFFFFE000  }
0x4e: {  	[tilespmem:s16], [sflag:$0x1] =	stream.indirect.gather [hbm4b:s4+s17], $0x40, s31, s17, $0xb8;
	[tilespmem:$0x1B000] =	vst v63  }
0x4f: {  	_ = 	snop  }
0x50: {  	[tilespmem:s18], [sflag:$0x1] =	stream.indirect.gather [hbm4b:s4+s17], $0x40, s17, s17, $0xb8;
	[tilespmem:$0x1B000] =	vst v63  }
0x51: {  	s31 =	simm.s32 $0x100;
	[bflag:$0x0] =	sbarrier.arrive $0xFFFF  }
0x52: {  	[tilespmem:s20], [sflag:$0x2] =	stream.indirect.gather [hbm4b:s4+s17], $0x40, s31, s17, $0xb8;
	[tilespmem:$0x1B000] =	vst v63  }
0x53: {  	s31 =	simm.s32 $0x180  }
0x54: {  	[tilespmem:s22], [sflag:$0x2] =	stream.indirect.gather [hbm4b:s4+s17], $0x40, s31, s17, $0xb8;
	[tilespmem:$0x1B000] =	vst v63  }
0x55: {  	_ =	swait.ge [sflag:s23], $0x2000  }
0x56: {  	[sflag:s23] =	ssyncset.done $0x0  }
0x57: {  	[sflag:s23] =	ssyncadd.s32 $0xFFFFE000  }
0x58: {  	[spmem:s2] =	stream.indirect.scatter.add.bf16 [tilespmem:s16], [sflag:$0x4], $0x40, s14, s17, $0xb8;
	[tilespmem:$0x1B000] =	vst v63  }
0x59: {  	_ =	swait.ge [sflag:s23], $0x2000  }
0x5a: {  	[sflag:s23] =	ssyncset.done $0x0  }
0x5b: {  	s31 =	simm.s32 $0x2880;
	[sflag:s23] =	ssyncadd.s32 $0xFFFFE000  }
0x5c: {  	[spmem:s2] =	stream.indirect.scatter.add.bf16 [tilespmem:s18], [sflag:$0x4], $0x40, s31, s17, $0xb8;
	[tilespmem:$0x1B000] =	vst v63  }
0x5d: {  	s31 =	simm.s32 $0x200  }
0x5e: {  	[tilespmem:s26], [sflag:$0x3] =	stream.indirect.gather [hbm4b:s4+s17], $0x40, s31, s17, $0xb8;
	[tilespmem:$0x1B000] =	vst v63  }
0x5f: {  	s31 =	simm.s32 $0x280  }
0x60: {  	[tilespmem:s29], [sflag:$0x3] =	stream.indirect.gather [hbm4b:s4+s17], $0x40, s31, s17, $0xb8;
	[tilespmem:$0x1B000] =	vst v63  }
0x61: {  	_ =	swait.ge [sflag:s30], $0x2000  }
0x62: {  	[sflag:s30] =	ssyncset.done $0x0  }
0x63: {  	s31 =	simm.s32 $0x2900;
	[sflag:s30] =	ssyncadd.s32 $0xFFFFE000  }
0x64: {  	[spmem:s2] =	stream.indirect.scatter.add.bf16 [tilespmem:s20], [sflag:$0x5], $0x40, s31, s17, $0xb8;
	[tilespmem:$0x1B000] =	vst v63  }
0x65: {  	_ =	swait.ge [sflag:s30], $0x2000  }
0x66: {  	[sflag:s30] =	ssyncset.done $0x0  }
0x67: {  	s31 =	simm.s32 $0x2980;
	[sflag:s30] =	ssyncadd.s32 $0xFFFFE000  }
0x68: {  	[spmem:s2] =	stream.indirect.scatter.add.bf16 [tilespmem:s22], [sflag:$0x5], $0x40, s31, s17, $0xb8;
	[tilespmem:$0x1B000] =	vst v63  }
0x69: {  	_ =	swait.ge [sflag:s19], $0x2000  }
0x6a: {  	[sflag:s19] =	ssyncset.done $0x0  }
0x6b: {  	[sflag:s19] =	ssyncadd.s32 $0xFFFFE000  }
0x6c: {  	_ =	swait.ge [sflag:s19], $0x2000  }
0x6d: {  	[sflag:s19] =	ssyncset.done $0x0  }
0x6e: {  	s31 =	simm.s32 $0x300;
	[sflag:s19] =	ssyncadd.s32 $0xFFFFE000  }
0x6f: {  	[tilespmem:s16], [sflag:$0x1] =	stream.indirect.gather [hbm4b:s4+s17], $0x40, s31, s17, $0xb8;
	[tilespmem:$0x1B000] =	vst v63  }
0x70: {  	s31 =	simm.s32 $0x380  }
0x71: {  	[tilespmem:s18], [sflag:$0x1] =	stream.indirect.gather [hbm4b:s4+s17], $0x40, s31, s17, $0xb8;
	[tilespmem:$0x1B000] =	vst v63  }
0x72: {  	_ =	swait.ge [sflag:s21], $0x2000  }
0x73: {  	[sflag:s21] =	ssyncset.done $0x0  }
0x74: {  	s31 =	simm.s32 $0x2A00;
	[sflag:s21] =	ssyncadd.s32 $0xFFFFE000  }
0x75: {  	[spmem:s2] =	stream.indirect.scatter.add.bf16 [tilespmem:s26], [sflag:$0x6], $0x40, s31, s17, $0xb8;
	[tilespmem:$0x1B000] =	vst v63  }
0x76: {  	_ =	swait.ge [sflag:s21], $0x2000  }
0x77: {  	[sflag:s21] =	ssyncset.done $0x0  }
0x78: {  	s31 =	simm.s32 $0x2A80;
	[sflag:s21] =	ssyncadd.s32 $0xFFFFE000  }
0x79: {  	[spmem:s2] =	stream.indirect.scatter.add.bf16 [tilespmem:s29], [sflag:$0x6], $0x40, s31, s17, $0xb8;
	[tilespmem:$0x1B000] =	vst v63  }
0x7a: {  	_ =	swait.ge [sflag:s24], $0x2000  }
0x7b: {  	[sflag:s24] =	ssyncset.done $0x0  }
0x7c: {  	[sflag:s24] =	ssyncadd.s32 $0xFFFFE000  }
0x7d: {  	_ =	swait.ge [sflag:s24], $0x2000  }
0x7e: {  	[sflag:s24] =	ssyncset.done $0x0  }
0x7f: {  	s31 =	simm.s32 $0x400;
	[sflag:s24] =	ssyncadd.s32 $0xFFFFE000  }
0x80: {  	[tilespmem:s20], [sflag:$0x2] =	stream.indirect.gather [hbm4b:s4+s17], $0x40, s31, s17, $0xb8;
	[tilespmem:$0x1B000] =	vst v63  }
0x81: {  	s31 =	simm.s32 $0x480  }
0x82: {  	[tilespmem:s22], [sflag:$0x2] =	stream.indirect.gather [hbm4b:s4+s17], $0x40, s31, s17, $0xb8;
	[tilespmem:$0x1B000] =	vst v63  }
0x83: {  	_ =	swait.ge [sflag:s23], $0x2000  }
0x84: {  	[sflag:s23] =	ssyncset.done $0x0  }
0x85: {  	s31 =	simm.s32 $0x2B00;
	[sflag:s23] =	ssyncadd.s32 $0xFFFFE000  }
0x86: {  	[spmem:s2] =	stream.indirect.scatter.add.bf16 [tilespmem:s16], [sflag:$0x4], $0x40, s31, s17, $0xb8;
	[tilespmem:$0x1B000] =	vst v63  }
0x87: {  	_ =	swait.ge [sflag:s23], $0x2000  }
0x88: {  	[sflag:s23] =	ssyncset.done $0x0  }
0x89: {  	s31 =	simm.s32 $0x2B80;
	[sflag:s23] =	ssyncadd.s32 $0xFFFFE000  }
0x8a: {  	[spmem:s2] =	stream.indirect.scatter.add.bf16 [tilespmem:s18], [sflag:$0x4], $0x40, s31, s17, $0xb8;
	[tilespmem:$0x1B000] =	vst v63  }
0x8b: {  	_ =	swait.ge [sflag:s25], $0x2000  }
0x8c: {  	[sflag:s25] =	ssyncset.done $0x0  }
0x8d: {  	[sflag:s25] =	ssyncadd.s32 $0xFFFFE000  }
0x8e: {  	_ =	swait.ge [sflag:s25], $0x2000  }
0x8f: {  	[sflag:s25] =	ssyncset.done $0x0  }
0x90: {  	s31 =	simm.s32 $0x500;
	[sflag:s25] =	ssyncadd.s32 $0xFFFFE000  }
0x91: {  	[tilespmem:s26], [sflag:$0x3] =	stream.indirect.gather [hbm4b:s4+s17], $0x40, s31, s17, $0xb8;
	[tilespmem:$0x1B000] =	vst v63  }
0x92: {  	s31 =	simm.s32 $0x580  }
0x93: {  	[tilespmem:s29], [sflag:$0x3] =	stream.indirect.gather [hbm4b:s4+s17], $0x40, s31, s17, $0xb8;
	[tilespmem:$0x1B000] =	vst v63  }
0x94: {  	_ =	swait.ge [sflag:s30], $0x2000  }
0x95: {  	[sflag:s30] =	ssyncset.done $0x0  }
0x96: {  	s31 =	simm.s32 $0x2C00;
	[sflag:s30] =	ssyncadd.s32 $0xFFFFE000  }
0x97: {  	[spmem:s2] =	stream.indirect.scatter.add.bf16 [tilespmem:s20], [sflag:$0x5], $0x40, s31, s17, $0xb8;
	[tilespmem:$0x1B000] =	vst v63  }
0x98: {  	_ =	swait.ge [sflag:s30], $0x2000  }
0x99: {  	[sflag:s30] =	ssyncset.done $0x0  }
0x9a: {  	s1 =	simm.s32 $0xC00;
	s28 =	simm.s32 $0x2C80;
	[sflag:s30] =	ssyncadd.s32 $0xFFFFE000  }
.LBB2_6:
0x9b: {  	[spmem:s2] =	stream.indirect.scatter.add.bf16 [tilespmem:s22], [sflag:$0x5], $0x40, s28, s17, $0xb8;
	[tilespmem:$0x1B000] =	vst v63  }
0x9c: {  	s28 =	smov.u32 s1  }
0x9d: {  	p0 =	sne.s32 s1, $0x8400;
	s1 =	sadd.s32 $0xC00, s1;
	_ =	swait.ge [sflag:s19], $0x2000  }
0x9e: {  	[sflag:s19] =	ssyncset.done $0x0  }
0x9f: {  	[sflag:s19] =	ssyncadd.s32 $0xFFFFE000  }
0xa0: {  	_ =	swait.ge [sflag:s19], $0x2000  }
0xa1: {  	s28 =	sshra.s32 s28, $0x2;
	[sflag:s19] =	ssyncset.done $0x0  }
0xa2: {  	s31 =	sadd.s32 $0x300, s28;
	[sflag:s19] =	ssyncadd.s32 $0xFFFFE000  }
0xa3: {  	[tilespmem:s16], [sflag:$0x1] =	stream.indirect.gather [hbm4b:s4+s17], $0x40, s31, s17, $0xb8;
	[tilespmem:$0x1B000] =	vst v63  }
0xa4: {  	s31 =	sadd.s32 $0x380, s28  }
0xa5: {  	[tilespmem:s18], [sflag:$0x1] =	stream.indirect.gather [hbm4b:s4+s17], $0x40, s31, s17, $0xb8;
	[tilespmem:$0x1B000] =	vst v63  }
0xa6: {  	_ =	swait.ge [sflag:s21], $0x2000  }
0xa7: {  	[sflag:s21] =	ssyncset.done $0x0  }
0xa8: {  	s31 =	sadd.s32 $0x2A00, s28;
	[sflag:s21] =	ssyncadd.s32 $0xFFFFE000  }
0xa9: {  	[spmem:s2] =	stream.indirect.scatter.add.bf16 [tilespmem:s26], [sflag:$0x6], $0x40, s31, s17, $0xb8;
	[tilespmem:$0x1B000] =	vst v63  }
0xaa: {  	_ =	swait.ge [sflag:s21], $0x2000  }
0xab: {  	[sflag:s21] =	ssyncset.done $0x0  }
0xac: {  	s31 =	sadd.s32 $0x2A80, s28;
	[sflag:s21] =	ssyncadd.s32 $0xFFFFE000  }
0xad: {  	[spmem:s2] =	stream.indirect.scatter.add.bf16 [tilespmem:s29], [sflag:$0x6], $0x40, s31, s17, $0xb8;
	[tilespmem:$0x1B000] =	vst v63  }
0xae: {  	_ =	swait.ge [sflag:s24], $0x2000  }
0xaf: {  	[sflag:s24] =	ssyncset.done $0x0  }
0xb0: {  	[sflag:s24] =	ssyncadd.s32 $0xFFFFE000  }
0xb1: {  	_ =	swait.ge [sflag:s24], $0x2000  }
0xb2: {  	[sflag:s24] =	ssyncset.done $0x0  }
0xb3: {  	s31 =	sadd.s32 $0x400, s28;
	[sflag:s24] =	ssyncadd.s32 $0xFFFFE000  }
0xb4: {  	[tilespmem:s20], [sflag:$0x2] =	stream.indirect.gather [hbm4b:s4+s17], $0x40, s31, s17, $0xb8;
	[tilespmem:$0x1B000] =	vst v63  }
0xb5: {  	s31 =	sadd.s32 $0x480, s28  }
0xb6: {  	[tilespmem:s22], [sflag:$0x2] =	stream.indirect.gather [hbm4b:s4+s17], $0x40, s31, s17, $0xb8;
	[tilespmem:$0x1B000] =	vst v63  }
0xb7: {  	_ =	swait.ge [sflag:s23], $0x2000  }
0xb8: {  	[sflag:s23] =	ssyncset.done $0x0  }
0xb9: {  	s31 =	sadd.s32 $0x2B00, s28;
	[sflag:s23] =	ssyncadd.s32 $0xFFFFE000  }
0xba: {  	[spmem:s2] =	stream.indirect.scatter.add.bf16 [tilespmem:s16], [sflag:$0x4], $0x40, s31, s17, $0xb8;
	[tilespmem:$0x1B000] =	vst v63  }
0xbb: {  	_ =	swait.ge [sflag:s23], $0x2000  }
0xbc: {  	[sflag:s23] =	ssyncset.done $0x0  }
0xbd: {  	s31 =	sadd.s32 $0x2B80, s28;
	[sflag:s23] =	ssyncadd.s32 $0xFFFFE000  }
0xbe: {  	[spmem:s2] =	stream.indirect.scatter.add.bf16 [tilespmem:s18], [sflag:$0x4], $0x40, s31, s17, $0xb8;
	[tilespmem:$0x1B000] =	vst v63  }
0xbf: {  	_ =	swait.ge [sflag:s25], $0x2000  }
0xc0: {  	[sflag:s25] =	ssyncset.done $0x0  }
0xc1: {  	[sflag:s25] =	ssyncadd.s32 $0xFFFFE000  }
0xc2: {  	_ =	swait.ge [sflag:s25], $0x2000  }
0xc3: {  	[sflag:s25] =	ssyncset.done $0x0  }
0xc4: {  	s31 =	sadd.s32 $0x500, s28;
	[sflag:s25] =	ssyncadd.s32 $0xFFFFE000  }
0xc5: {  	[tilespmem:s26], [sflag:$0x3] =	stream.indirect.gather [hbm4b:s4+s17], $0x40, s31, s17, $0xb8;
	[tilespmem:$0x1B000] =	vst v63  }
0xc6: {  	s31 =	sadd.s32 $0x580, s28  }
0xc7: {  	[tilespmem:s29], [sflag:$0x3] =	stream.indirect.gather [hbm4b:s4+s17], $0x40, s31, s17, $0xb8;
	[tilespmem:$0x1B000] =	vst v63  }
0xc8: {  	_ =	swait.ge [sflag:s30], $0x2000  }
0xc9: {  	[sflag:s30] =	ssyncset.done $0x0  }
.Ltmp2:
0xca: {  	s31 =	sadd.s32 $0x2C00, s28;
	[sflag:s30] =	ssyncadd.s32 $0xFFFFE000;
	(pc) =	sbr.rel @p0 .LBB2_6-.Ltmp2, $4  }
0xcb: {  	[spmem:s2] =	stream.indirect.scatter.add.bf16 [tilespmem:s20], [sflag:$0x5], $0x40, s31, s17, $0xb8;
	[tilespmem:$0x1B000] =	vst v63  }
0xcc: {  	_ =	swait.ge [sflag:s30], $0x2000  }
0xcd: {  	[sflag:s30] =	ssyncset.done $0x0  }
0xce: {  	s28 =	sadd.s32 $0x2C80, s28;
	[sflag:s30] =	ssyncadd.s32 $0xFFFFE000  }
0xcf: {  	[spmem:s2] =	stream.indirect.scatter.add.bf16 [tilespmem:s22], [sflag:$0x5], $0x40, s28, s17, $0xb8;
	[tilespmem:$0x1B000] =	vst v63  }
0xd0: {  	_ =	swait.ge [sflag:s19], $0x2000  }
0xd1: {  	[sflag:s19] =	ssyncset.done $0x0  }
0xd2: {  	[sflag:s19] =	ssyncadd.s32 $0xFFFFE000  }
0xd3: {  	_ =	swait.ge [sflag:s19], $0x2000  }
0xd4: {  	[sflag:s19] =	ssyncset.done $0x0  }
0xd5: {  	s1 =	simm.s32 $0x2700;
	[sflag:s19] =	ssyncadd.s32 $0xFFFFE000  }
0xd6: {  	[tilespmem:s16], [sflag:$0x1] =	stream.indirect.gather [hbm4b:s4+s17], $0x40, s1, s17, $0xb8;
	[tilespmem:$0x1B000] =	vst v63  }
0xd7: {  	s31 =	simm.s32 $0x2780  }
0xd8: {  	[tilespmem:s18], [sflag:$0x1] =	stream.indirect.gather [hbm4b:s4+s17], $0x40, s31, s17, $0xb8;
	[tilespmem:$0x1B000] =	vst v63  }
0xd9: {  	_ =	swait.ge [sflag:s21], $0x2000  }
0xda: {  	[sflag:s21] =	ssyncset.done $0x0  }
0xdb: {  	s28 =	simm.s32 $0x4E00;
	[sflag:s21] =	ssyncadd.s32 $0xFFFFE000  }
0xdc: {  	[spmem:s2] =	stream.indirect.scatter.add.bf16 [tilespmem:s26], [sflag:$0x6], $0x40, s28, s17, $0xb8;
	[tilespmem:$0x1B000] =	vst v63  }
0xdd: {  	_ =	swait.ge [sflag:s21], $0x2000  }
0xde: {  	[sflag:s21] =	ssyncset.done $0x0  }
0xdf: {  	s31 =	simm.s32 $0x4E80;
	[sflag:s21] =	ssyncadd.s32 $0xFFFFE000  }
0xe0: {  	[spmem:s2] =	stream.indirect.scatter.add.bf16 [tilespmem:s29], [sflag:$0x6], $0x40, s31, s17, $0xb8;
	[tilespmem:$0x1B000] =	vst v63  }
0xe1: {  	_ =	swait.ge [sflag:s24], $0x2000  }
0xe2: {  	[sflag:s24] =	ssyncset.done $0x0  }
0xe3: {  	[sflag:s24] =	ssyncadd.s32 $0xFFFFE000  }
0xe4: {  	_ =	swait.ge [sflag:s24], $0x2000  }
0xe5: {  	[sflag:s24] =	ssyncset.done $0x0  }
0xe6: {  	[sflag:s24] =	ssyncadd.s32 $0xFFFFE000  }
0xe7: {  	[tilespmem:s20], [sflag:$0x2] =	stream.indirect.gather [hbm4b:s4+s17], $0x40, s3, s17, $0xb8;
	[tilespmem:$0x1B000] =	vst v63  }
0xe8: {  	_ = 	snop  }
0xe9: {  	[tilespmem:s22], [sflag:$0x2] =	stream.indirect.gather [hbm4b:s4+s17], $0x40, s17, s17, $0xb8;
	[tilespmem:$0x1B000] =	vst v63  }
0xea: {  	_ =	swait.ge [sflag:s23], $0x2000  }
0xeb: {  	[sflag:s23] =	ssyncset.done $0x0  }
0xec: {  	s28 =	simm.s32 $0x4F00;
	[sflag:s23] =	ssyncadd.s32 $0xFFFFE000  }
0xed: {  	[spmem:s2] =	stream.indirect.scatter.add.bf16 [tilespmem:s16], [sflag:$0x4], $0x40, s28, s17, $0xb8;
	[tilespmem:$0x1B000] =	vst v63  }
0xee: {  	_ =	swait.ge [sflag:s23], $0x2000  }
0xef: {  	[sflag:s23] =	ssyncset.done $0x0  }
0xf0: {  	s31 =	simm.s32 $0x4F80;
	[sflag:s23] =	ssyncadd.s32 $0xFFFFE000  }
0xf1: {  	[spmem:s2] =	stream.indirect.scatter.add.bf16 [tilespmem:s18], [sflag:$0x4], $0x40, s31, s17, $0xb8;
	[tilespmem:$0x1B000] =	vst v63  }
0xf2: {  	_ =	swait.ge [sflag:s25], $0x2000  }
0xf3: {  	[sflag:s25] =	ssyncset.done $0x0  }
0xf4: {  	[sflag:s25] =	ssyncadd.s32 $0xFFFFE000  }
0xf5: {  	_ =	swait.ge [sflag:s25], $0x2000  }
0xf6: {  	[sflag:s25] =	ssyncset.done $0x0  }
0xf7: {  	[sflag:s25] =	ssyncadd.s32 $0xFFFFE000  }
0xf8: {  	_ =	swait.ge [sflag:s19], $0x2000  }
0xf9: {  	[sflag:s19] =	ssyncset.done $0x0  }
0xfa: {  	[sflag:s19] =	ssyncadd.s32 $0xFFFFE000  }
0xfb: {  	_ =	swait.ge [sflag:s19], $0x2000  }
0xfc: {  	[sflag:s19] =	ssyncset.done $0x0  }
0xfd: {  	[sflag:s19] =	ssyncadd.s32 $0xFFFFE000  }
0xfe: {  	_ =	swait.ge [sflag:s30], $0x2000  }
0xff: {  	[sflag:s30] =	ssyncset.done $0x0  }
0x100: {  	[sflag:s30] =	ssyncadd.s32 $0xFFFFE000  }
0x101: {  	_ =	swait.ge [sflag:s30], $0x2000  }
0x102: {  	s0 =	sadd.s32 $0x1, s0;
	s28 =	stileid.u32;
	[sflag:s30] =	ssyncset.done $0x0  }
0x103: {  	p0 =	sne.s32 s0, s13;
	s1 =	sshll.u32 s28, $0x6;
	[sflag:s30] =	ssyncadd.s32 $0xFFFFE000  }
0x104: {  	s1 =	sor.u32 $0x1C07, s1;
	s31 =	sshrl.u32 s7, $0x3;
	[bflag:$0x0] =	sbarrier.arrive $0xFFFF  }
0x105: {  	[hbm:s12], [sflag:s1] =	dma.local [spmem:s31], $0x1400  }
.Ltmp3:
0x106: {  	_ =	swait.ge [sflag:s15], $0x1400;
	(pc) =	sbr.rel @p0 .LBB2_1-.Ltmp3, $3  }
0x107: {  	[sflag:s15] =	ssyncset.done $0x0  }
0x108: {  	[sflag:s15] =	ssyncadd.s32 $0xFFFFEC00  }
0x109: {  	[bflag:$0x0] =	sbarrier.arrive $0xFFFF;
	_ =	sdelay $0x1  }
0x10a: {  	_ =	sfence.sel $0x180000  }
0x10b: {  	[bflag:$0x0] =	sbarrier.arrive $0xFFFF  }
0x10c: {  	_ =	strace $0x9000004A  }
0x10d: {  	s0 =	stileid.u32;
	[bflag:$0x2] =	sbarrier.arrive $0xFFFF  }
0x10e: {  	p0 =	sne.s32 s0, $0x0;
	s0 =	rddreg [dreg:$0x2]  }
0x10f: {  	s0 =	sadd.s32 @!p0 $0x100000, s0  }
0x110: {  	[sflag:s0] =	ssyncadd.tile.s32 @!p0 $0x1;
	_ =	shalt  }
.Lfunc_end2:
_tile_overlayer_lowered:
.L_overlay_start_2:
0x111: {  	(tag) =	ssettag $0x2  }
0x112: {  	s0 =	rddreg [dreg:$0x0];
	s2 =	stileid.u32  }
0x113: {  	s1 =	rddreg [dreg:$0x1];
	p0 =	sne.s32 s2, $0x0  }
0x114: {  	s3 =	rddreg [dreg:$0x2];
	[bflag:$0x3] =	sbarrier.arrive $0xFFFF;
	s2 =	simm.s32 @!p0 $0x1C07  }
0x115: {  	[timem:s3], [sflag:s2] =	dma.local @!p0 [hbm:s0], s1  }
0x116: {  	s0 =	simm.s32 @!p0 $0x7  }
0x117: {  	_ =	swait.ge @!p0 [sflag:s0], s1  }
0x118: {  	s1 =	ssub.s32 @!p0 $0x0, s1;
	[sflag:s0] =	ssyncset.done @!p0 $0x0  }
0x119: {  	[sflag:s0] =	ssyncadd.s32 @!p0 s1  }
0x11a: {  	[bflag:$0x3] =	sbarrier.arrive $0xFFFF  }
0x11b: {  	_ =	shalt  }

// kernel: kernel.16.cloned.1.call-start
scs
__scs_entry_jumppad:
0x0: {  	(pc) =	sbr.rel $0x88, $3  }
0x1: {  	(tag) =	ssettag $0x0;
	lr =	simm.s32 $0x1  }
0x2: {  	[smem:$0x3F83] =	sst lr;
	_ =	strace $0xD0000000  }
0x3: {  	_ = 	snop  }
0x4: {  	_ = 	snop  }
0x5: {  	_ = 	snop  }
0x6: {  	_ = 	snop  }
0x7: {  	_ = 	snop  }
__scs_overlays_trampoline_lowered:
0x8: {  	[smem:$0x3F92] =	sst s0  }
0x9: {  	[smem:$0x3F93] =	sst s1  }
0xa: {  	[smem:$0x3F94] =	sst s2  }
0xb: {  	[smem:$0x3F95] =	sst s3  }
0xc: {  	[smem:$0x3F96] =	sst s4  }
0xd: {  	[smem:$0x3F97] =	sst s5  }
0xe: {  	[smem:$0x3F98] =	sst s6  }
0xf: {  	[smem:$0x3F99] =	sst s7  }
0x10: {  	[smem:$0x3F9A] =	sst s8  }
0x11: {  	[smem:$0x3F9B] =	sst s9;
	s0 =	simm.s32 @!p0 $0x0  }
0x12: {  	s1 =	sld [smem:$0x3F81];
	s0 =	simm.s32 @p0 $0x1  }
0x13: {  	[smem:$0x3F9C] =	sst s0;
	s0 =	simm.s32 @!p1 $0x0  }
0x14: {  	s2 =	sld [smem:$0x3F80];
	s0 =	simm.s32 @p1 $0x1  }
0x15: {  	[smem:$0x3F9D] =	sst s0;
	s0 =	simm.s32 @!p2 $0x0  }
0x16: {  	s3 =	sld [smem:$0x3FDB];
	s0 =	simm.s32 @p2 $0x1  }
0x17: {  	s4 =	simm.s32 $0x1BF5;
	[smem:$0x3F9F] =	sst s0  }
0x18: {  	s0 =	sld [smem:$0x3F82];
	_ =	swait.ge [sflag:s4], $0x0  }
0x19: {  	s7 =	sld [smem:$0x3F83]  }
0x1a: {  	s8 =	sadd.s32 $0xFFFFE003, lr  }
0x1b: {  	s9 =	sadd.s32 $0xFFFFFEF7, lr;
	s5 =	simm.s32 $0xFFFFFFFF;
	p2 =	slt.u32 s8, $0xFFFFF086  }
0x1c: {  	p1 =	slt.u32 s9, $0xF7A;
	s5 =	simm.s32 @!p2 $0x0  }
0x1d: {  	s5 =	simm.s32 @p1 $0x1;
	p0 =	seq.s32 s7, s2  }
0x1e: {  	s7 =	smul.u32 @!p0 $0xF7A, s2;
	p2 =	seq.s32 @!p0 s5, $0x0  }
0x1f: {  	s9 =	smul.u32 $0xF7A, s1;
	s8 =	simm.s32 @!p0 $0x1BF5;
	p2 =	por !p2, p0  }
0x20: {  	[sflag:s8] =	ssyncset.s32 @!p0 $0xFFFFF086;
	s6 =	sadd.s32 @!p0 s3, s7;
	s7 =	simm.s32 @!p0 $0x108  }
0x21: {  	s3 =	sadd.s32 s3, s9;
	s6 =	sadd.s32 @!p0 $0x88, s6;
	s7 =	simm.s32 @p2 $0x1082  }
0x22: {  	[simem:s7], [sflag:s8] =	dma.local @!p0 [hbm:s6], $0xF7A  }
0x23: {  	s9 =	sor.u32 $0xD0000000, s2;
	s6 =	simm.s32 $0x108;
	_ =	swait.ge @!p0 [sflag:s8], $0x0  }
0x24: {  	s3 =	sadd.s32 $0x88, s3;
	s6 =	simm.s32 @!p1 $0x1082;
	[sflag:s4] =	ssyncset.s32 $0xFFFFF086  }
0x25: {  	[simem:s6], [sflag:s4] =	dma.local [hbm:s3], $0xF7A  }
0x26: {  	[smem:$0x3F83] =	sst s1;
	(tag) =	ssettag s2;
	_ =	strace s9  }
0x27: {  	s1 =	sld [smem:$0x3F93]  }
0x28: {  	s2 =	sld [smem:$0x3F94]  }
0x29: {  	s4 =	sld [smem:$0x3F96]  }
0x2a: {  	p0 =	seq.s32 s5, $0x0;
	s5 =	sld [smem:$0x3F97]  }
0x2b: {  	s6 =	sld [smem:$0x3F98]  }
0x2c: {  	s7 =	sld [smem:$0x3F99]  }
0x2d: {  	s3 =	simm.s32 $0x108;
	s8 =	sld [smem:$0x3F9A]  }
0x2e: {  	s3 =	simm.s32 @!p0 $0x1082;
	s9 =	sld [smem:$0x3F9B]  }
0x2f: {  	lr =	sadd.s32 s0, s3;
	s0 =	sld [smem:$0x3F92]  }
0x30: {  	s3 =	sld [smem:$0x3F95]  }
0x31: {  	[smem:$0x3F9E] =	sst s10  }
0x32: {  	s10 =	sld [smem:$0x3F9C];
	_ =	sdelay $0x3  }
0x33: {  	p0 =	seq.s32 s10, $0x1;
	s10 =	sld [smem:$0x3F9E];
	_ =	sdelay $0x3  }
0x34: {  	[smem:$0x3F9E] =	sst s10  }
0x35: {  	s10 =	sld [smem:$0x3F9D];
	_ =	sdelay $0x3  }
0x36: {  	p1 =	seq.s32 s10, $0x1;
	s10 =	sld [smem:$0x3F9E];
	_ =	sdelay $0x3  }
0x37: {  	[smem:$0x3F9E] =	sst s10  }
0x38: {  	s10 =	sld [smem:$0x3F9F]  }
0x39: {  	_ = 	snop;
	(pc) =	sbr.ind lr, $3  }
0x3a: {  	_ = 	snop  }
0x3b: {  	_ = 	snop  }
0x3c: {  	p2 =	seq.s32 s10, $0x1;
	s10 =	sld [smem:$0x3F9E]  }
0x3d: {  	_ =	shalt  }
0x3e: {  	_ =	shalt  }
0x3f: {  	_ =	shalt  }
0x40: {  	_ =	shalt  }
0x41: {  	_ =	shalt  }
0x42: {  	_ =	shalt  }
0x43: {  	_ =	shalt  }
0x44: {  	_ =	shalt  }
0x45: {  	_ =	shalt  }
0x46: {  	_ =	shalt  }
0x47: {  	_ =	shalt  }
0x48: {  	_ =	shalt  }
0x49: {  	_ =	shalt  }
0x4a: {  	_ =	shalt  }
0x4b: {  	_ =	shalt  }
0x4c: {  	_ =	shalt  }
0x4d: {  	_ =	shalt  }
0x4e: {  	_ =	shalt  }
0x4f: {  	_ =	shalt  }
0x50: {  	_ =	shalt  }
0x51: {  	_ =	shalt  }
0x52: {  	_ =	shalt  }
0x53: {  	_ =	shalt  }
0x54: {  	_ =	shalt  }
0x55: {  	_ =	shalt  }
0x56: {  	_ =	shalt  }
0x57: {  	_ =	shalt  }
0x58: {  	_ =	shalt  }
0x59: {  	_ =	shalt  }
0x5a: {  	_ =	shalt  }
0x5b: {  	_ =	shalt  }
0x5c: {  	_ =	shalt  }
0x5d: {  	_ =	shalt  }
0x5e: {  	_ =	shalt  }
0x5f: {  	_ =	shalt  }
0x60: {  	_ =	shalt  }
0x61: {  	_ =	shalt  }
0x62: {  	_ =	shalt  }
0x63: {  	_ =	shalt  }
0x64: {  	_ =	shalt  }
0x65: {  	_ =	shalt  }
0x66: {  	_ =	shalt  }
0x67: {  	_ =	shalt  }
0x68: {  	_ =	shalt  }
0x69: {  	_ =	shalt  }
0x6a: {  	_ =	shalt  }
0x6b: {  	_ =	shalt  }
0x6c: {  	_ =	shalt  }
0x6d: {  	_ =	shalt  }
0x6e: {  	_ =	shalt  }
0x6f: {  	_ =	shalt  }
0x70: {  	_ =	shalt  }
0x71: {  	_ =	shalt  }
0x72: {  	_ =	shalt  }
0x73: {  	_ =	shalt  }
0x74: {  	_ =	shalt  }
0x75: {  	_ =	shalt  }
0x76: {  	_ =	shalt  }
0x77: {  	_ =	shalt  }
0x78: {  	_ =	shalt  }
0x79: {  	_ =	shalt  }
0x7a: {  	_ =	shalt  }
0x7b: {  	_ =	shalt  }
0x7c: {  	_ =	shalt  }
0x7d: {  	_ =	shalt  }
0x7e: {  	_ =	shalt  }
0x7f: {  	_ =	shalt  }
0x80: {  	_ =	shalt  }
0x81: {  	_ =	shalt  }
0x82: {  	_ =	shalt  }
0x83: {  	_ =	shalt  }
0x84: {  	_ =	shalt  }
0x85: {  	_ =	shalt  }
0x86: {  	_ =	shalt  }
0x87: {  	_ =	shalt  }
.Lfunc_end0:
.L_simem_size_0:
called_computation.2_lowered:
.L_overlay_start_0:
0x88: {  	s2 =	sld [smem:$0x3FD9]  }
0x89: {  	s3 =	sld [smem:$0x3FFE];
	_ =	sdelay $0x1  }
0x8a: {  	s1 =	srdreg.scid  }
0x8b: {  	s0 =	sand.u32 $0x1, s1  }
0x8c: {  	s16 =	sshll.u32 s0, $0xA;
	s2 =	sadd.s32 s3, s2  }
0x8d: {  	s2 =	sadd.s32 s2, s16  }
0x8e: {  	[smem:$0x3FAA] =	sst s2  }
0x8f: {  	_ = 	snop  }
0x90: {  	(tm) =	ssettm $0x1  }
0x91: {  	s17 =	sld [smem:$0x3FFB];
	_ =	sdelay $0x3  }
0x92: {  	_ =	strace s17  }
0x93: {  	s2 =	sld [smem:$0x3FFC];
	_ =	sdelay $0x3  }
0x94: {  	_ =	strace s2  }
0x95: {  	s2 =	sld [smem:$0x3FFD];
	_ =	sdelay $0x3  }
0x96: {  	_ =	strace s2  }
0x97: {  	_ =	strace $0x8FFFFFFF  }
0x98: {  	s18 =	sld [smem:$0x3FDB];
	_ =	sdelay $0x1  }
0x99: {  	s19 =	simm.s32 $_scs_section_size  }
0x9a: {  	s4 =	simm.s32 $_size__tile_overlayer_lowered;
	s5 =	simm.s32 $_tile_overlayer_lowered  }
0x9b: {  	s22 =	simm.s32 $0x1BFF;
	s21 =	sshll.u32 s5, $0x1;
	s2 =	sadd.s32 s19, s18  }
0x9c: {  	s6 =	simm.s32 $0x0;
	s20 =	sshll.u32 s4, $0x1;
	s4 =	sadd.s32 s21, s2  }
0x9d: {  	[timem:s6], [sflag:s22] =	dma.local [hbm:s4], s20  }
0x9e: {  	_ =	swait.ge [sflag:s22], s20  }
0x9f: {  	s3 =	ssub.s32 $0x0, s20;
	[sflag:s22] =	ssyncset.done $0x0  }
0xa0: {  	[sflag:s22] =	ssyncadd.s32 s3;
	_ =	sdelay $0x1  }
0xa1: {  	s23 =	simm.s32 $0x1B8B  }
0xa2: {  	_ =	swait.ge [sflag:s23], $0x1  }
0xa3: {  	[sflag:s23] =	ssyncset.done $0x0  }
0xa4: {  	s25 =	simm.s32 $0x1B8E;
	s24 =	sld [smem:$0x3FFE];
	[sflag:s23] =	ssyncadd.s32 $0xFFFFFFFF  }
0xa5: {  	s26 =	simm.s32 $execute0_lowered;
	[smem:$0x3FD2] =	sst s25  }
0xa6: {  	s4 =	sshll.u32 s26, $0x1;
	_ =	strace $0x8000004C;
	[dreg:$0x1] =	wrdreg $0xFFFFFFFF  }
0xa7: {  	s28 =	simm.s32 $_size_execute0_lowered;
	s2 =	sadd.s32 s2, s4;
	[dreg:$0x0] =	wrdreg $0x0  }
0xa8: {  	s4 =	sshll.u32 s28, $0x1;
	[dreg:$0x2] =	wrdreg s2  }
0xa9: {  	[dreg:$0x3] =	wrdreg s4  }
0xaa: {  	[dreg:$0x4] =	wrdreg $0xC0  }
0xab: {  	_ =	task [dreg:s6], $0x5FFFF  }
0xac: {  	[dreg:$0x1] =	wrdreg $0xFFFFFFFF  }
0xad: {  	[dreg:$0x0] =	wrdreg $0x60  }
0xae: {  	[dreg:$0x2] =	wrdreg s24  }
0xaf: {  	[dreg:$0x3] =	wrdreg $0x110000  }
0xb0: {  	[dreg:$0x4] =	wrdreg $0x9  }
0xb1: {  	_ =	task.clear_ibuf [dreg:s6], $0x5FFFF;
	_ =	strace $0x9000004C  }
0xb2: {  	s29 =	simm.s32 $0x9;
	_ =	strace $0x8000004E  }
0xb3: {  	_ =	swait.ge [sflag:s29], $0x1  }
0xb4: {  	[sflag:s29] =	ssyncadd.s32 $0xFFFFFFFF  }
0xb5: {  	_ =	strace $0x9000004E  }
0xb6: {  	_ =	sfence  }
0xb7: {  	s30 =	sld [smem:$0x0];
	_ =	sdelay $0x2  }
0xb8: {  	s31 =	sshll.u32 s1, $0xD;
	s1 =	sshrl.u32 s1, $0x2  }
0xb9: {  	s3 =	sand.u32 $0x4000, s31;
	s1 =	sadd.s32 s1, s30  }
0xba: {  	s0 =	sor.u32 s3, s0;
	s1 =	sshll.u32 s1, $0x11  }
0xbb: {  	s0 =	sor.u32 s1, s0  }
0xbc: {  	s0 =	sadd.s32 $0x8F2B, s0  }
0xbd: {  	[sflag:s0] =	ssyncadd.remote.s32 $0x1  }
0xbe: {  	_ =	sfence.sel $0xFFFF  }
0xbf: {  	[dreg:$0x0] =	wrdreg $0xFFFFFFFF;
	(pc) =	sbr.abs _section_cstart, $3  }
0xc0: {  	[dreg:$0x1] =	wrdreg $0xFFFFFFFF  }
0xc1: {  	_ =	task.clear_ibuf [dreg:s6], $0x2FFFF;
	_ =	strace $0x9FFFFFFF  }
0xc2: {  	(tm) =	ssettm $0x7FFFFFFF  }
0xc3: {  	_ =	shalt  }
tec
execute0_lowered:
.L_overlay_start_1:
0x0: {  	(tag) =	ssettag $0x1  }
0x1: {  	s0 =	rddreg [dreg:$0x0]  }
0x2: {  	s2 =	rddreg [dreg:$0x1];
	s1 =	simm.s32 $0x0  }
0x3: {  	s6 =	stileid.u32;
	s3 =	srdreg.scid;
	s17 =	simm.s32 $0x7  }
0x4: {  	s18 =	simm.s32 $0x5000;
	s19 =	simm.s32 $0x80;
	s20 =	simm.s32 $0x7000  }
0x5: {  	s22 =	simm.s32 $0x9000;
	s29 =	simm.s32 $0xD000;
	s31 =	simm.s32 $0xF000  }
0x6: {  	s21 =	simm.s32 $0x5;
	s23 =	simm.s32 $0x6;
	s15 =	simm.s32 $0x4F80  }
0x7: {  	[smem:$0x7FF] =	sst s1;
	s24 =	smul.u32 $0x500, s6;
	s4 =	sadd.s32 $0x8DC00, s0  }
0x8: {  	s3 =	sand.u32 $0x1, s3;
	s8 =	smul.u32 $0x28000, s6;
	s5 =	sadd.s32 $0x1EE600, s0  }
0x9: {  	s6 =	smul.u32 $0x14000, s6;
	_ =	strace $0x8000004D;
	s7 =	ssub.s32 $0x2, s3  }
0xa: {  	s1 =	sadd.s32 s24, s0;
	s25 =	sshrl.u32 s7, $0x1;
	s28 =	sshrl.u32 s8, $0x2  }
0xb: {  	s8 =	sshll.u32 s3, $0x1;
	s30 =	sshrl.u32 s6, $0x1;
	s24 =	simm.s32 $0xB000  }
0xc: {  	s3 =	simm.s32 $0x3;
	s0 =	ssub.s32 s7, s25;
	s26 =	sadd.s32 $0x4800, s1  }
0xd: {  	s7 =	sadd.s32 s28, s2;
	s9 =	sadd.s32 $0x13800, s1;
	s10 =	sadd.s32 s30, s2  }
0xe: {  	s25 =	simm.s32 $0x1;
	s1 =	simm.s32 $0x4;
	[dreg:$0x3] =	wrdreg s26  }
0xf: {  	s11 =	sadd.s32 $0x2000, s7;
	s12 =	sadd.s32 $0x4000, s7;
	s13 =	sadd.s32 $0x6000, s7  }
0x10: {  	s14 =	sadd.s32 $0x8000, s7;
	s0 =	smax.u32 s0, $0x1;
	s7 =	simm.s32 $0x4F00  }
0x11: {  	v0 =	vimm.bf16 $0.0e+00;
	s26 =	simm.s32 $0x0;
	[dreg:$0x4] =	wrdreg s0;
	s0 =	simm.s32 $0x2  }
.LBB2_1:
0x12: {  	[dreg:$0x5] =	wrdreg s26  }
0x13: {  	s16 =	simm.s32 $0x0;
	s26 =	rddreg [dreg:$0x3];
	s28 =	simm.s32 $0x2800  }
0x14: {  	[tilespmem:s28], [sflag:$0x7] =	stream.linear.gather [hbm4b:s26+s16], $0x2800, $0x38;
	[tilespmem:$0x1B000] =	vst v63  }
0x15: {  	_ =	swait.ge [sflag:s17], $0x2800  }
0x16: {  	[sflag:s17] =	ssyncset.done $0x0  }
0x17: {  	p1 =	por $0x1, $0x1;
	s30 =	simm.s32 $0x0;
	[sflag:s17] =	ssyncadd.s32 $0xFFFFD800  }
.LBB2_2:
0x18: {  	s26 =	simm.s32 $0x0  }
0x19: {  	[tilespmem:s26], [sflag:$0x7] =	stream.linear.gather [hbm4b:s9+s26], $0x2800, $0x38;
	[tilespmem:$0x1B000] =	vst v63  }
0x1a: {  	_ =	swait.ge [sflag:s17], $0x2800  }
0x1b: {  	[sflag:s17] =	ssyncset.done $0x0  }
0x1c: {  	s28 =	simm.s32 $0x0;
	[sflag:s17] =	ssyncadd.s32 $0xFFFFD800  }
0x1d: {  	v4 =	vld [tilespmem:s28+$0x0]  }
0x1e: {  	v5 =	vld [tilespmem:s28+$0x10]  }
0x1f: {  	v6 =	vld [tilespmem:s28+$0x20]  }
0x20: {  	v3 =	vld [tilespmem:s28+$0x30]  }
0x21: {  	s26 =	sor.u32 s8, s30;
	v2 =	vld [tilespmem:s28+$0x40]  }
0x22: {  	v1 =	vmov s26;
	v7 =	vshll.u32 v4, $0x2;
	v4 =	vld [tilespmem:s28+$0x50]  }
0x23: {  	p0 =	por p1, p1;
	s30 =	simm.s32 $0x200;
	v8 =	vshll.u32 v5, $0x2;
	v5 =	vld [tilespmem:s28+$0x60];
	v7 =	vor.u32 v1, v7  }
.LBB2_3:
0x24: {  	s16 =	sshra.s32 s30, $0x2;
	p1 =	sne.s32 s30, $0x9E00;
	[tilespmem:s28+$0x0] =	vst v7;
	v7 =	vor.u32 v1, v8;
	v6 =	vshll.u32 v6, $0x2;
	v8 =	vld [tilespmem:s28+$0x70]  }
0x25: {  	v9 =	vld [tilespmem:s16+$0x0];
	[tilespmem:s28+$0x10] =	vst v7;
	v6 =	vor.u32 v1, v6;
	v3 =	vshll.u32 v3, $0x2  }
0x26: {  	v10 =	vld [tilespmem:s16+$0x10];
	[tilespmem:s28+$0x20] =	vst v6;
	v3 =	vor.u32 v1, v3;
	v2 =	vshll.u32 v2, $0x2  }
.Ltmp0:
0x27: {  	v6 =	vld [tilespmem:s16+$0x20];
	[tilespmem:s28+$0x30] =	vst v3;
	v2 =	vor.u32 v1, v2;
	v4 =	vshll.u32 v4, $0x2;
	(pc) =	sbr.rel @p1 .LBB2_3-.Ltmp0, $4  }
0x28: {  	v3 =	vld [tilespmem:s16+$0x30];
	[tilespmem:s28+$0x40] =	vst v2;
	v4 =	vor.u32 v1, v4;
	v5 =	vshll.u32 v5, $0x2  }
0x29: {  	v2 =	vld [tilespmem:s16+$0x40];
	[tilespmem:s28+$0x50] =	vst v4;
	v5 =	vor.u32 v1, v5;
	v7 =	vshll.u32 v8, $0x2  }
0x2a: {  	v8 =	vshll.u32 v9, $0x2;
	v4 =	vld [tilespmem:s16+$0x50];
	[tilespmem:s28+$0x60] =	vst v5;
	v9 =	vor.u32 v1, v7  }
0x2b: {  	s30 =	sadd.s32 $0x200, s30;
	v7 =	vor.u32 v1, v8;
	v8 =	vshll.u32 v10, $0x2;
	v5 =	vld [tilespmem:s16+$0x60];
	[tilespmem:s28+$0x70] =	vst v9;
	s28 =	smov.u32 s16  }
0x2c: {  	[tilespmem:s28+$0x0] =	vst v7;
	v62 =	vor.u32 v1, v8;
	v6 =	vshll.u32 v6, $0x2;
	v63 =	vld [tilespmem:s28+$0x70]  }
0x2d: {  	[tilespmem:s28+$0x10] =	vst v62;
	v6 =	vor.u32 v1, v6;
	v3 =	vshll.u32 v3, $0x2  }
0x2e: {  	[tilespmem:s28+$0x20] =	vst v6;
	v3 =	vor.u32 v1, v3;
	v2 =	vshll.u32 v2, $0x2  }
0x2f: {  	[tilespmem:s28+$0x30] =	vst v3;
	v2 =	vor.u32 v1, v2;
	v3 =	vshll.u32 v4, $0x2  }
0x30: {  	[tilespmem:s28+$0x40] =	vst v2;
	v2 =	vor.u32 v1, v3;
	v3 =	vshll.u32 v5, $0x2  }
0x31: {  	[tilespmem:s28+$0x50] =	vst v2;
	v2 =	vor.u32 v1, v3;
	v3 =	vshll.u32 v63, $0x2  }
0x32: {  	[tilespmem:s28+$0x60] =	vst v2;
	v1 =	vor.u32 v1, v3  }
0x33: {  	s30 =	simm.s32 $0x100;
	[tilespmem:s28+$0x70] =	vst v1;
	s28 =	simm.s32 $0x0  }
.LBB2_5:
0x34: {  	p1 =	sne.s32 s30, $0x7F00;
	[tilespmem:s28+$0x5030] =	vst v0;
	s16 =	smov.u32 s30;
	s30 =	sadd.s32 $0x100, s30  }
.Ltmp1:
0x35: {  	[tilespmem:s28+$0x5020] =	vst v0;
	(pc) =	sbr.rel @p1 .LBB2_5-.Ltmp1, $3  }
0x36: {  	[tilespmem:s28+$0x5000] =	vst v0  }
0x37: {  	[tilespmem:s28+$0x5010] =	vst v0;
	_ =	sdelay $0x1  }
0x38: {  	s28 =	sshra.s32 s16, $0x2  }
0x39: {  	[tilespmem:s28+$0x5030] =	vst v0  }
0x3a: {  	[tilespmem:s28+$0x5020] =	vst v0  }
0x3b: {  	[tilespmem:s28+$0x5000] =	vst v0  }
0x3c: {  	[tilespmem:s28+$0x5010] =	vst v0  }
0x3d: {  	[spmem:s10] =	stream.linear.scatter [tilespmem:s18], [sflag:$0x7], $0x2000, $0x38;
	[tilespmem:$0x1B000] =	vst v63  }
0x3e: {  	_ =	swait.ge [sflag:s17], $0x2000  }
0x3f: {  	[sflag:s17] =	ssyncset.done $0x0  }
0x40: {  	[sflag:s17] =	ssyncadd.s32 $0xFFFFE000  }
0x41: {  	[spmem:s11] =	stream.linear.scatter [tilespmem:s18], [sflag:$0x7], $0x2000, $0x38;
	[tilespmem:$0x1B000] =	vst v63  }
0x42: {  	_ =	swait.ge [sflag:s17], $0x2000  }
0x43: {  	[sflag:s17] =	ssyncset.done $0x0  }
0x44: {  	[sflag:s17] =	ssyncadd.s32 $0xFFFFE000  }
0x45: {  	[spmem:s12] =	stream.linear.scatter [tilespmem:s18], [sflag:$0x7], $0x2000, $0x38;
	[tilespmem:$0x1B000] =	vst v63  }
0x46: {  	_ =	swait.ge [sflag:s17], $0x2000  }
0x47: {  	[sflag:s17] =	ssyncset.done $0x0  }
0x48: {  	[sflag:s17] =	ssyncadd.s32 $0xFFFFE000  }
0x49: {  	[spmem:s13] =	stream.linear.scatter [tilespmem:s18], [sflag:$0x7], $0x2000, $0x38;
	[tilespmem:$0x1B000] =	vst v63  }
0x4a: {  	_ =	swait.ge [sflag:s17], $0x2000  }
0x4b: {  	[sflag:s17] =	ssyncset.done $0x0  }
0x4c: {  	[sflag:s17] =	ssyncadd.s32 $0xFFFFE000  }
0x4d: {  	[spmem:s14] =	stream.linear.scatter [tilespmem:s18], [sflag:$0x7], $0x2000, $0x38;
	[tilespmem:$0x1B000] =	vst v63  }
0x4e: {  	_ =	swait.ge [sflag:s17], $0x2000  }
0x4f: {  	[sflag:s17] =	ssyncset.done $0x0  }
0x50: {  	s16 =	simm.s32 $0x0;
	[sflag:s17] =	ssyncadd.s32 $0xFFFFE000  }
0x51: {  	[tilespmem:s18], [sflag:$0x1] =	stream.indirect.gather [hbm4b:s4+s19], $0x40, s16, s19, $0xb8;
	[tilespmem:$0x1B000] =	vst v63  }
0x52: {  	_ = 	snop  }
0x53: {  	[tilespmem:s20], [sflag:$0x1] =	stream.indirect.gather [hbm4b:s4+s19], $0x40, s19, s19, $0xb8;
	[tilespmem:$0x1B000] =	vst v63  }
0x54: {  	s16 =	simm.s32 $0x100;
	[bflag:$0x0] =	sbarrier.arrive $0xFFFF  }
0x55: {  	[tilespmem:s22], [sflag:$0x2] =	stream.indirect.gather [hbm4b:s4+s19], $0x40, s16, s19, $0xb8;
	[tilespmem:$0x1B000] =	vst v63  }
0x56: {  	s16 =	simm.s32 $0x180  }
0x57: {  	[tilespmem:s24], [sflag:$0x2] =	stream.indirect.gather [hbm4b:s4+s19], $0x40, s16, s19, $0xb8;
	[tilespmem:$0x1B000] =	vst v63  }
0x58: {  	_ =	swait.ge [sflag:s25], $0x2000  }
0x59: {  	[sflag:s25] =	ssyncset.done $0x0  }
0x5a: {  	s16 =	simm.s32 $0x2800;
	[sflag:s25] =	ssyncadd.s32 $0xFFFFE000  }
0x5b: {  	[spmem:s2] =	stream.indirect.scatter.add.bf16 [tilespmem:s18], [sflag:$0x4], $0x40, s16, s19, $0xb8;
	[tilespmem:$0x1B000] =	vst v63  }
0x5c: {  	_ =	swait.ge [sflag:s25], $0x2000  }
0x5d: {  	[sflag:s25] =	ssyncset.done $0x0  }
0x5e: {  	s16 =	simm.s32 $0x2880;
	[sflag:s25] =	ssyncadd.s32 $0xFFFFE000  }
0x5f: {  	[spmem:s2] =	stream.indirect.scatter.add.bf16 [tilespmem:s20], [sflag:$0x4], $0x40, s16, s19, $0xb8;
	[tilespmem:$0x1B000] =	vst v63  }
0x60: {  	s16 =	simm.s32 $0x200  }
0x61: {  	[tilespmem:s29], [sflag:$0x3] =	stream.indirect.gather [hbm4b:s4+s19], $0x40, s16, s19, $0xb8;
	[tilespmem:$0x1B000] =	vst v63  }
0x62: {  	s16 =	simm.s32 $0x280  }
0x63: {  	[tilespmem:s31], [sflag:$0x3] =	stream.indirect.gather [hbm4b:s4+s19], $0x40, s16, s19, $0xb8;
	[tilespmem:$0x1B000] =	vst v63  }
0x64: {  	_ =	swait.ge [sflag:s0], $0x2000  }
0x65: {  	[sflag:s0] =	ssyncset.done $0x0  }
0x66: {  	s16 =	simm.s32 $0x2900;
	[sflag:s0] =	ssyncadd.s32 $0xFFFFE000  }
0x67: {  	[spmem:s2] =	stream.indirect.scatter.add.bf16 [tilespmem:s22], [sflag:$0x5], $0x40, s16, s19, $0xb8;
	[tilespmem:$0x1B000] =	vst v63  }
0x68: {  	_ =	swait.ge [sflag:s0], $0x2000  }
0x69: {  	[sflag:s0] =	ssyncset.done $0x0  }
0x6a: {  	s16 =	simm.s32 $0x2980;
	[sflag:s0] =	ssyncadd.s32 $0xFFFFE000  }
0x6b: {  	[spmem:s2] =	stream.indirect.scatter.add.bf16 [tilespmem:s24], [sflag:$0x5], $0x40, s16, s19, $0xb8;
	[tilespmem:$0x1B000] =	vst v63  }
0x6c: {  	_ =	swait.ge [sflag:s1], $0x2000  }
0x6d: {  	[sflag:s1] =	ssyncset.done $0x0  }
0x6e: {  	[sflag:s1] =	ssyncadd.s32 $0xFFFFE000  }
0x6f: {  	_ =	swait.ge [sflag:s1], $0x2000  }
0x70: {  	[sflag:s1] =	ssyncset.done $0x0  }
0x71: {  	s16 =	simm.s32 $0x300;
	[sflag:s1] =	ssyncadd.s32 $0xFFFFE000  }
0x72: {  	[tilespmem:s18], [sflag:$0x1] =	stream.indirect.gather [hbm4b:s4+s19], $0x40, s16, s19, $0xb8;
	[tilespmem:$0x1B000] =	vst v63  }
0x73: {  	s16 =	simm.s32 $0x380  }
0x74: {  	[tilespmem:s20], [sflag:$0x1] =	stream.indirect.gather [hbm4b:s4+s19], $0x40, s16, s19, $0xb8;
	[tilespmem:$0x1B000] =	vst v63  }
0x75: {  	_ =	swait.ge [sflag:s3], $0x2000  }
0x76: {  	[sflag:s3] =	ssyncset.done $0x0  }
0x77: {  	s16 =	simm.s32 $0x2A00;
	[sflag:s3] =	ssyncadd.s32 $0xFFFFE000  }
0x78: {  	[spmem:s2] =	stream.indirect.scatter.add.bf16 [tilespmem:s29], [sflag:$0x6], $0x40, s16, s19, $0xb8;
	[tilespmem:$0x1B000] =	vst v63  }
0x79: {  	_ =	swait.ge [sflag:s3], $0x2000  }
0x7a: {  	[sflag:s3] =	ssyncset.done $0x0  }
0x7b: {  	s16 =	simm.s32 $0x2A80;
	[sflag:s3] =	ssyncadd.s32 $0xFFFFE000  }
0x7c: {  	[spmem:s2] =	stream.indirect.scatter.add.bf16 [tilespmem:s31], [sflag:$0x6], $0x40, s16, s19, $0xb8;
	[tilespmem:$0x1B000] =	vst v63  }
0x7d: {  	_ =	swait.ge [sflag:s21], $0x2000  }
0x7e: {  	[sflag:s21] =	ssyncset.done $0x0  }
0x7f: {  	[sflag:s21] =	ssyncadd.s32 $0xFFFFE000  }
0x80: {  	_ =	swait.ge [sflag:s21], $0x2000  }
0x81: {  	[sflag:s21] =	ssyncset.done $0x0  }
0x82: {  	s16 =	simm.s32 $0x400;
	[sflag:s21] =	ssyncadd.s32 $0xFFFFE000  }
0x83: {  	[tilespmem:s22], [sflag:$0x2] =	stream.indirect.gather [hbm4b:s4+s19], $0x40, s16, s19, $0xb8;
	[tilespmem:$0x1B000] =	vst v63  }
0x84: {  	s16 =	simm.s32 $0x480  }
0x85: {  	[tilespmem:s24], [sflag:$0x2] =	stream.indirect.gather [hbm4b:s4+s19], $0x40, s16, s19, $0xb8;
	[tilespmem:$0x1B000] =	vst v63  }
0x86: {  	_ =	swait.ge [sflag:s25], $0x2000  }
0x87: {  	[sflag:s25] =	ssyncset.done $0x0  }
0x88: {  	s16 =	simm.s32 $0x2B00;
	[sflag:s25] =	ssyncadd.s32 $0xFFFFE000  }
0x89: {  	[spmem:s2] =	stream.indirect.scatter.add.bf16 [tilespmem:s18], [sflag:$0x4], $0x40, s16, s19, $0xb8;
	[tilespmem:$0x1B000] =	vst v63  }
0x8a: {  	_ =	swait.ge [sflag:s25], $0x2000  }
0x8b: {  	[sflag:s25] =	ssyncset.done $0x0  }
0x8c: {  	s16 =	simm.s32 $0x2B80;
	[sflag:s25] =	ssyncadd.s32 $0xFFFFE000  }
0x8d: {  	[spmem:s2] =	stream.indirect.scatter.add.bf16 [tilespmem:s20], [sflag:$0x4], $0x40, s16, s19, $0xb8;
	[tilespmem:$0x1B000] =	vst v63  }
0x8e: {  	_ =	swait.ge [sflag:s23], $0x2000  }
0x8f: {  	[sflag:s23] =	ssyncset.done $0x0  }
0x90: {  	[sflag:s23] =	ssyncadd.s32 $0xFFFFE000  }
0x91: {  	_ =	swait.ge [sflag:s23], $0x2000  }
0x92: {  	[sflag:s23] =	ssyncset.done $0x0  }
0x93: {  	s16 =	simm.s32 $0x500;
	[sflag:s23] =	ssyncadd.s32 $0xFFFFE000  }
0x94: {  	[tilespmem:s29], [sflag:$0x3] =	stream.indirect.gather [hbm4b:s4+s19], $0x40, s16, s19, $0xb8;
	[tilespmem:$0x1B000] =	vst v63  }
0x95: {  	s16 =	simm.s32 $0x580  }
0x96: {  	[tilespmem:s31], [sflag:$0x3] =	stream.indirect.gather [hbm4b:s4+s19], $0x40, s16, s19, $0xb8;
	[tilespmem:$0x1B000] =	vst v63  }
0x97: {  	_ =	swait.ge [sflag:s0], $0x2000  }
0x98: {  	[sflag:s0] =	ssyncset.done $0x0  }
0x99: {  	s16 =	simm.s32 $0x2C00;
	[sflag:s0] =	ssyncadd.s32 $0xFFFFE000  }
0x9a: {  	[spmem:s2] =	stream.indirect.scatter.add.bf16 [tilespmem:s22], [sflag:$0x5], $0x40, s16, s19, $0xb8;
	[tilespmem:$0x1B000] =	vst v63  }
0x9b: {  	_ =	swait.ge [sflag:s0], $0x2000  }
0x9c: {  	[sflag:s0] =	ssyncset.done $0x0  }
0x9d: {  	s28 =	simm.s32 $0xC00;
	s30 =	simm.s32 $0x2C80;
	[sflag:s0] =	ssyncadd.s32 $0xFFFFE000  }
.LBB2_7:
0x9e: {  	[spmem:s2] =	stream.indirect.scatter.add.bf16 [tilespmem:s24], [sflag:$0x5], $0x40, s30, s19, $0xb8;
	[tilespmem:$0x1B000] =	vst v63  }
0x9f: {  	s16 =	smov.u32 s28  }
0xa0: {  	p1 =	sne.s32 s28, $0x8400;
	s28 =	sadd.s32 $0xC00, s28;
	_ =	swait.ge [sflag:s1], $0x2000  }
0xa1: {  	[sflag:s1] =	ssyncset.done $0x0  }
0xa2: {  	[sflag:s1] =	ssyncadd.s32 $0xFFFFE000  }
0xa3: {  	_ =	swait.ge [sflag:s1], $0x2000  }
0xa4: {  	s30 =	sshra.s32 s16, $0x2;
	[sflag:s1] =	ssyncset.done $0x0  }
0xa5: {  	s16 =	sadd.s32 $0x300, s30;
	[sflag:s1] =	ssyncadd.s32 $0xFFFFE000  }
0xa6: {  	[tilespmem:s18], [sflag:$0x1] =	stream.indirect.gather [hbm4b:s4+s19], $0x40, s16, s19, $0xb8;
	[tilespmem:$0x1B000] =	vst v63  }
0xa7: {  	s16 =	sadd.s32 $0x380, s30  }
0xa8: {  	[tilespmem:s20], [sflag:$0x1] =	stream.indirect.gather [hbm4b:s4+s19], $0x40, s16, s19, $0xb8;
	[tilespmem:$0x1B000] =	vst v63  }
0xa9: {  	_ =	swait.ge [sflag:s3], $0x2000  }
0xaa: {  	[sflag:s3] =	ssyncset.done $0x0  }
0xab: {  	s16 =	sadd.s32 $0x2A00, s30;
	[sflag:s3] =	ssyncadd.s32 $0xFFFFE000  }
0xac: {  	[spmem:s2] =	stream.indirect.scatter.add.bf16 [tilespmem:s29], [sflag:$0x6], $0x40, s16, s19, $0xb8;
	[tilespmem:$0x1B000] =	vst v63  }
0xad: {  	_ =	swait.ge [sflag:s3], $0x2000  }
0xae: {  	[sflag:s3] =	ssyncset.done $0x0  }
0xaf: {  	s16 =	sadd.s32 $0x2A80, s30;
	[sflag:s3] =	ssyncadd.s32 $0xFFFFE000  }
0xb0: {  	[spmem:s2] =	stream.indirect.scatter.add.bf16 [tilespmem:s31], [sflag:$0x6], $0x40, s16, s19, $0xb8;
	[tilespmem:$0x1B000] =	vst v63  }
0xb1: {  	_ =	swait.ge [sflag:s21], $0x2000  }
0xb2: {  	[sflag:s21] =	ssyncset.done $0x0  }
0xb3: {  	[sflag:s21] =	ssyncadd.s32 $0xFFFFE000  }
0xb4: {  	_ =	swait.ge [sflag:s21], $0x2000  }
0xb5: {  	[sflag:s21] =	ssyncset.done $0x0  }
0xb6: {  	s16 =	sadd.s32 $0x400, s30;
	[sflag:s21] =	ssyncadd.s32 $0xFFFFE000  }
0xb7: {  	[tilespmem:s22], [sflag:$0x2] =	stream.indirect.gather [hbm4b:s4+s19], $0x40, s16, s19, $0xb8;
	[tilespmem:$0x1B000] =	vst v63  }
0xb8: {  	s16 =	sadd.s32 $0x480, s30  }
0xb9: {  	[tilespmem:s24], [sflag:$0x2] =	stream.indirect.gather [hbm4b:s4+s19], $0x40, s16, s19, $0xb8;
	[tilespmem:$0x1B000] =	vst v63  }
0xba: {  	_ =	swait.ge [sflag:s25], $0x2000  }
0xbb: {  	[sflag:s25] =	ssyncset.done $0x0  }
0xbc: {  	s16 =	sadd.s32 $0x2B00, s30;
	[sflag:s25] =	ssyncadd.s32 $0xFFFFE000  }
0xbd: {  	[spmem:s2] =	stream.indirect.scatter.add.bf16 [tilespmem:s18], [sflag:$0x4], $0x40, s16, s19, $0xb8;
	[tilespmem:$0x1B000] =	vst v63  }
0xbe: {  	_ =	swait.ge [sflag:s25], $0x2000  }
0xbf: {  	[sflag:s25] =	ssyncset.done $0x0  }
0xc0: {  	s16 =	sadd.s32 $0x2B80, s30;
	[sflag:s25] =	ssyncadd.s32 $0xFFFFE000  }
0xc1: {  	[spmem:s2] =	stream.indirect.scatter.add.bf16 [tilespmem:s20], [sflag:$0x4], $0x40, s16, s19, $0xb8;
	[tilespmem:$0x1B000] =	vst v63  }
0xc2: {  	_ =	swait.ge [sflag:s23], $0x2000  }
0xc3: {  	[sflag:s23] =	ssyncset.done $0x0  }
0xc4: {  	[sflag:s23] =	ssyncadd.s32 $0xFFFFE000  }
0xc5: {  	_ =	swait.ge [sflag:s23], $0x2000  }
0xc6: {  	[sflag:s23] =	ssyncset.done $0x0  }
0xc7: {  	s16 =	sadd.s32 $0x500, s30;
	[sflag:s23] =	ssyncadd.s32 $0xFFFFE000  }
0xc8: {  	[tilespmem:s29], [sflag:$0x3] =	stream.indirect.gather [hbm4b:s4+s19], $0x40, s16, s19, $0xb8;
	[tilespmem:$0x1B000] =	vst v63  }
0xc9: {  	s16 =	sadd.s32 $0x580, s30  }
0xca: {  	[tilespmem:s31], [sflag:$0x3] =	stream.indirect.gather [hbm4b:s4+s19], $0x40, s16, s19, $0xb8;
	[tilespmem:$0x1B000] =	vst v63  }
0xcb: {  	_ =	swait.ge [sflag:s0], $0x2000  }
0xcc: {  	[sflag:s0] =	ssyncset.done $0x0  }
.Ltmp2:
0xcd: {  	s16 =	sadd.s32 $0x2C00, s30;
	[sflag:s0] =	ssyncadd.s32 $0xFFFFE000;
	(pc) =	sbr.rel @p1 .LBB2_7-.Ltmp2, $4  }
0xce: {  	[spmem:s2] =	stream.indirect.scatter.add.bf16 [tilespmem:s22], [sflag:$0x5], $0x40, s16, s19, $0xb8;
	[tilespmem:$0x1B000] =	vst v63  }
0xcf: {  	_ =	swait.ge [sflag:s0], $0x2000  }
0xd0: {  	[sflag:s0] =	ssyncset.done $0x0  }
0xd1: {  	s30 =	sadd.s32 $0x2C80, s30;
	[sflag:s0] =	ssyncadd.s32 $0xFFFFE000  }
0xd2: {  	[spmem:s2] =	stream.indirect.scatter.add.bf16 [tilespmem:s24], [sflag:$0x5], $0x40, s30, s19, $0xb8;
	[tilespmem:$0x1B000] =	vst v63  }
0xd3: {  	_ =	swait.ge [sflag:s1], $0x2000  }
0xd4: {  	[sflag:s1] =	ssyncset.done $0x0  }
0xd5: {  	[sflag:s1] =	ssyncadd.s32 $0xFFFFE000  }
0xd6: {  	_ =	swait.ge [sflag:s1], $0x2000  }
0xd7: {  	[sflag:s1] =	ssyncset.done $0x0  }
0xd8: {  	s16 =	simm.s32 $0x2700;
	[sflag:s1] =	ssyncadd.s32 $0xFFFFE000  }
0xd9: {  	[tilespmem:s18], [sflag:$0x1] =	stream.indirect.gather [hbm4b:s4+s19], $0x40, s16, s19, $0xb8;
	[tilespmem:$0x1B000] =	vst v63  }
0xda: {  	s28 =	simm.s32 $0x2780  }
0xdb: {  	[tilespmem:s20], [sflag:$0x1] =	stream.indirect.gather [hbm4b:s4+s19], $0x40, s28, s19, $0xb8;
	[tilespmem:$0x1B000] =	vst v63  }
0xdc: {  	_ =	swait.ge [sflag:s3], $0x2000  }
0xdd: {  	[sflag:s3] =	ssyncset.done $0x0  }
0xde: {  	s28 =	simm.s32 $0x4E00;
	[sflag:s3] =	ssyncadd.s32 $0xFFFFE000  }
0xdf: {  	[spmem:s2] =	stream.indirect.scatter.add.bf16 [tilespmem:s29], [sflag:$0x6], $0x40, s28, s19, $0xb8;
	[tilespmem:$0x1B000] =	vst v63  }
0xe0: {  	_ =	swait.ge [sflag:s3], $0x2000  }
0xe1: {  	[sflag:s3] =	ssyncset.done $0x0  }
0xe2: {  	s28 =	simm.s32 $0x4E80;
	[sflag:s3] =	ssyncadd.s32 $0xFFFFE000  }
0xe3: {  	[spmem:s2] =	stream.indirect.scatter.add.bf16 [tilespmem:s31], [sflag:$0x6], $0x40, s28, s19, $0xb8;
	[tilespmem:$0x1B000] =	vst v63  }
0xe4: {  	_ =	swait.ge [sflag:s21], $0x2000  }
0xe5: {  	[sflag:s21] =	ssyncset.done $0x0  }
0xe6: {  	[sflag:s21] =	ssyncadd.s32 $0xFFFFE000  }
0xe7: {  	_ =	swait.ge [sflag:s21], $0x2000  }
0xe8: {  	[sflag:s21] =	ssyncset.done $0x0  }
0xe9: {  	s28 =	simm.s32 $0x0;
	[sflag:s21] =	ssyncadd.s32 $0xFFFFE000  }
0xea: {  	[tilespmem:s22], [sflag:$0x2] =	stream.indirect.gather [hbm4b:s4+s19], $0x40, s28, s19, $0xb8;
	[tilespmem:$0x1B000] =	vst v63  }
0xeb: {  	s30 =	simm.s32 $0x1  }
0xec: {  	[tilespmem:s24], [sflag:$0x2] =	stream.indirect.gather [hbm4b:s4+s19], $0x40, s19, s19, $0xb8;
	[tilespmem:$0x1B000] =	vst v63  }
0xed: {  	_ =	swait.ge [sflag:s30], $0x2000  }
0xee: {  	[sflag:s30] =	ssyncset.done $0x0  }
0xef: {  	[sflag:s30] =	ssyncadd.s32 $0xFFFFE000  }
0xf0: {  	[spmem:s2] =	stream.indirect.scatter.add.bf16 [tilespmem:s18], [sflag:$0x4], $0x40, s7, s19, $0xb8;
	[tilespmem:$0x1B000] =	vst v63  }
0xf1: {  	_ =	swait.ge [sflag:s30], $0x2000  }
0xf2: {  	[sflag:s30] =	ssyncset.done $0x0  }
0xf3: {  	[sflag:s30] =	ssyncadd.s32 $0xFFFFE000  }
0xf4: {  	[spmem:s2] =	stream.indirect.scatter.add.bf16 [tilespmem:s20], [sflag:$0x4], $0x40, s15, s19, $0xb8;
	[tilespmem:$0x1B000] =	vst v63  }
0xf5: {  	_ =	swait.ge [sflag:s23], $0x2000  }
0xf6: {  	[sflag:s23] =	ssyncset.done $0x0  }
0xf7: {  	[sflag:s23] =	ssyncadd.s32 $0xFFFFE000  }
0xf8: {  	_ =	swait.ge [sflag:s23], $0x2000  }
0xf9: {  	[sflag:s23] =	ssyncset.done $0x0  }
0xfa: {  	[sflag:s23] =	ssyncadd.s32 $0xFFFFE000  }
0xfb: {  	_ =	swait.ge [sflag:s1], $0x2000  }
0xfc: {  	[sflag:s1] =	ssyncset.done $0x0  }
0xfd: {  	[sflag:s1] =	ssyncadd.s32 $0xFFFFE000  }
0xfe: {  	_ =	swait.ge [sflag:s1], $0x2000  }
0xff: {  	[sflag:s1] =	ssyncset.done $0x0  }
0x100: {  	[sflag:s1] =	ssyncadd.s32 $0xFFFFE000  }
0x101: {  	_ =	swait.ge [sflag:s0], $0x2000  }
0x102: {  	s26 =	smul.u32 $0x140000, s26;
	[sflag:s0] =	ssyncset.done $0x0  }
0x103: {  	[sflag:s0] =	ssyncadd.s32 $0xFFFFE000  }
0x104: {  	s16 =	sadd.s32 s6, s26;
	_ =	swait.ge [sflag:s0], $0x2000  }
0x105: {  	s16 =	sshrl.u32 s16, $0x4;
	s28 =	stileid.u32;
	[sflag:s0] =	ssyncset.done $0x0  }
0x106: {  	s16 =	sadd.s32 s5, s16;
	s26 =	sshll.u32 s28, $0x6;
	[sflag:s0] =	ssyncadd.s32 $0xFFFFE000  }
0x107: {  	s28 =	sshrl.u32 s10, $0x3;
	s26 =	sor.u32 $0x1C07, s26;
	[bflag:$0x0] =	sbarrier.arrive $0xFFFF  }
0x108: {  	[hbm:s16], [sflag:s26] =	dma.local [spmem:s28], $0x1400  }
.Ltmp3:
0x109: {  	_ =	swait.ge [sflag:s17], $0x1400;
	(pc) =	sbr.rel @p0 .LBB2_2-.Ltmp3, $4  }
0x10a: {  	[sflag:s17] =	ssyncset.done $0x0  }
0x10b: {  	[sflag:s17] =	ssyncadd.s32 $0xFFFFEC00  }
0x10c: {  	[bflag:$0x0] =	sbarrier.arrive $0xFFFF  }
0x10d: {  	p1 =	por $0x0, $0x0  }
0x10e: {  	s26 =	rddreg [dreg:$0x5]  }
0x10f: {  	s16 =	rddreg [dreg:$0x4];
	s26 =	sadd.s32 $0x1, s26  }
0x110: {  	p0 =	sne.s32 s26, s16  }
.Ltmp4:
0x111: {  	_ = 	snop;
	(pc) =	sbr.rel @p0 .LBB2_1-.Ltmp4, $1  }
0x112: {  	_ =	sdelay $0x3  }
0x113: {  	_ =	sfence.sel $0x180000  }
0x114: {  	[bflag:$0x0] =	sbarrier.arrive $0xFFFF  }
0x115: {  	_ =	strace $0x9000004D  }
0x116: {  	s0 =	stileid.u32;
	[bflag:$0x2] =	sbarrier.arrive $0xFFFF  }
0x117: {  	p0 =	sne.s32 s0, $0x0;
	s0 =	rddreg [dreg:$0x2]  }
0x118: {  	s0 =	sadd.s32 @!p0 $0x100000, s0  }
0x119: {  	[sflag:s0] =	ssyncadd.tile.s32 @!p0 $0x1;
	_ =	shalt  }
.Lfunc_end2:
_tile_overlayer_lowered:
.L_overlay_start_2:
0x11a: {  	(tag) =	ssettag $0x2  }
0x11b: {  	s0 =	rddreg [dreg:$0x0];
	s2 =	stileid.u32  }
0x11c: {  	s1 =	rddreg [dreg:$0x1];
	p0 =	sne.s32 s2, $0x0  }
0x11d: {  	s3 =	rddreg [dreg:$0x2];
	[bflag:$0x3] =	sbarrier.arrive $0xFFFF;
	s2 =	simm.s32 @!p0 $0x1C07  }
0x11e: {  	[timem:s3], [sflag:s2] =	dma.local @!p0 [hbm:s0], s1  }
0x11f: {  	s0 =	simm.s32 @!p0 $0x7  }
0x120: {  	_ =	swait.ge @!p0 [sflag:s0], s1  }
0x121: {  	s1 =	ssub.s32 @!p0 $0x0, s1;
	[sflag:s0] =	ssyncset.done @!p0 $0x0  }
0x122: {  	[sflag:s0] =	ssyncadd.s32 @!p0 s1  }
0x123: {  	[bflag:$0x3] =	sbarrier.arrive $0xFFFF  }
0x124: {  	_ =	shalt  }

// kernel: kernel.19.cloned.1.call-start
scs
__scs_entry_jumppad:
0x0: {  	(pc) =	sbr.rel $0x88, $3  }
0x1: {  	(tag) =	ssettag $0x0;
	lr =	simm.s32 $0x1  }
0x2: {  	[smem:$0x3F83] =	sst lr;
	_ =	strace $0xD0000000  }
0x3: {  	_ = 	snop  }
0x4: {  	_ = 	snop  }
0x5: {  	_ = 	snop  }
0x6: {  	_ = 	snop  }
0x7: {  	_ = 	snop  }
__scs_overlays_trampoline_lowered:
0x8: {  	[smem:$0x3F92] =	sst s0  }
0x9: {  	[smem:$0x3F93] =	sst s1  }
0xa: {  	[smem:$0x3F94] =	sst s2  }
0xb: {  	[smem:$0x3F95] =	sst s3  }
0xc: {  	[smem:$0x3F96] =	sst s4  }
0xd: {  	[smem:$0x3F97] =	sst s5  }
0xe: {  	[smem:$0x3F98] =	sst s6  }
0xf: {  	[smem:$0x3F99] =	sst s7  }
0x10: {  	[smem:$0x3F9A] =	sst s8  }
0x11: {  	[smem:$0x3F9B] =	sst s9;
	s0 =	simm.s32 @!p0 $0x0  }
0x12: {  	s1 =	sld [smem:$0x3F81];
	s0 =	simm.s32 @p0 $0x1  }
0x13: {  	[smem:$0x3F9C] =	sst s0;
	s0 =	simm.s32 @!p1 $0x0  }
0x14: {  	s2 =	sld [smem:$0x3F80];
	s0 =	simm.s32 @p1 $0x1  }
0x15: {  	[smem:$0x3F9D] =	sst s0;
	s0 =	simm.s32 @!p2 $0x0  }
0x16: {  	s3 =	sld [smem:$0x3FDB];
	s0 =	simm.s32 @p2 $0x1  }
0x17: {  	s4 =	simm.s32 $0x1BF5;
	[smem:$0x3F9F] =	sst s0  }
0x18: {  	s0 =	sld [smem:$0x3F82];
	_ =	swait.ge [sflag:s4], $0x0  }
0x19: {  	s7 =	sld [smem:$0x3F83]  }
0x1a: {  	s8 =	sadd.s32 $0xFFFFE003, lr  }
0x1b: {  	s9 =	sadd.s32 $0xFFFFFEF7, lr;
	s5 =	simm.s32 $0xFFFFFFFF;
	p2 =	slt.u32 s8, $0xFFFFF086  }
0x1c: {  	p1 =	slt.u32 s9, $0xF7A;
	s5 =	simm.s32 @!p2 $0x0  }
0x1d: {  	s5 =	simm.s32 @p1 $0x1;
	p0 =	seq.s32 s7, s2  }
0x1e: {  	s7 =	smul.u32 @!p0 $0xF7A, s2;
	p2 =	seq.s32 @!p0 s5, $0x0  }
0x1f: {  	s9 =	smul.u32 $0xF7A, s1;
	s8 =	simm.s32 @!p0 $0x1BF5;
	p2 =	por !p2, p0  }
0x20: {  	[sflag:s8] =	ssyncset.s32 @!p0 $0xFFFFF086;
	s6 =	sadd.s32 @!p0 s3, s7;
	s7 =	simm.s32 @!p0 $0x108  }
0x21: {  	s3 =	sadd.s32 s3, s9;
	s6 =	sadd.s32 @!p0 $0x88, s6;
	s7 =	simm.s32 @p2 $0x1082  }
0x22: {  	[simem:s7], [sflag:s8] =	dma.local @!p0 [hbm:s6], $0xF7A  }
0x23: {  	s9 =	sor.u32 $0xD0000000, s2;
	s6 =	simm.s32 $0x108;
	_ =	swait.ge @!p0 [sflag:s8], $0x0  }
0x24: {  	s3 =	sadd.s32 $0x88, s3;
	s6 =	simm.s32 @!p1 $0x1082;
	[sflag:s4] =	ssyncset.s32 $0xFFFFF086  }
0x25: {  	[simem:s6], [sflag:s4] =	dma.local [hbm:s3], $0xF7A  }
0x26: {  	[smem:$0x3F83] =	sst s1;
	(tag) =	ssettag s2;
	_ =	strace s9  }
0x27: {  	s1 =	sld [smem:$0x3F93]  }
0x28: {  	s2 =	sld [smem:$0x3F94]  }
0x29: {  	s4 =	sld [smem:$0x3F96]  }
0x2a: {  	p0 =	seq.s32 s5, $0x0;
	s5 =	sld [smem:$0x3F97]  }
0x2b: {  	s6 =	sld [smem:$0x3F98]  }
0x2c: {  	s7 =	sld [smem:$0x3F99]  }
0x2d: {  	s3 =	simm.s32 $0x108;
	s8 =	sld [smem:$0x3F9A]  }
0x2e: {  	s3 =	simm.s32 @!p0 $0x1082;
	s9 =	sld [smem:$0x3F9B]  }
0x2f: {  	lr =	sadd.s32 s0, s3;
	s0 =	sld [smem:$0x3F92]  }
0x30: {  	s3 =	sld [smem:$0x3F95]  }
0x31: {  	[smem:$0x3F9E] =	sst s10  }
0x32: {  	s10 =	sld [smem:$0x3F9C];
	_ =	sdelay $0x3  }
0x33: {  	p0 =	seq.s32 s10, $0x1;
	s10 =	sld [smem:$0x3F9E];
	_ =	sdelay $0x3  }
0x34: {  	[smem:$0x3F9E] =	sst s10  }
0x35: {  	s10 =	sld [smem:$0x3F9D];
	_ =	sdelay $0x3  }
0x36: {  	p1 =	seq.s32 s10, $0x1;
	s10 =	sld [smem:$0x3F9E];
	_ =	sdelay $0x3  }
0x37: {  	[smem:$0x3F9E] =	sst s10  }
0x38: {  	s10 =	sld [smem:$0x3F9F]  }
0x39: {  	_ = 	snop;
	(pc) =	sbr.ind lr, $3  }
0x3a: {  	_ = 	snop  }
0x3b: {  	_ = 	snop  }
0x3c: {  	p2 =	seq.s32 s10, $0x1;
	s10 =	sld [smem:$0x3F9E]  }
0x3d: {  	_ =	shalt  }
0x3e: {  	_ =	shalt  }
0x3f: {  	_ =	shalt  }
0x40: {  	_ =	shalt  }
0x41: {  	_ =	shalt  }
0x42: {  	_ =	shalt  }
0x43: {  	_ =	shalt  }
0x44: {  	_ =	shalt  }
0x45: {  	_ =	shalt  }
0x46: {  	_ =	shalt  }
0x47: {  	_ =	shalt  }
0x48: {  	_ =	shalt  }
0x49: {  	_ =	shalt  }
0x4a: {  	_ =	shalt  }
0x4b: {  	_ =	shalt  }
0x4c: {  	_ =	shalt  }
0x4d: {  	_ =	shalt  }
0x4e: {  	_ =	shalt  }
0x4f: {  	_ =	shalt  }
0x50: {  	_ =	shalt  }
0x51: {  	_ =	shalt  }
0x52: {  	_ =	shalt  }
0x53: {  	_ =	shalt  }
0x54: {  	_ =	shalt  }
0x55: {  	_ =	shalt  }
0x56: {  	_ =	shalt  }
0x57: {  	_ =	shalt  }
0x58: {  	_ =	shalt  }
0x59: {  	_ =	shalt  }
0x5a: {  	_ =	shalt  }
0x5b: {  	_ =	shalt  }
0x5c: {  	_ =	shalt  }
0x5d: {  	_ =	shalt  }
0x5e: {  	_ =	shalt  }
0x5f: {  	_ =	shalt  }
0x60: {  	_ =	shalt  }
0x61: {  	_ =	shalt  }
0x62: {  	_ =	shalt  }
0x63: {  	_ =	shalt  }
0x64: {  	_ =	shalt  }
0x65: {  	_ =	shalt  }
0x66: {  	_ =	shalt  }
0x67: {  	_ =	shalt  }
0x68: {  	_ =	shalt  }
0x69: {  	_ =	shalt  }
0x6a: {  	_ =	shalt  }
0x6b: {  	_ =	shalt  }
0x6c: {  	_ =	shalt  }
0x6d: {  	_ =	shalt  }
0x6e: {  	_ =	shalt  }
0x6f: {  	_ =	shalt  }
0x70: {  	_ =	shalt  }
0x71: {  	_ =	shalt  }
0x72: {  	_ =	shalt  }
0x73: {  	_ =	shalt  }
0x74: {  	_ =	shalt  }
0x75: {  	_ =	shalt  }
0x76: {  	_ =	shalt  }
0x77: {  	_ =	shalt  }
0x78: {  	_ =	shalt  }
0x79: {  	_ =	shalt  }
0x7a: {  	_ =	shalt  }
0x7b: {  	_ =	shalt  }
0x7c: {  	_ =	shalt  }
0x7d: {  	_ =	shalt  }
0x7e: {  	_ =	shalt  }
0x7f: {  	_ =	shalt  }
0x80: {  	_ =	shalt  }
0x81: {  	_ =	shalt  }
0x82: {  	_ =	shalt  }
0x83: {  	_ =	shalt  }
0x84: {  	_ =	shalt  }
0x85: {  	_ =	shalt  }
0x86: {  	_ =	shalt  }
0x87: {  	_ =	shalt  }
.Lfunc_end0:
.L_simem_size_0:
called_computation.3_lowered:
.L_overlay_start_0:
0x88: {  	s2 =	sld [smem:$0x3FD9]  }
0x89: {  	s3 =	sld [smem:$0x3FFE];
	_ =	sdelay $0x1  }
0x8a: {  	s1 =	srdreg.scid  }
0x8b: {  	s0 =	sand.u32 $0x1, s1  }
0x8c: {  	s16 =	sshll.u32 s0, $0xA;
	s2 =	sadd.s32 s3, s2  }
0x8d: {  	s2 =	sadd.s32 s2, s16  }
0x8e: {  	[smem:$0x3FAA] =	sst s2  }
0x8f: {  	_ = 	snop  }
0x90: {  	(tm) =	ssettm $0x1  }
0x91: {  	s17 =	sld [smem:$0x3FFB];
	_ =	sdelay $0x3  }
0x92: {  	_ =	strace s17  }
0x93: {  	s2 =	sld [smem:$0x3FFC];
	_ =	sdelay $0x3  }
0x94: {  	_ =	strace s2  }
0x95: {  	s2 =	sld [smem:$0x3FFD];
	_ =	sdelay $0x3  }
0x96: {  	_ =	strace s2  }
0x97: {  	_ =	strace $0x8FFFFFFF  }
0x98: {  	s18 =	sld [smem:$0x3FDB];
	_ =	sdelay $0x1  }
0x99: {  	s19 =	simm.s32 $_scs_section_size  }
0x9a: {  	s4 =	simm.s32 $_size__tile_overlayer_lowered;
	s5 =	simm.s32 $_tile_overlayer_lowered  }
0x9b: {  	s22 =	simm.s32 $0x1BFF;
	s21 =	sshll.u32 s5, $0x1;
	s2 =	sadd.s32 s19, s18  }
0x9c: {  	s6 =	simm.s32 $0x0;
	s20 =	sshll.u32 s4, $0x1;
	s4 =	sadd.s32 s21, s2  }
0x9d: {  	[timem:s6], [sflag:s22] =	dma.local [hbm:s4], s20  }
0x9e: {  	_ =	swait.ge [sflag:s22], s20  }
0x9f: {  	s3 =	ssub.s32 $0x0, s20;
	[sflag:s22] =	ssyncset.done $0x0  }
0xa0: {  	[sflag:s22] =	ssyncadd.s32 s3;
	_ =	sdelay $0x1  }
0xa1: {  	s23 =	simm.s32 $0x1B8B  }
0xa2: {  	_ =	swait.ge [sflag:s23], $0x1  }
0xa3: {  	[sflag:s23] =	ssyncset.done $0x0  }
0xa4: {  	s25 =	simm.s32 $0x1B8E;
	s24 =	sld [smem:$0x3FFE];
	[sflag:s23] =	ssyncadd.s32 $0xFFFFFFFF  }
0xa5: {  	s26 =	simm.s32 $execute0_lowered;
	[smem:$0x3FD2] =	sst s25  }
0xa6: {  	s4 =	sshll.u32 s26, $0x1;
	_ =	strace $0x8000004F;
	[dreg:$0x1] =	wrdreg $0xFFFFFFFF  }
0xa7: {  	s28 =	simm.s32 $_size_execute0_lowered;
	s2 =	sadd.s32 s2, s4;
	[dreg:$0x0] =	wrdreg $0x0  }
0xa8: {  	s4 =	sshll.u32 s28, $0x1;
	[dreg:$0x2] =	wrdreg s2  }
0xa9: {  	[dreg:$0x3] =	wrdreg s4  }
0xaa: {  	[dreg:$0x4] =	wrdreg $0xC0  }
0xab: {  	_ =	task [dreg:s6], $0x5FFFF  }
0xac: {  	[dreg:$0x1] =	wrdreg $0xFFFFFFFF  }
0xad: {  	[dreg:$0x0] =	wrdreg $0x60  }
0xae: {  	[dreg:$0x2] =	wrdreg s24  }
0xaf: {  	[dreg:$0x3] =	wrdreg $0x110000  }
0xb0: {  	[dreg:$0x4] =	wrdreg $0x9  }
0xb1: {  	_ =	task.clear_ibuf [dreg:s6], $0x5FFFF;
	_ =	strace $0x9000004F  }
0xb2: {  	s29 =	simm.s32 $0x9;
	_ =	strace $0x80000051  }
0xb3: {  	_ =	swait.ge [sflag:s29], $0x1  }
0xb4: {  	[sflag:s29] =	ssyncadd.s32 $0xFFFFFFFF  }
0xb5: {  	_ =	strace $0x90000051  }
0xb6: {  	_ =	sfence  }
0xb7: {  	s30 =	sld [smem:$0x0];
	_ =	sdelay $0x2  }
0xb8: {  	s31 =	sshll.u32 s1, $0xD;
	s1 =	sshrl.u32 s1, $0x2  }
0xb9: {  	s3 =	sand.u32 $0x4000, s31;
	s1 =	sadd.s32 s1, s30  }
0xba: {  	s0 =	sor.u32 s3, s0;
	s1 =	sshll.u32 s1, $0x11  }
0xbb: {  	s0 =	sor.u32 s1, s0  }
0xbc: {  	s0 =	sadd.s32 $0x8F2B, s0  }
0xbd: {  	[sflag:s0] =	ssyncadd.remote.s32 $0x1  }
0xbe: {  	_ =	sfence.sel $0xFFFF  }
0xbf: {  	[dreg:$0x0] =	wrdreg $0xFFFFFFFF;
	(pc) =	sbr.abs _section_cstart, $3  }
0xc0: {  	[dreg:$0x1] =	wrdreg $0xFFFFFFFF  }
0xc1: {  	_ =	task.clear_ibuf [dreg:s6], $0x2FFFF;
	_ =	strace $0x9FFFFFFF  }
0xc2: {  	(tm) =	ssettm $0x7FFFFFFF  }
0xc3: {  	_ =	shalt  }
tec
execute0_lowered:
.L_overlay_start_1:
0x0: {  	(tag) =	ssettag $0x1  }
0x1: {  	s0 =	rddreg [dreg:$0x0]  }
0x2: {  	s2 =	rddreg [dreg:$0x1];
	s1 =	simm.s32 $0x0  }
0x3: {  	s6 =	stileid.u32;
	s3 =	srdreg.scid;
	s17 =	simm.s32 $0x7  }
0x4: {  	s18 =	simm.s32 $0x5000;
	s19 =	simm.s32 $0x80;
	s20 =	simm.s32 $0x7000  }
0x5: {  	s22 =	simm.s32 $0x9000;
	s29 =	simm.s32 $0xD000;
	s31 =	simm.s32 $0xF000  }
0x6: {  	s21 =	simm.s32 $0x5;
	s23 =	simm.s32 $0x6;
	s15 =	simm.s32 $0x4F80  }
0x7: {  	[smem:$0x7FF] =	sst s1;
	s24 =	smul.u32 $0x500, s6;
	s4 =	sadd.s32 $0xDBE00, s0  }
0x8: {  	s3 =	sand.u32 $0x1, s3;
	s8 =	smul.u32 $0x28000, s6;
	s5 =	sadd.s32 $0x12A000, s0  }
0x9: {  	s6 =	smul.u32 $0x14000, s6;
	_ =	strace $0x80000050;
	s7 =	ssub.s32 $0x2, s3  }
0xa: {  	s1 =	sadd.s32 s24, s0;
	s25 =	sshrl.u32 s7, $0x1;
	s28 =	sshrl.u32 s8, $0x2  }
0xb: {  	s8 =	sshll.u32 s3, $0x1;
	s30 =	sshrl.u32 s6, $0x1;
	s24 =	simm.s32 $0xB000  }
0xc: {  	s3 =	simm.s32 $0x3;
	s0 =	ssub.s32 s7, s25;
	s26 =	sadd.s32 $0x4800, s1  }
0xd: {  	s7 =	sadd.s32 s28, s2;
	s9 =	sadd.s32 $0x13800, s1;
	s10 =	sadd.s32 s30, s2  }
0xe: {  	s25 =	simm.s32 $0x1;
	s1 =	simm.s32 $0x4;
	[dreg:$0x3] =	wrdreg s26  }
0xf: {  	s11 =	sadd.s32 $0x2000, s7;
	s12 =	sadd.s32 $0x4000, s7;
	s13 =	sadd.s32 $0x6000, s7  }
0x10: {  	s14 =	sadd.s32 $0x8000, s7;
	s0 =	smax.u32 s0, $0x1;
	s7 =	simm.s32 $0x4F00  }
0x11: {  	v0 =	vimm.bf16 $0.0e+00;
	s26 =	simm.s32 $0x0;
	[dreg:$0x4] =	wrdreg s0;
	s0 =	simm.s32 $0x2  }
.LBB2_1:
0x12: {  	[dreg:$0x5] =	wrdreg s26  }
0x13: {  	s16 =	simm.s32 $0x0;
	s26 =	rddreg [dreg:$0x3];
	s28 =	simm.s32 $0x2800  }
0x14: {  	[tilespmem:s28], [sflag:$0x7] =	stream.linear.gather [hbm4b:s26+s16], $0x2800, $0x38;
	[tilespmem:$0x1B000] =	vst v63  }
0x15: {  	_ =	swait.ge [sflag:s17], $0x2800  }
0x16: {  	[sflag:s17] =	ssyncset.done $0x0  }
0x17: {  	p1 =	por $0x1, $0x1;
	s30 =	simm.s32 $0x0;
	[sflag:s17] =	ssyncadd.s32 $0xFFFFD800  }
.LBB2_2:
0x18: {  	s26 =	simm.s32 $0x0  }
0x19: {  	[tilespmem:s26], [sflag:$0x7] =	stream.linear.gather [hbm4b:s9+s26], $0x2800, $0x38;
	[tilespmem:$0x1B000] =	vst v63  }
0x1a: {  	_ =	swait.ge [sflag:s17], $0x2800  }
0x1b: {  	[sflag:s17] =	ssyncset.done $0x0  }
0x1c: {  	s28 =	simm.s32 $0x0;
	[sflag:s17] =	ssyncadd.s32 $0xFFFFD800  }
0x1d: {  	v4 =	vld [tilespmem:s28+$0x0]  }
0x1e: {  	v5 =	vld [tilespmem:s28+$0x10]  }
0x1f: {  	v6 =	vld [tilespmem:s28+$0x20]  }
0x20: {  	v3 =	vld [tilespmem:s28+$0x30]  }
0x21: {  	s26 =	sor.u32 s8, s30;
	v2 =	vld [tilespmem:s28+$0x40]  }
0x22: {  	v1 =	vmov s26;
	v7 =	vshll.u32 v4, $0x2;
	v4 =	vld [tilespmem:s28+$0x50]  }
0x23: {  	p0 =	por p1, p1;
	s30 =	simm.s32 $0x200;
	v8 =	vshll.u32 v5, $0x2;
	v5 =	vld [tilespmem:s28+$0x60];
	v7 =	vor.u32 v1, v7  }
.LBB2_3:
0x24: {  	s16 =	sshra.s32 s30, $0x2;
	p1 =	sne.s32 s30, $0x9E00;
	[tilespmem:s28+$0x0] =	vst v7;
	v7 =	vor.u32 v1, v8;
	v6 =	vshll.u32 v6, $0x2;
	v8 =	vld [tilespmem:s28+$0x70]  }
0x25: {  	v9 =	vld [tilespmem:s16+$0x0];
	[tilespmem:s28+$0x10] =	vst v7;
	v6 =	vor.u32 v1, v6;
	v3 =	vshll.u32 v3, $0x2  }
0x26: {  	v10 =	vld [tilespmem:s16+$0x10];
	[tilespmem:s28+$0x20] =	vst v6;
	v3 =	vor.u32 v1, v3;
	v2 =	vshll.u32 v2, $0x2  }
.Ltmp0:
0x27: {  	v6 =	vld [tilespmem:s16+$0x20];
	[tilespmem:s28+$0x30] =	vst v3;
	v2 =	vor.u32 v1, v2;
	v4 =	vshll.u32 v4, $0x2;
	(pc) =	sbr.rel @p1 .LBB2_3-.Ltmp0, $4  }
0x28: {  	v3 =	vld [tilespmem:s16+$0x30];
	[tilespmem:s28+$0x40] =	vst v2;
	v4 =	vor.u32 v1, v4;
	v5 =	vshll.u32 v5, $0x2  }
0x29: {  	v2 =	vld [tilespmem:s16+$0x40];
	[tilespmem:s28+$0x50] =	vst v4;
	v5 =	vor.u32 v1, v5;
	v7 =	vshll.u32 v8, $0x2  }
0x2a: {  	v8 =	vshll.u32 v9, $0x2;
	v4 =	vld [tilespmem:s16+$0x50];
	[tilespmem:s28+$0x60] =	vst v5;
	v9 =	vor.u32 v1, v7  }
0x2b: {  	s30 =	sadd.s32 $0x200, s30;
	v7 =	vor.u32 v1, v8;
	v8 =	vshll.u32 v10, $0x2;
	v5 =	vld [tilespmem:s16+$0x60];
	[tilespmem:s28+$0x70] =	vst v9;
	s28 =	smov.u32 s16  }
0x2c: {  	[tilespmem:s28+$0x0] =	vst v7;
	v62 =	vor.u32 v1, v8;
	v6 =	vshll.u32 v6, $0x2;
	v63 =	vld [tilespmem:s28+$0x70]  }
0x2d: {  	[tilespmem:s28+$0x10] =	vst v62;
	v6 =	vor.u32 v1, v6;
	v3 =	vshll.u32 v3, $0x2  }
0x2e: {  	[tilespmem:s28+$0x20] =	vst v6;
	v3 =	vor.u32 v1, v3;
	v2 =	vshll.u32 v2, $0x2  }
0x2f: {  	[tilespmem:s28+$0x30] =	vst v3;
	v2 =	vor.u32 v1, v2;
	v3 =	vshll.u32 v4, $0x2  }
0x30: {  	[tilespmem:s28+$0x40] =	vst v2;
	v2 =	vor.u32 v1, v3;
	v3 =	vshll.u32 v5, $0x2  }
0x31: {  	[tilespmem:s28+$0x50] =	vst v2;
	v2 =	vor.u32 v1, v3;
	v3 =	vshll.u32 v63, $0x2  }
0x32: {  	[tilespmem:s28+$0x60] =	vst v2;
	v1 =	vor.u32 v1, v3  }
0x33: {  	s30 =	simm.s32 $0x100;
	[tilespmem:s28+$0x70] =	vst v1;
	s28 =	simm.s32 $0x0  }
.LBB2_5:
0x34: {  	p1 =	sne.s32 s30, $0x7F00;
	[tilespmem:s28+$0x5030] =	vst v0;
	s16 =	smov.u32 s30;
	s30 =	sadd.s32 $0x100, s30  }
.Ltmp1:
0x35: {  	[tilespmem:s28+$0x5020] =	vst v0;
	(pc) =	sbr.rel @p1 .LBB2_5-.Ltmp1, $3  }
0x36: {  	[tilespmem:s28+$0x5000] =	vst v0  }
0x37: {  	[tilespmem:s28+$0x5010] =	vst v0;
	_ =	sdelay $0x1  }
0x38: {  	s28 =	sshra.s32 s16, $0x2  }
0x39: {  	[tilespmem:s28+$0x5030] =	vst v0  }
0x3a: {  	[tilespmem:s28+$0x5020] =	vst v0  }
0x3b: {  	[tilespmem:s28+$0x5000] =	vst v0  }
0x3c: {  	[tilespmem:s28+$0x5010] =	vst v0  }
0x3d: {  	[spmem:s10] =	stream.linear.scatter [tilespmem:s18], [sflag:$0x7], $0x2000, $0x38;
	[tilespmem:$0x1B000] =	vst v63  }
0x3e: {  	_ =	swait.ge [sflag:s17], $0x2000  }
0x3f: {  	[sflag:s17] =	ssyncset.done $0x0  }
0x40: {  	[sflag:s17] =	ssyncadd.s32 $0xFFFFE000  }
0x41: {  	[spmem:s11] =	stream.linear.scatter [tilespmem:s18], [sflag:$0x7], $0x2000, $0x38;
	[tilespmem:$0x1B000] =	vst v63  }
0x42: {  	_ =	swait.ge [sflag:s17], $0x2000  }
0x43: {  	[sflag:s17] =	ssyncset.done $0x0  }
0x44: {  	[sflag:s17] =	ssyncadd.s32 $0xFFFFE000  }
0x45: {  	[spmem:s12] =	stream.linear.scatter [tilespmem:s18], [sflag:$0x7], $0x2000, $0x38;
	[tilespmem:$0x1B000] =	vst v63  }
0x46: {  	_ =	swait.ge [sflag:s17], $0x2000  }
0x47: {  	[sflag:s17] =	ssyncset.done $0x0  }
0x48: {  	[sflag:s17] =	ssyncadd.s32 $0xFFFFE000  }
0x49: {  	[spmem:s13] =	stream.linear.scatter [tilespmem:s18], [sflag:$0x7], $0x2000, $0x38;
	[tilespmem:$0x1B000] =	vst v63  }
0x4a: {  	_ =	swait.ge [sflag:s17], $0x2000  }
0x4b: {  	[sflag:s17] =	ssyncset.done $0x0  }
0x4c: {  	[sflag:s17] =	ssyncadd.s32 $0xFFFFE000  }
0x4d: {  	[spmem:s14] =	stream.linear.scatter [tilespmem:s18], [sflag:$0x7], $0x2000, $0x38;
	[tilespmem:$0x1B000] =	vst v63  }
0x4e: {  	_ =	swait.ge [sflag:s17], $0x2000  }
0x4f: {  	[sflag:s17] =	ssyncset.done $0x0  }
0x50: {  	s16 =	simm.s32 $0x0;
	[sflag:s17] =	ssyncadd.s32 $0xFFFFE000  }
0x51: {  	[tilespmem:s18], [sflag:$0x1] =	stream.indirect.gather [hbm4b:s4+s19], $0x40, s16, s19, $0xb8;
	[tilespmem:$0x1B000] =	vst v63  }
0x52: {  	_ = 	snop  }
0x53: {  	[tilespmem:s20], [sflag:$0x1] =	stream.indirect.gather [hbm4b:s4+s19], $0x40, s19, s19, $0xb8;
	[tilespmem:$0x1B000] =	vst v63  }
0x54: {  	s16 =	simm.s32 $0x100;
	[bflag:$0x0] =	sbarrier.arrive $0xFFFF  }
0x55: {  	[tilespmem:s22], [sflag:$0x2] =	stream.indirect.gather [hbm4b:s4+s19], $0x40, s16, s19, $0xb8;
	[tilespmem:$0x1B000] =	vst v63  }
0x56: {  	s16 =	simm.s32 $0x180  }
0x57: {  	[tilespmem:s24], [sflag:$0x2] =	stream.indirect.gather [hbm4b:s4+s19], $0x40, s16, s19, $0xb8;
	[tilespmem:$0x1B000] =	vst v63  }
0x58: {  	_ =	swait.ge [sflag:s25], $0x2000  }
0x59: {  	[sflag:s25] =	ssyncset.done $0x0  }
0x5a: {  	s16 =	simm.s32 $0x2800;
	[sflag:s25] =	ssyncadd.s32 $0xFFFFE000  }
0x5b: {  	[spmem:s2] =	stream.indirect.scatter.add.bf16 [tilespmem:s18], [sflag:$0x4], $0x40, s16, s19, $0xb8;
	[tilespmem:$0x1B000] =	vst v63  }
0x5c: {  	_ =	swait.ge [sflag:s25], $0x2000  }
0x5d: {  	[sflag:s25] =	ssyncset.done $0x0  }
0x5e: {  	s16 =	simm.s32 $0x2880;
	[sflag:s25] =	ssyncadd.s32 $0xFFFFE000  }
0x5f: {  	[spmem:s2] =	stream.indirect.scatter.add.bf16 [tilespmem:s20], [sflag:$0x4], $0x40, s16, s19, $0xb8;
	[tilespmem:$0x1B000] =	vst v63  }
0x60: {  	s16 =	simm.s32 $0x200  }
0x61: {  	[tilespmem:s29], [sflag:$0x3] =	stream.indirect.gather [hbm4b:s4+s19], $0x40, s16, s19, $0xb8;
	[tilespmem:$0x1B000] =	vst v63  }
0x62: {  	s16 =	simm.s32 $0x280  }
0x63: {  	[tilespmem:s31], [sflag:$0x3] =	stream.indirect.gather [hbm4b:s4+s19], $0x40, s16, s19, $0xb8;
	[tilespmem:$0x1B000] =	vst v63  }
0x64: {  	_ =	swait.ge [sflag:s0], $0x2000  }
0x65: {  	[sflag:s0] =	ssyncset.done $0x0  }
0x66: {  	s16 =	simm.s32 $0x2900;
	[sflag:s0] =	ssyncadd.s32 $0xFFFFE000  }
0x67: {  	[spmem:s2] =	stream.indirect.scatter.add.bf16 [tilespmem:s22], [sflag:$0x5], $0x40, s16, s19, $0xb8;
	[tilespmem:$0x1B000] =	vst v63  }
0x68: {  	_ =	swait.ge [sflag:s0], $0x2000  }
0x69: {  	[sflag:s0] =	ssyncset.done $0x0  }
0x6a: {  	s16 =	simm.s32 $0x2980;
	[sflag:s0] =	ssyncadd.s32 $0xFFFFE000  }
0x6b: {  	[spmem:s2] =	stream.indirect.scatter.add.bf16 [tilespmem:s24], [sflag:$0x5], $0x40, s16, s19, $0xb8;
	[tilespmem:$0x1B000] =	vst v63  }
0x6c: {  	_ =	swait.ge [sflag:s1], $0x2000  }
0x6d: {  	[sflag:s1] =	ssyncset.done $0x0  }
0x6e: {  	[sflag:s1] =	ssyncadd.s32 $0xFFFFE000  }
0x6f: {  	_ =	swait.ge [sflag:s1], $0x2000  }
0x70: {  	[sflag:s1] =	ssyncset.done $0x0  }
0x71: {  	s16 =	simm.s32 $0x300;
	[sflag:s1] =	ssyncadd.s32 $0xFFFFE000  }
0x72: {  	[tilespmem:s18], [sflag:$0x1] =	stream.indirect.gather [hbm4b:s4+s19], $0x40, s16, s19, $0xb8;
	[tilespmem:$0x1B000] =	vst v63  }
0x73: {  	s16 =	simm.s32 $0x380  }
0x74: {  	[tilespmem:s20], [sflag:$0x1] =	stream.indirect.gather [hbm4b:s4+s19], $0x40, s16, s19, $0xb8;
	[tilespmem:$0x1B000] =	vst v63  }
0x75: {  	_ =	swait.ge [sflag:s3], $0x2000  }
0x76: {  	[sflag:s3] =	ssyncset.done $0x0  }
0x77: {  	s16 =	simm.s32 $0x2A00;
	[sflag:s3] =	ssyncadd.s32 $0xFFFFE000  }
0x78: {  	[spmem:s2] =	stream.indirect.scatter.add.bf16 [tilespmem:s29], [sflag:$0x6], $0x40, s16, s19, $0xb8;
	[tilespmem:$0x1B000] =	vst v63  }
0x79: {  	_ =	swait.ge [sflag:s3], $0x2000  }
0x7a: {  	[sflag:s3] =	ssyncset.done $0x0  }
0x7b: {  	s16 =	simm.s32 $0x2A80;
	[sflag:s3] =	ssyncadd.s32 $0xFFFFE000  }
0x7c: {  	[spmem:s2] =	stream.indirect.scatter.add.bf16 [tilespmem:s31], [sflag:$0x6], $0x40, s16, s19, $0xb8;
	[tilespmem:$0x1B000] =	vst v63  }
0x7d: {  	_ =	swait.ge [sflag:s21], $0x2000  }
0x7e: {  	[sflag:s21] =	ssyncset.done $0x0  }
0x7f: {  	[sflag:s21] =	ssyncadd.s32 $0xFFFFE000  }
0x80: {  	_ =	swait.ge [sflag:s21], $0x2000  }
0x81: {  	[sflag:s21] =	ssyncset.done $0x0  }
0x82: {  	s16 =	simm.s32 $0x400;
	[sflag:s21] =	ssyncadd.s32 $0xFFFFE000  }
0x83: {  	[tilespmem:s22], [sflag:$0x2] =	stream.indirect.gather [hbm4b:s4+s19], $0x40, s16, s19, $0xb8;
	[tilespmem:$0x1B000] =	vst v63  }
0x84: {  	s16 =	simm.s32 $0x480  }
0x85: {  	[tilespmem:s24], [sflag:$0x2] =	stream.indirect.gather [hbm4b:s4+s19], $0x40, s16, s19, $0xb8;
	[tilespmem:$0x1B000] =	vst v63  }
0x86: {  	_ =	swait.ge [sflag:s25], $0x2000  }
0x87: {  	[sflag:s25] =	ssyncset.done $0x0  }
0x88: {  	s16 =	simm.s32 $0x2B00;
	[sflag:s25] =	ssyncadd.s32 $0xFFFFE000  }
0x89: {  	[spmem:s2] =	stream.indirect.scatter.add.bf16 [tilespmem:s18], [sflag:$0x4], $0x40, s16, s19, $0xb8;
	[tilespmem:$0x1B000] =	vst v63  }
0x8a: {  	_ =	swait.ge [sflag:s25], $0x2000  }
0x8b: {  	[sflag:s25] =	ssyncset.done $0x0  }
0x8c: {  	s16 =	simm.s32 $0x2B80;
	[sflag:s25] =	ssyncadd.s32 $0xFFFFE000  }
0x8d: {  	[spmem:s2] =	stream.indirect.scatter.add.bf16 [tilespmem:s20], [sflag:$0x4], $0x40, s16, s19, $0xb8;
	[tilespmem:$0x1B000] =	vst v63  }
0x8e: {  	_ =	swait.ge [sflag:s23], $0x2000  }
0x8f: {  	[sflag:s23] =	ssyncset.done $0x0  }
0x90: {  	[sflag:s23] =	ssyncadd.s32 $0xFFFFE000  }
0x91: {  	_ =	swait.ge [sflag:s23], $0x2000  }
0x92: {  	[sflag:s23] =	ssyncset.done $0x0  }
0x93: {  	s16 =	simm.s32 $0x500;
	[sflag:s23] =	ssyncadd.s32 $0xFFFFE000  }
0x94: {  	[tilespmem:s29], [sflag:$0x3] =	stream.indirect.gather [hbm4b:s4+s19], $0x40, s16, s19, $0xb8;
	[tilespmem:$0x1B000] =	vst v63  }
0x95: {  	s16 =	simm.s32 $0x580  }
0x96: {  	[tilespmem:s31], [sflag:$0x3] =	stream.indirect.gather [hbm4b:s4+s19], $0x40, s16, s19, $0xb8;
	[tilespmem:$0x1B000] =	vst v63  }
0x97: {  	_ =	swait.ge [sflag:s0], $0x2000  }
0x98: {  	[sflag:s0] =	ssyncset.done $0x0  }
0x99: {  	s16 =	simm.s32 $0x2C00;
	[sflag:s0] =	ssyncadd.s32 $0xFFFFE000  }
0x9a: {  	[spmem:s2] =	stream.indirect.scatter.add.bf16 [tilespmem:s22], [sflag:$0x5], $0x40, s16, s19, $0xb8;
	[tilespmem:$0x1B000] =	vst v63  }
0x9b: {  	_ =	swait.ge [sflag:s0], $0x2000  }
0x9c: {  	[sflag:s0] =	ssyncset.done $0x0  }
0x9d: {  	s28 =	simm.s32 $0xC00;
	s30 =	simm.s32 $0x2C80;
	[sflag:s0] =	ssyncadd.s32 $0xFFFFE000  }
.LBB2_7:
0x9e: {  	[spmem:s2] =	stream.indirect.scatter.add.bf16 [tilespmem:s24], [sflag:$0x5], $0x40, s30, s19, $0xb8;
	[tilespmem:$0x1B000] =	vst v63  }
0x9f: {  	s16 =	smov.u32 s28  }
0xa0: {  	p1 =	sne.s32 s28, $0x8400;
	s28 =	sadd.s32 $0xC00, s28;
	_ =	swait.ge [sflag:s1], $0x2000  }
0xa1: {  	[sflag:s1] =	ssyncset.done $0x0  }
0xa2: {  	[sflag:s1] =	ssyncadd.s32 $0xFFFFE000  }
0xa3: {  	_ =	swait.ge [sflag:s1], $0x2000  }
0xa4: {  	s30 =	sshra.s32 s16, $0x2;
	[sflag:s1] =	ssyncset.done $0x0  }
0xa5: {  	s16 =	sadd.s32 $0x300, s30;
	[sflag:s1] =	ssyncadd.s32 $0xFFFFE000  }
0xa6: {  	[tilespmem:s18], [sflag:$0x1] =	stream.indirect.gather [hbm4b:s4+s19], $0x40, s16, s19, $0xb8;
	[tilespmem:$0x1B000] =	vst v63  }
0xa7: {  	s16 =	sadd.s32 $0x380, s30  }
0xa8: {  	[tilespmem:s20], [sflag:$0x1] =	stream.indirect.gather [hbm4b:s4+s19], $0x40, s16, s19, $0xb8;
	[tilespmem:$0x1B000] =	vst v63  }
0xa9: {  	_ =	swait.ge [sflag:s3], $0x2000  }
0xaa: {  	[sflag:s3] =	ssyncset.done $0x0  }
0xab: {  	s16 =	sadd.s32 $0x2A00, s30;
	[sflag:s3] =	ssyncadd.s32 $0xFFFFE000  }
0xac: {  	[spmem:s2] =	stream.indirect.scatter.add.bf16 [tilespmem:s29], [sflag:$0x6], $0x40, s16, s19, $0xb8;
	[tilespmem:$0x1B000] =	vst v63  }
0xad: {  	_ =	swait.ge [sflag:s3], $0x2000  }
0xae: {  	[sflag:s3] =	ssyncset.done $0x0  }
0xaf: {  	s16 =	sadd.s32 $0x2A80, s30;
	[sflag:s3] =	ssyncadd.s32 $0xFFFFE000  }
0xb0: {  	[spmem:s2] =	stream.indirect.scatter.add.bf16 [tilespmem:s31], [sflag:$0x6], $0x40, s16, s19, $0xb8;
	[tilespmem:$0x1B000] =	vst v63  }
0xb1: {  	_ =	swait.ge [sflag:s21], $0x2000  }
0xb2: {  	[sflag:s21] =	ssyncset.done $0x0  }
0xb3: {  	[sflag:s21] =	ssyncadd.s32 $0xFFFFE000  }
0xb4: {  	_ =	swait.ge [sflag:s21], $0x2000  }
0xb5: {  	[sflag:s21] =	ssyncset.done $0x0  }
0xb6: {  	s16 =	sadd.s32 $0x400, s30;
	[sflag:s21] =	ssyncadd.s32 $0xFFFFE000  }
0xb7: {  	[tilespmem:s22], [sflag:$0x2] =	stream.indirect.gather [hbm4b:s4+s19], $0x40, s16, s19, $0xb8;
	[tilespmem:$0x1B000] =	vst v63  }
0xb8: {  	s16 =	sadd.s32 $0x480, s30  }
0xb9: {  	[tilespmem:s24], [sflag:$0x2] =	stream.indirect.gather [hbm4b:s4+s19], $0x40, s16, s19, $0xb8;
	[tilespmem:$0x1B000] =	vst v63  }
0xba: {  	_ =	swait.ge [sflag:s25], $0x2000  }
0xbb: {  	[sflag:s25] =	ssyncset.done $0x0  }
0xbc: {  	s16 =	sadd.s32 $0x2B00, s30;
	[sflag:s25] =	ssyncadd.s32 $0xFFFFE000  }
0xbd: {  	[spmem:s2] =	stream.indirect.scatter.add.bf16 [tilespmem:s18], [sflag:$0x4], $0x40, s16, s19, $0xb8;
	[tilespmem:$0x1B000] =	vst v63  }
0xbe: {  	_ =	swait.ge [sflag:s25], $0x2000  }
0xbf: {  	[sflag:s25] =	ssyncset.done $0x0  }
0xc0: {  	s16 =	sadd.s32 $0x2B80, s30;
	[sflag:s25] =	ssyncadd.s32 $0xFFFFE000  }
0xc1: {  	[spmem:s2] =	stream.indirect.scatter.add.bf16 [tilespmem:s20], [sflag:$0x4], $0x40, s16, s19, $0xb8;
	[tilespmem:$0x1B000] =	vst v63  }
0xc2: {  	_ =	swait.ge [sflag:s23], $0x2000  }
0xc3: {  	[sflag:s23] =	ssyncset.done $0x0  }
0xc4: {  	[sflag:s23] =	ssyncadd.s32 $0xFFFFE000  }
0xc5: {  	_ =	swait.ge [sflag:s23], $0x2000  }
0xc6: {  	[sflag:s23] =	ssyncset.done $0x0  }
0xc7: {  	s16 =	sadd.s32 $0x500, s30;
	[sflag:s23] =	ssyncadd.s32 $0xFFFFE000  }
0xc8: {  	[tilespmem:s29], [sflag:$0x3] =	stream.indirect.gather [hbm4b:s4+s19], $0x40, s16, s19, $0xb8;
	[tilespmem:$0x1B000] =	vst v63  }
0xc9: {  	s16 =	sadd.s32 $0x580, s30  }
0xca: {  	[tilespmem:s31], [sflag:$0x3] =	stream.indirect.gather [hbm4b:s4+s19], $0x40, s16, s19, $0xb8;
	[tilespmem:$0x1B000] =	vst v63  }
0xcb: {  	_ =	swait.ge [sflag:s0], $0x2000  }
0xcc: {  	[sflag:s0] =	ssyncset.done $0x0  }
.Ltmp2:
0xcd: {  	s16 =	sadd.s32 $0x2C00, s30;
	[sflag:s0] =	ssyncadd.s32 $0xFFFFE000;
	(pc) =	sbr.rel @p1 .LBB2_7-.Ltmp2, $4  }
0xce: {  	[spmem:s2] =	stream.indirect.scatter.add.bf16 [tilespmem:s22], [sflag:$0x5], $0x40, s16, s19, $0xb8;
	[tilespmem:$0x1B000] =	vst v63  }
0xcf: {  	_ =	swait.ge [sflag:s0], $0x2000  }
0xd0: {  	[sflag:s0] =	ssyncset.done $0x0  }
0xd1: {  	s30 =	sadd.s32 $0x2C80, s30;
	[sflag:s0] =	ssyncadd.s32 $0xFFFFE000  }
0xd2: {  	[spmem:s2] =	stream.indirect.scatter.add.bf16 [tilespmem:s24], [sflag:$0x5], $0x40, s30, s19, $0xb8;
	[tilespmem:$0x1B000] =	vst v63  }
0xd3: {  	_ =	swait.ge [sflag:s1], $0x2000  }
0xd4: {  	[sflag:s1] =	ssyncset.done $0x0  }
0xd5: {  	[sflag:s1] =	ssyncadd.s32 $0xFFFFE000  }
0xd6: {  	_ =	swait.ge [sflag:s1], $0x2000  }
0xd7: {  	[sflag:s1] =	ssyncset.done $0x0  }
0xd8: {  	s16 =	simm.s32 $0x2700;
	[sflag:s1] =	ssyncadd.s32 $0xFFFFE000  }
0xd9: {  	[tilespmem:s18], [sflag:$0x1] =	stream.indirect.gather [hbm4b:s4+s19], $0x40, s16, s19, $0xb8;
	[tilespmem:$0x1B000] =	vst v63  }
0xda: {  	s28 =	simm.s32 $0x2780  }
0xdb: {  	[tilespmem:s20], [sflag:$0x1] =	stream.indirect.gather [hbm4b:s4+s19], $0x40, s28, s19, $0xb8;
	[tilespmem:$0x1B000] =	vst v63  }
0xdc: {  	_ =	swait.ge [sflag:s3], $0x2000  }
0xdd: {  	[sflag:s3] =	ssyncset.done $0x0  }
0xde: {  	s28 =	simm.s32 $0x4E00;
	[sflag:s3] =	ssyncadd.s32 $0xFFFFE000  }
0xdf: {  	[spmem:s2] =	stream.indirect.scatter.add.bf16 [tilespmem:s29], [sflag:$0x6], $0x40, s28, s19, $0xb8;
	[tilespmem:$0x1B000] =	vst v63  }
0xe0: {  	_ =	swait.ge [sflag:s3], $0x2000  }
0xe1: {  	[sflag:s3] =	ssyncset.done $0x0  }
0xe2: {  	s28 =	simm.s32 $0x4E80;
	[sflag:s3] =	ssyncadd.s32 $0xFFFFE000  }
0xe3: {  	[spmem:s2] =	stream.indirect.scatter.add.bf16 [tilespmem:s31], [sflag:$0x6], $0x40, s28, s19, $0xb8;
	[tilespmem:$0x1B000] =	vst v63  }
0xe4: {  	_ =	swait.ge [sflag:s21], $0x2000  }
0xe5: {  	[sflag:s21] =	ssyncset.done $0x0  }
0xe6: {  	[sflag:s21] =	ssyncadd.s32 $0xFFFFE000  }
0xe7: {  	_ =	swait.ge [sflag:s21], $0x2000  }
0xe8: {  	[sflag:s21] =	ssyncset.done $0x0  }
0xe9: {  	s28 =	simm.s32 $0x0;
	[sflag:s21] =	ssyncadd.s32 $0xFFFFE000  }
0xea: {  	[tilespmem:s22], [sflag:$0x2] =	stream.indirect.gather [hbm4b:s4+s19], $0x40, s28, s19, $0xb8;
	[tilespmem:$0x1B000] =	vst v63  }
0xeb: {  	s30 =	simm.s32 $0x1  }
0xec: {  	[tilespmem:s24], [sflag:$0x2] =	stream.indirect.gather [hbm4b:s4+s19], $0x40, s19, s19, $0xb8;
	[tilespmem:$0x1B000] =	vst v63  }
0xed: {  	_ =	swait.ge [sflag:s30], $0x2000  }
0xee: {  	[sflag:s30] =	ssyncset.done $0x0  }
0xef: {  	[sflag:s30] =	ssyncadd.s32 $0xFFFFE000  }
0xf0: {  	[spmem:s2] =	stream.indirect.scatter.add.bf16 [tilespmem:s18], [sflag:$0x4], $0x40, s7, s19, $0xb8;
	[tilespmem:$0x1B000] =	vst v63  }
0xf1: {  	_ =	swait.ge [sflag:s30], $0x2000  }
0xf2: {  	[sflag:s30] =	ssyncset.done $0x0  }
0xf3: {  	[sflag:s30] =	ssyncadd.s32 $0xFFFFE000  }
0xf4: {  	[spmem:s2] =	stream.indirect.scatter.add.bf16 [tilespmem:s20], [sflag:$0x4], $0x40, s15, s19, $0xb8;
	[tilespmem:$0x1B000] =	vst v63  }
0xf5: {  	_ =	swait.ge [sflag:s23], $0x2000  }
0xf6: {  	[sflag:s23] =	ssyncset.done $0x0  }
0xf7: {  	[sflag:s23] =	ssyncadd.s32 $0xFFFFE000  }
0xf8: {  	_ =	swait.ge [sflag:s23], $0x2000  }
0xf9: {  	[sflag:s23] =	ssyncset.done $0x0  }
0xfa: {  	[sflag:s23] =	ssyncadd.s32 $0xFFFFE000  }
0xfb: {  	_ =	swait.ge [sflag:s1], $0x2000  }
0xfc: {  	[sflag:s1] =	ssyncset.done $0x0  }
0xfd: {  	[sflag:s1] =	ssyncadd.s32 $0xFFFFE000  }
0xfe: {  	_ =	swait.ge [sflag:s1], $0x2000  }
0xff: {  	[sflag:s1] =	ssyncset.done $0x0  }
0x100: {  	[sflag:s1] =	ssyncadd.s32 $0xFFFFE000  }
0x101: {  	_ =	swait.ge [sflag:s0], $0x2000  }
0x102: {  	s26 =	smul.u32 $0x140000, s26;
	[sflag:s0] =	ssyncset.done $0x0  }
0x103: {  	[sflag:s0] =	ssyncadd.s32 $0xFFFFE000  }
0x104: {  	s16 =	sadd.s32 s6, s26;
	_ =	swait.ge [sflag:s0], $0x2000  }
0x105: {  	s16 =	sshrl.u32 s16, $0x4;
	s28 =	stileid.u32;
	[sflag:s0] =	ssyncset.done $0x0  }
0x106: {  	s16 =	sadd.s32 s5, s16;
	s26 =	sshll.u32 s28, $0x6;
	[sflag:s0] =	ssyncadd.s32 $0xFFFFE000  }
0x107: {  	s28 =	sshrl.u32 s10, $0x3;
	s26 =	sor.u32 $0x1C07, s26;
	[bflag:$0x0] =	sbarrier.arrive $0xFFFF  }
0x108: {  	[hbm:s16], [sflag:s26] =	dma.local [spmem:s28], $0x1400  }
.Ltmp3:
0x109: {  	_ =	swait.ge [sflag:s17], $0x1400;
	(pc) =	sbr.rel @p0 .LBB2_2-.Ltmp3, $4  }
0x10a: {  	[sflag:s17] =	ssyncset.done $0x0  }
0x10b: {  	[sflag:s17] =	ssyncadd.s32 $0xFFFFEC00  }
0x10c: {  	[bflag:$0x0] =	sbarrier.arrive $0xFFFF  }
0x10d: {  	p1 =	por $0x0, $0x0  }
0x10e: {  	s26 =	rddreg [dreg:$0x5]  }
0x10f: {  	s16 =	rddreg [dreg:$0x4];
	s26 =	sadd.s32 $0x1, s26  }
0x110: {  	p0 =	sne.s32 s26, s16  }
.Ltmp4:
0x111: {  	_ = 	snop;
	(pc) =	sbr.rel @p0 .LBB2_1-.Ltmp4, $1  }
0x112: {  	_ =	sdelay $0x3  }
0x113: {  	_ =	sfence.sel $0x180000  }
0x114: {  	[bflag:$0x0] =	sbarrier.arrive $0xFFFF  }
0x115: {  	_ =	strace $0x90000050  }
0x116: {  	s0 =	stileid.u32;
	[bflag:$0x2] =	sbarrier.arrive $0xFFFF  }
0x117: {  	p0 =	sne.s32 s0, $0x0;
	s0 =	rddreg [dreg:$0x2]  }
0x118: {  	s0 =	sadd.s32 @!p0 $0x100000, s0  }
0x119: {  	[sflag:s0] =	ssyncadd.tile.s32 @!p0 $0x1;
	_ =	shalt  }
.Lfunc_end2:
_tile_overlayer_lowered:
.L_overlay_start_2:
0x11a: {  	(tag) =	ssettag $0x2  }
0x11b: {  	s0 =	rddreg [dreg:$0x0];
	s2 =	stileid.u32  }
0x11c: {  	s1 =	rddreg [dreg:$0x1];
	p0 =	sne.s32 s2, $0x0  }
0x11d: {  	s3 =	rddreg [dreg:$0x2];
	[bflag:$0x3] =	sbarrier.arrive $0xFFFF;
	s2 =	simm.s32 @!p0 $0x1C07  }
0x11e: {  	[timem:s3], [sflag:s2] =	dma.local @!p0 [hbm:s0], s1  }
0x11f: {  	s0 =	simm.s32 @!p0 $0x7  }
0x120: {  	_ =	swait.ge @!p0 [sflag:s0], s1  }
0x121: {  	s1 =	ssub.s32 @!p0 $0x0, s1;
	[sflag:s0] =	ssyncset.done @!p0 $0x0  }
0x122: {  	[sflag:s0] =	ssyncadd.s32 @!p0 s1  }
0x123: {  	[bflag:$0x3] =	sbarrier.arrive $0xFFFF  }
0x124: {  	_ =	shalt  }

</sc_bundles>
